<compile_context>
chip_gen: v7x
topology: tpu7x:2x2x1
jax: 0.10.2.dev20260603
libtpu: 0.0.44.dev20260713+nightly
codegen_flags: <defaults>
</compile_context>

<pallas_src>
import functools

import jax
import jax.numpy as jnp
from jax import lax
from jax.experimental import pallas as pl
from jax.experimental.pallas import tpu as pltpu
from jax.experimental.pallas import tpu_sc as plsc

_EMBED = 64
_LANES = 16
_BT = 128
_G = 4


def _gather_add(seq_q, token_table, pe, b, l):
    n_bt = b // _BT
    la = l // 8
    n_chunks = l // _G
    cluster = 8 * _BT
    mesh = plsc.VectorSubcoreMesh(core_axis_name="c", subcore_axis_name="s")

    @functools.partial(
        pl.kernel,
        mesh=mesh,
        compiler_params=pltpu.CompilerParams(
            use_tc_tiling_on_sc=False, needs_layout_passes=False),
        out_type=jax.ShapeDtypeStruct(
            (l, _EMBED // 8, n_bt, 8, _BT), jnp.float32),
        scratch_types=[
            pltpu.VMEM((la, 8 * _BT), jnp.int32),
            pltpu.VMEM((l, _EMBED), jnp.float32),
            pltpu.VMEM((_G * _BT, _EMBED), jnp.float32),
            pltpu.VMEM((_G * _BT, _EMBED), jnp.float32),
            pltpu.VMEM((8, 8, _BT + 1), jnp.float32),
            pltpu.VMEM((8, 8, _BT + 1), jnp.float32),
            pltpu.SemaphoreType.DMA,
            pltpu.SemaphoreType.DMA,
        ],
    )
    def k(idx_hbm, table_hbm, pe_hbm, out_hbm, seq_v, pe_v,
          rows_a, rows_b, tile_0, tile_1, gsem, osem):
        wid = lax.axis_index("s") * 2 + lax.axis_index("c")
        pltpu.sync_copy(idx_hbm.at[0, wid], seq_v.at[0])

        half = _G * _BT

        def start_gather(g, buf):
            for h in range(_G):
                idx = seq_v.at[g // 2, pl.ds((g % 2) * half + h * _BT, _BT)]
                pltpu.async_copy(table_hbm.at[idx],
                                 buf.at[pl.ds(h * _BT, _BT)], gsem)

        def wait_subgather(buf):
            idx = seq_v.at[0, pl.ds(0, _BT)]
            pltpu.make_async_copy(table_hbm.at[idx],
                                  buf.at[pl.ds(0, _BT)], gsem).wait()

        def transpose_add(pos, rows, off, tile):
            pebs = [pe_v[pos, pl.ds(cg * _LANES, _LANES)]
                    for cg in range(_EMBED // _LANES)]

            def b_body(j, _):
                bi = off + 4 * j
                lane = lax.iota(jnp.int32, _LANES)
                rvecs = [(lane >> 3) + 2 * cg
                         for cg in range(_EMBED // _LANES)]
                csvec = lane & 7
                vals = []
                for u in range(4):
                    for cg in range(_EMBED // _LANES):
                        vals.append(
                            rows[bi + u, pl.ds(cg * _LANES, _LANES)])
                vals = [v + pebs[i % 4] for i, v in enumerate(vals)]
                for u in range(4):
                    bvec = csvec * 0 + (bi - off + u)
                    for cg in range(_EMBED // _LANES):
                        plsc.store_scatter(
                            tile, [rvecs[cg], csvec, bvec],
                            vals[u * 4 + cg])
                return 0

            lax.fori_loop(0, _BT // 4, b_body, 0)

        def start_out(pos, tile):
            pltpu.async_copy(tile.at[:, :, pl.ds(0, _BT)],
                             out_hbm.at[pos, :, wid], osem)

        def wait_out(tile):
            pltpu.make_async_copy(tile.at[:, :, pl.ds(0, _BT)],
                                  out_hbm.at[0, :, wid], osem).wait()

        tiles = (tile_0, tile_1)
        start_gather(0, rows_a)
        pltpu.sync_copy(pe_hbm.at[pl.ds(0, l)], pe_v)
        for a in range(1, la):
            pltpu.sync_copy(idx_hbm.at[a, wid], seq_v.at[a])

        def chunk(g, rows, other):
            for q in range(_G):
                pos = _G * g + q
                tile = tiles[q % 2]
                wait_subgather(rows)
                if q == 0:
                    @pl.when(g + 1 < n_chunks)
                    def _():
                        start_gather(g + 1, other)
                if q < 2:
                    @pl.when(g > 0)
                    def _():
                        wait_out(tile)
                else:
                    wait_out(tile)
                transpose_add(pos, rows, q * _BT, tile)
                start_out(pos, tile)

        def pair_body(j, _):
            chunk(2 * j, rows_a, rows_b)
            chunk(2 * j + 1, rows_b, rows_a)
            return 0

        lax.fori_loop(0, n_chunks // 2, pair_body, 0)
        wait_out(tile_0)
        wait_out(tile_1)

    return k(seq_q, token_table, pe)


def kernel(sequence, token_table, pe):
    b, l = sequence.shape
    seq_q = (sequence.astype(jnp.int32).T
             .reshape(l // 8, 8, b // _BT, _BT)
             .transpose(0, 2, 1, 3)
             .reshape(l // 8, b // _BT, 8 * _BT))
    p = _gather_add(seq_q, token_table, pe, b, l)
    x = p.transpose(2, 4, 0, 1, 3)
    return x.reshape(b, l, _EMBED)

# --- scband reference (transcript-rebuilt; emitter-appended) ---
"""Pipeline reference for scband-bertembedding-9723805958601 (READ-ONLY COPY).

The authoritative reference and input builder live on the scoring server;
editing this copy changes nothing except your own understanding.
"""

import jax, jax.numpy as jnp
import numpy as np

VOCAB = 1000000
EMBED = 64
MAX_LEN = 512
B, L = 4096, 200


def _positional_embedding(max_len, d_model):
    pos = np.arange(max_len, dtype=np.float32)[:, None]
    i = np.arange(0, d_model, 2, dtype=np.float32)
    div_term = np.exp(-(np.log(10000.0)) * i / d_model)
    pe = np.zeros((max_len, d_model), dtype=np.float32)
    pe[:, 0::2] = np.sin(pos * div_term)
    pe[:, 1::2] = np.cos(pos * div_term)
    return jnp.asarray(pe)


def setup_inputs(seed: int = 0) -> dict:
    key = jax.random.key(seed)
    k1, k2 = jax.random.split(key)
    sequence = jax.random.randint(k1, (B, L), 0, VOCAB)
    token_table = jax.random.normal(k2, (VOCAB, EMBED), dtype=jnp.float32) * 0.02
    pe = _positional_embedding(MAX_LEN, EMBED)
    return {"sequence": sequence, "token_table": token_table, "pe": pe}


def reference(sequence, token_table, pe):
    # TokenEmbedding: gather rows from the token table
    tok = jnp.take(token_table, sequence, axis=0)  # [B, L, EMBED]
    # PositionalEmbedding: fixed sinusoidal table sliced to sequence length
    pos = pe[: sequence.shape[1]][None, :, :]  # [1, L, EMBED]
    x = tok + pos
    # Dropout in eval mode is identity (deterministic reference)
    return x

if __name__ == "__main__":
    import jax
    _d = setup_inputs()
    print(jax.jit(kernel)(*tuple(_d.values())))

</pallas_src>

<mosaic_0001>
#map = affine_map<(d0, d1) -> (0, 0, 0)>
#map1 = affine_map<(d0, d1) -> (0, 0)>
#map2 = affine_map<(d0, d1) -> (0, 0, 0, 0, 0)>
module attributes {stable_mosaic.version = 14 : i64} {
  func.func @k(%arg0: i32, %arg1: i32, %arg2: memref<25x32x1024xi32, #tpu.memory_space<hbm>>, %arg3: memref<1000000x64xf32, #tpu.memory_space<hbm>>, %arg4: memref<512x64xf32, #tpu.memory_space<hbm>>, %arg5: memref<200x8x32x8x128xf32, #tpu.memory_space<hbm>>, %arg6: memref<25x1024xi32, #tpu.memory_space<vmem>>, %arg7: memref<200x64xf32, #tpu.memory_space<vmem>>, %arg8: memref<512x64xf32, #tpu.memory_space<vmem>>, %arg9: memref<512x64xf32, #tpu.memory_space<vmem>>, %arg10: memref<8x8x129xf32, #tpu.memory_space<vmem>>, %arg11: memref<8x8x129xf32, #tpu.memory_space<vmem>>, %arg12: memref<!tpu.dma_semaphore, #tpu.memory_space<semaphore_mem>>, %arg13: memref<!tpu.dma_semaphore, #tpu.memory_space<semaphore_mem>>) attributes {dimension_semantics = [#tpu.dimension_semantics<core_parallel>, #tpu.dimension_semantics<subcore_parallel>], iteration_bounds = array<i64: 2, 16>, scalar_prefetch = 0 : i64, scratch_operands = 8 : i64, tpu.core_type = #tpu.core_type<sc_vector_subcore>, window_params = [{transform_indices = #map}, {transform_indices = #map1}, {transform_indices = #map1}, {transform_indices = #map2}]} {
    %mul3A = arith.constant 2 : i32
    %mul3A_0 = arith.muli %arg1, %mul3A : i32
    %add3A = arith.addi %mul3A_0, %arg0 : i32
    %run_scoped3A = arith.constant 0 : i32
    %run_scoped3A_1 = arith.constant 0 : i32
    "tpu.region"() ({
      %run_scoped3A_132 = tpu.sem_alloc : memref<!tpu.dma_semaphore, #tpu.memory_space<semaphore_mem>>
      %dma_start3A_133 = arith.constant 0 : i32
      %dma_start3A_134 = tpu.memref_slice %arg6[%run_scoped3A_1, %dma_start3A_133] : memref<25x1024xi32, #tpu.memory_space<vmem>> -> memref<1x1024xi32, #tpu.memory_space<vmem>>
      %dma_start3A_135 = tpu.memref_squeeze %dma_start3A_134 : memref<1x1024xi32, #tpu.memory_space<vmem>> -> memref<1024xi32, #tpu.memory_space<vmem>>
      %dma_start3A_136 = arith.constant 0 : i32
      %dma_start3A_137 = tpu.memref_slice %arg2[%run_scoped3A, %add3A, %dma_start3A_136] : memref<25x32x1024xi32, #tpu.memory_space<hbm>> -> memref<1x1x1024xi32, #tpu.memory_space<hbm>>
      %dma_start3A_138 = tpu.memref_squeeze %dma_start3A_137 : memref<1x1x1024xi32, #tpu.memory_space<hbm>> -> memref<1024xi32, #tpu.memory_space<hbm>>
      %dma_start3A_139 = arith.constant 0 : i32
      %dma_start3A_140 = tpu.memref_slice %arg6[%run_scoped3A_1, %dma_start3A_139] : memref<25x1024xi32, #tpu.memory_space<vmem>> -> memref<1x1024xi32, #tpu.memory_space<vmem>>
      %dma_start3A_141 = tpu.memref_squeeze %dma_start3A_140 : memref<1x1024xi32, #tpu.memory_space<vmem>> -> memref<1024xi32, #tpu.memory_space<vmem>>
      %dma_start3A_142 = arith.constant 0 : i32
      %dma_start3A_143 = tpu.memref_slice %arg2[%run_scoped3A, %add3A, %dma_start3A_142] : memref<25x32x1024xi32, #tpu.memory_space<hbm>> -> memref<1x1x1024xi32, #tpu.memory_space<hbm>>
      %dma_start3A_144 = tpu.memref_squeeze %dma_start3A_143 : memref<1x1x1024xi32, #tpu.memory_space<hbm>> -> memref<1024xi32, #tpu.memory_space<hbm>>
      tpu.enqueue_dma source(%dma_start3A_144 : memref<1024xi32, #tpu.memory_space<hbm>>) target(%dma_start3A_141 : memref<1024xi32, #tpu.memory_space<vmem>>) target_semaphore(%run_scoped3A_132 : memref<!tpu.dma_semaphore, #tpu.memory_space<semaphore_mem>>)
      %dma_wait3A_145 = arith.constant 0 : i32
      %dma_wait3A_146 = tpu.memref_slice %arg6[%run_scoped3A_1, %dma_wait3A_145] : memref<25x1024xi32, #tpu.memory_space<vmem>> -> memref<1x1024xi32, #tpu.memory_space<vmem>>
      %dma_wait3A_147 = tpu.memref_squeeze %dma_wait3A_146 : memref<1x1024xi32, #tpu.memory_space<vmem>> -> memref<1024xi32, #tpu.memory_space<vmem>>
      %dma_wait3A_148 = arith.constant 0 : i32
      %dma_wait3A_149 = tpu.memref_slice %arg2[%run_scoped3A, %add3A, %dma_wait3A_148] : memref<25x32x1024xi32, #tpu.memory_space<hbm>> -> memref<1x1x1024xi32, #tpu.memory_space<hbm>>
      %dma_wait3A_150 = tpu.memref_squeeze %dma_wait3A_149 : memref<1x1x1024xi32, #tpu.memory_space<hbm>> -> memref<1024xi32, #tpu.memory_space<hbm>>
      %dma_wait3A_151 = arith.constant 0 : i32
      %dma_wait3A_152 = tpu.memref_slice %arg6[%run_scoped3A_1, %dma_wait3A_151] : memref<25x1024xi32, #tpu.memory_space<vmem>> -> memref<1x1024xi32, #tpu.memory_space<vmem>>
      %dma_wait3A_153 = tpu.memref_squeeze %dma_wait3A_152 : memref<1x1024xi32, #tpu.memory_space<vmem>> -> memref<1024xi32, #tpu.memory_space<vmem>>
      %dma_wait3A_154 = arith.constant 0 : i32
      %dma_wait3A_155 = tpu.memref_slice %arg2[%run_scoped3A, %add3A, %dma_wait3A_154] : memref<25x32x1024xi32, #tpu.memory_space<hbm>> -> memref<1x1x1024xi32, #tpu.memory_space<hbm>>
      %dma_wait3A_156 = tpu.memref_squeeze %dma_wait3A_155 : memref<1x1x1024xi32, #tpu.memory_space<hbm>> -> memref<1024xi32, #tpu.memory_space<hbm>>
      tpu.wait_dma2 semaphore(%run_scoped3A_132 : memref<!tpu.dma_semaphore, #tpu.memory_space<semaphore_mem>>) src(%dma_wait3A_156 : memref<1024xi32, #tpu.memory_space<hbm>>) dst(%dma_wait3A_153 : memref<1024xi32, #tpu.memory_space<vmem>>)
      tpu.yield
    }) : () -> ()
    %dma_start3A = arith.constant 0 : i32
    %dma_start3A_2 = arith.constant 0 : i32
    %dma_start3A_3 = arith.constant 0 : i32
    %dma_start3A_4 = tpu.memref_slice %arg8[%dma_start3A_2, %dma_start3A_3] : memref<512x64xf32, #tpu.memory_space<vmem>> -> memref<128x64xf32, #tpu.memory_space<vmem>>
    %dma_start3A_5 = arith.constant 0 : i32
    %dma_start3A_6 = tpu.memref_slice %arg6[%dma_start3A, %dma_start3A_5] : memref<25x1024xi32, #tpu.memory_space<vmem>> -> memref<1x128xi32, #tpu.memory_space<vmem>>
    %dma_start3A_7 = tpu.memref_squeeze %dma_start3A_6 : memref<1x128xi32, #tpu.memory_space<vmem>> -> memref<128xi32, #tpu.memory_space<vmem>>
    %dma_start3A_8 = arith.constant 0 : i32
    %dma_start3A_9 = arith.constant 0 : i32
    %dma_start3A_10 = tpu.memref_slice %arg3[%dma_start3A_8, %dma_start3A_9] : memref<1000000x64xf32, #tpu.memory_space<hbm>> -> memref<1000000x64xf32, #tpu.memory_space<hbm>>
    tpu.enqueue_indirect_dma source(%dma_start3A_10 : memref<1000000x64xf32, #tpu.memory_space<hbm>>) target(%dma_start3A_4 : memref<128x64xf32, #tpu.memory_space<vmem>>) offsets(%dma_start3A_7 : memref<128xi32, #tpu.memory_space<vmem>>) semaphore(%arg12 : memref<!tpu.dma_semaphore, #tpu.memory_space<semaphore_mem>>)
    %dma_start3A_11 = arith.constant 0 : i32
    %dma_start3A_12 = arith.constant 128 : i32
    %dma_start3A_13 = arith.constant 0 : i32
    %dma_start3A_14 = tpu.memref_slice %arg8[%dma_start3A_12, %dma_start3A_13] : memref<512x64xf32, #tpu.memory_space<vmem>> -> memref<128x64xf32, #tpu.memory_space<vmem>>
    %dma_start3A_15 = arith.constant 128 : i32
    %dma_start3A_16 = tpu.memref_slice %arg6[%dma_start3A_11, %dma_start3A_15] : memref<25x1024xi32, #tpu.memory_space<vmem>> -> memref<1x128xi32, #tpu.memory_space<vmem>>
    %dma_start3A_17 = tpu.memref_squeeze %dma_start3A_16 : memref<1x128xi32, #tpu.memory_space<vmem>> -> memref<128xi32, #tpu.memory_space<vmem>>
    %dma_start3A_18 = arith.constant 0 : i32
    %dma_start3A_19 = arith.constant 0 : i32
    %dma_start3A_20 = tpu.memref_slice %arg3[%dma_start3A_18, %dma_start3A_19] : memref<1000000x64xf32, #tpu.memory_space<hbm>> -> memref<1000000x64xf32, #tpu.memory_space<hbm>>
    tpu.enqueue_indirect_dma source(%dma_start3A_20 : memref<1000000x64xf32, #tpu.memory_space<hbm>>) target(%dma_start3A_14 : memref<128x64xf32, #tpu.memory_space<vmem>>) offsets(%dma_start3A_17 : memref<128xi32, #tpu.memory_space<vmem>>) semaphore(%arg12 : memref<!tpu.dma_semaphore, #tpu.memory_space<semaphore_mem>>)
    %dma_start3A_21 = arith.constant 0 : i32
    %dma_start3A_22 = arith.constant 256 : i32
    %dma_start3A_23 = arith.constant 0 : i32
    %dma_start3A_24 = tpu.memref_slice %arg8[%dma_start3A_22, %dma_start3A_23] : memref<512x64xf32, #tpu.memory_space<vmem>> -> memref<128x64xf32, #tpu.memory_space<vmem>>
    %dma_start3A_25 = arith.constant 256 : i32
    %dma_start3A_26 = tpu.memref_slice %arg6[%dma_start3A_21, %dma_start3A_25] : memref<25x1024xi32, #tpu.memory_space<vmem>> -> memref<1x128xi32, #tpu.memory_space<vmem>>
    %dma_start3A_27 = tpu.memref_squeeze %dma_start3A_26 : memref<1x128xi32, #tpu.memory_space<vmem>> -> memref<128xi32, #tpu.memory_space<vmem>>
    %dma_start3A_28 = arith.constant 0 : i32
    %dma_start3A_29 = arith.constant 0 : i32
    %dma_start3A_30 = tpu.memref_slice %arg3[%dma_start3A_28, %dma_start3A_29] : memref<1000000x64xf32, #tpu.memory_space<hbm>> -> memref<1000000x64xf32, #tpu.memory_space<hbm>>
    tpu.enqueue_indirect_dma source(%dma_start3A_30 : memref<1000000x64xf32, #tpu.memory_space<hbm>>) target(%dma_start3A_24 : memref<128x64xf32, #tpu.memory_space<vmem>>) offsets(%dma_start3A_27 : memref<128xi32, #tpu.memory_space<vmem>>) semaphore(%arg12 : memref<!tpu.dma_semaphore, #tpu.memory_space<semaphore_mem>>)
    %dma_start3A_31 = arith.constant 0 : i32
    %dma_start3A_32 = arith.constant 384 : i32
    %dma_start3A_33 = arith.constant 0 : i32
    %dma_start3A_34 = tpu.memref_slice %arg8[%dma_start3A_32, %dma_start3A_33] : memref<512x64xf32, #tpu.memory_space<vmem>> -> memref<128x64xf32, #tpu.memory_space<vmem>>
    %dma_start3A_35 = arith.constant 384 : i32
    %dma_start3A_36 = tpu.memref_slice %arg6[%dma_start3A_31, %dma_start3A_35] : memref<25x1024xi32, #tpu.memory_space<vmem>> -> memref<1x128xi32, #tpu.memory_space<vmem>>
    %dma_start3A_37 = tpu.memref_squeeze %dma_start3A_36 : memref<1x128xi32, #tpu.memory_space<vmem>> -> memref<128xi32, #tpu.memory_space<vmem>>
    %dma_start3A_38 = arith.constant 0 : i32
    %dma_start3A_39 = arith.constant 0 : i32
    %dma_start3A_40 = tpu.memref_slice %arg3[%dma_start3A_38, %dma_start3A_39] : memref<1000000x64xf32, #tpu.memory_space<hbm>> -> memref<1000000x64xf32, #tpu.memory_space<hbm>>
    tpu.enqueue_indirect_dma source(%dma_start3A_40 : memref<1000000x64xf32, #tpu.memory_space<hbm>>) target(%dma_start3A_34 : memref<128x64xf32, #tpu.memory_space<vmem>>) offsets(%dma_start3A_37 : memref<128xi32, #tpu.memory_space<vmem>>) semaphore(%arg12 : memref<!tpu.dma_semaphore, #tpu.memory_space<semaphore_mem>>)
    "tpu.region"() ({
      %run_scoped3A_132 = tpu.sem_alloc : memref<!tpu.dma_semaphore, #tpu.memory_space<semaphore_mem>>
      %dma_start3A_133 = arith.constant 0 : i32
      %dma_start3A_134 = arith.constant 0 : i32
      %dma_start3A_135 = tpu.memref_slice %arg4[%dma_start3A_133, %dma_start3A_134] : memref<512x64xf32, #tpu.memory_space<hbm>> -> memref<200x64xf32, #tpu.memory_space<hbm>>
      %dma_start3A_136 = arith.constant 0 : i32
      %dma_start3A_137 = arith.constant 0 : i32
      %dma_start3A_138 = tpu.memref_slice %arg4[%dma_start3A_136, %dma_start3A_137] : memref<512x64xf32, #tpu.memory_space<hbm>> -> memref<200x64xf32, #tpu.memory_space<hbm>>
      tpu.enqueue_dma source(%dma_start3A_138 : memref<200x64xf32, #tpu.memory_space<hbm>>) target(%arg7 : memref<200x64xf32, #tpu.memory_space<vmem>>) target_semaphore(%run_scoped3A_132 : memref<!tpu.dma_semaphore, #tpu.memory_space<semaphore_mem>>)
      %dma_wait3A_139 = arith.constant 0 : i32
      %dma_wait3A_140 = arith.constant 0 : i32
      %dma_wait3A_141 = tpu.memref_slice %arg4[%dma_wait3A_139, %dma_wait3A_140] : memref<512x64xf32, #tpu.memory_space<hbm>> -> memref<200x64xf32, #tpu.memory_space<hbm>>
      %dma_wait3A_142 = arith.constant 0 : i32
      %dma_wait3A_143 = arith.constant 0 : i32
      %dma_wait3A_144 = tpu.memref_slice %arg4[%dma_wait3A_142, %dma_wait3A_143] : memref<512x64xf32, #tpu.memory_space<hbm>> -> memref<200x64xf32, #tpu.memory_space<hbm>>
      tpu.wait_dma2 semaphore(%run_scoped3A_132 : memref<!tpu.dma_semaphore, #tpu.memory_space<semaphore_mem>>) src(%dma_wait3A_144 : memref<200x64xf32, #tpu.memory_space<hbm>>) dst(%arg7 : memref<200x64xf32, #tpu.memory_space<vmem>>)
      tpu.yield
    }) : () -> ()
    %run_scoped3A_41 = arith.constant 1 : i32
    %run_scoped3A_42 = arith.constant 1 : i32
    "tpu.region"() ({
      %run_scoped3A_132 = tpu.sem_alloc : memref<!tpu.dma_semaphore, #tpu.memory_space<semaphore_mem>>
      %dma_start3A_133 = arith.constant 0 : i32
      %dma_start3A_134 = tpu.memref_slice %arg6[%run_scoped3A_42, %dma_start3A_133] : memref<25x1024xi32, #tpu.memory_space<vmem>> -> memref<1x1024xi32, #tpu.memory_space<vmem>>
      %dma_start3A_135 = tpu.memref_squeeze %dma_start3A_134 : memref<1x1024xi32, #tpu.memory_space<vmem>> -> memref<1024xi32, #tpu.memory_space<vmem>>
      %dma_start3A_136 = arith.constant 0 : i32
      %dma_start3A_137 = tpu.memref_slice %arg2[%run_scoped3A_41, %add3A, %dma_start3A_136] : memref<25x32x1024xi32, #tpu.memory_space<hbm>> -> memref<1x1x1024xi32, #tpu.memory_space<hbm>>
      %dma_start3A_138 = tpu.memref_squeeze %dma_start3A_137 : memref<1x1x1024xi32, #tpu.memory_space<hbm>> -> memref<1024xi32, #tpu.memory_space<hbm>>
      %dma_start3A_139 = arith.constant 0 : i32
      %dma_start3A_140 = tpu.memref_slice %arg6[%run_scoped3A_42, %dma_start3A_139] : memref<25x1024xi32, #tpu.memory_space<vmem>> -> memref<1x1024xi32, #tpu.memory_space<vmem>>
      %dma_start3A_141 = tpu.memref_squeeze %dma_start3A_140 : memref<1x1024xi32, #tpu.memory_space<vmem>> -> memref<1024xi32, #tpu.memory_space<vmem>>
      %dma_start3A_142 = arith.constant 0 : i32
      %dma_start3A_143 = tpu.memref_slice %arg2[%run_scoped3A_41, %add3A, %dma_start3A_142] : memref<25x32x1024xi32, #tpu.memory_space<hbm>> -> memref<1x1x1024xi32, #tpu.memory_space<hbm>>
      %dma_start3A_144 = tpu.memref_squeeze %dma_start3A_143 : memref<1x1x1024xi32, #tpu.memory_space<hbm>> -> memref<1024xi32, #tpu.memory_space<hbm>>
      tpu.enqueue_dma source(%dma_start3A_144 : memref<1024xi32, #tpu.memory_space<hbm>>) target(%dma_start3A_141 : memref<1024xi32, #tpu.memory_space<vmem>>) target_semaphore(%run_scoped3A_132 : memref<!tpu.dma_semaphore, #tpu.memory_space<semaphore_mem>>)
      %dma_wait3A_145 = arith.constant 0 : i32
      %dma_wait3A_146 = tpu.memref_slice %arg6[%run_scoped3A_42, %dma_wait3A_145] : memref<25x1024xi32, #tpu.memory_space<vmem>> -> memref<1x1024xi32, #tpu.memory_space<vmem>>
      %dma_wait3A_147 = tpu.memref_squeeze %dma_wait3A_146 : memref<1x1024xi32, #tpu.memory_space<vmem>> -> memref<1024xi32, #tpu.memory_space<vmem>>
      %dma_wait3A_148 = arith.constant 0 : i32
      %dma_wait3A_149 = tpu.memref_slice %arg2[%run_scoped3A_41, %add3A, %dma_wait3A_148] : memref<25x32x1024xi32, #tpu.memory_space<hbm>> -> memref<1x1x1024xi32, #tpu.memory_space<hbm>>
      %dma_wait3A_150 = tpu.memref_squeeze %dma_wait3A_149 : memref<1x1x1024xi32, #tpu.memory_space<hbm>> -> memref<1024xi32, #tpu.memory_space<hbm>>
      %dma_wait3A_151 = arith.constant 0 : i32
      %dma_wait3A_152 = tpu.memref_slice %arg6[%run_scoped3A_42, %dma_wait3A_151] : memref<25x1024xi32, #tpu.memory_space<vmem>> -> memref<1x1024xi32, #tpu.memory_space<vmem>>
      %dma_wait3A_153 = tpu.memref_squeeze %dma_wait3A_152 : memref<1x1024xi32, #tpu.memory_space<vmem>> -> memref<1024xi32, #tpu.memory_space<vmem>>
      %dma_wait3A_154 = arith.constant 0 : i32
      %dma_wait3A_155 = tpu.memref_slice %arg2[%run_scoped3A_41, %add3A, %dma_wait3A_154] : memref<25x32x1024xi32, #tpu.memory_space<hbm>> -> memref<1x1x1024xi32, #tpu.memory_space<hbm>>
      %dma_wait3A_156 = tpu.memref_squeeze %dma_wait3A_155 : memref<1x1x1024xi32, #tpu.memory_space<hbm>> -> memref<1024xi32, #tpu.memory_space<hbm>>
      tpu.wait_dma2 semaphore(%run_scoped3A_132 : memref<!tpu.dma_semaphore, #tpu.memory_space<semaphore_mem>>) src(%dma_wait3A_156 : memref<1024xi32, #tpu.memory_space<hbm>>) dst(%dma_wait3A_153 : memref<1024xi32, #tpu.memory_space<vmem>>)
      tpu.yield
    }) : () -> ()
    %run_scoped3A_43 = arith.constant 2 : i32
    %run_scoped3A_44 = arith.constant 2 : i32
    "tpu.region"() ({
      %run_scoped3A_132 = tpu.sem_alloc : memref<!tpu.dma_semaphore, #tpu.memory_space<semaphore_mem>>
      %dma_start3A_133 = arith.constant 0 : i32
      %dma_start3A_134 = tpu.memref_slice %arg6[%run_scoped3A_44, %dma_start3A_133] : memref<25x1024xi32, #tpu.memory_space<vmem>> -> memref<1x1024xi32, #tpu.memory_space<vmem>>
      %dma_start3A_135 = tpu.memref_squeeze %dma_start3A_134 : memref<1x1024xi32, #tpu.memory_space<vmem>> -> memref<1024xi32, #tpu.memory_space<vmem>>
      %dma_start3A_136 = arith.constant 0 : i32
      %dma_start3A_137 = tpu.memref_slice %arg2[%run_scoped3A_43, %add3A, %dma_start3A_136] : memref<25x32x1024xi32, #tpu.memory_space<hbm>> -> memref<1x1x1024xi32, #tpu.memory_space<hbm>>
      %dma_start3A_138 = tpu.memref_squeeze %dma_start3A_137 : memref<1x1x1024xi32, #tpu.memory_space<hbm>> -> memref<1024xi32, #tpu.memory_space<hbm>>
      %dma_start3A_139 = arith.constant 0 : i32
      %dma_start3A_140 = tpu.memref_slice %arg6[%run_scoped3A_44, %dma_start3A_139] : memref<25x1024xi32, #tpu.memory_space<vmem>> -> memref<1x1024xi32, #tpu.memory_space<vmem>>
      %dma_start3A_141 = tpu.memref_squeeze %dma_start3A_140 : memref<1x1024xi32, #tpu.memory_space<vmem>> -> memref<1024xi32, #tpu.memory_space<vmem>>
      %dma_start3A_142 = arith.constant 0 : i32
      %dma_start3A_143 = tpu.memref_slice %arg2[%run_scoped3A_43, %add3A, %dma_start3A_142] : memref<25x32x1024xi32, #tpu.memory_space<hbm>> -> memref<1x1x1024xi32, #tpu.memory_space<hbm>>
      %dma_start3A_144 = tpu.memref_squeeze %dma_start3A_143 : memref<1x1x1024xi32, #tpu.memory_space<hbm>> -> memref<1024xi32, #tpu.memory_space<hbm>>
      tpu.enqueue_dma source(%dma_start3A_144 : memref<1024xi32, #tpu.memory_space<hbm>>) target(%dma_start3A_141 : memref<1024xi32, #tpu.memory_space<vmem>>) target_semaphore(%run_scoped3A_132 : memref<!tpu.dma_semaphore, #tpu.memory_space<semaphore_mem>>)
      %dma_wait3A_145 = arith.constant 0 : i32
      %dma_wait3A_146 = tpu.memref_slice %arg6[%run_scoped3A_44, %dma_wait3A_145] : memref<25x1024xi32, #tpu.memory_space<vmem>> -> memref<1x1024xi32, #tpu.memory_space<vmem>>
      %dma_wait3A_147 = tpu.memref_squeeze %dma_wait3A_146 : memref<1x1024xi32, #tpu.memory_space<vmem>> -> memref<1024xi32, #tpu.memory_space<vmem>>
      %dma_wait3A_148 = arith.constant 0 : i32
      %dma_wait3A_149 = tpu.memref_slice %arg2[%run_scoped3A_43, %add3A, %dma_wait3A_148] : memref<25x32x1024xi32, #tpu.memory_space<hbm>> -> memref<1x1x1024xi32, #tpu.memory_space<hbm>>
      %dma_wait3A_150 = tpu.memref_squeeze %dma_wait3A_149 : memref<1x1x1024xi32, #tpu.memory_space<hbm>> -> memref<1024xi32, #tpu.memory_space<hbm>>
      %dma_wait3A_151 = arith.constant 0 : i32
      %dma_wait3A_152 = tpu.memref_slice %arg6[%run_scoped3A_44, %dma_wait3A_151] : memref<25x1024xi32, #tpu.memory_space<vmem>> -> memref<1x1024xi32, #tpu.memory_space<vmem>>
      %dma_wait3A_153 = tpu.memref_squeeze %dma_wait3A_152 : memref<1x1024xi32, #tpu.memory_space<vmem>> -> memref<1024xi32, #tpu.memory_space<vmem>>
      %dma_wait3A_154 = arith.constant 0 : i32
      %dma_wait3A_155 = tpu.memref_slice %arg2[%run_scoped3A_43, %add3A, %dma_wait3A_154] : memref<25x32x1024xi32, #tpu.memory_space<hbm>> -> memref<1x1x1024xi32, #tpu.memory_space<hbm>>
      %dma_wait3A_156 = tpu.memref_squeeze %dma_wait3A_155 : memref<1x1x1024xi32, #tpu.memory_space<hbm>> -> memref<1024xi32, #tpu.memory_space<hbm>>
      tpu.wait_dma2 semaphore(%run_scoped3A_132 : memref<!tpu.dma_semaphore, #tpu.memory_space<semaphore_mem>>) src(%dma_wait3A_156 : memref<1024xi32, #tpu.memory_space<hbm>>) dst(%dma_wait3A_153 : memref<1024xi32, #tpu.memory_space<vmem>>)
      tpu.yield
    }) : () -> ()
    %run_scoped3A_45 = arith.constant 3 : i32
    %run_scoped3A_46 = arith.constant 3 : i32
    "tpu.region"() ({
      %run_scoped3A_132 = tpu.sem_alloc : memref<!tpu.dma_semaphore, #tpu.memory_space<semaphore_mem>>
      %dma_start3A_133 = arith.constant 0 : i32
      %dma_start3A_134 = tpu.memref_slice %arg6[%run_scoped3A_46, %dma_start3A_133] : memref<25x1024xi32, #tpu.memory_space<vmem>> -> memref<1x1024xi32, #tpu.memory_space<vmem>>
      %dma_start3A_135 = tpu.memref_squeeze %dma_start3A_134 : memref<1x1024xi32, #tpu.memory_space<vmem>> -> memref<1024xi32, #tpu.memory_space<vmem>>
      %dma_start3A_136 = arith.constant 0 : i32
      %dma_start3A_137 = tpu.memref_slice %arg2[%run_scoped3A_45, %add3A, %dma_start3A_136] : memref<25x32x1024xi32, #tpu.memory_space<hbm>> -> memref<1x1x1024xi32, #tpu.memory_space<hbm>>
      %dma_start3A_138 = tpu.memref_squeeze %dma_start3A_137 : memref<1x1x1024xi32, #tpu.memory_space<hbm>> -> memref<1024xi32, #tpu.memory_space<hbm>>
      %dma_start3A_139 = arith.constant 0 : i32
      %dma_start3A_140 = tpu.memref_slice %arg6[%run_scoped3A_46, %dma_start3A_139] : memref<25x1024xi32, #tpu.memory_space<vmem>> -> memref<1x1024xi32, #tpu.memory_space<vmem>>
      %dma_start3A_141 = tpu.memref_squeeze %dma_start3A_140 : memref<1x1024xi32, #tpu.memory_space<vmem>> -> memref<1024xi32, #tpu.memory_space<vmem>>
      %dma_start3A_142 = arith.constant 0 : i32
      %dma_start3A_143 = tpu.memref_slice %arg2[%run_scoped3A_45, %add3A, %dma_start3A_142] : memref<25x32x1024xi32, #tpu.memory_space<hbm>> -> memref<1x1x1024xi32, #tpu.memory_space<hbm>>
      %dma_start3A_144 = tpu.memref_squeeze %dma_start3A_143 : memref<1x1x1024xi32, #tpu.memory_space<hbm>> -> memref<1024xi32, #tpu.memory_space<hbm>>
      tpu.enqueue_dma source(%dma_start3A_144 : memref<1024xi32, #tpu.memory_space<hbm>>) target(%dma_start3A_141 : memref<1024xi32, #tpu.memory_space<vmem>>) target_semaphore(%run_scoped3A_132 : memref<!tpu.dma_semaphore, #tpu.memory_space<semaphore_mem>>)
      %dma_wait3A_145 = arith.constant 0 : i32
      %dma_wait3A_146 = tpu.memref_slice %arg6[%run_scoped3A_46, %dma_wait3A_145] : memref<25x1024xi32, #tpu.memory_space<vmem>> -> memref<1x1024xi32, #tpu.memory_space<vmem>>
      %dma_wait3A_147 = tpu.memref_squeeze %dma_wait3A_146 : memref<1x1024xi32, #tpu.memory_space<vmem>> -> memref<1024xi32, #tpu.memory_space<vmem>>
      %dma_wait3A_148 = arith.constant 0 : i32
      %dma_wait3A_149 = tpu.memref_slice %arg2[%run_scoped3A_45, %add3A, %dma_wait3A_148] : memref<25x32x1024xi32, #tpu.memory_space<hbm>> -> memref<1x1x1024xi32, #tpu.memory_space<hbm>>
      %dma_wait3A_150 = tpu.memref_squeeze %dma_wait3A_149 : memref<1x1x1024xi32, #tpu.memory_space<hbm>> -> memref<1024xi32, #tpu.memory_space<hbm>>
      %dma_wait3A_151 = arith.constant 0 : i32
      %dma_wait3A_152 = tpu.memref_slice %arg6[%run_scoped3A_46, %dma_wait3A_151] : memref<25x1024xi32, #tpu.memory_space<vmem>> -> memref<1x1024xi32, #tpu.memory_space<vmem>>
      %dma_wait3A_153 = tpu.memref_squeeze %dma_wait3A_152 : memref<1x1024xi32, #tpu.memory_space<vmem>> -> memref<1024xi32, #tpu.memory_space<vmem>>
      %dma_wait3A_154 = arith.constant 0 : i32
      %dma_wait3A_155 = tpu.memref_slice %arg2[%run_scoped3A_45, %add3A, %dma_wait3A_154] : memref<25x32x1024xi32, #tpu.memory_space<hbm>> -> memref<1x1x1024xi32, #tpu.memory_space<hbm>>
      %dma_wait3A_156 = tpu.memref_squeeze %dma_wait3A_155 : memref<1x1x1024xi32, #tpu.memory_space<hbm>> -> memref<1024xi32, #tpu.memory_space<hbm>>
      tpu.wait_dma2 semaphore(%run_scoped3A_132 : memref<!tpu.dma_semaphore, #tpu.memory_space<semaphore_mem>>) src(%dma_wait3A_156 : memref<1024xi32, #tpu.memory_space<hbm>>) dst(%dma_wait3A_153 : memref<1024xi32, #tpu.memory_space<vmem>>)
      tpu.yield
    }) : () -> ()
    %run_scoped3A_47 = arith.constant 4 : i32
    %run_scoped3A_48 = arith.constant 4 : i32
    "tpu.region"() ({
      %run_scoped3A_132 = tpu.sem_alloc : memref<!tpu.dma_semaphore, #tpu.memory_space<semaphore_mem>>
      %dma_start3A_133 = arith.constant 0 : i32
      %dma_start3A_134 = tpu.memref_slice %arg6[%run_scoped3A_48, %dma_start3A_133] : memref<25x1024xi32, #tpu.memory_space<vmem>> -> memref<1x1024xi32, #tpu.memory_space<vmem>>
      %dma_start3A_135 = tpu.memref_squeeze %dma_start3A_134 : memref<1x1024xi32, #tpu.memory_space<vmem>> -> memref<1024xi32, #tpu.memory_space<vmem>>
      %dma_start3A_136 = arith.constant 0 : i32
      %dma_start3A_137 = tpu.memref_slice %arg2[%run_scoped3A_47, %add3A, %dma_start3A_136] : memref<25x32x1024xi32, #tpu.memory_space<hbm>> -> memref<1x1x1024xi32, #tpu.memory_space<hbm>>
      %dma_start3A_138 = tpu.memref_squeeze %dma_start3A_137 : memref<1x1x1024xi32, #tpu.memory_space<hbm>> -> memref<1024xi32, #tpu.memory_space<hbm>>
      %dma_start3A_139 = arith.constant 0 : i32
      %dma_start3A_140 = tpu.memref_slice %arg6[%run_scoped3A_48, %dma_start3A_139] : memref<25x1024xi32, #tpu.memory_space<vmem>> -> memref<1x1024xi32, #tpu.memory_space<vmem>>
      %dma_start3A_141 = tpu.memref_squeeze %dma_start3A_140 : memref<1x1024xi32, #tpu.memory_space<vmem>> -> memref<1024xi32, #tpu.memory_space<vmem>>
      %dma_start3A_142 = arith.constant 0 : i32
      %dma_start3A_143 = tpu.memref_slice %arg2[%run_scoped3A_47, %add3A, %dma_start3A_142] : memref<25x32x1024xi32, #tpu.memory_space<hbm>> -> memref<1x1x1024xi32, #tpu.memory_space<hbm>>
      %dma_start3A_144 = tpu.memref_squeeze %dma_start3A_143 : memref<1x1x1024xi32, #tpu.memory_space<hbm>> -> memref<1024xi32, #tpu.memory_space<hbm>>
      tpu.enqueue_dma source(%dma_start3A_144 : memref<1024xi32, #tpu.memory_space<hbm>>) target(%dma_start3A_141 : memref<1024xi32, #tpu.memory_space<vmem>>) target_semaphore(%run_scoped3A_132 : memref<!tpu.dma_semaphore, #tpu.memory_space<semaphore_mem>>)
      %dma_wait3A_145 = arith.constant 0 : i32
      %dma_wait3A_146 = tpu.memref_slice %arg6[%run_scoped3A_48, %dma_wait3A_145] : memref<25x1024xi32, #tpu.memory_space<vmem>> -> memref<1x1024xi32, #tpu.memory_space<vmem>>
      %dma_wait3A_147 = tpu.memref_squeeze %dma_wait3A_146 : memref<1x1024xi32, #tpu.memory_space<vmem>> -> memref<1024xi32, #tpu.memory_space<vmem>>
      %dma_wait3A_148 = arith.constant 0 : i32
      %dma_wait3A_149 = tpu.memref_slice %arg2[%run_scoped3A_47, %add3A, %dma_wait3A_148] : memref<25x32x1024xi32, #tpu.memory_space<hbm>> -> memref<1x1x1024xi32, #tpu.memory_space<hbm>>
      %dma_wait3A_150 = tpu.memref_squeeze %dma_wait3A_149 : memref<1x1x1024xi32, #tpu.memory_space<hbm>> -> memref<1024xi32, #tpu.memory_space<hbm>>
      %dma_wait3A_151 = arith.constant 0 : i32
      %dma_wait3A_152 = tpu.memref_slice %arg6[%run_scoped3A_48, %dma_wait3A_151] : memref<25x1024xi32, #tpu.memory_space<vmem>> -> memref<1x1024xi32, #tpu.memory_space<vmem>>
      %dma_wait3A_153 = tpu.memref_squeeze %dma_wait3A_152 : memref<1x1024xi32, #tpu.memory_space<vmem>> -> memref<1024xi32, #tpu.memory_space<vmem>>
      %dma_wait3A_154 = arith.constant 0 : i32
      %dma_wait3A_155 = tpu.memref_slice %arg2[%run_scoped3A_47, %add3A, %dma_wait3A_154] : memref<25x32x1024xi32, #tpu.memory_space<hbm>> -> memref<1x1x1024xi32, #tpu.memory_space<hbm>>
      %dma_wait3A_156 = tpu.memref_squeeze %dma_wait3A_155 : memref<1x1x1024xi32, #tpu.memory_space<hbm>> -> memref<1024xi32, #tpu.memory_space<hbm>>
      tpu.wait_dma2 semaphore(%run_scoped3A_132 : memref<!tpu.dma_semaphore, #tpu.memory_space<semaphore_mem>>) src(%dma_wait3A_156 : memref<1024xi32, #tpu.memory_space<hbm>>) dst(%dma_wait3A_153 : memref<1024xi32, #tpu.memory_space<vmem>>)
      tpu.yield
    }) : () -> ()
    %run_scoped3A_49 = arith.constant 5 : i32
    %run_scoped3A_50 = arith.constant 5 : i32
    "tpu.region"() ({
      %run_scoped3A_132 = tpu.sem_alloc : memref<!tpu.dma_semaphore, #tpu.memory_space<semaphore_mem>>
      %dma_start3A_133 = arith.constant 0 : i32
      %dma_start3A_134 = tpu.memref_slice %arg6[%run_scoped3A_50, %dma_start3A_133] : memref<25x1024xi32, #tpu.memory_space<vmem>> -> memref<1x1024xi32, #tpu.memory_space<vmem>>
      %dma_start3A_135 = tpu.memref_squeeze %dma_start3A_134 : memref<1x1024xi32, #tpu.memory_space<vmem>> -> memref<1024xi32, #tpu.memory_space<vmem>>
      %dma_start3A_136 = arith.constant 0 : i32
      %dma_start3A_137 = tpu.memref_slice %arg2[%run_scoped3A_49, %add3A, %dma_start3A_136] : memref<25x32x1024xi32, #tpu.memory_space<hbm>> -> memref<1x1x1024xi32, #tpu.memory_space<hbm>>
      %dma_start3A_138 = tpu.memref_squeeze %dma_start3A_137 : memref<1x1x1024xi32, #tpu.memory_space<hbm>> -> memref<1024xi32, #tpu.memory_space<hbm>>
      %dma_start3A_139 = arith.constant 0 : i32
      %dma_start3A_140 = tpu.memref_slice %arg6[%run_scoped3A_50, %dma_start3A_139] : memref<25x1024xi32, #tpu.memory_space<vmem>> -> memref<1x1024xi32, #tpu.memory_space<vmem>>
      %dma_start3A_141 = tpu.memref_squeeze %dma_start3A_140 : memref<1x1024xi32, #tpu.memory_space<vmem>> -> memref<1024xi32, #tpu.memory_space<vmem>>
      %dma_start3A_142 = arith.constant 0 : i32
      %dma_start3A_143 = tpu.memref_slice %arg2[%run_scoped3A_49, %add3A, %dma_start3A_142] : memref<25x32x1024xi32, #tpu.memory_space<hbm>> -> memref<1x1x1024xi32, #tpu.memory_space<hbm>>
      %dma_start3A_144 = tpu.memref_squeeze %dma_start3A_143 : memref<1x1x1024xi32, #tpu.memory_space<hbm>> -> memref<1024xi32, #tpu.memory_space<hbm>>
      tpu.enqueue_dma source(%dma_start3A_144 : memref<1024xi32, #tpu.memory_space<hbm>>) target(%dma_start3A_141 : memref<1024xi32, #tpu.memory_space<vmem>>) target_semaphore(%run_scoped3A_132 : memref<!tpu.dma_semaphore, #tpu.memory_space<semaphore_mem>>)
      %dma_wait3A_145 = arith.constant 0 : i32
      %dma_wait3A_146 = tpu.memref_slice %arg6[%run_scoped3A_50, %dma_wait3A_145] : memref<25x1024xi32, #tpu.memory_space<vmem>> -> memref<1x1024xi32, #tpu.memory_space<vmem>>
      %dma_wait3A_147 = tpu.memref_squeeze %dma_wait3A_146 : memref<1x1024xi32, #tpu.memory_space<vmem>> -> memref<1024xi32, #tpu.memory_space<vmem>>
      %dma_wait3A_148 = arith.constant 0 : i32
      %dma_wait3A_149 = tpu.memref_slice %arg2[%run_scoped3A_49, %add3A, %dma_wait3A_148] : memref<25x32x1024xi32, #tpu.memory_space<hbm>> -> memref<1x1x1024xi32, #tpu.memory_space<hbm>>
      %dma_wait3A_150 = tpu.memref_squeeze %dma_wait3A_149 : memref<1x1x1024xi32, #tpu.memory_space<hbm>> -> memref<1024xi32, #tpu.memory_space<hbm>>
      %dma_wait3A_151 = arith.constant 0 : i32
      %dma_wait3A_152 = tpu.memref_slice %arg6[%run_scoped3A_50, %dma_wait3A_151] : memref<25x1024xi32, #tpu.memory_space<vmem>> -> memref<1x1024xi32, #tpu.memory_space<vmem>>
      %dma_wait3A_153 = tpu.memref_squeeze %dma_wait3A_152 : memref<1x1024xi32, #tpu.memory_space<vmem>> -> memref<1024xi32, #tpu.memory_space<vmem>>
      %dma_wait3A_154 = arith.constant 0 : i32
      %dma_wait3A_155 = tpu.memref_slice %arg2[%run_scoped3A_49, %add3A, %dma_wait3A_154] : memref<25x32x1024xi32, #tpu.memory_space<hbm>> -> memref<1x1x1024xi32, #tpu.memory_space<hbm>>
      %dma_wait3A_156 = tpu.memref_squeeze %dma_wait3A_155 : memref<1x1x1024xi32, #tpu.memory_space<hbm>> -> memref<1024xi32, #tpu.memory_space<hbm>>
      tpu.wait_dma2 semaphore(%run_scoped3A_132 : memref<!tpu.dma_semaphore, #tpu.memory_space<semaphore_mem>>) src(%dma_wait3A_156 : memref<1024xi32, #tpu.memory_space<hbm>>) dst(%dma_wait3A_153 : memref<1024xi32, #tpu.memory_space<vmem>>)
      tpu.yield
    }) : () -> ()
    %run_scoped3A_51 = arith.constant 6 : i32
    %run_scoped3A_52 = arith.constant 6 : i32
    "tpu.region"() ({
      %run_scoped3A_132 = tpu.sem_alloc : memref<!tpu.dma_semaphore, #tpu.memory_space<semaphore_mem>>
      %dma_start3A_133 = arith.constant 0 : i32
      %dma_start3A_134 = tpu.memref_slice %arg6[%run_scoped3A_52, %dma_start3A_133] : memref<25x1024xi32, #tpu.memory_space<vmem>> -> memref<1x1024xi32, #tpu.memory_space<vmem>>
      %dma_start3A_135 = tpu.memref_squeeze %dma_start3A_134 : memref<1x1024xi32, #tpu.memory_space<vmem>> -> memref<1024xi32, #tpu.memory_space<vmem>>
      %dma_start3A_136 = arith.constant 0 : i32
      %dma_start3A_137 = tpu.memref_slice %arg2[%run_scoped3A_51, %add3A, %dma_start3A_136] : memref<25x32x1024xi32, #tpu.memory_space<hbm>> -> memref<1x1x1024xi32, #tpu.memory_space<hbm>>
      %dma_start3A_138 = tpu.memref_squeeze %dma_start3A_137 : memref<1x1x1024xi32, #tpu.memory_space<hbm>> -> memref<1024xi32, #tpu.memory_space<hbm>>
      %dma_start3A_139 = arith.constant 0 : i32
      %dma_start3A_140 = tpu.memref_slice %arg6[%run_scoped3A_52, %dma_start3A_139] : memref<25x1024xi32, #tpu.memory_space<vmem>> -> memref<1x1024xi32, #tpu.memory_space<vmem>>
      %dma_start3A_141 = tpu.memref_squeeze %dma_start3A_140 : memref<1x1024xi32, #tpu.memory_space<vmem>> -> memref<1024xi32, #tpu.memory_space<vmem>>
      %dma_start3A_142 = arith.constant 0 : i32
      %dma_start3A_143 = tpu.memref_slice %arg2[%run_scoped3A_51, %add3A, %dma_start3A_142] : memref<25x32x1024xi32, #tpu.memory_space<hbm>> -> memref<1x1x1024xi32, #tpu.memory_space<hbm>>
      %dma_start3A_144 = tpu.memref_squeeze %dma_start3A_143 : memref<1x1x1024xi32, #tpu.memory_space<hbm>> -> memref<1024xi32, #tpu.memory_space<hbm>>
      tpu.enqueue_dma source(%dma_start3A_144 : memref<1024xi32, #tpu.memory_space<hbm>>) target(%dma_start3A_141 : memref<1024xi32, #tpu.memory_space<vmem>>) target_semaphore(%run_scoped3A_132 : memref<!tpu.dma_semaphore, #tpu.memory_space<semaphore_mem>>)
      %dma_wait3A_145 = arith.constant 0 : i32
      %dma_wait3A_146 = tpu.memref_slice %arg6[%run_scoped3A_52, %dma_wait3A_145] : memref<25x1024xi32, #tpu.memory_space<vmem>> -> memref<1x1024xi32, #tpu.memory_space<vmem>>
      %dma_wait3A_147 = tpu.memref_squeeze %dma_wait3A_146 : memref<1x1024xi32, #tpu.memory_space<vmem>> -> memref<1024xi32, #tpu.memory_space<vmem>>
      %dma_wait3A_148 = arith.constant 0 : i32
      %dma_wait3A_149 = tpu.memref_slice %arg2[%run_scoped3A_51, %add3A, %dma_wait3A_148] : memref<25x32x1024xi32, #tpu.memory_space<hbm>> -> memref<1x1x1024xi32, #tpu.memory_space<hbm>>
      %dma_wait3A_150 = tpu.memref_squeeze %dma_wait3A_149 : memref<1x1x1024xi32, #tpu.memory_space<hbm>> -> memref<1024xi32, #tpu.memory_space<hbm>>
      %dma_wait3A_151 = arith.constant 0 : i32
      %dma_wait3A_152 = tpu.memref_slice %arg6[%run_scoped3A_52, %dma_wait3A_151] : memref<25x1024xi32, #tpu.memory_space<vmem>> -> memref<1x1024xi32, #tpu.memory_space<vmem>>
      %dma_wait3A_153 = tpu.memref_squeeze %dma_wait3A_152 : memref<1x1024xi32, #tpu.memory_space<vmem>> -> memref<1024xi32, #tpu.memory_space<vmem>>
      %dma_wait3A_154 = arith.constant 0 : i32
      %dma_wait3A_155 = tpu.memref_slice %arg2[%run_scoped3A_51, %add3A, %dma_wait3A_154] : memref<25x32x1024xi32, #tpu.memory_space<hbm>> -> memref<1x1x1024xi32, #tpu.memory_space<hbm>>
      %dma_wait3A_156 = tpu.memref_squeeze %dma_wait3A_155 : memref<1x1x1024xi32, #tpu.memory_space<hbm>> -> memref<1024xi32, #tpu.memory_space<hbm>>
      tpu.wait_dma2 semaphore(%run_scoped3A_132 : memref<!tpu.dma_semaphore, #tpu.memory_space<semaphore_mem>>) src(%dma_wait3A_156 : memref<1024xi32, #tpu.memory_space<hbm>>) dst(%dma_wait3A_153 : memref<1024xi32, #tpu.memory_space<vmem>>)
      tpu.yield
    }) : () -> ()
    %run_scoped3A_53 = arith.constant 7 : i32
    %run_scoped3A_54 = arith.constant 7 : i32
    "tpu.region"() ({
      %run_scoped3A_132 = tpu.sem_alloc : memref<!tpu.dma_semaphore, #tpu.memory_space<semaphore_mem>>
      %dma_start3A_133 = arith.constant 0 : i32
      %dma_start3A_134 = tpu.memref_slice %arg6[%run_scoped3A_54, %dma_start3A_133] : memref<25x1024xi32, #tpu.memory_space<vmem>> -> memref<1x1024xi32, #tpu.memory_space<vmem>>
      %dma_start3A_135 = tpu.memref_squeeze %dma_start3A_134 : memref<1x1024xi32, #tpu.memory_space<vmem>> -> memref<1024xi32, #tpu.memory_space<vmem>>
      %dma_start3A_136 = arith.constant 0 : i32
      %dma_start3A_137 = tpu.memref_slice %arg2[%run_scoped3A_53, %add3A, %dma_start3A_136] : memref<25x32x1024xi32, #tpu.memory_space<hbm>> -> memref<1x1x1024xi32, #tpu.memory_space<hbm>>
      %dma_start3A_138 = tpu.memref_squeeze %dma_start3A_137 : memref<1x1x1024xi32, #tpu.memory_space<hbm>> -> memref<1024xi32, #tpu.memory_space<hbm>>
      %dma_start3A_139 = arith.constant 0 : i32
      %dma_start3A_140 = tpu.memref_slice %arg6[%run_scoped3A_54, %dma_start3A_139] : memref<25x1024xi32, #tpu.memory_space<vmem>> -> memref<1x1024xi32, #tpu.memory_space<vmem>>
      %dma_start3A_141 = tpu.memref_squeeze %dma_start3A_140 : memref<1x1024xi32, #tpu.memory_space<vmem>> -> memref<1024xi32, #tpu.memory_space<vmem>>
      %dma_start3A_142 = arith.constant 0 : i32
      %dma_start3A_143 = tpu.memref_slice %arg2[%run_scoped3A_53, %add3A, %dma_start3A_142] : memref<25x32x1024xi32, #tpu.memory_space<hbm>> -> memref<1x1x1024xi32, #tpu.memory_space<hbm>>
      %dma_start3A_144 = tpu.memref_squeeze %dma_start3A_143 : memref<1x1x1024xi32, #tpu.memory_space<hbm>> -> memref<1024xi32, #tpu.memory_space<hbm>>
      tpu.enqueue_dma source(%dma_start3A_144 : memref<1024xi32, #tpu.memory_space<hbm>>) target(%dma_start3A_141 : memref<1024xi32, #tpu.memory_space<vmem>>) target_semaphore(%run_scoped3A_132 : memref<!tpu.dma_semaphore, #tpu.memory_space<semaphore_mem>>)
      %dma_wait3A_145 = arith.constant 0 : i32
      %dma_wait3A_146 = tpu.memref_slice %arg6[%run_scoped3A_54, %dma_wait3A_145] : memref<25x1024xi32, #tpu.memory_space<vmem>> -> memref<1x1024xi32, #tpu.memory_space<vmem>>
      %dma_wait3A_147 = tpu.memref_squeeze %dma_wait3A_146 : memref<1x1024xi32, #tpu.memory_space<vmem>> -> memref<1024xi32, #tpu.memory_space<vmem>>
      %dma_wait3A_148 = arith.constant 0 : i32
      %dma_wait3A_149 = tpu.memref_slice %arg2[%run_scoped3A_53, %add3A, %dma_wait3A_148] : memref<25x32x1024xi32, #tpu.memory_space<hbm>> -> memref<1x1x1024xi32, #tpu.memory_space<hbm>>
      %dma_wait3A_150 = tpu.memref_squeeze %dma_wait3A_149 : memref<1x1x1024xi32, #tpu.memory_space<hbm>> -> memref<1024xi32, #tpu.memory_space<hbm>>
      %dma_wait3A_151 = arith.constant 0 : i32
      %dma_wait3A_152 = tpu.memref_slice %arg6[%run_scoped3A_54, %dma_wait3A_151] : memref<25x1024xi32, #tpu.memory_space<vmem>> -> memref<1x1024xi32, #tpu.memory_space<vmem>>
      %dma_wait3A_153 = tpu.memref_squeeze %dma_wait3A_152 : memref<1x1024xi32, #tpu.memory_space<vmem>> -> memref<1024xi32, #tpu.memory_space<vmem>>
      %dma_wait3A_154 = arith.constant 0 : i32
      %dma_wait3A_155 = tpu.memref_slice %arg2[%run_scoped3A_53, %add3A, %dma_wait3A_154] : memref<25x32x1024xi32, #tpu.memory_space<hbm>> -> memref<1x1x1024xi32, #tpu.memory_space<hbm>>
      %dma_wait3A_156 = tpu.memref_squeeze %dma_wait3A_155 : memref<1x1x1024xi32, #tpu.memory_space<hbm>> -> memref<1024xi32, #tpu.memory_space<hbm>>
      tpu.wait_dma2 semaphore(%run_scoped3A_132 : memref<!tpu.dma_semaphore, #tpu.memory_space<semaphore_mem>>) src(%dma_wait3A_156 : memref<1024xi32, #tpu.memory_space<hbm>>) dst(%dma_wait3A_153 : memref<1024xi32, #tpu.memory_space<vmem>>)
      tpu.yield
    }) : () -> ()
    %run_scoped3A_55 = arith.constant 8 : i32
    %run_scoped3A_56 = arith.constant 8 : i32
    "tpu.region"() ({
      %run_scoped3A_132 = tpu.sem_alloc : memref<!tpu.dma_semaphore, #tpu.memory_space<semaphore_mem>>
      %dma_start3A_133 = arith.constant 0 : i32
      %dma_start3A_134 = tpu.memref_slice %arg6[%run_scoped3A_56, %dma_start3A_133] : memref<25x1024xi32, #tpu.memory_space<vmem>> -> memref<1x1024xi32, #tpu.memory_space<vmem>>
      %dma_start3A_135 = tpu.memref_squeeze %dma_start3A_134 : memref<1x1024xi32, #tpu.memory_space<vmem>> -> memref<1024xi32, #tpu.memory_space<vmem>>
      %dma_start3A_136 = arith.constant 0 : i32
      %dma_start3A_137 = tpu.memref_slice %arg2[%run_scoped3A_55, %add3A, %dma_start3A_136] : memref<25x32x1024xi32, #tpu.memory_space<hbm>> -> memref<1x1x1024xi32, #tpu.memory_space<hbm>>
      %dma_start3A_138 = tpu.memref_squeeze %dma_start3A_137 : memref<1x1x1024xi32, #tpu.memory_space<hbm>> -> memref<1024xi32, #tpu.memory_space<hbm>>
      %dma_start3A_139 = arith.constant 0 : i32
      %dma_start3A_140 = tpu.memref_slice %arg6[%run_scoped3A_56, %dma_start3A_139] : memref<25x1024xi32, #tpu.memory_space<vmem>> -> memref<1x1024xi32, #tpu.memory_space<vmem>>
      %dma_start3A_141 = tpu.memref_squeeze %dma_start3A_140 : memref<1x1024xi32, #tpu.memory_space<vmem>> -> memref<1024xi32, #tpu.memory_space<vmem>>
      %dma_start3A_142 = arith.constant 0 : i32
      %dma_start3A_143 = tpu.memref_slice %arg2[%run_scoped3A_55, %add3A, %dma_start3A_142] : memref<25x32x1024xi32, #tpu.memory_space<hbm>> -> memref<1x1x1024xi32, #tpu.memory_space<hbm>>
      %dma_start3A_144 = tpu.memref_squeeze %dma_start3A_143 : memref<1x1x1024xi32, #tpu.memory_space<hbm>> -> memref<1024xi32, #tpu.memory_space<hbm>>
      tpu.enqueue_dma source(%dma_start3A_144 : memref<1024xi32, #tpu.memory_space<hbm>>) target(%dma_start3A_141 : memref<1024xi32, #tpu.memory_space<vmem>>) target_semaphore(%run_scoped3A_132 : memref<!tpu.dma_semaphore, #tpu.memory_space<semaphore_mem>>)
      %dma_wait3A_145 = arith.constant 0 : i32
      %dma_wait3A_146 = tpu.memref_slice %arg6[%run_scoped3A_56, %dma_wait3A_145] : memref<25x1024xi32, #tpu.memory_space<vmem>> -> memref<1x1024xi32, #tpu.memory_space<vmem>>
      %dma_wait3A_147 = tpu.memref_squeeze %dma_wait3A_146 : memref<1x1024xi32, #tpu.memory_space<vmem>> -> memref<1024xi32, #tpu.memory_space<vmem>>
      %dma_wait3A_148 = arith.constant 0 : i32
      %dma_wait3A_149 = tpu.memref_slice %arg2[%run_scoped3A_55, %add3A, %dma_wait3A_148] : memref<25x32x1024xi32, #tpu.memory_space<hbm>> -> memref<1x1x1024xi32, #tpu.memory_space<hbm>>
      %dma_wait3A_150 = tpu.memref_squeeze %dma_wait3A_149 : memref<1x1x1024xi32, #tpu.memory_space<hbm>> -> memref<1024xi32, #tpu.memory_space<hbm>>
      %dma_wait3A_151 = arith.constant 0 : i32
      %dma_wait3A_152 = tpu.memref_slice %arg6[%run_scoped3A_56, %dma_wait3A_151] : memref<25x1024xi32, #tpu.memory_space<vmem>> -> memref<1x1024xi32, #tpu.memory_space<vmem>>
      %dma_wait3A_153 = tpu.memref_squeeze %dma_wait3A_152 : memref<1x1024xi32, #tpu.memory_space<vmem>> -> memref<1024xi32, #tpu.memory_space<vmem>>
      %dma_wait3A_154 = arith.constant 0 : i32
      %dma_wait3A_155 = tpu.memref_slice %arg2[%run_scoped3A_55, %add3A, %dma_wait3A_154] : memref<25x32x1024xi32, #tpu.memory_space<hbm>> -> memref<1x1x1024xi32, #tpu.memory_space<hbm>>
      %dma_wait3A_156 = tpu.memref_squeeze %dma_wait3A_155 : memref<1x1x1024xi32, #tpu.memory_space<hbm>> -> memref<1024xi32, #tpu.memory_space<hbm>>
      tpu.wait_dma2 semaphore(%run_scoped3A_132 : memref<!tpu.dma_semaphore, #tpu.memory_space<semaphore_mem>>) src(%dma_wait3A_156 : memref<1024xi32, #tpu.memory_space<hbm>>) dst(%dma_wait3A_153 : memref<1024xi32, #tpu.memory_space<vmem>>)
      tpu.yield
    }) : () -> ()
    %run_scoped3A_57 = arith.constant 9 : i32
    %run_scoped3A_58 = arith.constant 9 : i32
    "tpu.region"() ({
      %run_scoped3A_132 = tpu.sem_alloc : memref<!tpu.dma_semaphore, #tpu.memory_space<semaphore_mem>>
      %dma_start3A_133 = arith.constant 0 : i32
      %dma_start3A_134 = tpu.memref_slice %arg6[%run_scoped3A_58, %dma_start3A_133] : memref<25x1024xi32, #tpu.memory_space<vmem>> -> memref<1x1024xi32, #tpu.memory_space<vmem>>
      %dma_start3A_135 = tpu.memref_squeeze %dma_start3A_134 : memref<1x1024xi32, #tpu.memory_space<vmem>> -> memref<1024xi32, #tpu.memory_space<vmem>>
      %dma_start3A_136 = arith.constant 0 : i32
      %dma_start3A_137 = tpu.memref_slice %arg2[%run_scoped3A_57, %add3A, %dma_start3A_136] : memref<25x32x1024xi32, #tpu.memory_space<hbm>> -> memref<1x1x1024xi32, #tpu.memory_space<hbm>>
      %dma_start3A_138 = tpu.memref_squeeze %dma_start3A_137 : memref<1x1x1024xi32, #tpu.memory_space<hbm>> -> memref<1024xi32, #tpu.memory_space<hbm>>
      %dma_start3A_139 = arith.constant 0 : i32
      %dma_start3A_140 = tpu.memref_slice %arg6[%run_scoped3A_58, %dma_start3A_139] : memref<25x1024xi32, #tpu.memory_space<vmem>> -> memref<1x1024xi32, #tpu.memory_space<vmem>>
      %dma_start3A_141 = tpu.memref_squeeze %dma_start3A_140 : memref<1x1024xi32, #tpu.memory_space<vmem>> -> memref<1024xi32, #tpu.memory_space<vmem>>
      %dma_start3A_142 = arith.constant 0 : i32
      %dma_start3A_143 = tpu.memref_slice %arg2[%run_scoped3A_57, %add3A, %dma_start3A_142] : memref<25x32x1024xi32, #tpu.memory_space<hbm>> -> memref<1x1x1024xi32, #tpu.memory_space<hbm>>
      %dma_start3A_144 = tpu.memref_squeeze %dma_start3A_143 : memref<1x1x1024xi32, #tpu.memory_space<hbm>> -> memref<1024xi32, #tpu.memory_space<hbm>>
      tpu.enqueue_dma source(%dma_start3A_144 : memref<1024xi32, #tpu.memory_space<hbm>>) target(%dma_start3A_141 : memref<1024xi32, #tpu.memory_space<vmem>>) target_semaphore(%run_scoped3A_132 : memref<!tpu.dma_semaphore, #tpu.memory_space<semaphore_mem>>)
      %dma_wait3A_145 = arith.constant 0 : i32
      %dma_wait3A_146 = tpu.memref_slice %arg6[%run_scoped3A_58, %dma_wait3A_145] : memref<25x1024xi32, #tpu.memory_space<vmem>> -> memref<1x1024xi32, #tpu.memory_space<vmem>>
      %dma_wait3A_147 = tpu.memref_squeeze %dma_wait3A_146 : memref<1x1024xi32, #tpu.memory_space<vmem>> -> memref<1024xi32, #tpu.memory_space<vmem>>
      %dma_wait3A_148 = arith.constant 0 : i32
      %dma_wait3A_149 = tpu.memref_slice %arg2[%run_scoped3A_57, %add3A, %dma_wait3A_148] : memref<25x32x1024xi32, #tpu.memory_space<hbm>> -> memref<1x1x1024xi32, #tpu.memory_space<hbm>>
      %dma_wait3A_150 = tpu.memref_squeeze %dma_wait3A_149 : memref<1x1x1024xi32, #tpu.memory_space<hbm>> -> memref<1024xi32, #tpu.memory_space<hbm>>
      %dma_wait3A_151 = arith.constant 0 : i32
      %dma_wait3A_152 = tpu.memref_slice %arg6[%run_scoped3A_58, %dma_wait3A_151] : memref<25x1024xi32, #tpu.memory_space<vmem>> -> memref<1x1024xi32, #tpu.memory_space<vmem>>
      %dma_wait3A_153 = tpu.memref_squeeze %dma_wait3A_152 : memref<1x1024xi32, #tpu.memory_space<vmem>> -> memref<1024xi32, #tpu.memory_space<vmem>>
      %dma_wait3A_154 = arith.constant 0 : i32
      %dma_wait3A_155 = tpu.memref_slice %arg2[%run_scoped3A_57, %add3A, %dma_wait3A_154] : memref<25x32x1024xi32, #tpu.memory_space<hbm>> -> memref<1x1x1024xi32, #tpu.memory_space<hbm>>
      %dma_wait3A_156 = tpu.memref_squeeze %dma_wait3A_155 : memref<1x1x1024xi32, #tpu.memory_space<hbm>> -> memref<1024xi32, #tpu.memory_space<hbm>>
      tpu.wait_dma2 semaphore(%run_scoped3A_132 : memref<!tpu.dma_semaphore, #tpu.memory_space<semaphore_mem>>) src(%dma_wait3A_156 : memref<1024xi32, #tpu.memory_space<hbm>>) dst(%dma_wait3A_153 : memref<1024xi32, #tpu.memory_space<vmem>>)
      tpu.yield
    }) : () -> ()
    %run_scoped3A_59 = arith.constant 10 : i32
    %run_scoped3A_60 = arith.constant 10 : i32
    "tpu.region"() ({
      %run_scoped3A_132 = tpu.sem_alloc : memref<!tpu.dma_semaphore, #tpu.memory_space<semaphore_mem>>
      %dma_start3A_133 = arith.constant 0 : i32
      %dma_start3A_134 = tpu.memref_slice %arg6[%run_scoped3A_60, %dma_start3A_133] : memref<25x1024xi32, #tpu.memory_space<vmem>> -> memref<1x1024xi32, #tpu.memory_space<vmem>>
      %dma_start3A_135 = tpu.memref_squeeze %dma_start3A_134 : memref<1x1024xi32, #tpu.memory_space<vmem>> -> memref<1024xi32, #tpu.memory_space<vmem>>
      %dma_start3A_136 = arith.constant 0 : i32
      %dma_start3A_137 = tpu.memref_slice %arg2[%run_scoped3A_59, %add3A, %dma_start3A_136] : memref<25x32x1024xi32, #tpu.memory_space<hbm>> -> memref<1x1x1024xi32, #tpu.memory_space<hbm>>
      %dma_start3A_138 = tpu.memref_squeeze %dma_start3A_137 : memref<1x1x1024xi32, #tpu.memory_space<hbm>> -> memref<1024xi32, #tpu.memory_space<hbm>>
      %dma_start3A_139 = arith.constant 0 : i32
      %dma_start3A_140 = tpu.memref_slice %arg6[%run_scoped3A_60, %dma_start3A_139] : memref<25x1024xi32, #tpu.memory_space<vmem>> -> memref<1x1024xi32, #tpu.memory_space<vmem>>
      %dma_start3A_141 = tpu.memref_squeeze %dma_start3A_140 : memref<1x1024xi32, #tpu.memory_space<vmem>> -> memref<1024xi32, #tpu.memory_space<vmem>>
      %dma_start3A_142 = arith.constant 0 : i32
      %dma_start3A_143 = tpu.memref_slice %arg2[%run_scoped3A_59, %add3A, %dma_start3A_142] : memref<25x32x1024xi32, #tpu.memory_space<hbm>> -> memref<1x1x1024xi32, #tpu.memory_space<hbm>>
      %dma_start3A_144 = tpu.memref_squeeze %dma_start3A_143 : memref<1x1x1024xi32, #tpu.memory_space<hbm>> -> memref<1024xi32, #tpu.memory_space<hbm>>
      tpu.enqueue_dma source(%dma_start3A_144 : memref<1024xi32, #tpu.memory_space<hbm>>) target(%dma_start3A_141 : memref<1024xi32, #tpu.memory_space<vmem>>) target_semaphore(%run_scoped3A_132 : memref<!tpu.dma_semaphore, #tpu.memory_space<semaphore_mem>>)
      %dma_wait3A_145 = arith.constant 0 : i32
      %dma_wait3A_146 = tpu.memref_slice %arg6[%run_scoped3A_60, %dma_wait3A_145] : memref<25x1024xi32, #tpu.memory_space<vmem>> -> memref<1x1024xi32, #tpu.memory_space<vmem>>
      %dma_wait3A_147 = tpu.memref_squeeze %dma_wait3A_146 : memref<1x1024xi32, #tpu.memory_space<vmem>> -> memref<1024xi32, #tpu.memory_space<vmem>>
      %dma_wait3A_148 = arith.constant 0 : i32
      %dma_wait3A_149 = tpu.memref_slice %arg2[%run_scoped3A_59, %add3A, %dma_wait3A_148] : memref<25x32x1024xi32, #tpu.memory_space<hbm>> -> memref<1x1x1024xi32, #tpu.memory_space<hbm>>
      %dma_wait3A_150 = tpu.memref_squeeze %dma_wait3A_149 : memref<1x1x1024xi32, #tpu.memory_space<hbm>> -> memref<1024xi32, #tpu.memory_space<hbm>>
      %dma_wait3A_151 = arith.constant 0 : i32
      %dma_wait3A_152 = tpu.memref_slice %arg6[%run_scoped3A_60, %dma_wait3A_151] : memref<25x1024xi32, #tpu.memory_space<vmem>> -> memref<1x1024xi32, #tpu.memory_space<vmem>>
      %dma_wait3A_153 = tpu.memref_squeeze %dma_wait3A_152 : memref<1x1024xi32, #tpu.memory_space<vmem>> -> memref<1024xi32, #tpu.memory_space<vmem>>
      %dma_wait3A_154 = arith.constant 0 : i32
      %dma_wait3A_155 = tpu.memref_slice %arg2[%run_scoped3A_59, %add3A, %dma_wait3A_154] : memref<25x32x1024xi32, #tpu.memory_space<hbm>> -> memref<1x1x1024xi32, #tpu.memory_space<hbm>>
      %dma_wait3A_156 = tpu.memref_squeeze %dma_wait3A_155 : memref<1x1x1024xi32, #tpu.memory_space<hbm>> -> memref<1024xi32, #tpu.memory_space<hbm>>
      tpu.wait_dma2 semaphore(%run_scoped3A_132 : memref<!tpu.dma_semaphore, #tpu.memory_space<semaphore_mem>>) src(%dma_wait3A_156 : memref<1024xi32, #tpu.memory_space<hbm>>) dst(%dma_wait3A_153 : memref<1024xi32, #tpu.memory_space<vmem>>)
      tpu.yield
    }) : () -> ()
    %run_scoped3A_61 = arith.constant 11 : i32
    %run_scoped3A_62 = arith.constant 11 : i32
    "tpu.region"() ({
      %run_scoped3A_132 = tpu.sem_alloc : memref<!tpu.dma_semaphore, #tpu.memory_space<semaphore_mem>>
      %dma_start3A_133 = arith.constant 0 : i32
      %dma_start3A_134 = tpu.memref_slice %arg6[%run_scoped3A_62, %dma_start3A_133] : memref<25x1024xi32, #tpu.memory_space<vmem>> -> memref<1x1024xi32, #tpu.memory_space<vmem>>
      %dma_start3A_135 = tpu.memref_squeeze %dma_start3A_134 : memref<1x1024xi32, #tpu.memory_space<vmem>> -> memref<1024xi32, #tpu.memory_space<vmem>>
      %dma_start3A_136 = arith.constant 0 : i32
      %dma_start3A_137 = tpu.memref_slice %arg2[%run_scoped3A_61, %add3A, %dma_start3A_136] : memref<25x32x1024xi32, #tpu.memory_space<hbm>> -> memref<1x1x1024xi32, #tpu.memory_space<hbm>>
      %dma_start3A_138 = tpu.memref_squeeze %dma_start3A_137 : memref<1x1x1024xi32, #tpu.memory_space<hbm>> -> memref<1024xi32, #tpu.memory_space<hbm>>
      %dma_start3A_139 = arith.constant 0 : i32
      %dma_start3A_140 = tpu.memref_slice %arg6[%run_scoped3A_62, %dma_start3A_139] : memref<25x1024xi32, #tpu.memory_space<vmem>> -> memref<1x1024xi32, #tpu.memory_space<vmem>>
      %dma_start3A_141 = tpu.memref_squeeze %dma_start3A_140 : memref<1x1024xi32, #tpu.memory_space<vmem>> -> memref<1024xi32, #tpu.memory_space<vmem>>
      %dma_start3A_142 = arith.constant 0 : i32
      %dma_start3A_143 = tpu.memref_slice %arg2[%run_scoped3A_61, %add3A, %dma_start3A_142] : memref<25x32x1024xi32, #tpu.memory_space<hbm>> -> memref<1x1x1024xi32, #tpu.memory_space<hbm>>
      %dma_start3A_144 = tpu.memref_squeeze %dma_start3A_143 : memref<1x1x1024xi32, #tpu.memory_space<hbm>> -> memref<1024xi32, #tpu.memory_space<hbm>>
      tpu.enqueue_dma source(%dma_start3A_144 : memref<1024xi32, #tpu.memory_space<hbm>>) target(%dma_start3A_141 : memref<1024xi32, #tpu.memory_space<vmem>>) target_semaphore(%run_scoped3A_132 : memref<!tpu.dma_semaphore, #tpu.memory_space<semaphore_mem>>)
      %dma_wait3A_145 = arith.constant 0 : i32
      %dma_wait3A_146 = tpu.memref_slice %arg6[%run_scoped3A_62, %dma_wait3A_145] : memref<25x1024xi32, #tpu.memory_space<vmem>> -> memref<1x1024xi32, #tpu.memory_space<vmem>>
      %dma_wait3A_147 = tpu.memref_squeeze %dma_wait3A_146 : memref<1x1024xi32, #tpu.memory_space<vmem>> -> memref<1024xi32, #tpu.memory_space<vmem>>
      %dma_wait3A_148 = arith.constant 0 : i32
      %dma_wait3A_149 = tpu.memref_slice %arg2[%run_scoped3A_61, %add3A, %dma_wait3A_148] : memref<25x32x1024xi32, #tpu.memory_space<hbm>> -> memref<1x1x1024xi32, #tpu.memory_space<hbm>>
      %dma_wait3A_150 = tpu.memref_squeeze %dma_wait3A_149 : memref<1x1x1024xi32, #tpu.memory_space<hbm>> -> memref<1024xi32, #tpu.memory_space<hbm>>
      %dma_wait3A_151 = arith.constant 0 : i32
      %dma_wait3A_152 = tpu.memref_slice %arg6[%run_scoped3A_62, %dma_wait3A_151] : memref<25x1024xi32, #tpu.memory_space<vmem>> -> memref<1x1024xi32, #tpu.memory_space<vmem>>
      %dma_wait3A_153 = tpu.memref_squeeze %dma_wait3A_152 : memref<1x1024xi32, #tpu.memory_space<vmem>> -> memref<1024xi32, #tpu.memory_space<vmem>>
      %dma_wait3A_154 = arith.constant 0 : i32
      %dma_wait3A_155 = tpu.memref_slice %arg2[%run_scoped3A_61, %add3A, %dma_wait3A_154] : memref<25x32x1024xi32, #tpu.memory_space<hbm>> -> memref<1x1x1024xi32, #tpu.memory_space<hbm>>
      %dma_wait3A_156 = tpu.memref_squeeze %dma_wait3A_155 : memref<1x1x1024xi32, #tpu.memory_space<hbm>> -> memref<1024xi32, #tpu.memory_space<hbm>>
      tpu.wait_dma2 semaphore(%run_scoped3A_132 : memref<!tpu.dma_semaphore, #tpu.memory_space<semaphore_mem>>) src(%dma_wait3A_156 : memref<1024xi32, #tpu.memory_space<hbm>>) dst(%dma_wait3A_153 : memref<1024xi32, #tpu.memory_space<vmem>>)
      tpu.yield
    }) : () -> ()
    %run_scoped3A_63 = arith.constant 12 : i32
    %run_scoped3A_64 = arith.constant 12 : i32
    "tpu.region"() ({
      %run_scoped3A_132 = tpu.sem_alloc : memref<!tpu.dma_semaphore, #tpu.memory_space<semaphore_mem>>
      %dma_start3A_133 = arith.constant 0 : i32
      %dma_start3A_134 = tpu.memref_slice %arg6[%run_scoped3A_64, %dma_start3A_133] : memref<25x1024xi32, #tpu.memory_space<vmem>> -> memref<1x1024xi32, #tpu.memory_space<vmem>>
      %dma_start3A_135 = tpu.memref_squeeze %dma_start3A_134 : memref<1x1024xi32, #tpu.memory_space<vmem>> -> memref<1024xi32, #tpu.memory_space<vmem>>
      %dma_start3A_136 = arith.constant 0 : i32
      %dma_start3A_137 = tpu.memref_slice %arg2[%run_scoped3A_63, %add3A, %dma_start3A_136] : memref<25x32x1024xi32, #tpu.memory_space<hbm>> -> memref<1x1x1024xi32, #tpu.memory_space<hbm>>
      %dma_start3A_138 = tpu.memref_squeeze %dma_start3A_137 : memref<1x1x1024xi32, #tpu.memory_space<hbm>> -> memref<1024xi32, #tpu.memory_space<hbm>>
      %dma_start3A_139 = arith.constant 0 : i32
      %dma_start3A_140 = tpu.memref_slice %arg6[%run_scoped3A_64, %dma_start3A_139] : memref<25x1024xi32, #tpu.memory_space<vmem>> -> memref<1x1024xi32, #tpu.memory_space<vmem>>
      %dma_start3A_141 = tpu.memref_squeeze %dma_start3A_140 : memref<1x1024xi32, #tpu.memory_space<vmem>> -> memref<1024xi32, #tpu.memory_space<vmem>>
      %dma_start3A_142 = arith.constant 0 : i32
      %dma_start3A_143 = tpu.memref_slice %arg2[%run_scoped3A_63, %add3A, %dma_start3A_142] : memref<25x32x1024xi32, #tpu.memory_space<hbm>> -> memref<1x1x1024xi32, #tpu.memory_space<hbm>>
      %dma_start3A_144 = tpu.memref_squeeze %dma_start3A_143 : memref<1x1x1024xi32, #tpu.memory_space<hbm>> -> memref<1024xi32, #tpu.memory_space<hbm>>
      tpu.enqueue_dma source(%dma_start3A_144 : memref<1024xi32, #tpu.memory_space<hbm>>) target(%dma_start3A_141 : memref<1024xi32, #tpu.memory_space<vmem>>) target_semaphore(%run_scoped3A_132 : memref<!tpu.dma_semaphore, #tpu.memory_space<semaphore_mem>>)
      %dma_wait3A_145 = arith.constant 0 : i32
      %dma_wait3A_146 = tpu.memref_slice %arg6[%run_scoped3A_64, %dma_wait3A_145] : memref<25x1024xi32, #tpu.memory_space<vmem>> -> memref<1x1024xi32, #tpu.memory_space<vmem>>
      %dma_wait3A_147 = tpu.memref_squeeze %dma_wait3A_146 : memref<1x1024xi32, #tpu.memory_space<vmem>> -> memref<1024xi32, #tpu.memory_space<vmem>>
      %dma_wait3A_148 = arith.constant 0 : i32
      %dma_wait3A_149 = tpu.memref_slice %arg2[%run_scoped3A_63, %add3A, %dma_wait3A_148] : memref<25x32x1024xi32, #tpu.memory_space<hbm>> -> memref<1x1x1024xi32, #tpu.memory_space<hbm>>
      %dma_wait3A_150 = tpu.memref_squeeze %dma_wait3A_149 : memref<1x1x1024xi32, #tpu.memory_space<hbm>> -> memref<1024xi32, #tpu.memory_space<hbm>>
      %dma_wait3A_151 = arith.constant 0 : i32
      %dma_wait3A_152 = tpu.memref_slice %arg6[%run_scoped3A_64, %dma_wait3A_151] : memref<25x1024xi32, #tpu.memory_space<vmem>> -> memref<1x1024xi32, #tpu.memory_space<vmem>>
      %dma_wait3A_153 = tpu.memref_squeeze %dma_wait3A_152 : memref<1x1024xi32, #tpu.memory_space<vmem>> -> memref<1024xi32, #tpu.memory_space<vmem>>
      %dma_wait3A_154 = arith.constant 0 : i32
      %dma_wait3A_155 = tpu.memref_slice %arg2[%run_scoped3A_63, %add3A, %dma_wait3A_154] : memref<25x32x1024xi32, #tpu.memory_space<hbm>> -> memref<1x1x1024xi32, #tpu.memory_space<hbm>>
      %dma_wait3A_156 = tpu.memref_squeeze %dma_wait3A_155 : memref<1x1x1024xi32, #tpu.memory_space<hbm>> -> memref<1024xi32, #tpu.memory_space<hbm>>
      tpu.wait_dma2 semaphore(%run_scoped3A_132 : memref<!tpu.dma_semaphore, #tpu.memory_space<semaphore_mem>>) src(%dma_wait3A_156 : memref<1024xi32, #tpu.memory_space<hbm>>) dst(%dma_wait3A_153 : memref<1024xi32, #tpu.memory_space<vmem>>)
      tpu.yield
    }) : () -> ()
    %run_scoped3A_65 = arith.constant 13 : i32
    %run_scoped3A_66 = arith.constant 13 : i32
    "tpu.region"() ({
      %run_scoped3A_132 = tpu.sem_alloc : memref<!tpu.dma_semaphore, #tpu.memory_space<semaphore_mem>>
      %dma_start3A_133 = arith.constant 0 : i32
      %dma_start3A_134 = tpu.memref_slice %arg6[%run_scoped3A_66, %dma_start3A_133] : memref<25x1024xi32, #tpu.memory_space<vmem>> -> memref<1x1024xi32, #tpu.memory_space<vmem>>
      %dma_start3A_135 = tpu.memref_squeeze %dma_start3A_134 : memref<1x1024xi32, #tpu.memory_space<vmem>> -> memref<1024xi32, #tpu.memory_space<vmem>>
      %dma_start3A_136 = arith.constant 0 : i32
      %dma_start3A_137 = tpu.memref_slice %arg2[%run_scoped3A_65, %add3A, %dma_start3A_136] : memref<25x32x1024xi32, #tpu.memory_space<hbm>> -> memref<1x1x1024xi32, #tpu.memory_space<hbm>>
      %dma_start3A_138 = tpu.memref_squeeze %dma_start3A_137 : memref<1x1x1024xi32, #tpu.memory_space<hbm>> -> memref<1024xi32, #tpu.memory_space<hbm>>
      %dma_start3A_139 = arith.constant 0 : i32
      %dma_start3A_140 = tpu.memref_slice %arg6[%run_scoped3A_66, %dma_start3A_139] : memref<25x1024xi32, #tpu.memory_space<vmem>> -> memref<1x1024xi32, #tpu.memory_space<vmem>>
      %dma_start3A_141 = tpu.memref_squeeze %dma_start3A_140 : memref<1x1024xi32, #tpu.memory_space<vmem>> -> memref<1024xi32, #tpu.memory_space<vmem>>
      %dma_start3A_142 = arith.constant 0 : i32
      %dma_start3A_143 = tpu.memref_slice %arg2[%run_scoped3A_65, %add3A, %dma_start3A_142] : memref<25x32x1024xi32, #tpu.memory_space<hbm>> -> memref<1x1x1024xi32, #tpu.memory_space<hbm>>
      %dma_start3A_144 = tpu.memref_squeeze %dma_start3A_143 : memref<1x1x1024xi32, #tpu.memory_space<hbm>> -> memref<1024xi32, #tpu.memory_space<hbm>>
      tpu.enqueue_dma source(%dma_start3A_144 : memref<1024xi32, #tpu.memory_space<hbm>>) target(%dma_start3A_141 : memref<1024xi32, #tpu.memory_space<vmem>>) target_semaphore(%run_scoped3A_132 : memref<!tpu.dma_semaphore, #tpu.memory_space<semaphore_mem>>)
      %dma_wait3A_145 = arith.constant 0 : i32
      %dma_wait3A_146 = tpu.memref_slice %arg6[%run_scoped3A_66, %dma_wait3A_145] : memref<25x1024xi32, #tpu.memory_space<vmem>> -> memref<1x1024xi32, #tpu.memory_space<vmem>>
      %dma_wait3A_147 = tpu.memref_squeeze %dma_wait3A_146 : memref<1x1024xi32, #tpu.memory_space<vmem>> -> memref<1024xi32, #tpu.memory_space<vmem>>
      %dma_wait3A_148 = arith.constant 0 : i32
      %dma_wait3A_149 = tpu.memref_slice %arg2[%run_scoped3A_65, %add3A, %dma_wait3A_148] : memref<25x32x1024xi32, #tpu.memory_space<hbm>> -> memref<1x1x1024xi32, #tpu.memory_space<hbm>>
      %dma_wait3A_150 = tpu.memref_squeeze %dma_wait3A_149 : memref<1x1x1024xi32, #tpu.memory_space<hbm>> -> memref<1024xi32, #tpu.memory_space<hbm>>
      %dma_wait3A_151 = arith.constant 0 : i32
      %dma_wait3A_152 = tpu.memref_slice %arg6[%run_scoped3A_66, %dma_wait3A_151] : memref<25x1024xi32, #tpu.memory_space<vmem>> -> memref<1x1024xi32, #tpu.memory_space<vmem>>
      %dma_wait3A_153 = tpu.memref_squeeze %dma_wait3A_152 : memref<1x1024xi32, #tpu.memory_space<vmem>> -> memref<1024xi32, #tpu.memory_space<vmem>>
      %dma_wait3A_154 = arith.constant 0 : i32
      %dma_wait3A_155 = tpu.memref_slice %arg2[%run_scoped3A_65, %add3A, %dma_wait3A_154] : memref<25x32x1024xi32, #tpu.memory_space<hbm>> -> memref<1x1x1024xi32, #tpu.memory_space<hbm>>
      %dma_wait3A_156 = tpu.memref_squeeze %dma_wait3A_155 : memref<1x1x1024xi32, #tpu.memory_space<hbm>> -> memref<1024xi32, #tpu.memory_space<hbm>>
      tpu.wait_dma2 semaphore(%run_scoped3A_132 : memref<!tpu.dma_semaphore, #tpu.memory_space<semaphore_mem>>) src(%dma_wait3A_156 : memref<1024xi32, #tpu.memory_space<hbm>>) dst(%dma_wait3A_153 : memref<1024xi32, #tpu.memory_space<vmem>>)
      tpu.yield
    }) : () -> ()
    %run_scoped3A_67 = arith.constant 14 : i32
    %run_scoped3A_68 = arith.constant 14 : i32
    "tpu.region"() ({
      %run_scoped3A_132 = tpu.sem_alloc : memref<!tpu.dma_semaphore, #tpu.memory_space<semaphore_mem>>
      %dma_start3A_133 = arith.constant 0 : i32
      %dma_start3A_134 = tpu.memref_slice %arg6[%run_scoped3A_68, %dma_start3A_133] : memref<25x1024xi32, #tpu.memory_space<vmem>> -> memref<1x1024xi32, #tpu.memory_space<vmem>>
      %dma_start3A_135 = tpu.memref_squeeze %dma_start3A_134 : memref<1x1024xi32, #tpu.memory_space<vmem>> -> memref<1024xi32, #tpu.memory_space<vmem>>
      %dma_start3A_136 = arith.constant 0 : i32
      %dma_start3A_137 = tpu.memref_slice %arg2[%run_scoped3A_67, %add3A, %dma_start3A_136] : memref<25x32x1024xi32, #tpu.memory_space<hbm>> -> memref<1x1x1024xi32, #tpu.memory_space<hbm>>
      %dma_start3A_138 = tpu.memref_squeeze %dma_start3A_137 : memref<1x1x1024xi32, #tpu.memory_space<hbm>> -> memref<1024xi32, #tpu.memory_space<hbm>>
      %dma_start3A_139 = arith.constant 0 : i32
      %dma_start3A_140 = tpu.memref_slice %arg6[%run_scoped3A_68, %dma_start3A_139] : memref<25x1024xi32, #tpu.memory_space<vmem>> -> memref<1x1024xi32, #tpu.memory_space<vmem>>
      %dma_start3A_141 = tpu.memref_squeeze %dma_start3A_140 : memref<1x1024xi32, #tpu.memory_space<vmem>> -> memref<1024xi32, #tpu.memory_space<vmem>>
      %dma_start3A_142 = arith.constant 0 : i32
      %dma_start3A_143 = tpu.memref_slice %arg2[%run_scoped3A_67, %add3A, %dma_start3A_142] : memref<25x32x1024xi32, #tpu.memory_space<hbm>> -> memref<1x1x1024xi32, #tpu.memory_space<hbm>>
      %dma_start3A_144 = tpu.memref_squeeze %dma_start3A_143 : memref<1x1x1024xi32, #tpu.memory_space<hbm>> -> memref<1024xi32, #tpu.memory_space<hbm>>
      tpu.enqueue_dma source(%dma_start3A_144 : memref<1024xi32, #tpu.memory_space<hbm>>) target(%dma_start3A_141 : memref<1024xi32, #tpu.memory_space<vmem>>) target_semaphore(%run_scoped3A_132 : memref<!tpu.dma_semaphore, #tpu.memory_space<semaphore_mem>>)
      %dma_wait3A_145 = arith.constant 0 : i32
      %dma_wait3A_146 = tpu.memref_slice %arg6[%run_scoped3A_68, %dma_wait3A_145] : memref<25x1024xi32, #tpu.memory_space<vmem>> -> memref<1x1024xi32, #tpu.memory_space<vmem>>
      %dma_wait3A_147 = tpu.memref_squeeze %dma_wait3A_146 : memref<1x1024xi32, #tpu.memory_space<vmem>> -> memref<1024xi32, #tpu.memory_space<vmem>>
      %dma_wait3A_148 = arith.constant 0 : i32
      %dma_wait3A_149 = tpu.memref_slice %arg2[%run_scoped3A_67, %add3A, %dma_wait3A_148] : memref<25x32x1024xi32, #tpu.memory_space<hbm>> -> memref<1x1x1024xi32, #tpu.memory_space<hbm>>
      %dma_wait3A_150 = tpu.memref_squeeze %dma_wait3A_149 : memref<1x1x1024xi32, #tpu.memory_space<hbm>> -> memref<1024xi32, #tpu.memory_space<hbm>>
      %dma_wait3A_151 = arith.constant 0 : i32
      %dma_wait3A_152 = tpu.memref_slice %arg6[%run_scoped3A_68, %dma_wait3A_151] : memref<25x1024xi32, #tpu.memory_space<vmem>> -> memref<1x1024xi32, #tpu.memory_space<vmem>>
      %dma_wait3A_153 = tpu.memref_squeeze %dma_wait3A_152 : memref<1x1024xi32, #tpu.memory_space<vmem>> -> memref<1024xi32, #tpu.memory_space<vmem>>
      %dma_wait3A_154 = arith.constant 0 : i32
      %dma_wait3A_155 = tpu.memref_slice %arg2[%run_scoped3A_67, %add3A, %dma_wait3A_154] : memref<25x32x1024xi32, #tpu.memory_space<hbm>> -> memref<1x1x1024xi32, #tpu.memory_space<hbm>>
      %dma_wait3A_156 = tpu.memref_squeeze %dma_wait3A_155 : memref<1x1x1024xi32, #tpu.memory_space<hbm>> -> memref<1024xi32, #tpu.memory_space<hbm>>
      tpu.wait_dma2 semaphore(%run_scoped3A_132 : memref<!tpu.dma_semaphore, #tpu.memory_space<semaphore_mem>>) src(%dma_wait3A_156 : memref<1024xi32, #tpu.memory_space<hbm>>) dst(%dma_wait3A_153 : memref<1024xi32, #tpu.memory_space<vmem>>)
      tpu.yield
    }) : () -> ()
    %run_scoped3A_69 = arith.constant 15 : i32
    %run_scoped3A_70 = arith.constant 15 : i32
    "tpu.region"() ({
      %run_scoped3A_132 = tpu.sem_alloc : memref<!tpu.dma_semaphore, #tpu.memory_space<semaphore_mem>>
      %dma_start3A_133 = arith.constant 0 : i32
      %dma_start3A_134 = tpu.memref_slice %arg6[%run_scoped3A_70, %dma_start3A_133] : memref<25x1024xi32, #tpu.memory_space<vmem>> -> memref<1x1024xi32, #tpu.memory_space<vmem>>
      %dma_start3A_135 = tpu.memref_squeeze %dma_start3A_134 : memref<1x1024xi32, #tpu.memory_space<vmem>> -> memref<1024xi32, #tpu.memory_space<vmem>>
      %dma_start3A_136 = arith.constant 0 : i32
      %dma_start3A_137 = tpu.memref_slice %arg2[%run_scoped3A_69, %add3A, %dma_start3A_136] : memref<25x32x1024xi32, #tpu.memory_space<hbm>> -> memref<1x1x1024xi32, #tpu.memory_space<hbm>>
      %dma_start3A_138 = tpu.memref_squeeze %dma_start3A_137 : memref<1x1x1024xi32, #tpu.memory_space<hbm>> -> memref<1024xi32, #tpu.memory_space<hbm>>
      %dma_start3A_139 = arith.constant 0 : i32
      %dma_start3A_140 = tpu.memref_slice %arg6[%run_scoped3A_70, %dma_start3A_139] : memref<25x1024xi32, #tpu.memory_space<vmem>> -> memref<1x1024xi32, #tpu.memory_space<vmem>>
      %dma_start3A_141 = tpu.memref_squeeze %dma_start3A_140 : memref<1x1024xi32, #tpu.memory_space<vmem>> -> memref<1024xi32, #tpu.memory_space<vmem>>
      %dma_start3A_142 = arith.constant 0 : i32
      %dma_start3A_143 = tpu.memref_slice %arg2[%run_scoped3A_69, %add3A, %dma_start3A_142] : memref<25x32x1024xi32, #tpu.memory_space<hbm>> -> memref<1x1x1024xi32, #tpu.memory_space<hbm>>
      %dma_start3A_144 = tpu.memref_squeeze %dma_start3A_143 : memref<1x1x1024xi32, #tpu.memory_space<hbm>> -> memref<1024xi32, #tpu.memory_space<hbm>>
      tpu.enqueue_dma source(%dma_start3A_144 : memref<1024xi32, #tpu.memory_space<hbm>>) target(%dma_start3A_141 : memref<1024xi32, #tpu.memory_space<vmem>>) target_semaphore(%run_scoped3A_132 : memref<!tpu.dma_semaphore, #tpu.memory_space<semaphore_mem>>)
      %dma_wait3A_145 = arith.constant 0 : i32
      %dma_wait3A_146 = tpu.memref_slice %arg6[%run_scoped3A_70, %dma_wait3A_145] : memref<25x1024xi32, #tpu.memory_space<vmem>> -> memref<1x1024xi32, #tpu.memory_space<vmem>>
      %dma_wait3A_147 = tpu.memref_squeeze %dma_wait3A_146 : memref<1x1024xi32, #tpu.memory_space<vmem>> -> memref<1024xi32, #tpu.memory_space<vmem>>
      %dma_wait3A_148 = arith.constant 0 : i32
      %dma_wait3A_149 = tpu.memref_slice %arg2[%run_scoped3A_69, %add3A, %dma_wait3A_148] : memref<25x32x1024xi32, #tpu.memory_space<hbm>> -> memref<1x1x1024xi32, #tpu.memory_space<hbm>>
      %dma_wait3A_150 = tpu.memref_squeeze %dma_wait3A_149 : memref<1x1x1024xi32, #tpu.memory_space<hbm>> -> memref<1024xi32, #tpu.memory_space<hbm>>
      %dma_wait3A_151 = arith.constant 0 : i32
      %dma_wait3A_152 = tpu.memref_slice %arg6[%run_scoped3A_70, %dma_wait3A_151] : memref<25x1024xi32, #tpu.memory_space<vmem>> -> memref<1x1024xi32, #tpu.memory_space<vmem>>
      %dma_wait3A_153 = tpu.memref_squeeze %dma_wait3A_152 : memref<1x1024xi32, #tpu.memory_space<vmem>> -> memref<1024xi32, #tpu.memory_space<vmem>>
      %dma_wait3A_154 = arith.constant 0 : i32
      %dma_wait3A_155 = tpu.memref_slice %arg2[%run_scoped3A_69, %add3A, %dma_wait3A_154] : memref<25x32x1024xi32, #tpu.memory_space<hbm>> -> memref<1x1x1024xi32, #tpu.memory_space<hbm>>
      %dma_wait3A_156 = tpu.memref_squeeze %dma_wait3A_155 : memref<1x1x1024xi32, #tpu.memory_space<hbm>> -> memref<1024xi32, #tpu.memory_space<hbm>>
      tpu.wait_dma2 semaphore(%run_scoped3A_132 : memref<!tpu.dma_semaphore, #tpu.memory_space<semaphore_mem>>) src(%dma_wait3A_156 : memref<1024xi32, #tpu.memory_space<hbm>>) dst(%dma_wait3A_153 : memref<1024xi32, #tpu.memory_space<vmem>>)
      tpu.yield
    }) : () -> ()
    %run_scoped3A_71 = arith.constant 16 : i32
    %run_scoped3A_72 = arith.constant 16 : i32
    "tpu.region"() ({
      %run_scoped3A_132 = tpu.sem_alloc : memref<!tpu.dma_semaphore, #tpu.memory_space<semaphore_mem>>
      %dma_start3A_133 = arith.constant 0 : i32
      %dma_start3A_134 = tpu.memref_slice %arg6[%run_scoped3A_72, %dma_start3A_133] : memref<25x1024xi32, #tpu.memory_space<vmem>> -> memref<1x1024xi32, #tpu.memory_space<vmem>>
      %dma_start3A_135 = tpu.memref_squeeze %dma_start3A_134 : memref<1x1024xi32, #tpu.memory_space<vmem>> -> memref<1024xi32, #tpu.memory_space<vmem>>
      %dma_start3A_136 = arith.constant 0 : i32
      %dma_start3A_137 = tpu.memref_slice %arg2[%run_scoped3A_71, %add3A, %dma_start3A_136] : memref<25x32x1024xi32, #tpu.memory_space<hbm>> -> memref<1x1x1024xi32, #tpu.memory_space<hbm>>
      %dma_start3A_138 = tpu.memref_squeeze %dma_start3A_137 : memref<1x1x1024xi32, #tpu.memory_space<hbm>> -> memref<1024xi32, #tpu.memory_space<hbm>>
      %dma_start3A_139 = arith.constant 0 : i32
      %dma_start3A_140 = tpu.memref_slice %arg6[%run_scoped3A_72, %dma_start3A_139] : memref<25x1024xi32, #tpu.memory_space<vmem>> -> memref<1x1024xi32, #tpu.memory_space<vmem>>
      %dma_start3A_141 = tpu.memref_squeeze %dma_start3A_140 : memref<1x1024xi32, #tpu.memory_space<vmem>> -> memref<1024xi32, #tpu.memory_space<vmem>>
      %dma_start3A_142 = arith.constant 0 : i32
      %dma_start3A_143 = tpu.memref_slice %arg2[%run_scoped3A_71, %add3A, %dma_start3A_142] : memref<25x32x1024xi32, #tpu.memory_space<hbm>> -> memref<1x1x1024xi32, #tpu.memory_space<hbm>>
      %dma_start3A_144 = tpu.memref_squeeze %dma_start3A_143 : memref<1x1x1024xi32, #tpu.memory_space<hbm>> -> memref<1024xi32, #tpu.memory_space<hbm>>
      tpu.enqueue_dma source(%dma_start3A_144 : memref<1024xi32, #tpu.memory_space<hbm>>) target(%dma_start3A_141 : memref<1024xi32, #tpu.memory_space<vmem>>) target_semaphore(%run_scoped3A_132 : memref<!tpu.dma_semaphore, #tpu.memory_space<semaphore_mem>>)
      %dma_wait3A_145 = arith.constant 0 : i32
      %dma_wait3A_146 = tpu.memref_slice %arg6[%run_scoped3A_72, %dma_wait3A_145] : memref<25x1024xi32, #tpu.memory_space<vmem>> -> memref<1x1024xi32, #tpu.memory_space<vmem>>
      %dma_wait3A_147 = tpu.memref_squeeze %dma_wait3A_146 : memref<1x1024xi32, #tpu.memory_space<vmem>> -> memref<1024xi32, #tpu.memory_space<vmem>>
      %dma_wait3A_148 = arith.constant 0 : i32
      %dma_wait3A_149 = tpu.memref_slice %arg2[%run_scoped3A_71, %add3A, %dma_wait3A_148] : memref<25x32x1024xi32, #tpu.memory_space<hbm>> -> memref<1x1x1024xi32, #tpu.memory_space<hbm>>
      %dma_wait3A_150 = tpu.memref_squeeze %dma_wait3A_149 : memref<1x1x1024xi32, #tpu.memory_space<hbm>> -> memref<1024xi32, #tpu.memory_space<hbm>>
      %dma_wait3A_151 = arith.constant 0 : i32
      %dma_wait3A_152 = tpu.memref_slice %arg6[%run_scoped3A_72, %dma_wait3A_151] : memref<25x1024xi32, #tpu.memory_space<vmem>> -> memref<1x1024xi32, #tpu.memory_space<vmem>>
      %dma_wait3A_153 = tpu.memref_squeeze %dma_wait3A_152 : memref<1x1024xi32, #tpu.memory_space<vmem>> -> memref<1024xi32, #tpu.memory_space<vmem>>
      %dma_wait3A_154 = arith.constant 0 : i32
      %dma_wait3A_155 = tpu.memref_slice %arg2[%run_scoped3A_71, %add3A, %dma_wait3A_154] : memref<25x32x1024xi32, #tpu.memory_space<hbm>> -> memref<1x1x1024xi32, #tpu.memory_space<hbm>>
      %dma_wait3A_156 = tpu.memref_squeeze %dma_wait3A_155 : memref<1x1x1024xi32, #tpu.memory_space<hbm>> -> memref<1024xi32, #tpu.memory_space<hbm>>
      tpu.wait_dma2 semaphore(%run_scoped3A_132 : memref<!tpu.dma_semaphore, #tpu.memory_space<semaphore_mem>>) src(%dma_wait3A_156 : memref<1024xi32, #tpu.memory_space<hbm>>) dst(%dma_wait3A_153 : memref<1024xi32, #tpu.memory_space<vmem>>)
      tpu.yield
    }) : () -> ()
    %run_scoped3A_73 = arith.constant 17 : i32
    %run_scoped3A_74 = arith.constant 17 : i32
    "tpu.region"() ({
      %run_scoped3A_132 = tpu.sem_alloc : memref<!tpu.dma_semaphore, #tpu.memory_space<semaphore_mem>>
      %dma_start3A_133 = arith.constant 0 : i32
      %dma_start3A_134 = tpu.memref_slice %arg6[%run_scoped3A_74, %dma_start3A_133] : memref<25x1024xi32, #tpu.memory_space<vmem>> -> memref<1x1024xi32, #tpu.memory_space<vmem>>
      %dma_start3A_135 = tpu.memref_squeeze %dma_start3A_134 : memref<1x1024xi32, #tpu.memory_space<vmem>> -> memref<1024xi32, #tpu.memory_space<vmem>>
      %dma_start3A_136 = arith.constant 0 : i32
      %dma_start3A_137 = tpu.memref_slice %arg2[%run_scoped3A_73, %add3A, %dma_start3A_136] : memref<25x32x1024xi32, #tpu.memory_space<hbm>> -> memref<1x1x1024xi32, #tpu.memory_space<hbm>>
      %dma_start3A_138 = tpu.memref_squeeze %dma_start3A_137 : memref<1x1x1024xi32, #tpu.memory_space<hbm>> -> memref<1024xi32, #tpu.memory_space<hbm>>
      %dma_start3A_139 = arith.constant 0 : i32
      %dma_start3A_140 = tpu.memref_slice %arg6[%run_scoped3A_74, %dma_start3A_139] : memref<25x1024xi32, #tpu.memory_space<vmem>> -> memref<1x1024xi32, #tpu.memory_space<vmem>>
      %dma_start3A_141 = tpu.memref_squeeze %dma_start3A_140 : memref<1x1024xi32, #tpu.memory_space<vmem>> -> memref<1024xi32, #tpu.memory_space<vmem>>
      %dma_start3A_142 = arith.constant 0 : i32
      %dma_start3A_143 = tpu.memref_slice %arg2[%run_scoped3A_73, %add3A, %dma_start3A_142] : memref<25x32x1024xi32, #tpu.memory_space<hbm>> -> memref<1x1x1024xi32, #tpu.memory_space<hbm>>
      %dma_start3A_144 = tpu.memref_squeeze %dma_start3A_143 : memref<1x1x1024xi32, #tpu.memory_space<hbm>> -> memref<1024xi32, #tpu.memory_space<hbm>>
      tpu.enqueue_dma source(%dma_start3A_144 : memref<1024xi32, #tpu.memory_space<hbm>>) target(%dma_start3A_141 : memref<1024xi32, #tpu.memory_space<vmem>>) target_semaphore(%run_scoped3A_132 : memref<!tpu.dma_semaphore, #tpu.memory_space<semaphore_mem>>)
      %dma_wait3A_145 = arith.constant 0 : i32
      %dma_wait3A_146 = tpu.memref_slice %arg6[%run_scoped3A_74, %dma_wait3A_145] : memref<25x1024xi32, #tpu.memory_space<vmem>> -> memref<1x1024xi32, #tpu.memory_space<vmem>>
      %dma_wait3A_147 = tpu.memref_squeeze %dma_wait3A_146 : memref<1x1024xi32, #tpu.memory_space<vmem>> -> memref<1024xi32, #tpu.memory_space<vmem>>
      %dma_wait3A_148 = arith.constant 0 : i32
      %dma_wait3A_149 = tpu.memref_slice %arg2[%run_scoped3A_73, %add3A, %dma_wait3A_148] : memref<25x32x1024xi32, #tpu.memory_space<hbm>> -> memref<1x1x1024xi32, #tpu.memory_space<hbm>>
      %dma_wait3A_150 = tpu.memref_squeeze %dma_wait3A_149 : memref<1x1x1024xi32, #tpu.memory_space<hbm>> -> memref<1024xi32, #tpu.memory_space<hbm>>
      %dma_wait3A_151 = arith.constant 0 : i32
      %dma_wait3A_152 = tpu.memref_slice %arg6[%run_scoped3A_74, %dma_wait3A_151] : memref<25x1024xi32, #tpu.memory_space<vmem>> -> memref<1x1024xi32, #tpu.memory_space<vmem>>
      %dma_wait3A_153 = tpu.memref_squeeze %dma_wait3A_152 : memref<1x1024xi32, #tpu.memory_space<vmem>> -> memref<1024xi32, #tpu.memory_space<vmem>>
      %dma_wait3A_154 = arith.constant 0 : i32
      %dma_wait3A_155 = tpu.memref_slice %arg2[%run_scoped3A_73, %add3A, %dma_wait3A_154] : memref<25x32x1024xi32, #tpu.memory_space<hbm>> -> memref<1x1x1024xi32, #tpu.memory_space<hbm>>
      %dma_wait3A_156 = tpu.memref_squeeze %dma_wait3A_155 : memref<1x1x1024xi32, #tpu.memory_space<hbm>> -> memref<1024xi32, #tpu.memory_space<hbm>>
      tpu.wait_dma2 semaphore(%run_scoped3A_132 : memref<!tpu.dma_semaphore, #tpu.memory_space<semaphore_mem>>) src(%dma_wait3A_156 : memref<1024xi32, #tpu.memory_space<hbm>>) dst(%dma_wait3A_153 : memref<1024xi32, #tpu.memory_space<vmem>>)
      tpu.yield
    }) : () -> ()
    %run_scoped3A_75 = arith.constant 18 : i32
    %run_scoped3A_76 = arith.constant 18 : i32
    "tpu.region"() ({
      %run_scoped3A_132 = tpu.sem_alloc : memref<!tpu.dma_semaphore, #tpu.memory_space<semaphore_mem>>
      %dma_start3A_133 = arith.constant 0 : i32
      %dma_start3A_134 = tpu.memref_slice %arg6[%run_scoped3A_76, %dma_start3A_133] : memref<25x1024xi32, #tpu.memory_space<vmem>> -> memref<1x1024xi32, #tpu.memory_space<vmem>>
      %dma_start3A_135 = tpu.memref_squeeze %dma_start3A_134 : memref<1x1024xi32, #tpu.memory_space<vmem>> -> memref<1024xi32, #tpu.memory_space<vmem>>
      %dma_start3A_136 = arith.constant 0 : i32
      %dma_start3A_137 = tpu.memref_slice %arg2[%run_scoped3A_75, %add3A, %dma_start3A_136] : memref<25x32x1024xi32, #tpu.memory_space<hbm>> -> memref<1x1x1024xi32, #tpu.memory_space<hbm>>
      %dma_start3A_138 = tpu.memref_squeeze %dma_start3A_137 : memref<1x1x1024xi32, #tpu.memory_space<hbm>> -> memref<1024xi32, #tpu.memory_space<hbm>>
      %dma_start3A_139 = arith.constant 0 : i32
      %dma_start3A_140 = tpu.memref_slice %arg6[%run_scoped3A_76, %dma_start3A_139] : memref<25x1024xi32, #tpu.memory_space<vmem>> -> memref<1x1024xi32, #tpu.memory_space<vmem>>
      %dma_start3A_141 = tpu.memref_squeeze %dma_start3A_140 : memref<1x1024xi32, #tpu.memory_space<vmem>> -> memref<1024xi32, #tpu.memory_space<vmem>>
      %dma_start3A_142 = arith.constant 0 : i32
      %dma_start3A_143 = tpu.memref_slice %arg2[%run_scoped3A_75, %add3A, %dma_start3A_142] : memref<25x32x1024xi32, #tpu.memory_space<hbm>> -> memref<1x1x1024xi32, #tpu.memory_space<hbm>>
      %dma_start3A_144 = tpu.memref_squeeze %dma_start3A_143 : memref<1x1x1024xi32, #tpu.memory_space<hbm>> -> memref<1024xi32, #tpu.memory_space<hbm>>
      tpu.enqueue_dma source(%dma_start3A_144 : memref<1024xi32, #tpu.memory_space<hbm>>) target(%dma_start3A_141 : memref<1024xi32, #tpu.memory_space<vmem>>) target_semaphore(%run_scoped3A_132 : memref<!tpu.dma_semaphore, #tpu.memory_space<semaphore_mem>>)
      %dma_wait3A_145 = arith.constant 0 : i32
      %dma_wait3A_146 = tpu.memref_slice %arg6[%run_scoped3A_76, %dma_wait3A_145] : memref<25x1024xi32, #tpu.memory_space<vmem>> -> memref<1x1024xi32, #tpu.memory_space<vmem>>
      %dma_wait3A_147 = tpu.memref_squeeze %dma_wait3A_146 : memref<1x1024xi32, #tpu.memory_space<vmem>> -> memref<1024xi32, #tpu.memory_space<vmem>>
      %dma_wait3A_148 = arith.constant 0 : i32
      %dma_wait3A_149 = tpu.memref_slice %arg2[%run_scoped3A_75, %add3A, %dma_wait3A_148] : memref<25x32x1024xi32, #tpu.memory_space<hbm>> -> memref<1x1x1024xi32, #tpu.memory_space<hbm>>
      %dma_wait3A_150 = tpu.memref_squeeze %dma_wait3A_149 : memref<1x1x1024xi32, #tpu.memory_space<hbm>> -> memref<1024xi32, #tpu.memory_space<hbm>>
      %dma_wait3A_151 = arith.constant 0 : i32
      %dma_wait3A_152 = tpu.memref_slice %arg6[%run_scoped3A_76, %dma_wait3A_151] : memref<25x1024xi32, #tpu.memory_space<vmem>> -> memref<1x1024xi32, #tpu.memory_space<vmem>>
      %dma_wait3A_153 = tpu.memref_squeeze %dma_wait3A_152 : memref<1x1024xi32, #tpu.memory_space<vmem>> -> memref<1024xi32, #tpu.memory_space<vmem>>
      %dma_wait3A_154 = arith.constant 0 : i32
      %dma_wait3A_155 = tpu.memref_slice %arg2[%run_scoped3A_75, %add3A, %dma_wait3A_154] : memref<25x32x1024xi32, #tpu.memory_space<hbm>> -> memref<1x1x1024xi32, #tpu.memory_space<hbm>>
      %dma_wait3A_156 = tpu.memref_squeeze %dma_wait3A_155 : memref<1x1x1024xi32, #tpu.memory_space<hbm>> -> memref<1024xi32, #tpu.memory_space<hbm>>
      tpu.wait_dma2 semaphore(%run_scoped3A_132 : memref<!tpu.dma_semaphore, #tpu.memory_space<semaphore_mem>>) src(%dma_wait3A_156 : memref<1024xi32, #tpu.memory_space<hbm>>) dst(%dma_wait3A_153 : memref<1024xi32, #tpu.memory_space<vmem>>)
      tpu.yield
    }) : () -> ()
    %run_scoped3A_77 = arith.constant 19 : i32
    %run_scoped3A_78 = arith.constant 19 : i32
    "tpu.region"() ({
      %run_scoped3A_132 = tpu.sem_alloc : memref<!tpu.dma_semaphore, #tpu.memory_space<semaphore_mem>>
      %dma_start3A_133 = arith.constant 0 : i32
      %dma_start3A_134 = tpu.memref_slice %arg6[%run_scoped3A_78, %dma_start3A_133] : memref<25x1024xi32, #tpu.memory_space<vmem>> -> memref<1x1024xi32, #tpu.memory_space<vmem>>
      %dma_start3A_135 = tpu.memref_squeeze %dma_start3A_134 : memref<1x1024xi32, #tpu.memory_space<vmem>> -> memref<1024xi32, #tpu.memory_space<vmem>>
      %dma_start3A_136 = arith.constant 0 : i32
      %dma_start3A_137 = tpu.memref_slice %arg2[%run_scoped3A_77, %add3A, %dma_start3A_136] : memref<25x32x1024xi32, #tpu.memory_space<hbm>> -> memref<1x1x1024xi32, #tpu.memory_space<hbm>>
      %dma_start3A_138 = tpu.memref_squeeze %dma_start3A_137 : memref<1x1x1024xi32, #tpu.memory_space<hbm>> -> memref<1024xi32, #tpu.memory_space<hbm>>
      %dma_start3A_139 = arith.constant 0 : i32
      %dma_start3A_140 = tpu.memref_slice %arg6[%run_scoped3A_78, %dma_start3A_139] : memref<25x1024xi32, #tpu.memory_space<vmem>> -> memref<1x1024xi32, #tpu.memory_space<vmem>>
      %dma_start3A_141 = tpu.memref_squeeze %dma_start3A_140 : memref<1x1024xi32, #tpu.memory_space<vmem>> -> memref<1024xi32, #tpu.memory_space<vmem>>
      %dma_start3A_142 = arith.constant 0 : i32
      %dma_start3A_143 = tpu.memref_slice %arg2[%run_scoped3A_77, %add3A, %dma_start3A_142] : memref<25x32x1024xi32, #tpu.memory_space<hbm>> -> memref<1x1x1024xi32, #tpu.memory_space<hbm>>
      %dma_start3A_144 = tpu.memref_squeeze %dma_start3A_143 : memref<1x1x1024xi32, #tpu.memory_space<hbm>> -> memref<1024xi32, #tpu.memory_space<hbm>>
      tpu.enqueue_dma source(%dma_start3A_144 : memref<1024xi32, #tpu.memory_space<hbm>>) target(%dma_start3A_141 : memref<1024xi32, #tpu.memory_space<vmem>>) target_semaphore(%run_scoped3A_132 : memref<!tpu.dma_semaphore, #tpu.memory_space<semaphore_mem>>)
      %dma_wait3A_145 = arith.constant 0 : i32
      %dma_wait3A_146 = tpu.memref_slice %arg6[%run_scoped3A_78, %dma_wait3A_145] : memref<25x1024xi32, #tpu.memory_space<vmem>> -> memref<1x1024xi32, #tpu.memory_space<vmem>>
      %dma_wait3A_147 = tpu.memref_squeeze %dma_wait3A_146 : memref<1x1024xi32, #tpu.memory_space<vmem>> -> memref<1024xi32, #tpu.memory_space<vmem>>
      %dma_wait3A_148 = arith.constant 0 : i32
      %dma_wait3A_149 = tpu.memref_slice %arg2[%run_scoped3A_77, %add3A, %dma_wait3A_148] : memref<25x32x1024xi32, #tpu.memory_space<hbm>> -> memref<1x1x1024xi32, #tpu.memory_space<hbm>>
      %dma_wait3A_150 = tpu.memref_squeeze %dma_wait3A_149 : memref<1x1x1024xi32, #tpu.memory_space<hbm>> -> memref<1024xi32, #tpu.memory_space<hbm>>
      %dma_wait3A_151 = arith.constant 0 : i32
      %dma_wait3A_152 = tpu.memref_slice %arg6[%run_scoped3A_78, %dma_wait3A_151] : memref<25x1024xi32, #tpu.memory_space<vmem>> -> memref<1x1024xi32, #tpu.memory_space<vmem>>
      %dma_wait3A_153 = tpu.memref_squeeze %dma_wait3A_152 : memref<1x1024xi32, #tpu.memory_space<vmem>> -> memref<1024xi32, #tpu.memory_space<vmem>>
      %dma_wait3A_154 = arith.constant 0 : i32
      %dma_wait3A_155 = tpu.memref_slice %arg2[%run_scoped3A_77, %add3A, %dma_wait3A_154] : memref<25x32x1024xi32, #tpu.memory_space<hbm>> -> memref<1x1x1024xi32, #tpu.memory_space<hbm>>
      %dma_wait3A_156 = tpu.memref_squeeze %dma_wait3A_155 : memref<1x1x1024xi32, #tpu.memory_space<hbm>> -> memref<1024xi32, #tpu.memory_space<hbm>>
      tpu.wait_dma2 semaphore(%run_scoped3A_132 : memref<!tpu.dma_semaphore, #tpu.memory_space<semaphore_mem>>) src(%dma_wait3A_156 : memref<1024xi32, #tpu.memory_space<hbm>>) dst(%dma_wait3A_153 : memref<1024xi32, #tpu.memory_space<vmem>>)
      tpu.yield
    }) : () -> ()
    %run_scoped3A_79 = arith.constant 20 : i32
    %run_scoped3A_80 = arith.constant 20 : i32
    "tpu.region"() ({
      %run_scoped3A_132 = tpu.sem_alloc : memref<!tpu.dma_semaphore, #tpu.memory_space<semaphore_mem>>
      %dma_start3A_133 = arith.constant 0 : i32
      %dma_start3A_134 = tpu.memref_slice %arg6[%run_scoped3A_80, %dma_start3A_133] : memref<25x1024xi32, #tpu.memory_space<vmem>> -> memref<1x1024xi32, #tpu.memory_space<vmem>>
      %dma_start3A_135 = tpu.memref_squeeze %dma_start3A_134 : memref<1x1024xi32, #tpu.memory_space<vmem>> -> memref<1024xi32, #tpu.memory_space<vmem>>
      %dma_start3A_136 = arith.constant 0 : i32
      %dma_start3A_137 = tpu.memref_slice %arg2[%run_scoped3A_79, %add3A, %dma_start3A_136] : memref<25x32x1024xi32, #tpu.memory_space<hbm>> -> memref<1x1x1024xi32, #tpu.memory_space<hbm>>
      %dma_start3A_138 = tpu.memref_squeeze %dma_start3A_137 : memref<1x1x1024xi32, #tpu.memory_space<hbm>> -> memref<1024xi32, #tpu.memory_space<hbm>>
      %dma_start3A_139 = arith.constant 0 : i32
      %dma_start3A_140 = tpu.memref_slice %arg6[%run_scoped3A_80, %dma_start3A_139] : memref<25x1024xi32, #tpu.memory_space<vmem>> -> memref<1x1024xi32, #tpu.memory_space<vmem>>
      %dma_start3A_141 = tpu.memref_squeeze %dma_start3A_140 : memref<1x1024xi32, #tpu.memory_space<vmem>> -> memref<1024xi32, #tpu.memory_space<vmem>>
      %dma_start3A_142 = arith.constant 0 : i32
      %dma_start3A_143 = tpu.memref_slice %arg2[%run_scoped3A_79, %add3A, %dma_start3A_142] : memref<25x32x1024xi32, #tpu.memory_space<hbm>> -> memref<1x1x1024xi32, #tpu.memory_space<hbm>>
      %dma_start3A_144 = tpu.memref_squeeze %dma_start3A_143 : memref<1x1x1024xi32, #tpu.memory_space<hbm>> -> memref<1024xi32, #tpu.memory_space<hbm>>
      tpu.enqueue_dma source(%dma_start3A_144 : memref<1024xi32, #tpu.memory_space<hbm>>) target(%dma_start3A_141 : memref<1024xi32, #tpu.memory_space<vmem>>) target_semaphore(%run_scoped3A_132 : memref<!tpu.dma_semaphore, #tpu.memory_space<semaphore_mem>>)
      %dma_wait3A_145 = arith.constant 0 : i32
      %dma_wait3A_146 = tpu.memref_slice %arg6[%run_scoped3A_80, %dma_wait3A_145] : memref<25x1024xi32, #tpu.memory_space<vmem>> -> memref<1x1024xi32, #tpu.memory_space<vmem>>
      %dma_wait3A_147 = tpu.memref_squeeze %dma_wait3A_146 : memref<1x1024xi32, #tpu.memory_space<vmem>> -> memref<1024xi32, #tpu.memory_space<vmem>>
      %dma_wait3A_148 = arith.constant 0 : i32
      %dma_wait3A_149 = tpu.memref_slice %arg2[%run_scoped3A_79, %add3A, %dma_wait3A_148] : memref<25x32x1024xi32, #tpu.memory_space<hbm>> -> memref<1x1x1024xi32, #tpu.memory_space<hbm>>
      %dma_wait3A_150 = tpu.memref_squeeze %dma_wait3A_149 : memref<1x1x1024xi32, #tpu.memory_space<hbm>> -> memref<1024xi32, #tpu.memory_space<hbm>>
      %dma_wait3A_151 = arith.constant 0 : i32
      %dma_wait3A_152 = tpu.memref_slice %arg6[%run_scoped3A_80, %dma_wait3A_151] : memref<25x1024xi32, #tpu.memory_space<vmem>> -> memref<1x1024xi32, #tpu.memory_space<vmem>>
      %dma_wait3A_153 = tpu.memref_squeeze %dma_wait3A_152 : memref<1x1024xi32, #tpu.memory_space<vmem>> -> memref<1024xi32, #tpu.memory_space<vmem>>
      %dma_wait3A_154 = arith.constant 0 : i32
      %dma_wait3A_155 = tpu.memref_slice %arg2[%run_scoped3A_79, %add3A, %dma_wait3A_154] : memref<25x32x1024xi32, #tpu.memory_space<hbm>> -> memref<1x1x1024xi32, #tpu.memory_space<hbm>>
      %dma_wait3A_156 = tpu.memref_squeeze %dma_wait3A_155 : memref<1x1x1024xi32, #tpu.memory_space<hbm>> -> memref<1024xi32, #tpu.memory_space<hbm>>
      tpu.wait_dma2 semaphore(%run_scoped3A_132 : memref<!tpu.dma_semaphore, #tpu.memory_space<semaphore_mem>>) src(%dma_wait3A_156 : memref<1024xi32, #tpu.memory_space<hbm>>) dst(%dma_wait3A_153 : memref<1024xi32, #tpu.memory_space<vmem>>)
      tpu.yield
    }) : () -> ()
    %run_scoped3A_81 = arith.constant 21 : i32
    %run_scoped3A_82 = arith.constant 21 : i32
    "tpu.region"() ({
      %run_scoped3A_132 = tpu.sem_alloc : memref<!tpu.dma_semaphore, #tpu.memory_space<semaphore_mem>>
      %dma_start3A_133 = arith.constant 0 : i32
      %dma_start3A_134 = tpu.memref_slice %arg6[%run_scoped3A_82, %dma_start3A_133] : memref<25x1024xi32, #tpu.memory_space<vmem>> -> memref<1x1024xi32, #tpu.memory_space<vmem>>
      %dma_start3A_135 = tpu.memref_squeeze %dma_start3A_134 : memref<1x1024xi32, #tpu.memory_space<vmem>> -> memref<1024xi32, #tpu.memory_space<vmem>>
      %dma_start3A_136 = arith.constant 0 : i32
      %dma_start3A_137 = tpu.memref_slice %arg2[%run_scoped3A_81, %add3A, %dma_start3A_136] : memref<25x32x1024xi32, #tpu.memory_space<hbm>> -> memref<1x1x1024xi32, #tpu.memory_space<hbm>>
      %dma_start3A_138 = tpu.memref_squeeze %dma_start3A_137 : memref<1x1x1024xi32, #tpu.memory_space<hbm>> -> memref<1024xi32, #tpu.memory_space<hbm>>
      %dma_start3A_139 = arith.constant 0 : i32
      %dma_start3A_140 = tpu.memref_slice %arg6[%run_scoped3A_82, %dma_start3A_139] : memref<25x1024xi32, #tpu.memory_space<vmem>> -> memref<1x1024xi32, #tpu.memory_space<vmem>>
      %dma_start3A_141 = tpu.memref_squeeze %dma_start3A_140 : memref<1x1024xi32, #tpu.memory_space<vmem>> -> memref<1024xi32, #tpu.memory_space<vmem>>
      %dma_start3A_142 = arith.constant 0 : i32
      %dma_start3A_143 = tpu.memref_slice %arg2[%run_scoped3A_81, %add3A, %dma_start3A_142] : memref<25x32x1024xi32, #tpu.memory_space<hbm>> -> memref<1x1x1024xi32, #tpu.memory_space<hbm>>
      %dma_start3A_144 = tpu.memref_squeeze %dma_start3A_143 : memref<1x1x1024xi32, #tpu.memory_space<hbm>> -> memref<1024xi32, #tpu.memory_space<hbm>>
      tpu.enqueue_dma source(%dma_start3A_144 : memref<1024xi32, #tpu.memory_space<hbm>>) target(%dma_start3A_141 : memref<1024xi32, #tpu.memory_space<vmem>>) target_semaphore(%run_scoped3A_132 : memref<!tpu.dma_semaphore, #tpu.memory_space<semaphore_mem>>)
      %dma_wait3A_145 = arith.constant 0 : i32
      %dma_wait3A_146 = tpu.memref_slice %arg6[%run_scoped3A_82, %dma_wait3A_145] : memref<25x1024xi32, #tpu.memory_space<vmem>> -> memref<1x1024xi32, #tpu.memory_space<vmem>>
      %dma_wait3A_147 = tpu.memref_squeeze %dma_wait3A_146 : memref<1x1024xi32, #tpu.memory_space<vmem>> -> memref<1024xi32, #tpu.memory_space<vmem>>
      %dma_wait3A_148 = arith.constant 0 : i32
      %dma_wait3A_149 = tpu.memref_slice %arg2[%run_scoped3A_81, %add3A, %dma_wait3A_148] : memref<25x32x1024xi32, #tpu.memory_space<hbm>> -> memref<1x1x1024xi32, #tpu.memory_space<hbm>>
      %dma_wait3A_150 = tpu.memref_squeeze %dma_wait3A_149 : memref<1x1x1024xi32, #tpu.memory_space<hbm>> -> memref<1024xi32, #tpu.memory_space<hbm>>
      %dma_wait3A_151 = arith.constant 0 : i32
      %dma_wait3A_152 = tpu.memref_slice %arg6[%run_scoped3A_82, %dma_wait3A_151] : memref<25x1024xi32, #tpu.memory_space<vmem>> -> memref<1x1024xi32, #tpu.memory_space<vmem>>
      %dma_wait3A_153 = tpu.memref_squeeze %dma_wait3A_152 : memref<1x1024xi32, #tpu.memory_space<vmem>> -> memref<1024xi32, #tpu.memory_space<vmem>>
      %dma_wait3A_154 = arith.constant 0 : i32
      %dma_wait3A_155 = tpu.memref_slice %arg2[%run_scoped3A_81, %add3A, %dma_wait3A_154] : memref<25x32x1024xi32, #tpu.memory_space<hbm>> -> memref<1x1x1024xi32, #tpu.memory_space<hbm>>
      %dma_wait3A_156 = tpu.memref_squeeze %dma_wait3A_155 : memref<1x1x1024xi32, #tpu.memory_space<hbm>> -> memref<1024xi32, #tpu.memory_space<hbm>>
      tpu.wait_dma2 semaphore(%run_scoped3A_132 : memref<!tpu.dma_semaphore, #tpu.memory_space<semaphore_mem>>) src(%dma_wait3A_156 : memref<1024xi32, #tpu.memory_space<hbm>>) dst(%dma_wait3A_153 : memref<1024xi32, #tpu.memory_space<vmem>>)
      tpu.yield
    }) : () -> ()
    %run_scoped3A_83 = arith.constant 22 : i32
    %run_scoped3A_84 = arith.constant 22 : i32
    "tpu.region"() ({
      %run_scoped3A_132 = tpu.sem_alloc : memref<!tpu.dma_semaphore, #tpu.memory_space<semaphore_mem>>
      %dma_start3A_133 = arith.constant 0 : i32
      %dma_start3A_134 = tpu.memref_slice %arg6[%run_scoped3A_84, %dma_start3A_133] : memref<25x1024xi32, #tpu.memory_space<vmem>> -> memref<1x1024xi32, #tpu.memory_space<vmem>>
      %dma_start3A_135 = tpu.memref_squeeze %dma_start3A_134 : memref<1x1024xi32, #tpu.memory_space<vmem>> -> memref<1024xi32, #tpu.memory_space<vmem>>
      %dma_start3A_136 = arith.constant 0 : i32
      %dma_start3A_137 = tpu.memref_slice %arg2[%run_scoped3A_83, %add3A, %dma_start3A_136] : memref<25x32x1024xi32, #tpu.memory_space<hbm>> -> memref<1x1x1024xi32, #tpu.memory_space<hbm>>
      %dma_start3A_138 = tpu.memref_squeeze %dma_start3A_137 : memref<1x1x1024xi32, #tpu.memory_space<hbm>> -> memref<1024xi32, #tpu.memory_space<hbm>>
      %dma_start3A_139 = arith.constant 0 : i32
      %dma_start3A_140 = tpu.memref_slice %arg6[%run_scoped3A_84, %dma_start3A_139] : memref<25x1024xi32, #tpu.memory_space<vmem>> -> memref<1x1024xi32, #tpu.memory_space<vmem>>
      %dma_start3A_141 = tpu.memref_squeeze %dma_start3A_140 : memref<1x1024xi32, #tpu.memory_space<vmem>> -> memref<1024xi32, #tpu.memory_space<vmem>>
      %dma_start3A_142 = arith.constant 0 : i32
      %dma_start3A_143 = tpu.memref_slice %arg2[%run_scoped3A_83, %add3A, %dma_start3A_142] : memref<25x32x1024xi32, #tpu.memory_space<hbm>> -> memref<1x1x1024xi32, #tpu.memory_space<hbm>>
      %dma_start3A_144 = tpu.memref_squeeze %dma_start3A_143 : memref<1x1x1024xi32, #tpu.memory_space<hbm>> -> memref<1024xi32, #tpu.memory_space<hbm>>
      tpu.enqueue_dma source(%dma_start3A_144 : memref<1024xi32, #tpu.memory_space<hbm>>) target(%dma_start3A_141 : memref<1024xi32, #tpu.memory_space<vmem>>) target_semaphore(%run_scoped3A_132 : memref<!tpu.dma_semaphore, #tpu.memory_space<semaphore_mem>>)
      %dma_wait3A_145 = arith.constant 0 : i32
      %dma_wait3A_146 = tpu.memref_slice %arg6[%run_scoped3A_84, %dma_wait3A_145] : memref<25x1024xi32, #tpu.memory_space<vmem>> -> memref<1x1024xi32, #tpu.memory_space<vmem>>
      %dma_wait3A_147 = tpu.memref_squeeze %dma_wait3A_146 : memref<1x1024xi32, #tpu.memory_space<vmem>> -> memref<1024xi32, #tpu.memory_space<vmem>>
      %dma_wait3A_148 = arith.constant 0 : i32
      %dma_wait3A_149 = tpu.memref_slice %arg2[%run_scoped3A_83, %add3A, %dma_wait3A_148] : memref<25x32x1024xi32, #tpu.memory_space<hbm>> -> memref<1x1x1024xi32, #tpu.memory_space<hbm>>
      %dma_wait3A_150 = tpu.memref_squeeze %dma_wait3A_149 : memref<1x1x1024xi32, #tpu.memory_space<hbm>> -> memref<1024xi32, #tpu.memory_space<hbm>>
      %dma_wait3A_151 = arith.constant 0 : i32
      %dma_wait3A_152 = tpu.memref_slice %arg6[%run_scoped3A_84, %dma_wait3A_151] : memref<25x1024xi32, #tpu.memory_space<vmem>> -> memref<1x1024xi32, #tpu.memory_space<vmem>>
      %dma_wait3A_153 = tpu.memref_squeeze %dma_wait3A_152 : memref<1x1024xi32, #tpu.memory_space<vmem>> -> memref<1024xi32, #tpu.memory_space<vmem>>
      %dma_wait3A_154 = arith.constant 0 : i32
      %dma_wait3A_155 = tpu.memref_slice %arg2[%run_scoped3A_83, %add3A, %dma_wait3A_154] : memref<25x32x1024xi32, #tpu.memory_space<hbm>> -> memref<1x1x1024xi32, #tpu.memory_space<hbm>>
      %dma_wait3A_156 = tpu.memref_squeeze %dma_wait3A_155 : memref<1x1x1024xi32, #tpu.memory_space<hbm>> -> memref<1024xi32, #tpu.memory_space<hbm>>
      tpu.wait_dma2 semaphore(%run_scoped3A_132 : memref<!tpu.dma_semaphore, #tpu.memory_space<semaphore_mem>>) src(%dma_wait3A_156 : memref<1024xi32, #tpu.memory_space<hbm>>) dst(%dma_wait3A_153 : memref<1024xi32, #tpu.memory_space<vmem>>)
      tpu.yield
    }) : () -> ()
    %run_scoped3A_85 = arith.constant 23 : i32
    %run_scoped3A_86 = arith.constant 23 : i32
    "tpu.region"() ({
      %run_scoped3A_132 = tpu.sem_alloc : memref<!tpu.dma_semaphore, #tpu.memory_space<semaphore_mem>>
      %dma_start3A_133 = arith.constant 0 : i32
      %dma_start3A_134 = tpu.memref_slice %arg6[%run_scoped3A_86, %dma_start3A_133] : memref<25x1024xi32, #tpu.memory_space<vmem>> -> memref<1x1024xi32, #tpu.memory_space<vmem>>
      %dma_start3A_135 = tpu.memref_squeeze %dma_start3A_134 : memref<1x1024xi32, #tpu.memory_space<vmem>> -> memref<1024xi32, #tpu.memory_space<vmem>>
      %dma_start3A_136 = arith.constant 0 : i32
      %dma_start3A_137 = tpu.memref_slice %arg2[%run_scoped3A_85, %add3A, %dma_start3A_136] : memref<25x32x1024xi32, #tpu.memory_space<hbm>> -> memref<1x1x1024xi32, #tpu.memory_space<hbm>>
      %dma_start3A_138 = tpu.memref_squeeze %dma_start3A_137 : memref<1x1x1024xi32, #tpu.memory_space<hbm>> -> memref<1024xi32, #tpu.memory_space<hbm>>
      %dma_start3A_139 = arith.constant 0 : i32
      %dma_start3A_140 = tpu.memref_slice %arg6[%run_scoped3A_86, %dma_start3A_139] : memref<25x1024xi32, #tpu.memory_space<vmem>> -> memref<1x1024xi32, #tpu.memory_space<vmem>>
      %dma_start3A_141 = tpu.memref_squeeze %dma_start3A_140 : memref<1x1024xi32, #tpu.memory_space<vmem>> -> memref<1024xi32, #tpu.memory_space<vmem>>
      %dma_start3A_142 = arith.constant 0 : i32
      %dma_start3A_143 = tpu.memref_slice %arg2[%run_scoped3A_85, %add3A, %dma_start3A_142] : memref<25x32x1024xi32, #tpu.memory_space<hbm>> -> memref<1x1x1024xi32, #tpu.memory_space<hbm>>
      %dma_start3A_144 = tpu.memref_squeeze %dma_start3A_143 : memref<1x1x1024xi32, #tpu.memory_space<hbm>> -> memref<1024xi32, #tpu.memory_space<hbm>>
      tpu.enqueue_dma source(%dma_start3A_144 : memref<1024xi32, #tpu.memory_space<hbm>>) target(%dma_start3A_141 : memref<1024xi32, #tpu.memory_space<vmem>>) target_semaphore(%run_scoped3A_132 : memref<!tpu.dma_semaphore, #tpu.memory_space<semaphore_mem>>)
      %dma_wait3A_145 = arith.constant 0 : i32
      %dma_wait3A_146 = tpu.memref_slice %arg6[%run_scoped3A_86, %dma_wait3A_145] : memref<25x1024xi32, #tpu.memory_space<vmem>> -> memref<1x1024xi32, #tpu.memory_space<vmem>>
      %dma_wait3A_147 = tpu.memref_squeeze %dma_wait3A_146 : memref<1x1024xi32, #tpu.memory_space<vmem>> -> memref<1024xi32, #tpu.memory_space<vmem>>
      %dma_wait3A_148 = arith.constant 0 : i32
      %dma_wait3A_149 = tpu.memref_slice %arg2[%run_scoped3A_85, %add3A, %dma_wait3A_148] : memref<25x32x1024xi32, #tpu.memory_space<hbm>> -> memref<1x1x1024xi32, #tpu.memory_space<hbm>>
      %dma_wait3A_150 = tpu.memref_squeeze %dma_wait3A_149 : memref<1x1x1024xi32, #tpu.memory_space<hbm>> -> memref<1024xi32, #tpu.memory_space<hbm>>
      %dma_wait3A_151 = arith.constant 0 : i32
      %dma_wait3A_152 = tpu.memref_slice %arg6[%run_scoped3A_86, %dma_wait3A_151] : memref<25x1024xi32, #tpu.memory_space<vmem>> -> memref<1x1024xi32, #tpu.memory_space<vmem>>
      %dma_wait3A_153 = tpu.memref_squeeze %dma_wait3A_152 : memref<1x1024xi32, #tpu.memory_space<vmem>> -> memref<1024xi32, #tpu.memory_space<vmem>>
      %dma_wait3A_154 = arith.constant 0 : i32
      %dma_wait3A_155 = tpu.memref_slice %arg2[%run_scoped3A_85, %add3A, %dma_wait3A_154] : memref<25x32x1024xi32, #tpu.memory_space<hbm>> -> memref<1x1x1024xi32, #tpu.memory_space<hbm>>
      %dma_wait3A_156 = tpu.memref_squeeze %dma_wait3A_155 : memref<1x1x1024xi32, #tpu.memory_space<hbm>> -> memref<1024xi32, #tpu.memory_space<hbm>>
      tpu.wait_dma2 semaphore(%run_scoped3A_132 : memref<!tpu.dma_semaphore, #tpu.memory_space<semaphore_mem>>) src(%dma_wait3A_156 : memref<1024xi32, #tpu.memory_space<hbm>>) dst(%dma_wait3A_153 : memref<1024xi32, #tpu.memory_space<vmem>>)
      tpu.yield
    }) : () -> ()
    %run_scoped3A_87 = arith.constant 24 : i32
    %run_scoped3A_88 = arith.constant 24 : i32
    "tpu.region"() ({
      %run_scoped3A_132 = tpu.sem_alloc : memref<!tpu.dma_semaphore, #tpu.memory_space<semaphore_mem>>
      %dma_start3A_133 = arith.constant 0 : i32
      %dma_start3A_134 = tpu.memref_slice %arg6[%run_scoped3A_88, %dma_start3A_133] : memref<25x1024xi32, #tpu.memory_space<vmem>> -> memref<1x1024xi32, #tpu.memory_space<vmem>>
      %dma_start3A_135 = tpu.memref_squeeze %dma_start3A_134 : memref<1x1024xi32, #tpu.memory_space<vmem>> -> memref<1024xi32, #tpu.memory_space<vmem>>
      %dma_start3A_136 = arith.constant 0 : i32
      %dma_start3A_137 = tpu.memref_slice %arg2[%run_scoped3A_87, %add3A, %dma_start3A_136] : memref<25x32x1024xi32, #tpu.memory_space<hbm>> -> memref<1x1x1024xi32, #tpu.memory_space<hbm>>
      %dma_start3A_138 = tpu.memref_squeeze %dma_start3A_137 : memref<1x1x1024xi32, #tpu.memory_space<hbm>> -> memref<1024xi32, #tpu.memory_space<hbm>>
      %dma_start3A_139 = arith.constant 0 : i32
      %dma_start3A_140 = tpu.memref_slice %arg6[%run_scoped3A_88, %dma_start3A_139] : memref<25x1024xi32, #tpu.memory_space<vmem>> -> memref<1x1024xi32, #tpu.memory_space<vmem>>
      %dma_start3A_141 = tpu.memref_squeeze %dma_start3A_140 : memref<1x1024xi32, #tpu.memory_space<vmem>> -> memref<1024xi32, #tpu.memory_space<vmem>>
      %dma_start3A_142 = arith.constant 0 : i32
      %dma_start3A_143 = tpu.memref_slice %arg2[%run_scoped3A_87, %add3A, %dma_start3A_142] : memref<25x32x1024xi32, #tpu.memory_space<hbm>> -> memref<1x1x1024xi32, #tpu.memory_space<hbm>>
      %dma_start3A_144 = tpu.memref_squeeze %dma_start3A_143 : memref<1x1x1024xi32, #tpu.memory_space<hbm>> -> memref<1024xi32, #tpu.memory_space<hbm>>
      tpu.enqueue_dma source(%dma_start3A_144 : memref<1024xi32, #tpu.memory_space<hbm>>) target(%dma_start3A_141 : memref<1024xi32, #tpu.memory_space<vmem>>) target_semaphore(%run_scoped3A_132 : memref<!tpu.dma_semaphore, #tpu.memory_space<semaphore_mem>>)
      %dma_wait3A_145 = arith.constant 0 : i32
      %dma_wait3A_146 = tpu.memref_slice %arg6[%run_scoped3A_88, %dma_wait3A_145] : memref<25x1024xi32, #tpu.memory_space<vmem>> -> memref<1x1024xi32, #tpu.memory_space<vmem>>
      %dma_wait3A_147 = tpu.memref_squeeze %dma_wait3A_146 : memref<1x1024xi32, #tpu.memory_space<vmem>> -> memref<1024xi32, #tpu.memory_space<vmem>>
      %dma_wait3A_148 = arith.constant 0 : i32
      %dma_wait3A_149 = tpu.memref_slice %arg2[%run_scoped3A_87, %add3A, %dma_wait3A_148] : memref<25x32x1024xi32, #tpu.memory_space<hbm>> -> memref<1x1x1024xi32, #tpu.memory_space<hbm>>
      %dma_wait3A_150 = tpu.memref_squeeze %dma_wait3A_149 : memref<1x1x1024xi32, #tpu.memory_space<hbm>> -> memref<1024xi32, #tpu.memory_space<hbm>>
      %dma_wait3A_151 = arith.constant 0 : i32
      %dma_wait3A_152 = tpu.memref_slice %arg6[%run_scoped3A_88, %dma_wait3A_151] : memref<25x1024xi32, #tpu.memory_space<vmem>> -> memref<1x1024xi32, #tpu.memory_space<vmem>>
      %dma_wait3A_153 = tpu.memref_squeeze %dma_wait3A_152 : memref<1x1024xi32, #tpu.memory_space<vmem>> -> memref<1024xi32, #tpu.memory_space<vmem>>
      %dma_wait3A_154 = arith.constant 0 : i32
      %dma_wait3A_155 = tpu.memref_slice %arg2[%run_scoped3A_87, %add3A, %dma_wait3A_154] : memref<25x32x1024xi32, #tpu.memory_space<hbm>> -> memref<1x1x1024xi32, #tpu.memory_space<hbm>>
      %dma_wait3A_156 = tpu.memref_squeeze %dma_wait3A_155 : memref<1x1x1024xi32, #tpu.memory_space<hbm>> -> memref<1024xi32, #tpu.memory_space<hbm>>
      tpu.wait_dma2 semaphore(%run_scoped3A_132 : memref<!tpu.dma_semaphore, #tpu.memory_space<semaphore_mem>>) src(%dma_wait3A_156 : memref<1024xi32, #tpu.memory_space<hbm>>) dst(%dma_wait3A_153 : memref<1024xi32, #tpu.memory_space<vmem>>)
      tpu.yield
    }) : () -> ()
    %scan3A = arith.constant 0 : i32
    %scan3A_89 = arith.constant 0 : i32
    %scan3A_90 = arith.constant 25 : i32
    %scan3A_91 = arith.addi %scan3A_89, %scan3A_90 : i32
    %scan3A_92 = arith.constant 1 : i32
    %scan3A_93 = scf.for %scan3A_132 = %scan3A_89 to %scan3A_91 step %scan3A_92 iter_args(%scan3A_133 = %scan3A) -> (i32)  : i32 {
      %mul3A_134 = arith.constant 2 : i32
      %mul3A_135 = arith.muli %mul3A_134, %scan3A_132 : i32
      %mul3A_136 = arith.constant 4 : i32
      %mul3A_137 = arith.muli %mul3A_136, %mul3A_135 : i32
      %add3A_138 = arith.constant 0 : i32
      %add3A_139 = arith.addi %mul3A_137, %add3A_138 : i32
      %dma_wait3A_140 = arith.constant 0 : i32
      %dma_wait3A_141 = arith.constant 0 : i32
      %dma_wait3A_142 = arith.constant 0 : i32
      %dma_wait3A_143 = tpu.memref_slice %arg8[%dma_wait3A_141, %dma_wait3A_142] : memref<512x64xf32, #tpu.memory_space<vmem>> -> memref<128x64xf32, #tpu.memory_space<vmem>>
      %dma_wait3A_144 = arith.constant 0 : i32
      %dma_wait3A_145 = tpu.memref_slice %arg6[%dma_wait3A_140, %dma_wait3A_144] : memref<25x1024xi32, #tpu.memory_space<vmem>> -> memref<1x128xi32, #tpu.memory_space<vmem>>
      %dma_wait3A_146 = tpu.memref_squeeze %dma_wait3A_145 : memref<1x128xi32, #tpu.memory_space<vmem>> -> memref<128xi32, #tpu.memory_space<vmem>>
      %dma_wait3A_147 = arith.constant 0 : i32
      %dma_wait3A_148 = arith.constant 0 : i32
      %dma_wait3A_149 = tpu.memref_slice %arg3[%dma_wait3A_147, %dma_wait3A_148] : memref<1000000x64xf32, #tpu.memory_space<hbm>> -> memref<1000000x64xf32, #tpu.memory_space<hbm>>
      tpu.wait_indirect_dma semaphore(%arg12 : memref<!tpu.dma_semaphore, #tpu.memory_space<semaphore_mem>>) src(%dma_wait3A_149 : memref<1000000x64xf32, #tpu.memory_space<hbm>>) dst(%dma_wait3A_143 : memref<128x64xf32, #tpu.memory_space<vmem>>)
      %add3A_150 = arith.constant 1 : i32
      %add3A_151 = arith.addi %mul3A_135, %add3A_150 : i32
      %lt3A = arith.constant 50 : i32
      %lt3A_152 = arith.cmpi slt, %add3A_151, %lt3A : i32
      %convert_element_type3A = arith.extui %lt3A_152 : i1 to i32
      %cond3A = arith.constant 0 : i32
      %cond3A_153 = arith.cmpi ne, %convert_element_type3A, %cond3A : i32
      scf.if %cond3A_153 {
        %add3A_654 = arith.constant 1 : i32
        %add3A_655 = arith.addi %mul3A_135, %add3A_654 : i32
        %jit3A = arith.constant 2 : i32
        %div3A = arith.divsi %add3A_655, %jit3A : i32
        %sign3A = arith.constant 0 : i32
        %sign3A_656 = arith.cmpi sgt, %add3A_655, %sign3A : i32
        %sign3A_657 = arith.extui %sign3A_656 : i1 to i32
        %sign3A_658 = arith.constant 0 : i32
        %sign3A_659 = arith.cmpi slt, %add3A_655, %sign3A_658 : i32
        %sign3A_660 = arith.extui %sign3A_659 : i1 to i32
        %sign3A_661 = arith.subi %sign3A_657, %sign3A_660 : i32
        %sign3A_662 = arith.constant 0 : i32
        %sign3A_663 = arith.cmpi sgt, %jit3A, %sign3A_662 : i32
        %sign3A_664 = arith.extui %sign3A_663 : i1 to i32
        %sign3A_665 = arith.constant 0 : i32
        %sign3A_666 = arith.cmpi slt, %jit3A, %sign3A_665 : i32
        %sign3A_667 = arith.extui %sign3A_666 : i1 to i32
        %sign3A_668 = arith.subi %sign3A_664, %sign3A_667 : i32
        %ne3A = arith.cmpi ne, %sign3A_661, %sign3A_668 : i32
        %rem3A = arith.remsi %add3A_655, %jit3A : i32
        %ne3A_669 = arith.constant 0 : i32
        %ne3A_670 = arith.cmpi ne, %rem3A, %ne3A_669 : i32
        %and3A = arith.andi %ne3A, %ne3A_670 : i1
        %sub3A = arith.constant 1 : i32
        %sub3A_671 = arith.subi %div3A, %sub3A : i32
        %select_n3A = arith.select %and3A, %sub3A_671, %div3A : i32
        %jit3A_672 = arith.constant 2 : i32
        %eq3A = arith.constant 0 : i32
        %eq3A_673 = arith.cmpi eq, %jit3A_672, %eq3A : i32
        %jit3A_674 = arith.constant 1 : i32
        %select_n3A_675 = arith.select %eq3A_673, %jit3A_674, %jit3A_672 : i32
        %rem3A_676 = arith.remsi %add3A_655, %select_n3A_675 : i32
        %ne3A_677 = arith.constant 0 : i32
        %ne3A_678 = arith.cmpi ne, %rem3A_676, %ne3A_677 : i32
        %lt3A_679 = arith.constant 0 : i32
        %lt3A_680 = arith.cmpi slt, %rem3A_676, %lt3A_679 : i32
        %lt3A_681 = arith.constant 0 : i32
        %lt3A_682 = arith.cmpi slt, %select_n3A_675, %lt3A_681 : i32
        %ne3A_683 = arith.xori %lt3A_680, %lt3A_682 : i1
        %and3A_684 = arith.andi %ne3A_683, %ne3A_678 : i1
        %add3A_685 = arith.addi %rem3A_676, %select_n3A_675 : i32
        %select_n3A_686 = arith.select %and3A_684, %add3A_685, %rem3A_676 : i32
        %mul3A_687 = arith.constant 512 : i32
        %mul3A_688 = arith.muli %select_n3A_686, %mul3A_687 : i32
        %add3A_689 = arith.constant 0 : i32
        %add3A_690 = arith.addi %mul3A_688, %add3A_689 : i32
        %dma_start3A_691 = arith.constant 0 : i32
        %dma_start3A_692 = arith.constant 0 : i32
        %dma_start3A_693 = tpu.memref_slice %arg9[%dma_start3A_691, %dma_start3A_692] : memref<512x64xf32, #tpu.memory_space<vmem>> -> memref<128x64xf32, #tpu.memory_space<vmem>>
        %dma_start3A_694 = tpu.memref_slice %arg6[%select_n3A, %add3A_690] : memref<25x1024xi32, #tpu.memory_space<vmem>> -> memref<1x128xi32, #tpu.memory_space<vmem>>
        %dma_start3A_695 = tpu.memref_squeeze %dma_start3A_694 : memref<1x128xi32, #tpu.memory_space<vmem>> -> memref<128xi32, #tpu.memory_space<vmem>>
        %dma_start3A_696 = arith.constant 0 : i32
        %dma_start3A_697 = arith.constant 0 : i32
        %dma_start3A_698 = tpu.memref_slice %arg3[%dma_start3A_696, %dma_start3A_697] : memref<1000000x64xf32, #tpu.memory_space<hbm>> -> memref<1000000x64xf32, #tpu.memory_space<hbm>>
        tpu.enqueue_indirect_dma source(%dma_start3A_698 : memref<1000000x64xf32, #tpu.memory_space<hbm>>) target(%dma_start3A_693 : memref<128x64xf32, #tpu.memory_space<vmem>>) offsets(%dma_start3A_695 : memref<128xi32, #tpu.memory_space<vmem>>) semaphore(%arg12 : memref<!tpu.dma_semaphore, #tpu.memory_space<semaphore_mem>>)
        %jit3A_699 = arith.constant 2 : i32
        %div3A_700 = arith.divsi %add3A_655, %jit3A_699 : i32
        %sign3A_701 = arith.constant 0 : i32
        %sign3A_702 = arith.cmpi sgt, %add3A_655, %sign3A_701 : i32
        %sign3A_703 = arith.extui %sign3A_702 : i1 to i32
        %sign3A_704 = arith.constant 0 : i32
        %sign3A_705 = arith.cmpi slt, %add3A_655, %sign3A_704 : i32
        %sign3A_706 = arith.extui %sign3A_705 : i1 to i32
        %sign3A_707 = arith.subi %sign3A_703, %sign3A_706 : i32
        %sign3A_708 = arith.constant 0 : i32
        %sign3A_709 = arith.cmpi sgt, %jit3A_699, %sign3A_708 : i32
        %sign3A_710 = arith.extui %sign3A_709 : i1 to i32
        %sign3A_711 = arith.constant 0 : i32
        %sign3A_712 = arith.cmpi slt, %jit3A_699, %sign3A_711 : i32
        %sign3A_713 = arith.extui %sign3A_712 : i1 to i32
        %sign3A_714 = arith.subi %sign3A_710, %sign3A_713 : i32
        %ne3A_715 = arith.cmpi ne, %sign3A_707, %sign3A_714 : i32
        %rem3A_716 = arith.remsi %add3A_655, %jit3A_699 : i32
        %ne3A_717 = arith.constant 0 : i32
        %ne3A_718 = arith.cmpi ne, %rem3A_716, %ne3A_717 : i32
        %and3A_719 = arith.andi %ne3A_715, %ne3A_718 : i1
        %sub3A_720 = arith.constant 1 : i32
        %sub3A_721 = arith.subi %div3A_700, %sub3A_720 : i32
        %select_n3A_722 = arith.select %and3A_719, %sub3A_721, %div3A_700 : i32
        %jit3A_723 = arith.constant 2 : i32
        %eq3A_724 = arith.constant 0 : i32
        %eq3A_725 = arith.cmpi eq, %jit3A_723, %eq3A_724 : i32
        %jit3A_726 = arith.constant 1 : i32
        %select_n3A_727 = arith.select %eq3A_725, %jit3A_726, %jit3A_723 : i32
        %rem3A_728 = arith.remsi %add3A_655, %select_n3A_727 : i32
        %ne3A_729 = arith.constant 0 : i32
        %ne3A_730 = arith.cmpi ne, %rem3A_728, %ne3A_729 : i32
        %lt3A_731 = arith.constant 0 : i32
        %lt3A_732 = arith.cmpi slt, %rem3A_728, %lt3A_731 : i32
        %lt3A_733 = arith.constant 0 : i32
        %lt3A_734 = arith.cmpi slt, %select_n3A_727, %lt3A_733 : i32
        %ne3A_735 = arith.xori %lt3A_732, %lt3A_734 : i1
        %and3A_736 = arith.andi %ne3A_735, %ne3A_730 : i1
        %add3A_737 = arith.addi %rem3A_728, %select_n3A_727 : i32
        %select_n3A_738 = arith.select %and3A_736, %add3A_737, %rem3A_728 : i32
        %mul3A_739 = arith.constant 512 : i32
        %mul3A_740 = arith.muli %select_n3A_738, %mul3A_739 : i32
        %add3A_741 = arith.constant 128 : i32
        %add3A_742 = arith.addi %mul3A_740, %add3A_741 : i32
        %dma_start3A_743 = arith.constant 128 : i32
        %dma_start3A_744 = arith.constant 0 : i32
        %dma_start3A_745 = tpu.memref_slice %arg9[%dma_start3A_743, %dma_start3A_744] : memref<512x64xf32, #tpu.memory_space<vmem>> -> memref<128x64xf32, #tpu.memory_space<vmem>>
        %dma_start3A_746 = tpu.memref_slice %arg6[%select_n3A_722, %add3A_742] : memref<25x1024xi32, #tpu.memory_space<vmem>> -> memref<1x128xi32, #tpu.memory_space<vmem>>
        %dma_start3A_747 = tpu.memref_squeeze %dma_start3A_746 : memref<1x128xi32, #tpu.memory_space<vmem>> -> memref<128xi32, #tpu.memory_space<vmem>>
        %dma_start3A_748 = arith.constant 0 : i32
        %dma_start3A_749 = arith.constant 0 : i32
        %dma_start3A_750 = tpu.memref_slice %arg3[%dma_start3A_748, %dma_start3A_749] : memref<1000000x64xf32, #tpu.memory_space<hbm>> -> memref<1000000x64xf32, #tpu.memory_space<hbm>>
        tpu.enqueue_indirect_dma source(%dma_start3A_750 : memref<1000000x64xf32, #tpu.memory_space<hbm>>) target(%dma_start3A_745 : memref<128x64xf32, #tpu.memory_space<vmem>>) offsets(%dma_start3A_747 : memref<128xi32, #tpu.memory_space<vmem>>) semaphore(%arg12 : memref<!tpu.dma_semaphore, #tpu.memory_space<semaphore_mem>>)
        %jit3A_751 = arith.constant 2 : i32
        %div3A_752 = arith.divsi %add3A_655, %jit3A_751 : i32
        %sign3A_753 = arith.constant 0 : i32
        %sign3A_754 = arith.cmpi sgt, %add3A_655, %sign3A_753 : i32
        %sign3A_755 = arith.extui %sign3A_754 : i1 to i32
        %sign3A_756 = arith.constant 0 : i32
        %sign3A_757 = arith.cmpi slt, %add3A_655, %sign3A_756 : i32
        %sign3A_758 = arith.extui %sign3A_757 : i1 to i32
        %sign3A_759 = arith.subi %sign3A_755, %sign3A_758 : i32
        %sign3A_760 = arith.constant 0 : i32
        %sign3A_761 = arith.cmpi sgt, %jit3A_751, %sign3A_760 : i32
        %sign3A_762 = arith.extui %sign3A_761 : i1 to i32
        %sign3A_763 = arith.constant 0 : i32
        %sign3A_764 = arith.cmpi slt, %jit3A_751, %sign3A_763 : i32
        %sign3A_765 = arith.extui %sign3A_764 : i1 to i32
        %sign3A_766 = arith.subi %sign3A_762, %sign3A_765 : i32
        %ne3A_767 = arith.cmpi ne, %sign3A_759, %sign3A_766 : i32
        %rem3A_768 = arith.remsi %add3A_655, %jit3A_751 : i32
        %ne3A_769 = arith.constant 0 : i32
        %ne3A_770 = arith.cmpi ne, %rem3A_768, %ne3A_769 : i32
        %and3A_771 = arith.andi %ne3A_767, %ne3A_770 : i1
        %sub3A_772 = arith.constant 1 : i32
        %sub3A_773 = arith.subi %div3A_752, %sub3A_772 : i32
        %select_n3A_774 = arith.select %and3A_771, %sub3A_773, %div3A_752 : i32
        %jit3A_775 = arith.constant 2 : i32
        %eq3A_776 = arith.constant 0 : i32
        %eq3A_777 = arith.cmpi eq, %jit3A_775, %eq3A_776 : i32
        %jit3A_778 = arith.constant 1 : i32
        %select_n3A_779 = arith.select %eq3A_777, %jit3A_778, %jit3A_775 : i32
        %rem3A_780 = arith.remsi %add3A_655, %select_n3A_779 : i32
        %ne3A_781 = arith.constant 0 : i32
        %ne3A_782 = arith.cmpi ne, %rem3A_780, %ne3A_781 : i32
        %lt3A_783 = arith.constant 0 : i32
        %lt3A_784 = arith.cmpi slt, %rem3A_780, %lt3A_783 : i32
        %lt3A_785 = arith.constant 0 : i32
        %lt3A_786 = arith.cmpi slt, %select_n3A_779, %lt3A_785 : i32
        %ne3A_787 = arith.xori %lt3A_784, %lt3A_786 : i1
        %and3A_788 = arith.andi %ne3A_787, %ne3A_782 : i1
        %add3A_789 = arith.addi %rem3A_780, %select_n3A_779 : i32
        %select_n3A_790 = arith.select %and3A_788, %add3A_789, %rem3A_780 : i32
        %mul3A_791 = arith.constant 512 : i32
        %mul3A_792 = arith.muli %select_n3A_790, %mul3A_791 : i32
        %add3A_793 = arith.constant 256 : i32
        %add3A_794 = arith.addi %mul3A_792, %add3A_793 : i32
        %dma_start3A_795 = arith.constant 256 : i32
        %dma_start3A_796 = arith.constant 0 : i32
        %dma_start3A_797 = tpu.memref_slice %arg9[%dma_start3A_795, %dma_start3A_796] : memref<512x64xf32, #tpu.memory_space<vmem>> -> memref<128x64xf32, #tpu.memory_space<vmem>>
        %dma_start3A_798 = tpu.memref_slice %arg6[%select_n3A_774, %add3A_794] : memref<25x1024xi32, #tpu.memory_space<vmem>> -> memref<1x128xi32, #tpu.memory_space<vmem>>
        %dma_start3A_799 = tpu.memref_squeeze %dma_start3A_798 : memref<1x128xi32, #tpu.memory_space<vmem>> -> memref<128xi32, #tpu.memory_space<vmem>>
        %dma_start3A_800 = arith.constant 0 : i32
        %dma_start3A_801 = arith.constant 0 : i32
        %dma_start3A_802 = tpu.memref_slice %arg3[%dma_start3A_800, %dma_start3A_801] : memref<1000000x64xf32, #tpu.memory_space<hbm>> -> memref<1000000x64xf32, #tpu.memory_space<hbm>>
        tpu.enqueue_indirect_dma source(%dma_start3A_802 : memref<1000000x64xf32, #tpu.memory_space<hbm>>) target(%dma_start3A_797 : memref<128x64xf32, #tpu.memory_space<vmem>>) offsets(%dma_start3A_799 : memref<128xi32, #tpu.memory_space<vmem>>) semaphore(%arg12 : memref<!tpu.dma_semaphore, #tpu.memory_space<semaphore_mem>>)
        %jit3A_803 = arith.constant 2 : i32
        %div3A_804 = arith.divsi %add3A_655, %jit3A_803 : i32
        %sign3A_805 = arith.constant 0 : i32
        %sign3A_806 = arith.cmpi sgt, %add3A_655, %sign3A_805 : i32
        %sign3A_807 = arith.extui %sign3A_806 : i1 to i32
        %sign3A_808 = arith.constant 0 : i32
        %sign3A_809 = arith.cmpi slt, %add3A_655, %sign3A_808 : i32
        %sign3A_810 = arith.extui %sign3A_809 : i1 to i32
        %sign3A_811 = arith.subi %sign3A_807, %sign3A_810 : i32
        %sign3A_812 = arith.constant 0 : i32
        %sign3A_813 = arith.cmpi sgt, %jit3A_803, %sign3A_812 : i32
        %sign3A_814 = arith.extui %sign3A_813 : i1 to i32
        %sign3A_815 = arith.constant 0 : i32
        %sign3A_816 = arith.cmpi slt, %jit3A_803, %sign3A_815 : i32
        %sign3A_817 = arith.extui %sign3A_816 : i1 to i32
        %sign3A_818 = arith.subi %sign3A_814, %sign3A_817 : i32
        %ne3A_819 = arith.cmpi ne, %sign3A_811, %sign3A_818 : i32
        %rem3A_820 = arith.remsi %add3A_655, %jit3A_803 : i32
        %ne3A_821 = arith.constant 0 : i32
        %ne3A_822 = arith.cmpi ne, %rem3A_820, %ne3A_821 : i32
        %and3A_823 = arith.andi %ne3A_819, %ne3A_822 : i1
        %sub3A_824 = arith.constant 1 : i32
        %sub3A_825 = arith.subi %div3A_804, %sub3A_824 : i32
        %select_n3A_826 = arith.select %and3A_823, %sub3A_825, %div3A_804 : i32
        %jit3A_827 = arith.constant 2 : i32
        %eq3A_828 = arith.constant 0 : i32
        %eq3A_829 = arith.cmpi eq, %jit3A_827, %eq3A_828 : i32
        %jit3A_830 = arith.constant 1 : i32
        %select_n3A_831 = arith.select %eq3A_829, %jit3A_830, %jit3A_827 : i32
        %rem3A_832 = arith.remsi %add3A_655, %select_n3A_831 : i32
        %ne3A_833 = arith.constant 0 : i32
        %ne3A_834 = arith.cmpi ne, %rem3A_832, %ne3A_833 : i32
        %lt3A_835 = arith.constant 0 : i32
        %lt3A_836 = arith.cmpi slt, %rem3A_832, %lt3A_835 : i32
        %lt3A_837 = arith.constant 0 : i32
        %lt3A_838 = arith.cmpi slt, %select_n3A_831, %lt3A_837 : i32
        %ne3A_839 = arith.xori %lt3A_836, %lt3A_838 : i1
        %and3A_840 = arith.andi %ne3A_839, %ne3A_834 : i1
        %add3A_841 = arith.addi %rem3A_832, %select_n3A_831 : i32
        %select_n3A_842 = arith.select %and3A_840, %add3A_841, %rem3A_832 : i32
        %mul3A_843 = arith.constant 512 : i32
        %mul3A_844 = arith.muli %select_n3A_842, %mul3A_843 : i32
        %add3A_845 = arith.constant 384 : i32
        %add3A_846 = arith.addi %mul3A_844, %add3A_845 : i32
        %dma_start3A_847 = arith.constant 384 : i32
        %dma_start3A_848 = arith.constant 0 : i32
        %dma_start3A_849 = tpu.memref_slice %arg9[%dma_start3A_847, %dma_start3A_848] : memref<512x64xf32, #tpu.memory_space<vmem>> -> memref<128x64xf32, #tpu.memory_space<vmem>>
        %dma_start3A_850 = tpu.memref_slice %arg6[%select_n3A_826, %add3A_846] : memref<25x1024xi32, #tpu.memory_space<vmem>> -> memref<1x128xi32, #tpu.memory_space<vmem>>
        %dma_start3A_851 = tpu.memref_squeeze %dma_start3A_850 : memref<1x128xi32, #tpu.memory_space<vmem>> -> memref<128xi32, #tpu.memory_space<vmem>>
        %dma_start3A_852 = arith.constant 0 : i32
        %dma_start3A_853 = arith.constant 0 : i32
        %dma_start3A_854 = tpu.memref_slice %arg3[%dma_start3A_852, %dma_start3A_853] : memref<1000000x64xf32, #tpu.memory_space<hbm>> -> memref<1000000x64xf32, #tpu.memory_space<hbm>>
        tpu.enqueue_indirect_dma source(%dma_start3A_854 : memref<1000000x64xf32, #tpu.memory_space<hbm>>) target(%dma_start3A_849 : memref<128x64xf32, #tpu.memory_space<vmem>>) offsets(%dma_start3A_851 : memref<128xi32, #tpu.memory_space<vmem>>) semaphore(%arg12 : memref<!tpu.dma_semaphore, #tpu.memory_space<semaphore_mem>>)
      } else {
      }
      %gt3A = arith.constant 0 : i32
      %gt3A_154 = arith.cmpi sgt, %mul3A_135, %gt3A : i32
      %convert_element_type3A_155 = arith.extui %gt3A_154 : i1 to i32
      %cond3A_156 = arith.constant 0 : i32
      %cond3A_157 = arith.cmpi ne, %convert_element_type3A_155, %cond3A_156 : i32
      scf.if %cond3A_157 {
        %dma_wait3A_654 = arith.constant 0 : i32
        %dma_wait3A_655 = arith.constant 0 : i32
        %dma_wait3A_656 = arith.constant 0 : i32
        %dma_wait3A_657 = arith.constant 0 : i32
        %dma_wait3A_658 = tpu.memref_slice %arg10[%dma_wait3A_655, %dma_wait3A_656, %dma_wait3A_657] : memref<8x8x129xf32, #tpu.memory_space<vmem>> -> memref<8x8x128xf32, #tpu.memory_space<vmem>>
        %dma_wait3A_659 = arith.constant 0 : i32
        %dma_wait3A_660 = arith.constant 0 : i32
        %dma_wait3A_661 = arith.constant 0 : i32
        %dma_wait3A_662 = tpu.memref_slice %arg5[%dma_wait3A_654, %dma_wait3A_659, %add3A, %dma_wait3A_660, %dma_wait3A_661] : memref<200x8x32x8x128xf32, #tpu.memory_space<hbm>> -> memref<1x8x1x8x128xf32, #tpu.memory_space<hbm>>
        %dma_wait3A_663 = tpu.memref_squeeze %dma_wait3A_662 : memref<1x8x1x8x128xf32, #tpu.memory_space<hbm>> -> memref<8x8x128xf32, #tpu.memory_space<hbm>>
        %dma_wait3A_664 = arith.constant 0 : i32
        %dma_wait3A_665 = arith.constant 0 : i32
        %dma_wait3A_666 = arith.constant 0 : i32
        %dma_wait3A_667 = tpu.memref_slice %arg5[%dma_wait3A_654, %dma_wait3A_664, %add3A, %dma_wait3A_665, %dma_wait3A_666] : memref<200x8x32x8x128xf32, #tpu.memory_space<hbm>> -> memref<1x8x1x8x128xf32, #tpu.memory_space<hbm>>
        %dma_wait3A_668 = tpu.memref_squeeze %dma_wait3A_667 : memref<1x8x1x8x128xf32, #tpu.memory_space<hbm>> -> memref<8x8x128xf32, #tpu.memory_space<hbm>>
        %dma_wait3A_669 = arith.constant 0 : i32
        %dma_wait3A_670 = arith.constant 0 : i32
        %dma_wait3A_671 = arith.constant 0 : i32
        %dma_wait3A_672 = tpu.memref_slice %arg10[%dma_wait3A_669, %dma_wait3A_670, %dma_wait3A_671] : memref<8x8x129xf32, #tpu.memory_space<vmem>> -> memref<8x8x128xf32, #tpu.memory_space<vmem>>
        tpu.wait_dma2 semaphore(%arg13 : memref<!tpu.dma_semaphore, #tpu.memory_space<semaphore_mem>>) src(%dma_wait3A_672 : memref<8x8x128xf32, #tpu.memory_space<vmem>>) dst(%dma_wait3A_668 : memref<8x8x128xf32, #tpu.memory_space<hbm>>)
      } else {
      }
      %get3A = arith.index_cast %add3A_139 : i32 to index
      %get3A_158 = arith.constant 0 : index
      %get3A_159 = tpu.vector_load %arg7[%get3A, %get3A_158] {strides = array<i32>} : memref<200x64xf32, #tpu.memory_space<vmem>>, vector<16xf32>,
      %get3A_160 = arith.index_cast %add3A_139 : i32 to index
      %get3A_161 = arith.constant 16 : index
      %get3A_162 = tpu.vector_load %arg7[%get3A_160, %get3A_161] {strides = array<i32>} : memref<200x64xf32, #tpu.memory_space<vmem>>, vector<16xf32>,
      %get3A_163 = arith.index_cast %add3A_139 : i32 to index
      %get3A_164 = arith.constant 32 : index
      %get3A_165 = tpu.vector_load %arg7[%get3A_163, %get3A_164] {strides = array<i32>} : memref<200x64xf32, #tpu.memory_space<vmem>>, vector<16xf32>,
      %get3A_166 = arith.index_cast %add3A_139 : i32 to index
      %get3A_167 = arith.constant 48 : index
      %get3A_168 = tpu.vector_load %arg7[%get3A_166, %get3A_167] {strides = array<i32>} : memref<200x64xf32, #tpu.memory_space<vmem>>, vector<16xf32>,
      %scan3A_169 = arith.constant 0 : i32
      %scan3A_170 = arith.constant 0 : i32
      %scan3A_171 = arith.constant 32 : i32
      %scan3A_172 = arith.addi %scan3A_170, %scan3A_171 : i32
      %scan3A_173 = arith.constant 1 : i32
      %scan3A_174 = scf.for %scan3A_654 = %scan3A_170 to %scan3A_172 step %scan3A_173 iter_args(%scan3A_655 = %scan3A_169) -> (i32)  : i32 {
        %mul3A_656 = arith.constant 4 : i32
        %mul3A_657 = arith.muli %mul3A_656, %scan3A_654 : i32
        %add3A_658 = arith.constant 0 : i32
        %add3A_659 = arith.addi %add3A_658, %mul3A_657 : i32
        %iota3A = tpu.iota {dimensions = array<i32: 0>} : vector<16xi32>
        %shift_right_arithmetic3A = arith.constant 3 : i32
        %shift_right_arithmetic3A_660 = vector.broadcast %shift_right_arithmetic3A : i32 to vector<16xi32>
        %shift_right_arithmetic3A_661 = arith.shrsi %iota3A, %shift_right_arithmetic3A_660 : vector<16xi32>
        %add3A_662 = arith.constant 0 : i32
        %add3A_663 = vector.broadcast %add3A_662 : i32 to vector<16xi32>
        %add3A_664 = arith.addi %shift_right_arithmetic3A_661, %add3A_663 : vector<16xi32>
        %shift_right_arithmetic3A_665 = arith.constant 3 : i32
        %shift_right_arithmetic3A_666 = vector.broadcast %shift_right_arithmetic3A_665 : i32 to vector<16xi32>
        %shift_right_arithmetic3A_667 = arith.shrsi %iota3A, %shift_right_arithmetic3A_666 : vector<16xi32>
        %add3A_668 = arith.constant 2 : i32
        %add3A_669 = vector.broadcast %add3A_668 : i32 to vector<16xi32>
        %add3A_670 = arith.addi %shift_right_arithmetic3A_667, %add3A_669 : vector<16xi32>
        %shift_right_arithmetic3A_671 = arith.constant 3 : i32
        %shift_right_arithmetic3A_672 = vector.broadcast %shift_right_arithmetic3A_671 : i32 to vector<16xi32>
        %shift_right_arithmetic3A_673 = arith.shrsi %iota3A, %shift_right_arithmetic3A_672 : vector<16xi32>
        %add3A_674 = arith.constant 4 : i32
        %add3A_675 = vector.broadcast %add3A_674 : i32 to vector<16xi32>
        %add3A_676 = arith.addi %shift_right_arithmetic3A_673, %add3A_675 : vector<16xi32>
        %shift_right_arithmetic3A_677 = arith.constant 3 : i32
        %shift_right_arithmetic3A_678 = vector.broadcast %shift_right_arithmetic3A_677 : i32 to vector<16xi32>
        %shift_right_arithmetic3A_679 = arith.shrsi %iota3A, %shift_right_arithmetic3A_678 : vector<16xi32>
        %add3A_680 = arith.constant 6 : i32
        %add3A_681 = vector.broadcast %add3A_680 : i32 to vector<16xi32>
        %add3A_682 = arith.addi %shift_right_arithmetic3A_679, %add3A_681 : vector<16xi32>
        %and3A = arith.constant 7 : i32
        %and3A_683 = vector.broadcast %and3A : i32 to vector<16xi32>
        %and3A_684 = arith.andi %iota3A, %and3A_683 : vector<16xi32>
        %add3A_685 = arith.constant 0 : i32
        %add3A_686 = arith.addi %add3A_659, %add3A_685 : i32
        %get3A_687 = arith.index_cast %add3A_686 : i32 to index
        %get3A_688 = arith.constant 0 : index
        %get3A_689 = tpu.vector_load %arg8[%get3A_687, %get3A_688] {strides = array<i32>} : memref<512x64xf32, #tpu.memory_space<vmem>>, vector<16xf32>,
        %add3A_690 = arith.constant 0 : i32
        %add3A_691 = arith.addi %add3A_659, %add3A_690 : i32
        %get3A_692 = arith.index_cast %add3A_691 : i32 to index
        %get3A_693 = arith.constant 16 : index
        %get3A_694 = tpu.vector_load %arg8[%get3A_692, %get3A_693] {strides = array<i32>} : memref<512x64xf32, #tpu.memory_space<vmem>>, vector<16xf32>,
        %add3A_695 = arith.constant 0 : i32
        %add3A_696 = arith.addi %add3A_659, %add3A_695 : i32
        %get3A_697 = arith.index_cast %add3A_696 : i32 to index
        %get3A_698 = arith.constant 32 : index
        %get3A_699 = tpu.vector_load %arg8[%get3A_697, %get3A_698] {strides = array<i32>} : memref<512x64xf32, #tpu.memory_space<vmem>>, vector<16xf32>,
        %add3A_700 = arith.constant 0 : i32
        %add3A_701 = arith.addi %add3A_659, %add3A_700 : i32
        %get3A_702 = arith.index_cast %add3A_701 : i32 to index
        %get3A_703 = arith.constant 48 : index
        %get3A_704 = tpu.vector_load %arg8[%get3A_702, %get3A_703] {strides = array<i32>} : memref<512x64xf32, #tpu.memory_space<vmem>>, vector<16xf32>,
        %add3A_705 = arith.constant 1 : i32
        %add3A_706 = arith.addi %add3A_659, %add3A_705 : i32
        %get3A_707 = arith.index_cast %add3A_706 : i32 to index
        %get3A_708 = arith.constant 0 : index
        %get3A_709 = tpu.vector_load %arg8[%get3A_707, %get3A_708] {strides = array<i32>} : memref<512x64xf32, #tpu.memory_space<vmem>>, vector<16xf32>,
        %add3A_710 = arith.constant 1 : i32
        %add3A_711 = arith.addi %add3A_659, %add3A_710 : i32
        %get3A_712 = arith.index_cast %add3A_711 : i32 to index
        %get3A_713 = arith.constant 16 : index
        %get3A_714 = tpu.vector_load %arg8[%get3A_712, %get3A_713] {strides = array<i32>} : memref<512x64xf32, #tpu.memory_space<vmem>>, vector<16xf32>,
        %add3A_715 = arith.constant 1 : i32
        %add3A_716 = arith.addi %add3A_659, %add3A_715 : i32
        %get3A_717 = arith.index_cast %add3A_716 : i32 to index
        %get3A_718 = arith.constant 32 : index
        %get3A_719 = tpu.vector_load %arg8[%get3A_717, %get3A_718] {strides = array<i32>} : memref<512x64xf32, #tpu.memory_space<vmem>>, vector<16xf32>,
        %add3A_720 = arith.constant 1 : i32
        %add3A_721 = arith.addi %add3A_659, %add3A_720 : i32
        %get3A_722 = arith.index_cast %add3A_721 : i32 to index
        %get3A_723 = arith.constant 48 : index
        %get3A_724 = tpu.vector_load %arg8[%get3A_722, %get3A_723] {strides = array<i32>} : memref<512x64xf32, #tpu.memory_space<vmem>>, vector<16xf32>,
        %add3A_725 = arith.constant 2 : i32
        %add3A_726 = arith.addi %add3A_659, %add3A_725 : i32
        %get3A_727 = arith.index_cast %add3A_726 : i32 to index
        %get3A_728 = arith.constant 0 : index
        %get3A_729 = tpu.vector_load %arg8[%get3A_727, %get3A_728] {strides = array<i32>} : memref<512x64xf32, #tpu.memory_space<vmem>>, vector<16xf32>,
        %add3A_730 = arith.constant 2 : i32
        %add3A_731 = arith.addi %add3A_659, %add3A_730 : i32
        %get3A_732 = arith.index_cast %add3A_731 : i32 to index
        %get3A_733 = arith.constant 16 : index
        %get3A_734 = tpu.vector_load %arg8[%get3A_732, %get3A_733] {strides = array<i32>} : memref<512x64xf32, #tpu.memory_space<vmem>>, vector<16xf32>,
        %add3A_735 = arith.constant 2 : i32
        %add3A_736 = arith.addi %add3A_659, %add3A_735 : i32
        %get3A_737 = arith.index_cast %add3A_736 : i32 to index
        %get3A_738 = arith.constant 32 : index
        %get3A_739 = tpu.vector_load %arg8[%get3A_737, %get3A_738] {strides = array<i32>} : memref<512x64xf32, #tpu.memory_space<vmem>>, vector<16xf32>,
        %add3A_740 = arith.constant 2 : i32
        %add3A_741 = arith.addi %add3A_659, %add3A_740 : i32
        %get3A_742 = arith.index_cast %add3A_741 : i32 to index
        %get3A_743 = arith.constant 48 : index
        %get3A_744 = tpu.vector_load %arg8[%get3A_742, %get3A_743] {strides = array<i32>} : memref<512x64xf32, #tpu.memory_space<vmem>>, vector<16xf32>,
        %add3A_745 = arith.constant 3 : i32
        %add3A_746 = arith.addi %add3A_659, %add3A_745 : i32
        %get3A_747 = arith.index_cast %add3A_746 : i32 to index
        %get3A_748 = arith.constant 0 : index
        %get3A_749 = tpu.vector_load %arg8[%get3A_747, %get3A_748] {strides = array<i32>} : memref<512x64xf32, #tpu.memory_space<vmem>>, vector<16xf32>,
        %add3A_750 = arith.constant 3 : i32
        %add3A_751 = arith.addi %add3A_659, %add3A_750 : i32
        %get3A_752 = arith.index_cast %add3A_751 : i32 to index
        %get3A_753 = arith.constant 16 : index
        %get3A_754 = tpu.vector_load %arg8[%get3A_752, %get3A_753] {strides = array<i32>} : memref<512x64xf32, #tpu.memory_space<vmem>>, vector<16xf32>,
        %add3A_755 = arith.constant 3 : i32
        %add3A_756 = arith.addi %add3A_659, %add3A_755 : i32
        %get3A_757 = arith.index_cast %add3A_756 : i32 to index
        %get3A_758 = arith.constant 32 : index
        %get3A_759 = tpu.vector_load %arg8[%get3A_757, %get3A_758] {strides = array<i32>} : memref<512x64xf32, #tpu.memory_space<vmem>>, vector<16xf32>,
        %add3A_760 = arith.constant 3 : i32
        %add3A_761 = arith.addi %add3A_659, %add3A_760 : i32
        %get3A_762 = arith.index_cast %add3A_761 : i32 to index
        %get3A_763 = arith.constant 48 : index
        %get3A_764 = tpu.vector_load %arg8[%get3A_762, %get3A_763] {strides = array<i32>} : memref<512x64xf32, #tpu.memory_space<vmem>>, vector<16xf32>,
        %add3A_765 = arith.addf %get3A_689, %get3A_159 : vector<16xf32>
        %add3A_766 = arith.addf %get3A_694, %get3A_162 : vector<16xf32>
        %add3A_767 = arith.addf %get3A_699, %get3A_165 : vector<16xf32>
        %add3A_768 = arith.addf %get3A_704, %get3A_168 : vector<16xf32>
        %add3A_769 = arith.addf %get3A_709, %get3A_159 : vector<16xf32>
        %add3A_770 = arith.addf %get3A_714, %get3A_162 : vector<16xf32>
        %add3A_771 = arith.addf %get3A_719, %get3A_165 : vector<16xf32>
        %add3A_772 = arith.addf %get3A_724, %get3A_168 : vector<16xf32>
        %add3A_773 = arith.addf %get3A_729, %get3A_159 : vector<16xf32>
        %add3A_774 = arith.addf %get3A_734, %get3A_162 : vector<16xf32>
        %add3A_775 = arith.addf %get3A_739, %get3A_165 : vector<16xf32>
        %add3A_776 = arith.addf %get3A_744, %get3A_168 : vector<16xf32>
        %add3A_777 = arith.addf %get3A_749, %get3A_159 : vector<16xf32>
        %add3A_778 = arith.addf %get3A_754, %get3A_162 : vector<16xf32>
        %add3A_779 = arith.addf %get3A_759, %get3A_165 : vector<16xf32>
        %add3A_780 = arith.addf %get3A_764, %get3A_168 : vector<16xf32>
        %mul3A_781 = arith.constant 0 : i32
        %mul3A_782 = vector.broadcast %mul3A_781 : i32 to vector<16xi32>
        %mul3A_783 = arith.muli %and3A_684, %mul3A_782 : vector<16xi32>
        %sub3A = arith.constant 0 : i32
        %sub3A_784 = arith.subi %add3A_659, %sub3A : i32
        %add3A_785 = arith.constant 0 : i32
        %add3A_786 = arith.addi %sub3A_784, %add3A_785 : i32
        %add3A_787 = vector.broadcast %add3A_786 : i32 to vector<16xi32>
        %add3A_788 = arith.addi %mul3A_783, %add3A_787 : vector<16xi32>
        tpu.vector_store_idx %arg10[%add3A_664, %and3A_684, %add3A_788], %add3A_765 : memref<8x8x129xf32, #tpu.memory_space<vmem>>[vector<16xi32>, vector<16xi32>, vector<16xi32>], vector<16xf32>,
        tpu.vector_store_idx %arg10[%add3A_670, %and3A_684, %add3A_788], %add3A_766 : memref<8x8x129xf32, #tpu.memory_space<vmem>>[vector<16xi32>, vector<16xi32>, vector<16xi32>], vector<16xf32>,
        tpu.vector_store_idx %arg10[%add3A_676, %and3A_684, %add3A_788], %add3A_767 : memref<8x8x129xf32, #tpu.memory_space<vmem>>[vector<16xi32>, vector<16xi32>, vector<16xi32>], vector<16xf32>,
        tpu.vector_store_idx %arg10[%add3A_682, %and3A_684, %add3A_788], %add3A_768 : memref<8x8x129xf32, #tpu.memory_space<vmem>>[vector<16xi32>, vector<16xi32>, vector<16xi32>], vector<16xf32>,
        %mul3A_789 = arith.constant 0 : i32
        %mul3A_790 = vector.broadcast %mul3A_789 : i32 to vector<16xi32>
        %mul3A_791 = arith.muli %and3A_684, %mul3A_790 : vector<16xi32>
        %sub3A_792 = arith.constant 0 : i32
        %sub3A_793 = arith.subi %add3A_659, %sub3A_792 : i32
        %add3A_794 = arith.constant 1 : i32
        %add3A_795 = arith.addi %sub3A_793, %add3A_794 : i32
        %add3A_796 = vector.broadcast %add3A_795 : i32 to vector<16xi32>
        %add3A_797 = arith.addi %mul3A_791, %add3A_796 : vector<16xi32>
        tpu.vector_store_idx %arg10[%add3A_664, %and3A_684, %add3A_797], %add3A_769 : memref<8x8x129xf32, #tpu.memory_space<vmem>>[vector<16xi32>, vector<16xi32>, vector<16xi32>], vector<16xf32>,
        tpu.vector_store_idx %arg10[%add3A_670, %and3A_684, %add3A_797], %add3A_770 : memref<8x8x129xf32, #tpu.memory_space<vmem>>[vector<16xi32>, vector<16xi32>, vector<16xi32>], vector<16xf32>,
        tpu.vector_store_idx %arg10[%add3A_676, %and3A_684, %add3A_797], %add3A_771 : memref<8x8x129xf32, #tpu.memory_space<vmem>>[vector<16xi32>, vector<16xi32>, vector<16xi32>], vector<16xf32>,
        tpu.vector_store_idx %arg10[%add3A_682, %and3A_684, %add3A_797], %add3A_772 : memref<8x8x129xf32, #tpu.memory_space<vmem>>[vector<16xi32>, vector<16xi32>, vector<16xi32>], vector<16xf32>,
        %mul3A_798 = arith.constant 0 : i32
        %mul3A_799 = vector.broadcast %mul3A_798 : i32 to vector<16xi32>
        %mul3A_800 = arith.muli %and3A_684, %mul3A_799 : vector<16xi32>
        %sub3A_801 = arith.constant 0 : i32
        %sub3A_802 = arith.subi %add3A_659, %sub3A_801 : i32
        %add3A_803 = arith.constant 2 : i32
        %add3A_804 = arith.addi %sub3A_802, %add3A_803 : i32
        %add3A_805 = vector.broadcast %add3A_804 : i32 to vector<16xi32>
        %add3A_806 = arith.addi %mul3A_800, %add3A_805 : vector<16xi32>
        tpu.vector_store_idx %arg10[%add3A_664, %and3A_684, %add3A_806], %add3A_773 : memref<8x8x129xf32, #tpu.memory_space<vmem>>[vector<16xi32>, vector<16xi32>, vector<16xi32>], vector<16xf32>,
        tpu.vector_store_idx %arg10[%add3A_670, %and3A_684, %add3A_806], %add3A_774 : memref<8x8x129xf32, #tpu.memory_space<vmem>>[vector<16xi32>, vector<16xi32>, vector<16xi32>], vector<16xf32>,
        tpu.vector_store_idx %arg10[%add3A_676, %and3A_684, %add3A_806], %add3A_775 : memref<8x8x129xf32, #tpu.memory_space<vmem>>[vector<16xi32>, vector<16xi32>, vector<16xi32>], vector<16xf32>,
        tpu.vector_store_idx %arg10[%add3A_682, %and3A_684, %add3A_806], %add3A_776 : memref<8x8x129xf32, #tpu.memory_space<vmem>>[vector<16xi32>, vector<16xi32>, vector<16xi32>], vector<16xf32>,
        %mul3A_807 = arith.constant 0 : i32
        %mul3A_808 = vector.broadcast %mul3A_807 : i32 to vector<16xi32>
        %mul3A_809 = arith.muli %and3A_684, %mul3A_808 : vector<16xi32>
        %sub3A_810 = arith.constant 0 : i32
        %sub3A_811 = arith.subi %add3A_659, %sub3A_810 : i32
        %add3A_812 = arith.constant 3 : i32
        %add3A_813 = arith.addi %sub3A_811, %add3A_812 : i32
        %add3A_814 = vector.broadcast %add3A_813 : i32 to vector<16xi32>
        %add3A_815 = arith.addi %mul3A_809, %add3A_814 : vector<16xi32>
        tpu.vector_store_idx %arg10[%add3A_664, %and3A_684, %add3A_815], %add3A_777 : memref<8x8x129xf32, #tpu.memory_space<vmem>>[vector<16xi32>, vector<16xi32>, vector<16xi32>], vector<16xf32>,
        tpu.vector_store_idx %arg10[%add3A_670, %and3A_684, %add3A_815], %add3A_778 : memref<8x8x129xf32, #tpu.memory_space<vmem>>[vector<16xi32>, vector<16xi32>, vector<16xi32>], vector<16xf32>,
        tpu.vector_store_idx %arg10[%add3A_676, %and3A_684, %add3A_815], %add3A_779 : memref<8x8x129xf32, #tpu.memory_space<vmem>>[vector<16xi32>, vector<16xi32>, vector<16xi32>], vector<16xf32>,
        tpu.vector_store_idx %arg10[%add3A_682, %and3A_684, %add3A_815], %add3A_780 : memref<8x8x129xf32, #tpu.memory_space<vmem>>[vector<16xi32>, vector<16xi32>, vector<16xi32>], vector<16xf32>,
        %scan3A_816 = arith.constant 0 : i32
        scf.yield %scan3A_816 : i32
      }
      %scan3A_175 = arith.constant 32 : i32
      %dma_start3A_176 = arith.constant 0 : i32
      %dma_start3A_177 = arith.constant 0 : i32
      %dma_start3A_178 = arith.constant 0 : i32
      %dma_start3A_179 = tpu.memref_slice %arg10[%dma_start3A_176, %dma_start3A_177, %dma_start3A_178] : memref<8x8x129xf32, #tpu.memory_space<vmem>> -> memref<8x8x128xf32, #tpu.memory_space<vmem>>
      %dma_start3A_180 = arith.constant 0 : i32
      %dma_start3A_181 = arith.constant 0 : i32
      %dma_start3A_182 = arith.constant 0 : i32
      %dma_start3A_183 = tpu.memref_slice %arg5[%add3A_139, %dma_start3A_180, %add3A, %dma_start3A_181, %dma_start3A_182] : memref<200x8x32x8x128xf32, #tpu.memory_space<hbm>> -> memref<1x8x1x8x128xf32, #tpu.memory_space<hbm>>
      %dma_start3A_184 = tpu.memref_squeeze %dma_start3A_183 : memref<1x8x1x8x128xf32, #tpu.memory_space<hbm>> -> memref<8x8x128xf32, #tpu.memory_space<hbm>>
      %dma_start3A_185 = arith.constant 0 : i32
      %dma_start3A_186 = arith.constant 0 : i32
      %dma_start3A_187 = arith.constant 0 : i32
      %dma_start3A_188 = tpu.memref_slice %arg5[%add3A_139, %dma_start3A_185, %add3A, %dma_start3A_186, %dma_start3A_187] : memref<200x8x32x8x128xf32, #tpu.memory_space<hbm>> -> memref<1x8x1x8x128xf32, #tpu.memory_space<hbm>>
      %dma_start3A_189 = tpu.memref_squeeze %dma_start3A_188 : memref<1x8x1x8x128xf32, #tpu.memory_space<hbm>> -> memref<8x8x128xf32, #tpu.memory_space<hbm>>
      %dma_start3A_190 = arith.constant 0 : i32
      %dma_start3A_191 = arith.constant 0 : i32
      %dma_start3A_192 = arith.constant 0 : i32
      %dma_start3A_193 = tpu.memref_slice %arg10[%dma_start3A_190, %dma_start3A_191, %dma_start3A_192] : memref<8x8x129xf32, #tpu.memory_space<vmem>> -> memref<8x8x128xf32, #tpu.memory_space<vmem>>
      tpu.enqueue_dma source(%dma_start3A_193 : memref<8x8x128xf32, #tpu.memory_space<vmem>>) target(%dma_start3A_189 : memref<8x8x128xf32, #tpu.memory_space<hbm>>) target_semaphore(%arg13 : memref<!tpu.dma_semaphore, #tpu.memory_space<semaphore_mem>>)
      %mul3A_194 = arith.constant 4 : i32
      %mul3A_195 = arith.muli %mul3A_194, %mul3A_135 : i32
      %add3A_196 = arith.constant 1 : i32
      %add3A_197 = arith.addi %mul3A_195, %add3A_196 : i32
      %dma_wait3A_198 = arith.constant 0 : i32
      %dma_wait3A_199 = arith.constant 0 : i32
      %dma_wait3A_200 = arith.constant 0 : i32
      %dma_wait3A_201 = tpu.memref_slice %arg8[%dma_wait3A_199, %dma_wait3A_200] : memref<512x64xf32, #tpu.memory_space<vmem>> -> memref<128x64xf32, #tpu.memory_space<vmem>>
      %dma_wait3A_202 = arith.constant 0 : i32
      %dma_wait3A_203 = tpu.memref_slice %arg6[%dma_wait3A_198, %dma_wait3A_202] : memref<25x1024xi32, #tpu.memory_space<vmem>> -> memref<1x128xi32, #tpu.memory_space<vmem>>
      %dma_wait3A_204 = tpu.memref_squeeze %dma_wait3A_203 : memref<1x128xi32, #tpu.memory_space<vmem>> -> memref<128xi32, #tpu.memory_space<vmem>>
      %dma_wait3A_205 = arith.constant 0 : i32
      %dma_wait3A_206 = arith.constant 0 : i32
      %dma_wait3A_207 = tpu.memref_slice %arg3[%dma_wait3A_205, %dma_wait3A_206] : memref<1000000x64xf32, #tpu.memory_space<hbm>> -> memref<1000000x64xf32, #tpu.memory_space<hbm>>
      tpu.wait_indirect_dma semaphore(%arg12 : memref<!tpu.dma_semaphore, #tpu.memory_space<semaphore_mem>>) src(%dma_wait3A_207 : memref<1000000x64xf32, #tpu.memory_space<hbm>>) dst(%dma_wait3A_201 : memref<128x64xf32, #tpu.memory_space<vmem>>)
      %gt3A_208 = arith.constant 0 : i32
      %gt3A_209 = arith.cmpi sgt, %mul3A_135, %gt3A_208 : i32
      %convert_element_type3A_210 = arith.extui %gt3A_209 : i1 to i32
      %cond3A_211 = arith.constant 0 : i32
      %cond3A_212 = arith.cmpi ne, %convert_element_type3A_210, %cond3A_211 : i32
      scf.if %cond3A_212 {
        %dma_wait3A_654 = arith.constant 0 : i32
        %dma_wait3A_655 = arith.constant 0 : i32
        %dma_wait3A_656 = arith.constant 0 : i32
        %dma_wait3A_657 = arith.constant 0 : i32
        %dma_wait3A_658 = tpu.memref_slice %arg11[%dma_wait3A_655, %dma_wait3A_656, %dma_wait3A_657] : memref<8x8x129xf32, #tpu.memory_space<vmem>> -> memref<8x8x128xf32, #tpu.memory_space<vmem>>
        %dma_wait3A_659 = arith.constant 0 : i32
        %dma_wait3A_660 = arith.constant 0 : i32
        %dma_wait3A_661 = arith.constant 0 : i32
        %dma_wait3A_662 = tpu.memref_slice %arg5[%dma_wait3A_654, %dma_wait3A_659, %add3A, %dma_wait3A_660, %dma_wait3A_661] : memref<200x8x32x8x128xf32, #tpu.memory_space<hbm>> -> memref<1x8x1x8x128xf32, #tpu.memory_space<hbm>>
        %dma_wait3A_663 = tpu.memref_squeeze %dma_wait3A_662 : memref<1x8x1x8x128xf32, #tpu.memory_space<hbm>> -> memref<8x8x128xf32, #tpu.memory_space<hbm>>
        %dma_wait3A_664 = arith.constant 0 : i32
        %dma_wait3A_665 = arith.constant 0 : i32
        %dma_wait3A_666 = arith.constant 0 : i32
        %dma_wait3A_667 = tpu.memref_slice %arg5[%dma_wait3A_654, %dma_wait3A_664, %add3A, %dma_wait3A_665, %dma_wait3A_666] : memref<200x8x32x8x128xf32, #tpu.memory_space<hbm>> -> memref<1x8x1x8x128xf32, #tpu.memory_space<hbm>>
        %dma_wait3A_668 = tpu.memref_squeeze %dma_wait3A_667 : memref<1x8x1x8x128xf32, #tpu.memory_space<hbm>> -> memref<8x8x128xf32, #tpu.memory_space<hbm>>
        %dma_wait3A_669 = arith.constant 0 : i32
        %dma_wait3A_670 = arith.constant 0 : i32
        %dma_wait3A_671 = arith.constant 0 : i32
        %dma_wait3A_672 = tpu.memref_slice %arg11[%dma_wait3A_669, %dma_wait3A_670, %dma_wait3A_671] : memref<8x8x129xf32, #tpu.memory_space<vmem>> -> memref<8x8x128xf32, #tpu.memory_space<vmem>>
        tpu.wait_dma2 semaphore(%arg13 : memref<!tpu.dma_semaphore, #tpu.memory_space<semaphore_mem>>) src(%dma_wait3A_672 : memref<8x8x128xf32, #tpu.memory_space<vmem>>) dst(%dma_wait3A_668 : memref<8x8x128xf32, #tpu.memory_space<hbm>>)
      } else {
      }
      %get3A_213 = arith.index_cast %add3A_197 : i32 to index
      %get3A_214 = arith.constant 0 : index
      %get3A_215 = tpu.vector_load %arg7[%get3A_213, %get3A_214] {strides = array<i32>} : memref<200x64xf32, #tpu.memory_space<vmem>>, vector<16xf32>,
      %get3A_216 = arith.index_cast %add3A_197 : i32 to index
      %get3A_217 = arith.constant 16 : index
      %get3A_218 = tpu.vector_load %arg7[%get3A_216, %get3A_217] {strides = array<i32>} : memref<200x64xf32, #tpu.memory_space<vmem>>, vector<16xf32>,
      %get3A_219 = arith.index_cast %add3A_197 : i32 to index
      %get3A_220 = arith.constant 32 : index
      %get3A_221 = tpu.vector_load %arg7[%get3A_219, %get3A_220] {strides = array<i32>} : memref<200x64xf32, #tpu.memory_space<vmem>>, vector<16xf32>,
      %get3A_222 = arith.index_cast %add3A_197 : i32 to index
      %get3A_223 = arith.constant 48 : index
      %get3A_224 = tpu.vector_load %arg7[%get3A_222, %get3A_223] {strides = array<i32>} : memref<200x64xf32, #tpu.memory_space<vmem>>, vector<16xf32>,
      %scan3A_225 = arith.constant 0 : i32
      %scan3A_226 = arith.constant 0 : i32
      %scan3A_227 = arith.constant 32 : i32
      %scan3A_228 = arith.addi %scan3A_226, %scan3A_227 : i32
      %scan3A_229 = arith.constant 1 : i32
      %scan3A_230 = scf.for %scan3A_654 = %scan3A_226 to %scan3A_228 step %scan3A_229 iter_args(%scan3A_655 = %scan3A_225) -> (i32)  : i32 {
        %mul3A_656 = arith.constant 4 : i32
        %mul3A_657 = arith.muli %mul3A_656, %scan3A_654 : i32
        %add3A_658 = arith.constant 128 : i32
        %add3A_659 = arith.addi %add3A_658, %mul3A_657 : i32
        %iota3A = tpu.iota {dimensions = array<i32: 0>} : vector<16xi32>
        %shift_right_arithmetic3A = arith.constant 3 : i32
        %shift_right_arithmetic3A_660 = vector.broadcast %shift_right_arithmetic3A : i32 to vector<16xi32>
        %shift_right_arithmetic3A_661 = arith.shrsi %iota3A, %shift_right_arithmetic3A_660 : vector<16xi32>
        %add3A_662 = arith.constant 0 : i32
        %add3A_663 = vector.broadcast %add3A_662 : i32 to vector<16xi32>
        %add3A_664 = arith.addi %shift_right_arithmetic3A_661, %add3A_663 : vector<16xi32>
        %shift_right_arithmetic3A_665 = arith.constant 3 : i32
        %shift_right_arithmetic3A_666 = vector.broadcast %shift_right_arithmetic3A_665 : i32 to vector<16xi32>
        %shift_right_arithmetic3A_667 = arith.shrsi %iota3A, %shift_right_arithmetic3A_666 : vector<16xi32>
        %add3A_668 = arith.constant 2 : i32
        %add3A_669 = vector.broadcast %add3A_668 : i32 to vector<16xi32>
        %add3A_670 = arith.addi %shift_right_arithmetic3A_667, %add3A_669 : vector<16xi32>
        %shift_right_arithmetic3A_671 = arith.constant 3 : i32
        %shift_right_arithmetic3A_672 = vector.broadcast %shift_right_arithmetic3A_671 : i32 to vector<16xi32>
        %shift_right_arithmetic3A_673 = arith.shrsi %iota3A, %shift_right_arithmetic3A_672 : vector<16xi32>
        %add3A_674 = arith.constant 4 : i32
        %add3A_675 = vector.broadcast %add3A_674 : i32 to vector<16xi32>
        %add3A_676 = arith.addi %shift_right_arithmetic3A_673, %add3A_675 : vector<16xi32>
        %shift_right_arithmetic3A_677 = arith.constant 3 : i32
        %shift_right_arithmetic3A_678 = vector.broadcast %shift_right_arithmetic3A_677 : i32 to vector<16xi32>
        %shift_right_arithmetic3A_679 = arith.shrsi %iota3A, %shift_right_arithmetic3A_678 : vector<16xi32>
        %add3A_680 = arith.constant 6 : i32
        %add3A_681 = vector.broadcast %add3A_680 : i32 to vector<16xi32>
        %add3A_682 = arith.addi %shift_right_arithmetic3A_679, %add3A_681 : vector<16xi32>
        %and3A = arith.constant 7 : i32
        %and3A_683 = vector.broadcast %and3A : i32 to vector<16xi32>
        %and3A_684 = arith.andi %iota3A, %and3A_683 : vector<16xi32>
        %add3A_685 = arith.constant 0 : i32
        %add3A_686 = arith.addi %add3A_659, %add3A_685 : i32
        %get3A_687 = arith.index_cast %add3A_686 : i32 to index
        %get3A_688 = arith.constant 0 : index
        %get3A_689 = tpu.vector_load %arg8[%get3A_687, %get3A_688] {strides = array<i32>} : memref<512x64xf32, #tpu.memory_space<vmem>>, vector<16xf32>,
        %add3A_690 = arith.constant 0 : i32
        %add3A_691 = arith.addi %add3A_659, %add3A_690 : i32
        %get3A_692 = arith.index_cast %add3A_691 : i32 to index
        %get3A_693 = arith.constant 16 : index
        %get3A_694 = tpu.vector_load %arg8[%get3A_692, %get3A_693] {strides = array<i32>} : memref<512x64xf32, #tpu.memory_space<vmem>>, vector<16xf32>,
        %add3A_695 = arith.constant 0 : i32
        %add3A_696 = arith.addi %add3A_659, %add3A_695 : i32
        %get3A_697 = arith.index_cast %add3A_696 : i32 to index
        %get3A_698 = arith.constant 32 : index
        %get3A_699 = tpu.vector_load %arg8[%get3A_697, %get3A_698] {strides = array<i32>} : memref<512x64xf32, #tpu.memory_space<vmem>>, vector<16xf32>,
        %add3A_700 = arith.constant 0 : i32
        %add3A_701 = arith.addi %add3A_659, %add3A_700 : i32
        %get3A_702 = arith.index_cast %add3A_701 : i32 to index
        %get3A_703 = arith.constant 48 : index
        %get3A_704 = tpu.vector_load %arg8[%get3A_702, %get3A_703] {strides = array<i32>} : memref<512x64xf32, #tpu.memory_space<vmem>>, vector<16xf32>,
        %add3A_705 = arith.constant 1 : i32
        %add3A_706 = arith.addi %add3A_659, %add3A_705 : i32
        %get3A_707 = arith.index_cast %add3A_706 : i32 to index
        %get3A_708 = arith.constant 0 : index
        %get3A_709 = tpu.vector_load %arg8[%get3A_707, %get3A_708] {strides = array<i32>} : memref<512x64xf32, #tpu.memory_space<vmem>>, vector<16xf32>,
        %add3A_710 = arith.constant 1 : i32
        %add3A_711 = arith.addi %add3A_659, %add3A_710 : i32
        %get3A_712 = arith.index_cast %add3A_711 : i32 to index
        %get3A_713 = arith.constant 16 : index
        %get3A_714 = tpu.vector_load %arg8[%get3A_712, %get3A_713] {strides = array<i32>} : memref<512x64xf32, #tpu.memory_space<vmem>>, vector<16xf32>,
        %add3A_715 = arith.constant 1 : i32
        %add3A_716 = arith.addi %add3A_659, %add3A_715 : i32
        %get3A_717 = arith.index_cast %add3A_716 : i32 to index
        %get3A_718 = arith.constant 32 : index
        %get3A_719 = tpu.vector_load %arg8[%get3A_717, %get3A_718] {strides = array<i32>} : memref<512x64xf32, #tpu.memory_space<vmem>>, vector<16xf32>,
        %add3A_720 = arith.constant 1 : i32
        %add3A_721 = arith.addi %add3A_659, %add3A_720 : i32
        %get3A_722 = arith.index_cast %add3A_721 : i32 to index
        %get3A_723 = arith.constant 48 : index
        %get3A_724 = tpu.vector_load %arg8[%get3A_722, %get3A_723] {strides = array<i32>} : memref<512x64xf32, #tpu.memory_space<vmem>>, vector<16xf32>,
        %add3A_725 = arith.constant 2 : i32
        %add3A_726 = arith.addi %add3A_659, %add3A_725 : i32
        %get3A_727 = arith.index_cast %add3A_726 : i32 to index
        %get3A_728 = arith.constant 0 : index
        %get3A_729 = tpu.vector_load %arg8[%get3A_727, %get3A_728] {strides = array<i32>} : memref<512x64xf32, #tpu.memory_space<vmem>>, vector<16xf32>,
        %add3A_730 = arith.constant 2 : i32
        %add3A_731 = arith.addi %add3A_659, %add3A_730 : i32
        %get3A_732 = arith.index_cast %add3A_731 : i32 to index
        %get3A_733 = arith.constant 16 : index
        %get3A_734 = tpu.vector_load %arg8[%get3A_732, %get3A_733] {strides = array<i32>} : memref<512x64xf32, #tpu.memory_space<vmem>>, vector<16xf32>,
        %add3A_735 = arith.constant 2 : i32
        %add3A_736 = arith.addi %add3A_659, %add3A_735 : i32
        %get3A_737 = arith.index_cast %add3A_736 : i32 to index
        %get3A_738 = arith.constant 32 : index
        %get3A_739 = tpu.vector_load %arg8[%get3A_737, %get3A_738] {strides = array<i32>} : memref<512x64xf32, #tpu.memory_space<vmem>>, vector<16xf32>,
        %add3A_740 = arith.constant 2 : i32
        %add3A_741 = arith.addi %add3A_659, %add3A_740 : i32
        %get3A_742 = arith.index_cast %add3A_741 : i32 to index
        %get3A_743 = arith.constant 48 : index
        %get3A_744 = tpu.vector_load %arg8[%get3A_742, %get3A_743] {strides = array<i32>} : memref<512x64xf32, #tpu.memory_space<vmem>>, vector<16xf32>,
        %add3A_745 = arith.constant 3 : i32
        %add3A_746 = arith.addi %add3A_659, %add3A_745 : i32
        %get3A_747 = arith.index_cast %add3A_746 : i32 to index
        %get3A_748 = arith.constant 0 : index
        %get3A_749 = tpu.vector_load %arg8[%get3A_747, %get3A_748] {strides = array<i32>} : memref<512x64xf32, #tpu.memory_space<vmem>>, vector<16xf32>,
        %add3A_750 = arith.constant 3 : i32
        %add3A_751 = arith.addi %add3A_659, %add3A_750 : i32
        %get3A_752 = arith.index_cast %add3A_751 : i32 to index
        %get3A_753 = arith.constant 16 : index
        %get3A_754 = tpu.vector_load %arg8[%get3A_752, %get3A_753] {strides = array<i32>} : memref<512x64xf32, #tpu.memory_space<vmem>>, vector<16xf32>,
        %add3A_755 = arith.constant 3 : i32
        %add3A_756 = arith.addi %add3A_659, %add3A_755 : i32
        %get3A_757 = arith.index_cast %add3A_756 : i32 to index
        %get3A_758 = arith.constant 32 : index
        %get3A_759 = tpu.vector_load %arg8[%get3A_757, %get3A_758] {strides = array<i32>} : memref<512x64xf32, #tpu.memory_space<vmem>>, vector<16xf32>,
        %add3A_760 = arith.constant 3 : i32
        %add3A_761 = arith.addi %add3A_659, %add3A_760 : i32
        %get3A_762 = arith.index_cast %add3A_761 : i32 to index
        %get3A_763 = arith.constant 48 : index
        %get3A_764 = tpu.vector_load %arg8[%get3A_762, %get3A_763] {strides = array<i32>} : memref<512x64xf32, #tpu.memory_space<vmem>>, vector<16xf32>,
        %add3A_765 = arith.addf %get3A_689, %get3A_215 : vector<16xf32>
        %add3A_766 = arith.addf %get3A_694, %get3A_218 : vector<16xf32>
        %add3A_767 = arith.addf %get3A_699, %get3A_221 : vector<16xf32>
        %add3A_768 = arith.addf %get3A_704, %get3A_224 : vector<16xf32>
        %add3A_769 = arith.addf %get3A_709, %get3A_215 : vector<16xf32>
        %add3A_770 = arith.addf %get3A_714, %get3A_218 : vector<16xf32>
        %add3A_771 = arith.addf %get3A_719, %get3A_221 : vector<16xf32>
        %add3A_772 = arith.addf %get3A_724, %get3A_224 : vector<16xf32>
        %add3A_773 = arith.addf %get3A_729, %get3A_215 : vector<16xf32>
        %add3A_774 = arith.addf %get3A_734, %get3A_218 : vector<16xf32>
        %add3A_775 = arith.addf %get3A_739, %get3A_221 : vector<16xf32>
        %add3A_776 = arith.addf %get3A_744, %get3A_224 : vector<16xf32>
        %add3A_777 = arith.addf %get3A_749, %get3A_215 : vector<16xf32>
        %add3A_778 = arith.addf %get3A_754, %get3A_218 : vector<16xf32>
        %add3A_779 = arith.addf %get3A_759, %get3A_221 : vector<16xf32>
        %add3A_780 = arith.addf %get3A_764, %get3A_224 : vector<16xf32>
        %mul3A_781 = arith.constant 0 : i32
        %mul3A_782 = vector.broadcast %mul3A_781 : i32 to vector<16xi32>
        %mul3A_783 = arith.muli %and3A_684, %mul3A_782 : vector<16xi32>
        %sub3A = arith.constant 128 : i32
        %sub3A_784 = arith.subi %add3A_659, %sub3A : i32
        %add3A_785 = arith.constant 0 : i32
        %add3A_786 = arith.addi %sub3A_784, %add3A_785 : i32
        %add3A_787 = vector.broadcast %add3A_786 : i32 to vector<16xi32>
        %add3A_788 = arith.addi %mul3A_783, %add3A_787 : vector<16xi32>
        tpu.vector_store_idx %arg11[%add3A_664, %and3A_684, %add3A_788], %add3A_765 : memref<8x8x129xf32, #tpu.memory_space<vmem>>[vector<16xi32>, vector<16xi32>, vector<16xi32>], vector<16xf32>,
        tpu.vector_store_idx %arg11[%add3A_670, %and3A_684, %add3A_788], %add3A_766 : memref<8x8x129xf32, #tpu.memory_space<vmem>>[vector<16xi32>, vector<16xi32>, vector<16xi32>], vector<16xf32>,
        tpu.vector_store_idx %arg11[%add3A_676, %and3A_684, %add3A_788], %add3A_767 : memref<8x8x129xf32, #tpu.memory_space<vmem>>[vector<16xi32>, vector<16xi32>, vector<16xi32>], vector<16xf32>,
        tpu.vector_store_idx %arg11[%add3A_682, %and3A_684, %add3A_788], %add3A_768 : memref<8x8x129xf32, #tpu.memory_space<vmem>>[vector<16xi32>, vector<16xi32>, vector<16xi32>], vector<16xf32>,
        %mul3A_789 = arith.constant 0 : i32
        %mul3A_790 = vector.broadcast %mul3A_789 : i32 to vector<16xi32>
        %mul3A_791 = arith.muli %and3A_684, %mul3A_790 : vector<16xi32>
        %sub3A_792 = arith.constant 128 : i32
        %sub3A_793 = arith.subi %add3A_659, %sub3A_792 : i32
        %add3A_794 = arith.constant 1 : i32
        %add3A_795 = arith.addi %sub3A_793, %add3A_794 : i32
        %add3A_796 = vector.broadcast %add3A_795 : i32 to vector<16xi32>
        %add3A_797 = arith.addi %mul3A_791, %add3A_796 : vector<16xi32>
        tpu.vector_store_idx %arg11[%add3A_664, %and3A_684, %add3A_797], %add3A_769 : memref<8x8x129xf32, #tpu.memory_space<vmem>>[vector<16xi32>, vector<16xi32>, vector<16xi32>], vector<16xf32>,
        tpu.vector_store_idx %arg11[%add3A_670, %and3A_684, %add3A_797], %add3A_770 : memref<8x8x129xf32, #tpu.memory_space<vmem>>[vector<16xi32>, vector<16xi32>, vector<16xi32>], vector<16xf32>,
        tpu.vector_store_idx %arg11[%add3A_676, %and3A_684, %add3A_797], %add3A_771 : memref<8x8x129xf32, #tpu.memory_space<vmem>>[vector<16xi32>, vector<16xi32>, vector<16xi32>], vector<16xf32>,
        tpu.vector_store_idx %arg11[%add3A_682, %and3A_684, %add3A_797], %add3A_772 : memref<8x8x129xf32, #tpu.memory_space<vmem>>[vector<16xi32>, vector<16xi32>, vector<16xi32>], vector<16xf32>,
        %mul3A_798 = arith.constant 0 : i32
        %mul3A_799 = vector.broadcast %mul3A_798 : i32 to vector<16xi32>
        %mul3A_800 = arith.muli %and3A_684, %mul3A_799 : vector<16xi32>
        %sub3A_801 = arith.constant 128 : i32
        %sub3A_802 = arith.subi %add3A_659, %sub3A_801 : i32
        %add3A_803 = arith.constant 2 : i32
        %add3A_804 = arith.addi %sub3A_802, %add3A_803 : i32
        %add3A_805 = vector.broadcast %add3A_804 : i32 to vector<16xi32>
        %add3A_806 = arith.addi %mul3A_800, %add3A_805 : vector<16xi32>
        tpu.vector_store_idx %arg11[%add3A_664, %and3A_684, %add3A_806], %add3A_773 : memref<8x8x129xf32, #tpu.memory_space<vmem>>[vector<16xi32>, vector<16xi32>, vector<16xi32>], vector<16xf32>,
        tpu.vector_store_idx %arg11[%add3A_670, %and3A_684, %add3A_806], %add3A_774 : memref<8x8x129xf32, #tpu.memory_space<vmem>>[vector<16xi32>, vector<16xi32>, vector<16xi32>], vector<16xf32>,
        tpu.vector_store_idx %arg11[%add3A_676, %and3A_684, %add3A_806], %add3A_775 : memref<8x8x129xf32, #tpu.memory_space<vmem>>[vector<16xi32>, vector<16xi32>, vector<16xi32>], vector<16xf32>,
        tpu.vector_store_idx %arg11[%add3A_682, %and3A_684, %add3A_806], %add3A_776 : memref<8x8x129xf32, #tpu.memory_space<vmem>>[vector<16xi32>, vector<16xi32>, vector<16xi32>], vector<16xf32>,
        %mul3A_807 = arith.constant 0 : i32
        %mul3A_808 = vector.broadcast %mul3A_807 : i32 to vector<16xi32>
        %mul3A_809 = arith.muli %and3A_684, %mul3A_808 : vector<16xi32>
        %sub3A_810 = arith.constant 128 : i32
        %sub3A_811 = arith.subi %add3A_659, %sub3A_810 : i32
        %add3A_812 = arith.constant 3 : i32
        %add3A_813 = arith.addi %sub3A_811, %add3A_812 : i32
        %add3A_814 = vector.broadcast %add3A_813 : i32 to vector<16xi32>
        %add3A_815 = arith.addi %mul3A_809, %add3A_814 : vector<16xi32>
        tpu.vector_store_idx %arg11[%add3A_664, %and3A_684, %add3A_815], %add3A_777 : memref<8x8x129xf32, #tpu.memory_space<vmem>>[vector<16xi32>, vector<16xi32>, vector<16xi32>], vector<16xf32>,
        tpu.vector_store_idx %arg11[%add3A_670, %and3A_684, %add3A_815], %add3A_778 : memref<8x8x129xf32, #tpu.memory_space<vmem>>[vector<16xi32>, vector<16xi32>, vector<16xi32>], vector<16xf32>,
        tpu.vector_store_idx %arg11[%add3A_676, %and3A_684, %add3A_815], %add3A_779 : memref<8x8x129xf32, #tpu.memory_space<vmem>>[vector<16xi32>, vector<16xi32>, vector<16xi32>], vector<16xf32>,
        tpu.vector_store_idx %arg11[%add3A_682, %and3A_684, %add3A_815], %add3A_780 : memref<8x8x129xf32, #tpu.memory_space<vmem>>[vector<16xi32>, vector<16xi32>, vector<16xi32>], vector<16xf32>,
        %scan3A_816 = arith.constant 0 : i32
        scf.yield %scan3A_816 : i32
      }
      %scan3A_231 = arith.constant 32 : i32
      %dma_start3A_232 = arith.constant 0 : i32
      %dma_start3A_233 = arith.constant 0 : i32
      %dma_start3A_234 = arith.constant 0 : i32
      %dma_start3A_235 = tpu.memref_slice %arg11[%dma_start3A_232, %dma_start3A_233, %dma_start3A_234] : memref<8x8x129xf32, #tpu.memory_space<vmem>> -> memref<8x8x128xf32, #tpu.memory_space<vmem>>
      %dma_start3A_236 = arith.constant 0 : i32
      %dma_start3A_237 = arith.constant 0 : i32
      %dma_start3A_238 = arith.constant 0 : i32
      %dma_start3A_239 = tpu.memref_slice %arg5[%add3A_197, %dma_start3A_236, %add3A, %dma_start3A_237, %dma_start3A_238] : memref<200x8x32x8x128xf32, #tpu.memory_space<hbm>> -> memref<1x8x1x8x128xf32, #tpu.memory_space<hbm>>
      %dma_start3A_240 = tpu.memref_squeeze %dma_start3A_239 : memref<1x8x1x8x128xf32, #tpu.memory_space<hbm>> -> memref<8x8x128xf32, #tpu.memory_space<hbm>>
      %dma_start3A_241 = arith.constant 0 : i32
      %dma_start3A_242 = arith.constant 0 : i32
      %dma_start3A_243 = arith.constant 0 : i32
      %dma_start3A_244 = tpu.memref_slice %arg5[%add3A_197, %dma_start3A_241, %add3A, %dma_start3A_242, %dma_start3A_243] : memref<200x8x32x8x128xf32, #tpu.memory_space<hbm>> -> memref<1x8x1x8x128xf32, #tpu.memory_space<hbm>>
      %dma_start3A_245 = tpu.memref_squeeze %dma_start3A_244 : memref<1x8x1x8x128xf32, #tpu.memory_space<hbm>> -> memref<8x8x128xf32, #tpu.memory_space<hbm>>
      %dma_start3A_246 = arith.constant 0 : i32
      %dma_start3A_247 = arith.constant 0 : i32
      %dma_start3A_248 = arith.constant 0 : i32
      %dma_start3A_249 = tpu.memref_slice %arg11[%dma_start3A_246, %dma_start3A_247, %dma_start3A_248] : memref<8x8x129xf32, #tpu.memory_space<vmem>> -> memref<8x8x128xf32, #tpu.memory_space<vmem>>
      tpu.enqueue_dma source(%dma_start3A_249 : memref<8x8x128xf32, #tpu.memory_space<vmem>>) target(%dma_start3A_245 : memref<8x8x128xf32, #tpu.memory_space<hbm>>) target_semaphore(%arg13 : memref<!tpu.dma_semaphore, #tpu.memory_space<semaphore_mem>>)
      %mul3A_250 = arith.constant 4 : i32
      %mul3A_251 = arith.muli %mul3A_250, %mul3A_135 : i32
      %add3A_252 = arith.constant 2 : i32
      %add3A_253 = arith.addi %mul3A_251, %add3A_252 : i32
      %dma_wait3A_254 = arith.constant 0 : i32
      %dma_wait3A_255 = arith.constant 0 : i32
      %dma_wait3A_256 = arith.constant 0 : i32
      %dma_wait3A_257 = tpu.memref_slice %arg8[%dma_wait3A_255, %dma_wait3A_256] : memref<512x64xf32, #tpu.memory_space<vmem>> -> memref<128x64xf32, #tpu.memory_space<vmem>>
      %dma_wait3A_258 = arith.constant 0 : i32
      %dma_wait3A_259 = tpu.memref_slice %arg6[%dma_wait3A_254, %dma_wait3A_258] : memref<25x1024xi32, #tpu.memory_space<vmem>> -> memref<1x128xi32, #tpu.memory_space<vmem>>
      %dma_wait3A_260 = tpu.memref_squeeze %dma_wait3A_259 : memref<1x128xi32, #tpu.memory_space<vmem>> -> memref<128xi32, #tpu.memory_space<vmem>>
      %dma_wait3A_261 = arith.constant 0 : i32
      %dma_wait3A_262 = arith.constant 0 : i32
      %dma_wait3A_263 = tpu.memref_slice %arg3[%dma_wait3A_261, %dma_wait3A_262] : memref<1000000x64xf32, #tpu.memory_space<hbm>> -> memref<1000000x64xf32, #tpu.memory_space<hbm>>
      tpu.wait_indirect_dma semaphore(%arg12 : memref<!tpu.dma_semaphore, #tpu.memory_space<semaphore_mem>>) src(%dma_wait3A_263 : memref<1000000x64xf32, #tpu.memory_space<hbm>>) dst(%dma_wait3A_257 : memref<128x64xf32, #tpu.memory_space<vmem>>)
      %dma_wait3A_264 = arith.constant 0 : i32
      %dma_wait3A_265 = arith.constant 0 : i32
      %dma_wait3A_266 = arith.constant 0 : i32
      %dma_wait3A_267 = arith.constant 0 : i32
      %dma_wait3A_268 = tpu.memref_slice %arg10[%dma_wait3A_265, %dma_wait3A_266, %dma_wait3A_267] : memref<8x8x129xf32, #tpu.memory_space<vmem>> -> memref<8x8x128xf32, #tpu.memory_space<vmem>>
      %dma_wait3A_269 = arith.constant 0 : i32
      %dma_wait3A_270 = arith.constant 0 : i32
      %dma_wait3A_271 = arith.constant 0 : i32
      %dma_wait3A_272 = tpu.memref_slice %arg5[%dma_wait3A_264, %dma_wait3A_269, %add3A, %dma_wait3A_270, %dma_wait3A_271] : memref<200x8x32x8x128xf32, #tpu.memory_space<hbm>> -> memref<1x8x1x8x128xf32, #tpu.memory_space<hbm>>
      %dma_wait3A_273 = tpu.memref_squeeze %dma_wait3A_272 : memref<1x8x1x8x128xf32, #tpu.memory_space<hbm>> -> memref<8x8x128xf32, #tpu.memory_space<hbm>>
      %dma_wait3A_274 = arith.constant 0 : i32
      %dma_wait3A_275 = arith.constant 0 : i32
      %dma_wait3A_276 = arith.constant 0 : i32
      %dma_wait3A_277 = tpu.memref_slice %arg5[%dma_wait3A_264, %dma_wait3A_274, %add3A, %dma_wait3A_275, %dma_wait3A_276] : memref<200x8x32x8x128xf32, #tpu.memory_space<hbm>> -> memref<1x8x1x8x128xf32, #tpu.memory_space<hbm>>
      %dma_wait3A_278 = tpu.memref_squeeze %dma_wait3A_277 : memref<1x8x1x8x128xf32, #tpu.memory_space<hbm>> -> memref<8x8x128xf32, #tpu.memory_space<hbm>>
      %dma_wait3A_279 = arith.constant 0 : i32
      %dma_wait3A_280 = arith.constant 0 : i32
      %dma_wait3A_281 = arith.constant 0 : i32
      %dma_wait3A_282 = tpu.memref_slice %arg10[%dma_wait3A_279, %dma_wait3A_280, %dma_wait3A_281] : memref<8x8x129xf32, #tpu.memory_space<vmem>> -> memref<8x8x128xf32, #tpu.memory_space<vmem>>
      tpu.wait_dma2 semaphore(%arg13 : memref<!tpu.dma_semaphore, #tpu.memory_space<semaphore_mem>>) src(%dma_wait3A_282 : memref<8x8x128xf32, #tpu.memory_space<vmem>>) dst(%dma_wait3A_278 : memref<8x8x128xf32, #tpu.memory_space<hbm>>)
      %get3A_283 = arith.index_cast %add3A_253 : i32 to index
      %get3A_284 = arith.constant 0 : index
      %get3A_285 = tpu.vector_load %arg7[%get3A_283, %get3A_284] {strides = array<i32>} : memref<200x64xf32, #tpu.memory_space<vmem>>, vector<16xf32>,
      %get3A_286 = arith.index_cast %add3A_253 : i32 to index
      %get3A_287 = arith.constant 16 : index
      %get3A_288 = tpu.vector_load %arg7[%get3A_286, %get3A_287] {strides = array<i32>} : memref<200x64xf32, #tpu.memory_space<vmem>>, vector<16xf32>,
      %get3A_289 = arith.index_cast %add3A_253 : i32 to index
      %get3A_290 = arith.constant 32 : index
      %get3A_291 = tpu.vector_load %arg7[%get3A_289, %get3A_290] {strides = array<i32>} : memref<200x64xf32, #tpu.memory_space<vmem>>, vector<16xf32>,
      %get3A_292 = arith.index_cast %add3A_253 : i32 to index
      %get3A_293 = arith.constant 48 : index
      %get3A_294 = tpu.vector_load %arg7[%get3A_292, %get3A_293] {strides = array<i32>} : memref<200x64xf32, #tpu.memory_space<vmem>>, vector<16xf32>,
      %scan3A_295 = arith.constant 0 : i32
      %scan3A_296 = arith.constant 0 : i32
      %scan3A_297 = arith.constant 32 : i32
      %scan3A_298 = arith.addi %scan3A_296, %scan3A_297 : i32
      %scan3A_299 = arith.constant 1 : i32
      %scan3A_300 = scf.for %scan3A_654 = %scan3A_296 to %scan3A_298 step %scan3A_299 iter_args(%scan3A_655 = %scan3A_295) -> (i32)  : i32 {
        %mul3A_656 = arith.constant 4 : i32
        %mul3A_657 = arith.muli %mul3A_656, %scan3A_654 : i32
        %add3A_658 = arith.constant 256 : i32
        %add3A_659 = arith.addi %add3A_658, %mul3A_657 : i32
        %iota3A = tpu.iota {dimensions = array<i32: 0>} : vector<16xi32>
        %shift_right_arithmetic3A = arith.constant 3 : i32
        %shift_right_arithmetic3A_660 = vector.broadcast %shift_right_arithmetic3A : i32 to vector<16xi32>
        %shift_right_arithmetic3A_661 = arith.shrsi %iota3A, %shift_right_arithmetic3A_660 : vector<16xi32>
        %add3A_662 = arith.constant 0 : i32
        %add3A_663 = vector.broadcast %add3A_662 : i32 to vector<16xi32>
        %add3A_664 = arith.addi %shift_right_arithmetic3A_661, %add3A_663 : vector<16xi32>
        %shift_right_arithmetic3A_665 = arith.constant 3 : i32
        %shift_right_arithmetic3A_666 = vector.broadcast %shift_right_arithmetic3A_665 : i32 to vector<16xi32>
        %shift_right_arithmetic3A_667 = arith.shrsi %iota3A, %shift_right_arithmetic3A_666 : vector<16xi32>
        %add3A_668 = arith.constant 2 : i32
        %add3A_669 = vector.broadcast %add3A_668 : i32 to vector<16xi32>
        %add3A_670 = arith.addi %shift_right_arithmetic3A_667, %add3A_669 : vector<16xi32>
        %shift_right_arithmetic3A_671 = arith.constant 3 : i32
        %shift_right_arithmetic3A_672 = vector.broadcast %shift_right_arithmetic3A_671 : i32 to vector<16xi32>
        %shift_right_arithmetic3A_673 = arith.shrsi %iota3A, %shift_right_arithmetic3A_672 : vector<16xi32>
        %add3A_674 = arith.constant 4 : i32
        %add3A_675 = vector.broadcast %add3A_674 : i32 to vector<16xi32>
        %add3A_676 = arith.addi %shift_right_arithmetic3A_673, %add3A_675 : vector<16xi32>
        %shift_right_arithmetic3A_677 = arith.constant 3 : i32
        %shift_right_arithmetic3A_678 = vector.broadcast %shift_right_arithmetic3A_677 : i32 to vector<16xi32>
        %shift_right_arithmetic3A_679 = arith.shrsi %iota3A, %shift_right_arithmetic3A_678 : vector<16xi32>
        %add3A_680 = arith.constant 6 : i32
        %add3A_681 = vector.broadcast %add3A_680 : i32 to vector<16xi32>
        %add3A_682 = arith.addi %shift_right_arithmetic3A_679, %add3A_681 : vector<16xi32>
        %and3A = arith.constant 7 : i32
        %and3A_683 = vector.broadcast %and3A : i32 to vector<16xi32>
        %and3A_684 = arith.andi %iota3A, %and3A_683 : vector<16xi32>
        %add3A_685 = arith.constant 0 : i32
        %add3A_686 = arith.addi %add3A_659, %add3A_685 : i32
        %get3A_687 = arith.index_cast %add3A_686 : i32 to index
        %get3A_688 = arith.constant 0 : index
        %get3A_689 = tpu.vector_load %arg8[%get3A_687, %get3A_688] {strides = array<i32>} : memref<512x64xf32, #tpu.memory_space<vmem>>, vector<16xf32>,
        %add3A_690 = arith.constant 0 : i32
        %add3A_691 = arith.addi %add3A_659, %add3A_690 : i32
        %get3A_692 = arith.index_cast %add3A_691 : i32 to index
        %get3A_693 = arith.constant 16 : index
        %get3A_694 = tpu.vector_load %arg8[%get3A_692, %get3A_693] {strides = array<i32>} : memref<512x64xf32, #tpu.memory_space<vmem>>, vector<16xf32>,
        %add3A_695 = arith.constant 0 : i32
        %add3A_696 = arith.addi %add3A_659, %add3A_695 : i32
        %get3A_697 = arith.index_cast %add3A_696 : i32 to index
        %get3A_698 = arith.constant 32 : index
        %get3A_699 = tpu.vector_load %arg8[%get3A_697, %get3A_698] {strides = array<i32>} : memref<512x64xf32, #tpu.memory_space<vmem>>, vector<16xf32>,
        %add3A_700 = arith.constant 0 : i32
        %add3A_701 = arith.addi %add3A_659, %add3A_700 : i32
        %get3A_702 = arith.index_cast %add3A_701 : i32 to index
        %get3A_703 = arith.constant 48 : index
        %get3A_704 = tpu.vector_load %arg8[%get3A_702, %get3A_703] {strides = array<i32>} : memref<512x64xf32, #tpu.memory_space<vmem>>, vector<16xf32>,
        %add3A_705 = arith.constant 1 : i32
        %add3A_706 = arith.addi %add3A_659, %add3A_705 : i32
        %get3A_707 = arith.index_cast %add3A_706 : i32 to index
        %get3A_708 = arith.constant 0 : index
        %get3A_709 = tpu.vector_load %arg8[%get3A_707, %get3A_708] {strides = array<i32>} : memref<512x64xf32, #tpu.memory_space<vmem>>, vector<16xf32>,
        %add3A_710 = arith.constant 1 : i32
        %add3A_711 = arith.addi %add3A_659, %add3A_710 : i32
        %get3A_712 = arith.index_cast %add3A_711 : i32 to index
        %get3A_713 = arith.constant 16 : index
        %get3A_714 = tpu.vector_load %arg8[%get3A_712, %get3A_713] {strides = array<i32>} : memref<512x64xf32, #tpu.memory_space<vmem>>, vector<16xf32>,
        %add3A_715 = arith.constant 1 : i32
        %add3A_716 = arith.addi %add3A_659, %add3A_715 : i32
        %get3A_717 = arith.index_cast %add3A_716 : i32 to index
        %get3A_718 = arith.constant 32 : index
        %get3A_719 = tpu.vector_load %arg8[%get3A_717, %get3A_718] {strides = array<i32>} : memref<512x64xf32, #tpu.memory_space<vmem>>, vector<16xf32>,
        %add3A_720 = arith.constant 1 : i32
        %add3A_721 = arith.addi %add3A_659, %add3A_720 : i32
        %get3A_722 = arith.index_cast %add3A_721 : i32 to index
        %get3A_723 = arith.constant 48 : index
        %get3A_724 = tpu.vector_load %arg8[%get3A_722, %get3A_723] {strides = array<i32>} : memref<512x64xf32, #tpu.memory_space<vmem>>, vector<16xf32>,
        %add3A_725 = arith.constant 2 : i32
        %add3A_726 = arith.addi %add3A_659, %add3A_725 : i32
        %get3A_727 = arith.index_cast %add3A_726 : i32 to index
        %get3A_728 = arith.constant 0 : index
        %get3A_729 = tpu.vector_load %arg8[%get3A_727, %get3A_728] {strides = array<i32>} : memref<512x64xf32, #tpu.memory_space<vmem>>, vector<16xf32>,
        %add3A_730 = arith.constant 2 : i32
        %add3A_731 = arith.addi %add3A_659, %add3A_730 : i32
        %get3A_732 = arith.index_cast %add3A_731 : i32 to index
        %get3A_733 = arith.constant 16 : index
        %get3A_734 = tpu.vector_load %arg8[%get3A_732, %get3A_733] {strides = array<i32>} : memref<512x64xf32, #tpu.memory_space<vmem>>, vector<16xf32>,
        %add3A_735 = arith.constant 2 : i32
        %add3A_736 = arith.addi %add3A_659, %add3A_735 : i32
        %get3A_737 = arith.index_cast %add3A_736 : i32 to index
        %get3A_738 = arith.constant 32 : index
        %get3A_739 = tpu.vector_load %arg8[%get3A_737, %get3A_738] {strides = array<i32>} : memref<512x64xf32, #tpu.memory_space<vmem>>, vector<16xf32>,
        %add3A_740 = arith.constant 2 : i32
        %add3A_741 = arith.addi %add3A_659, %add3A_740 : i32
        %get3A_742 = arith.index_cast %add3A_741 : i32 to index
        %get3A_743 = arith.constant 48 : index
        %get3A_744 = tpu.vector_load %arg8[%get3A_742, %get3A_743] {strides = array<i32>} : memref<512x64xf32, #tpu.memory_space<vmem>>, vector<16xf32>,
        %add3A_745 = arith.constant 3 : i32
        %add3A_746 = arith.addi %add3A_659, %add3A_745 : i32
        %get3A_747 = arith.index_cast %add3A_746 : i32 to index
        %get3A_748 = arith.constant 0 : index
        %get3A_749 = tpu.vector_load %arg8[%get3A_747, %get3A_748] {strides = array<i32>} : memref<512x64xf32, #tpu.memory_space<vmem>>, vector<16xf32>,
        %add3A_750 = arith.constant 3 : i32
        %add3A_751 = arith.addi %add3A_659, %add3A_750 : i32
        %get3A_752 = arith.index_cast %add3A_751 : i32 to index
        %get3A_753 = arith.constant 16 : index
        %get3A_754 = tpu.vector_load %arg8[%get3A_752, %get3A_753] {strides = array<i32>} : memref<512x64xf32, #tpu.memory_space<vmem>>, vector<16xf32>,
        %add3A_755 = arith.constant 3 : i32
        %add3A_756 = arith.addi %add3A_659, %add3A_755 : i32
        %get3A_757 = arith.index_cast %add3A_756 : i32 to index
        %get3A_758 = arith.constant 32 : index
        %get3A_759 = tpu.vector_load %arg8[%get3A_757, %get3A_758] {strides = array<i32>} : memref<512x64xf32, #tpu.memory_space<vmem>>, vector<16xf32>,
        %add3A_760 = arith.constant 3 : i32
        %add3A_761 = arith.addi %add3A_659, %add3A_760 : i32
        %get3A_762 = arith.index_cast %add3A_761 : i32 to index
        %get3A_763 = arith.constant 48 : index
        %get3A_764 = tpu.vector_load %arg8[%get3A_762, %get3A_763] {strides = array<i32>} : memref<512x64xf32, #tpu.memory_space<vmem>>, vector<16xf32>,
        %add3A_765 = arith.addf %get3A_689, %get3A_285 : vector<16xf32>
        %add3A_766 = arith.addf %get3A_694, %get3A_288 : vector<16xf32>
        %add3A_767 = arith.addf %get3A_699, %get3A_291 : vector<16xf32>
        %add3A_768 = arith.addf %get3A_704, %get3A_294 : vector<16xf32>
        %add3A_769 = arith.addf %get3A_709, %get3A_285 : vector<16xf32>
        %add3A_770 = arith.addf %get3A_714, %get3A_288 : vector<16xf32>
        %add3A_771 = arith.addf %get3A_719, %get3A_291 : vector<16xf32>
        %add3A_772 = arith.addf %get3A_724, %get3A_294 : vector<16xf32>
        %add3A_773 = arith.addf %get3A_729, %get3A_285 : vector<16xf32>
        %add3A_774 = arith.addf %get3A_734, %get3A_288 : vector<16xf32>
        %add3A_775 = arith.addf %get3A_739, %get3A_291 : vector<16xf32>
        %add3A_776 = arith.addf %get3A_744, %get3A_294 : vector<16xf32>
        %add3A_777 = arith.addf %get3A_749, %get3A_285 : vector<16xf32>
        %add3A_778 = arith.addf %get3A_754, %get3A_288 : vector<16xf32>
        %add3A_779 = arith.addf %get3A_759, %get3A_291 : vector<16xf32>
        %add3A_780 = arith.addf %get3A_764, %get3A_294 : vector<16xf32>
        %mul3A_781 = arith.constant 0 : i32
        %mul3A_782 = vector.broadcast %mul3A_781 : i32 to vector<16xi32>
        %mul3A_783 = arith.muli %and3A_684, %mul3A_782 : vector<16xi32>
        %sub3A = arith.constant 256 : i32
        %sub3A_784 = arith.subi %add3A_659, %sub3A : i32
        %add3A_785 = arith.constant 0 : i32
        %add3A_786 = arith.addi %sub3A_784, %add3A_785 : i32
        %add3A_787 = vector.broadcast %add3A_786 : i32 to vector<16xi32>
        %add3A_788 = arith.addi %mul3A_783, %add3A_787 : vector<16xi32>
        tpu.vector_store_idx %arg10[%add3A_664, %and3A_684, %add3A_788], %add3A_765 : memref<8x8x129xf32, #tpu.memory_space<vmem>>[vector<16xi32>, vector<16xi32>, vector<16xi32>], vector<16xf32>,
        tpu.vector_store_idx %arg10[%add3A_670, %and3A_684, %add3A_788], %add3A_766 : memref<8x8x129xf32, #tpu.memory_space<vmem>>[vector<16xi32>, vector<16xi32>, vector<16xi32>], vector<16xf32>,
        tpu.vector_store_idx %arg10[%add3A_676, %and3A_684, %add3A_788], %add3A_767 : memref<8x8x129xf32, #tpu.memory_space<vmem>>[vector<16xi32>, vector<16xi32>, vector<16xi32>], vector<16xf32>,
        tpu.vector_store_idx %arg10[%add3A_682, %and3A_684, %add3A_788], %add3A_768 : memref<8x8x129xf32, #tpu.memory_space<vmem>>[vector<16xi32>, vector<16xi32>, vector<16xi32>], vector<16xf32>,
        %mul3A_789 = arith.constant 0 : i32
        %mul3A_790 = vector.broadcast %mul3A_789 : i32 to vector<16xi32>
        %mul3A_791 = arith.muli %and3A_684, %mul3A_790 : vector<16xi32>
        %sub3A_792 = arith.constant 256 : i32
        %sub3A_793 = arith.subi %add3A_659, %sub3A_792 : i32
        %add3A_794 = arith.constant 1 : i32
        %add3A_795 = arith.addi %sub3A_793, %add3A_794 : i32
        %add3A_796 = vector.broadcast %add3A_795 : i32 to vector<16xi32>
        %add3A_797 = arith.addi %mul3A_791, %add3A_796 : vector<16xi32>
        tpu.vector_store_idx %arg10[%add3A_664, %and3A_684, %add3A_797], %add3A_769 : memref<8x8x129xf32, #tpu.memory_space<vmem>>[vector<16xi32>, vector<16xi32>, vector<16xi32>], vector<16xf32>,
        tpu.vector_store_idx %arg10[%add3A_670, %and3A_684, %add3A_797], %add3A_770 : memref<8x8x129xf32, #tpu.memory_space<vmem>>[vector<16xi32>, vector<16xi32>, vector<16xi32>], vector<16xf32>,
        tpu.vector_store_idx %arg10[%add3A_676, %and3A_684, %add3A_797], %add3A_771 : memref<8x8x129xf32, #tpu.memory_space<vmem>>[vector<16xi32>, vector<16xi32>, vector<16xi32>], vector<16xf32>,
        tpu.vector_store_idx %arg10[%add3A_682, %and3A_684, %add3A_797], %add3A_772 : memref<8x8x129xf32, #tpu.memory_space<vmem>>[vector<16xi32>, vector<16xi32>, vector<16xi32>], vector<16xf32>,
        %mul3A_798 = arith.constant 0 : i32
        %mul3A_799 = vector.broadcast %mul3A_798 : i32 to vector<16xi32>
        %mul3A_800 = arith.muli %and3A_684, %mul3A_799 : vector<16xi32>
        %sub3A_801 = arith.constant 256 : i32
        %sub3A_802 = arith.subi %add3A_659, %sub3A_801 : i32
        %add3A_803 = arith.constant 2 : i32
        %add3A_804 = arith.addi %sub3A_802, %add3A_803 : i32
        %add3A_805 = vector.broadcast %add3A_804 : i32 to vector<16xi32>
        %add3A_806 = arith.addi %mul3A_800, %add3A_805 : vector<16xi32>
        tpu.vector_store_idx %arg10[%add3A_664, %and3A_684, %add3A_806], %add3A_773 : memref<8x8x129xf32, #tpu.memory_space<vmem>>[vector<16xi32>, vector<16xi32>, vector<16xi32>], vector<16xf32>,
        tpu.vector_store_idx %arg10[%add3A_670, %and3A_684, %add3A_806], %add3A_774 : memref<8x8x129xf32, #tpu.memory_space<vmem>>[vector<16xi32>, vector<16xi32>, vector<16xi32>], vector<16xf32>,
        tpu.vector_store_idx %arg10[%add3A_676, %and3A_684, %add3A_806], %add3A_775 : memref<8x8x129xf32, #tpu.memory_space<vmem>>[vector<16xi32>, vector<16xi32>, vector<16xi32>], vector<16xf32>,
        tpu.vector_store_idx %arg10[%add3A_682, %and3A_684, %add3A_806], %add3A_776 : memref<8x8x129xf32, #tpu.memory_space<vmem>>[vector<16xi32>, vector<16xi32>, vector<16xi32>], vector<16xf32>,
        %mul3A_807 = arith.constant 0 : i32
        %mul3A_808 = vector.broadcast %mul3A_807 : i32 to vector<16xi32>
        %mul3A_809 = arith.muli %and3A_684, %mul3A_808 : vector<16xi32>
        %sub3A_810 = arith.constant 256 : i32
        %sub3A_811 = arith.subi %add3A_659, %sub3A_810 : i32
        %add3A_812 = arith.constant 3 : i32
        %add3A_813 = arith.addi %sub3A_811, %add3A_812 : i32
        %add3A_814 = vector.broadcast %add3A_813 : i32 to vector<16xi32>
        %add3A_815 = arith.addi %mul3A_809, %add3A_814 : vector<16xi32>
        tpu.vector_store_idx %arg10[%add3A_664, %and3A_684, %add3A_815], %add3A_777 : memref<8x8x129xf32, #tpu.memory_space<vmem>>[vector<16xi32>, vector<16xi32>, vector<16xi32>], vector<16xf32>,
        tpu.vector_store_idx %arg10[%add3A_670, %and3A_684, %add3A_815], %add3A_778 : memref<8x8x129xf32, #tpu.memory_space<vmem>>[vector<16xi32>, vector<16xi32>, vector<16xi32>], vector<16xf32>,
        tpu.vector_store_idx %arg10[%add3A_676, %and3A_684, %add3A_815], %add3A_779 : memref<8x8x129xf32, #tpu.memory_space<vmem>>[vector<16xi32>, vector<16xi32>, vector<16xi32>], vector<16xf32>,
        tpu.vector_store_idx %arg10[%add3A_682, %and3A_684, %add3A_815], %add3A_780 : memref<8x8x129xf32, #tpu.memory_space<vmem>>[vector<16xi32>, vector<16xi32>, vector<16xi32>], vector<16xf32>,
        %scan3A_816 = arith.constant 0 : i32
        scf.yield %scan3A_816 : i32
      }
      %scan3A_301 = arith.constant 32 : i32
      %dma_start3A_302 = arith.constant 0 : i32
      %dma_start3A_303 = arith.constant 0 : i32
      %dma_start3A_304 = arith.constant 0 : i32
      %dma_start3A_305 = tpu.memref_slice %arg10[%dma_start3A_302, %dma_start3A_303, %dma_start3A_304] : memref<8x8x129xf32, #tpu.memory_space<vmem>> -> memref<8x8x128xf32, #tpu.memory_space<vmem>>
      %dma_start3A_306 = arith.constant 0 : i32
      %dma_start3A_307 = arith.constant 0 : i32
      %dma_start3A_308 = arith.constant 0 : i32
      %dma_start3A_309 = tpu.memref_slice %arg5[%add3A_253, %dma_start3A_306, %add3A, %dma_start3A_307, %dma_start3A_308] : memref<200x8x32x8x128xf32, #tpu.memory_space<hbm>> -> memref<1x8x1x8x128xf32, #tpu.memory_space<hbm>>
      %dma_start3A_310 = tpu.memref_squeeze %dma_start3A_309 : memref<1x8x1x8x128xf32, #tpu.memory_space<hbm>> -> memref<8x8x128xf32, #tpu.memory_space<hbm>>
      %dma_start3A_311 = arith.constant 0 : i32
      %dma_start3A_312 = arith.constant 0 : i32
      %dma_start3A_313 = arith.constant 0 : i32
      %dma_start3A_314 = tpu.memref_slice %arg5[%add3A_253, %dma_start3A_311, %add3A, %dma_start3A_312, %dma_start3A_313] : memref<200x8x32x8x128xf32, #tpu.memory_space<hbm>> -> memref<1x8x1x8x128xf32, #tpu.memory_space<hbm>>
      %dma_start3A_315 = tpu.memref_squeeze %dma_start3A_314 : memref<1x8x1x8x128xf32, #tpu.memory_space<hbm>> -> memref<8x8x128xf32, #tpu.memory_space<hbm>>
      %dma_start3A_316 = arith.constant 0 : i32
      %dma_start3A_317 = arith.constant 0 : i32
      %dma_start3A_318 = arith.constant 0 : i32
      %dma_start3A_319 = tpu.memref_slice %arg10[%dma_start3A_316, %dma_start3A_317, %dma_start3A_318] : memref<8x8x129xf32, #tpu.memory_space<vmem>> -> memref<8x8x128xf32, #tpu.memory_space<vmem>>
      tpu.enqueue_dma source(%dma_start3A_319 : memref<8x8x128xf32, #tpu.memory_space<vmem>>) target(%dma_start3A_315 : memref<8x8x128xf32, #tpu.memory_space<hbm>>) target_semaphore(%arg13 : memref<!tpu.dma_semaphore, #tpu.memory_space<semaphore_mem>>)
      %mul3A_320 = arith.constant 4 : i32
      %mul3A_321 = arith.muli %mul3A_320, %mul3A_135 : i32
      %add3A_322 = arith.constant 3 : i32
      %add3A_323 = arith.addi %mul3A_321, %add3A_322 : i32
      %dma_wait3A_324 = arith.constant 0 : i32
      %dma_wait3A_325 = arith.constant 0 : i32
      %dma_wait3A_326 = arith.constant 0 : i32
      %dma_wait3A_327 = tpu.memref_slice %arg8[%dma_wait3A_325, %dma_wait3A_326] : memref<512x64xf32, #tpu.memory_space<vmem>> -> memref<128x64xf32, #tpu.memory_space<vmem>>
      %dma_wait3A_328 = arith.constant 0 : i32
      %dma_wait3A_329 = tpu.memref_slice %arg6[%dma_wait3A_324, %dma_wait3A_328] : memref<25x1024xi32, #tpu.memory_space<vmem>> -> memref<1x128xi32, #tpu.memory_space<vmem>>
      %dma_wait3A_330 = tpu.memref_squeeze %dma_wait3A_329 : memref<1x128xi32, #tpu.memory_space<vmem>> -> memref<128xi32, #tpu.memory_space<vmem>>
      %dma_wait3A_331 = arith.constant 0 : i32
      %dma_wait3A_332 = arith.constant 0 : i32
      %dma_wait3A_333 = tpu.memref_slice %arg3[%dma_wait3A_331, %dma_wait3A_332] : memref<1000000x64xf32, #tpu.memory_space<hbm>> -> memref<1000000x64xf32, #tpu.memory_space<hbm>>
      tpu.wait_indirect_dma semaphore(%arg12 : memref<!tpu.dma_semaphore, #tpu.memory_space<semaphore_mem>>) src(%dma_wait3A_333 : memref<1000000x64xf32, #tpu.memory_space<hbm>>) dst(%dma_wait3A_327 : memref<128x64xf32, #tpu.memory_space<vmem>>)
      %dma_wait3A_334 = arith.constant 0 : i32
      %dma_wait3A_335 = arith.constant 0 : i32
      %dma_wait3A_336 = arith.constant 0 : i32
      %dma_wait3A_337 = arith.constant 0 : i32
      %dma_wait3A_338 = tpu.memref_slice %arg11[%dma_wait3A_335, %dma_wait3A_336, %dma_wait3A_337] : memref<8x8x129xf32, #tpu.memory_space<vmem>> -> memref<8x8x128xf32, #tpu.memory_space<vmem>>
      %dma_wait3A_339 = arith.constant 0 : i32
      %dma_wait3A_340 = arith.constant 0 : i32
      %dma_wait3A_341 = arith.constant 0 : i32
      %dma_wait3A_342 = tpu.memref_slice %arg5[%dma_wait3A_334, %dma_wait3A_339, %add3A, %dma_wait3A_340, %dma_wait3A_341] : memref<200x8x32x8x128xf32, #tpu.memory_space<hbm>> -> memref<1x8x1x8x128xf32, #tpu.memory_space<hbm>>
      %dma_wait3A_343 = tpu.memref_squeeze %dma_wait3A_342 : memref<1x8x1x8x128xf32, #tpu.memory_space<hbm>> -> memref<8x8x128xf32, #tpu.memory_space<hbm>>
      %dma_wait3A_344 = arith.constant 0 : i32
      %dma_wait3A_345 = arith.constant 0 : i32
      %dma_wait3A_346 = arith.constant 0 : i32
      %dma_wait3A_347 = tpu.memref_slice %arg5[%dma_wait3A_334, %dma_wait3A_344, %add3A, %dma_wait3A_345, %dma_wait3A_346] : memref<200x8x32x8x128xf32, #tpu.memory_space<hbm>> -> memref<1x8x1x8x128xf32, #tpu.memory_space<hbm>>
      %dma_wait3A_348 = tpu.memref_squeeze %dma_wait3A_347 : memref<1x8x1x8x128xf32, #tpu.memory_space<hbm>> -> memref<8x8x128xf32, #tpu.memory_space<hbm>>
      %dma_wait3A_349 = arith.constant 0 : i32
      %dma_wait3A_350 = arith.constant 0 : i32
      %dma_wait3A_351 = arith.constant 0 : i32
      %dma_wait3A_352 = tpu.memref_slice %arg11[%dma_wait3A_349, %dma_wait3A_350, %dma_wait3A_351] : memref<8x8x129xf32, #tpu.memory_space<vmem>> -> memref<8x8x128xf32, #tpu.memory_space<vmem>>
      tpu.wait_dma2 semaphore(%arg13 : memref<!tpu.dma_semaphore, #tpu.memory_space<semaphore_mem>>) src(%dma_wait3A_352 : memref<8x8x128xf32, #tpu.memory_space<vmem>>) dst(%dma_wait3A_348 : memref<8x8x128xf32, #tpu.memory_space<hbm>>)
      %get3A_353 = arith.index_cast %add3A_323 : i32 to index
      %get3A_354 = arith.constant 0 : index
      %get3A_355 = tpu.vector_load %arg7[%get3A_353, %get3A_354] {strides = array<i32>} : memref<200x64xf32, #tpu.memory_space<vmem>>, vector<16xf32>,
      %get3A_356 = arith.index_cast %add3A_323 : i32 to index
      %get3A_357 = arith.constant 16 : index
      %get3A_358 = tpu.vector_load %arg7[%get3A_356, %get3A_357] {strides = array<i32>} : memref<200x64xf32, #tpu.memory_space<vmem>>, vector<16xf32>,
      %get3A_359 = arith.index_cast %add3A_323 : i32 to index
      %get3A_360 = arith.constant 32 : index
      %get3A_361 = tpu.vector_load %arg7[%get3A_359, %get3A_360] {strides = array<i32>} : memref<200x64xf32, #tpu.memory_space<vmem>>, vector<16xf32>,
      %get3A_362 = arith.index_cast %add3A_323 : i32 to index
      %get3A_363 = arith.constant 48 : index
      %get3A_364 = tpu.vector_load %arg7[%get3A_362, %get3A_363] {strides = array<i32>} : memref<200x64xf32, #tpu.memory_space<vmem>>, vector<16xf32>,
      %scan3A_365 = arith.constant 0 : i32
      %scan3A_366 = arith.constant 0 : i32
      %scan3A_367 = arith.constant 32 : i32
      %scan3A_368 = arith.addi %scan3A_366, %scan3A_367 : i32
      %scan3A_369 = arith.constant 1 : i32
      %scan3A_370 = scf.for %scan3A_654 = %scan3A_366 to %scan3A_368 step %scan3A_369 iter_args(%scan3A_655 = %scan3A_365) -> (i32)  : i32 {
        %mul3A_656 = arith.constant 4 : i32
        %mul3A_657 = arith.muli %mul3A_656, %scan3A_654 : i32
        %add3A_658 = arith.constant 384 : i32
        %add3A_659 = arith.addi %add3A_658, %mul3A_657 : i32
        %iota3A = tpu.iota {dimensions = array<i32: 0>} : vector<16xi32>
        %shift_right_arithmetic3A = arith.constant 3 : i32
        %shift_right_arithmetic3A_660 = vector.broadcast %shift_right_arithmetic3A : i32 to vector<16xi32>
        %shift_right_arithmetic3A_661 = arith.shrsi %iota3A, %shift_right_arithmetic3A_660 : vector<16xi32>
        %add3A_662 = arith.constant 0 : i32
        %add3A_663 = vector.broadcast %add3A_662 : i32 to vector<16xi32>
        %add3A_664 = arith.addi %shift_right_arithmetic3A_661, %add3A_663 : vector<16xi32>
        %shift_right_arithmetic3A_665 = arith.constant 3 : i32
        %shift_right_arithmetic3A_666 = vector.broadcast %shift_right_arithmetic3A_665 : i32 to vector<16xi32>
        %shift_right_arithmetic3A_667 = arith.shrsi %iota3A, %shift_right_arithmetic3A_666 : vector<16xi32>
        %add3A_668 = arith.constant 2 : i32
        %add3A_669 = vector.broadcast %add3A_668 : i32 to vector<16xi32>
        %add3A_670 = arith.addi %shift_right_arithmetic3A_667, %add3A_669 : vector<16xi32>
        %shift_right_arithmetic3A_671 = arith.constant 3 : i32
        %shift_right_arithmetic3A_672 = vector.broadcast %shift_right_arithmetic3A_671 : i32 to vector<16xi32>
        %shift_right_arithmetic3A_673 = arith.shrsi %iota3A, %shift_right_arithmetic3A_672 : vector<16xi32>
        %add3A_674 = arith.constant 4 : i32
        %add3A_675 = vector.broadcast %add3A_674 : i32 to vector<16xi32>
        %add3A_676 = arith.addi %shift_right_arithmetic3A_673, %add3A_675 : vector<16xi32>
        %shift_right_arithmetic3A_677 = arith.constant 3 : i32
        %shift_right_arithmetic3A_678 = vector.broadcast %shift_right_arithmetic3A_677 : i32 to vector<16xi32>
        %shift_right_arithmetic3A_679 = arith.shrsi %iota3A, %shift_right_arithmetic3A_678 : vector<16xi32>
        %add3A_680 = arith.constant 6 : i32
        %add3A_681 = vector.broadcast %add3A_680 : i32 to vector<16xi32>
        %add3A_682 = arith.addi %shift_right_arithmetic3A_679, %add3A_681 : vector<16xi32>
        %and3A = arith.constant 7 : i32
        %and3A_683 = vector.broadcast %and3A : i32 to vector<16xi32>
        %and3A_684 = arith.andi %iota3A, %and3A_683 : vector<16xi32>
        %add3A_685 = arith.constant 0 : i32
        %add3A_686 = arith.addi %add3A_659, %add3A_685 : i32
        %get3A_687 = arith.index_cast %add3A_686 : i32 to index
        %get3A_688 = arith.constant 0 : index
        %get3A_689 = tpu.vector_load %arg8[%get3A_687, %get3A_688] {strides = array<i32>} : memref<512x64xf32, #tpu.memory_space<vmem>>, vector<16xf32>,
        %add3A_690 = arith.constant 0 : i32
        %add3A_691 = arith.addi %add3A_659, %add3A_690 : i32
        %get3A_692 = arith.index_cast %add3A_691 : i32 to index
        %get3A_693 = arith.constant 16 : index
        %get3A_694 = tpu.vector_load %arg8[%get3A_692, %get3A_693] {strides = array<i32>} : memref<512x64xf32, #tpu.memory_space<vmem>>, vector<16xf32>,
        %add3A_695 = arith.constant 0 : i32
        %add3A_696 = arith.addi %add3A_659, %add3A_695 : i32
        %get3A_697 = arith.index_cast %add3A_696 : i32 to index
        %get3A_698 = arith.constant 32 : index
        %get3A_699 = tpu.vector_load %arg8[%get3A_697, %get3A_698] {strides = array<i32>} : memref<512x64xf32, #tpu.memory_space<vmem>>, vector<16xf32>,
        %add3A_700 = arith.constant 0 : i32
        %add3A_701 = arith.addi %add3A_659, %add3A_700 : i32
        %get3A_702 = arith.index_cast %add3A_701 : i32 to index
        %get3A_703 = arith.constant 48 : index
        %get3A_704 = tpu.vector_load %arg8[%get3A_702, %get3A_703] {strides = array<i32>} : memref<512x64xf32, #tpu.memory_space<vmem>>, vector<16xf32>,
        %add3A_705 = arith.constant 1 : i32
        %add3A_706 = arith.addi %add3A_659, %add3A_705 : i32
        %get3A_707 = arith.index_cast %add3A_706 : i32 to index
        %get3A_708 = arith.constant 0 : index
        %get3A_709 = tpu.vector_load %arg8[%get3A_707, %get3A_708] {strides = array<i32>} : memref<512x64xf32, #tpu.memory_space<vmem>>, vector<16xf32>,
        %add3A_710 = arith.constant 1 : i32
        %add3A_711 = arith.addi %add3A_659, %add3A_710 : i32
        %get3A_712 = arith.index_cast %add3A_711 : i32 to index
        %get3A_713 = arith.constant 16 : index
        %get3A_714 = tpu.vector_load %arg8[%get3A_712, %get3A_713] {strides = array<i32>} : memref<512x64xf32, #tpu.memory_space<vmem>>, vector<16xf32>,
        %add3A_715 = arith.constant 1 : i32
        %add3A_716 = arith.addi %add3A_659, %add3A_715 : i32
        %get3A_717 = arith.index_cast %add3A_716 : i32 to index
        %get3A_718 = arith.constant 32 : index
        %get3A_719 = tpu.vector_load %arg8[%get3A_717, %get3A_718] {strides = array<i32>} : memref<512x64xf32, #tpu.memory_space<vmem>>, vector<16xf32>,
        %add3A_720 = arith.constant 1 : i32
        %add3A_721 = arith.addi %add3A_659, %add3A_720 : i32
        %get3A_722 = arith.index_cast %add3A_721 : i32 to index
        %get3A_723 = arith.constant 48 : index
        %get3A_724 = tpu.vector_load %arg8[%get3A_722, %get3A_723] {strides = array<i32>} : memref<512x64xf32, #tpu.memory_space<vmem>>, vector<16xf32>,
        %add3A_725 = arith.constant 2 : i32
        %add3A_726 = arith.addi %add3A_659, %add3A_725 : i32
        %get3A_727 = arith.index_cast %add3A_726 : i32 to index
        %get3A_728 = arith.constant 0 : index
        %get3A_729 = tpu.vector_load %arg8[%get3A_727, %get3A_728] {strides = array<i32>} : memref<512x64xf32, #tpu.memory_space<vmem>>, vector<16xf32>,
        %add3A_730 = arith.constant 2 : i32
        %add3A_731 = arith.addi %add3A_659, %add3A_730 : i32
        %get3A_732 = arith.index_cast %add3A_731 : i32 to index
        %get3A_733 = arith.constant 16 : index
        %get3A_734 = tpu.vector_load %arg8[%get3A_732, %get3A_733] {strides = array<i32>} : memref<512x64xf32, #tpu.memory_space<vmem>>, vector<16xf32>,
        %add3A_735 = arith.constant 2 : i32
        %add3A_736 = arith.addi %add3A_659, %add3A_735 : i32
        %get3A_737 = arith.index_cast %add3A_736 : i32 to index
        %get3A_738 = arith.constant 32 : index
        %get3A_739 = tpu.vector_load %arg8[%get3A_737, %get3A_738] {strides = array<i32>} : memref<512x64xf32, #tpu.memory_space<vmem>>, vector<16xf32>,
        %add3A_740 = arith.constant 2 : i32
        %add3A_741 = arith.addi %add3A_659, %add3A_740 : i32
        %get3A_742 = arith.index_cast %add3A_741 : i32 to index
        %get3A_743 = arith.constant 48 : index
        %get3A_744 = tpu.vector_load %arg8[%get3A_742, %get3A_743] {strides = array<i32>} : memref<512x64xf32, #tpu.memory_space<vmem>>, vector<16xf32>,
        %add3A_745 = arith.constant 3 : i32
        %add3A_746 = arith.addi %add3A_659, %add3A_745 : i32
        %get3A_747 = arith.index_cast %add3A_746 : i32 to index
        %get3A_748 = arith.constant 0 : index
        %get3A_749 = tpu.vector_load %arg8[%get3A_747, %get3A_748] {strides = array<i32>} : memref<512x64xf32, #tpu.memory_space<vmem>>, vector<16xf32>,
        %add3A_750 = arith.constant 3 : i32
        %add3A_751 = arith.addi %add3A_659, %add3A_750 : i32
        %get3A_752 = arith.index_cast %add3A_751 : i32 to index
        %get3A_753 = arith.constant 16 : index
        %get3A_754 = tpu.vector_load %arg8[%get3A_752, %get3A_753] {strides = array<i32>} : memref<512x64xf32, #tpu.memory_space<vmem>>, vector<16xf32>,
        %add3A_755 = arith.constant 3 : i32
        %add3A_756 = arith.addi %add3A_659, %add3A_755 : i32
        %get3A_757 = arith.index_cast %add3A_756 : i32 to index
        %get3A_758 = arith.constant 32 : index
        %get3A_759 = tpu.vector_load %arg8[%get3A_757, %get3A_758] {strides = array<i32>} : memref<512x64xf32, #tpu.memory_space<vmem>>, vector<16xf32>,
        %add3A_760 = arith.constant 3 : i32
        %add3A_761 = arith.addi %add3A_659, %add3A_760 : i32
        %get3A_762 = arith.index_cast %add3A_761 : i32 to index
        %get3A_763 = arith.constant 48 : index
        %get3A_764 = tpu.vector_load %arg8[%get3A_762, %get3A_763] {strides = array<i32>} : memref<512x64xf32, #tpu.memory_space<vmem>>, vector<16xf32>,
        %add3A_765 = arith.addf %get3A_689, %get3A_355 : vector<16xf32>
        %add3A_766 = arith.addf %get3A_694, %get3A_358 : vector<16xf32>
        %add3A_767 = arith.addf %get3A_699, %get3A_361 : vector<16xf32>
        %add3A_768 = arith.addf %get3A_704, %get3A_364 : vector<16xf32>
        %add3A_769 = arith.addf %get3A_709, %get3A_355 : vector<16xf32>
        %add3A_770 = arith.addf %get3A_714, %get3A_358 : vector<16xf32>
        %add3A_771 = arith.addf %get3A_719, %get3A_361 : vector<16xf32>
        %add3A_772 = arith.addf %get3A_724, %get3A_364 : vector<16xf32>
        %add3A_773 = arith.addf %get3A_729, %get3A_355 : vector<16xf32>
        %add3A_774 = arith.addf %get3A_734, %get3A_358 : vector<16xf32>
        %add3A_775 = arith.addf %get3A_739, %get3A_361 : vector<16xf32>
        %add3A_776 = arith.addf %get3A_744, %get3A_364 : vector<16xf32>
        %add3A_777 = arith.addf %get3A_749, %get3A_355 : vector<16xf32>
        %add3A_778 = arith.addf %get3A_754, %get3A_358 : vector<16xf32>
        %add3A_779 = arith.addf %get3A_759, %get3A_361 : vector<16xf32>
        %add3A_780 = arith.addf %get3A_764, %get3A_364 : vector<16xf32>
        %mul3A_781 = arith.constant 0 : i32
        %mul3A_782 = vector.broadcast %mul3A_781 : i32 to vector<16xi32>
        %mul3A_783 = arith.muli %and3A_684, %mul3A_782 : vector<16xi32>
        %sub3A = arith.constant 384 : i32
        %sub3A_784 = arith.subi %add3A_659, %sub3A : i32
        %add3A_785 = arith.constant 0 : i32
        %add3A_786 = arith.addi %sub3A_784, %add3A_785 : i32
        %add3A_787 = vector.broadcast %add3A_786 : i32 to vector<16xi32>
        %add3A_788 = arith.addi %mul3A_783, %add3A_787 : vector<16xi32>
        tpu.vector_store_idx %arg11[%add3A_664, %and3A_684, %add3A_788], %add3A_765 : memref<8x8x129xf32, #tpu.memory_space<vmem>>[vector<16xi32>, vector<16xi32>, vector<16xi32>], vector<16xf32>,
        tpu.vector_store_idx %arg11[%add3A_670, %and3A_684, %add3A_788], %add3A_766 : memref<8x8x129xf32, #tpu.memory_space<vmem>>[vector<16xi32>, vector<16xi32>, vector<16xi32>], vector<16xf32>,
        tpu.vector_store_idx %arg11[%add3A_676, %and3A_684, %add3A_788], %add3A_767 : memref<8x8x129xf32, #tpu.memory_space<vmem>>[vector<16xi32>, vector<16xi32>, vector<16xi32>], vector<16xf32>,
        tpu.vector_store_idx %arg11[%add3A_682, %and3A_684, %add3A_788], %add3A_768 : memref<8x8x129xf32, #tpu.memory_space<vmem>>[vector<16xi32>, vector<16xi32>, vector<16xi32>], vector<16xf32>,
        %mul3A_789 = arith.constant 0 : i32
        %mul3A_790 = vector.broadcast %mul3A_789 : i32 to vector<16xi32>
        %mul3A_791 = arith.muli %and3A_684, %mul3A_790 : vector<16xi32>
        %sub3A_792 = arith.constant 384 : i32
        %sub3A_793 = arith.subi %add3A_659, %sub3A_792 : i32
        %add3A_794 = arith.constant 1 : i32
        %add3A_795 = arith.addi %sub3A_793, %add3A_794 : i32
        %add3A_796 = vector.broadcast %add3A_795 : i32 to vector<16xi32>
        %add3A_797 = arith.addi %mul3A_791, %add3A_796 : vector<16xi32>
        tpu.vector_store_idx %arg11[%add3A_664, %and3A_684, %add3A_797], %add3A_769 : memref<8x8x129xf32, #tpu.memory_space<vmem>>[vector<16xi32>, vector<16xi32>, vector<16xi32>], vector<16xf32>,
        tpu.vector_store_idx %arg11[%add3A_670, %and3A_684, %add3A_797], %add3A_770 : memref<8x8x129xf32, #tpu.memory_space<vmem>>[vector<16xi32>, vector<16xi32>, vector<16xi32>], vector<16xf32>,
        tpu.vector_store_idx %arg11[%add3A_676, %and3A_684, %add3A_797], %add3A_771 : memref<8x8x129xf32, #tpu.memory_space<vmem>>[vector<16xi32>, vector<16xi32>, vector<16xi32>], vector<16xf32>,
        tpu.vector_store_idx %arg11[%add3A_682, %and3A_684, %add3A_797], %add3A_772 : memref<8x8x129xf32, #tpu.memory_space<vmem>>[vector<16xi32>, vector<16xi32>, vector<16xi32>], vector<16xf32>,
        %mul3A_798 = arith.constant 0 : i32
        %mul3A_799 = vector.broadcast %mul3A_798 : i32 to vector<16xi32>
        %mul3A_800 = arith.muli %and3A_684, %mul3A_799 : vector<16xi32>
        %sub3A_801 = arith.constant 384 : i32
        %sub3A_802 = arith.subi %add3A_659, %sub3A_801 : i32
        %add3A_803 = arith.constant 2 : i32
        %add3A_804 = arith.addi %sub3A_802, %add3A_803 : i32
        %add3A_805 = vector.broadcast %add3A_804 : i32 to vector<16xi32>
        %add3A_806 = arith.addi %mul3A_800, %add3A_805 : vector<16xi32>
        tpu.vector_store_idx %arg11[%add3A_664, %and3A_684, %add3A_806], %add3A_773 : memref<8x8x129xf32, #tpu.memory_space<vmem>>[vector<16xi32>, vector<16xi32>, vector<16xi32>], vector<16xf32>,
        tpu.vector_store_idx %arg11[%add3A_670, %and3A_684, %add3A_806], %add3A_774 : memref<8x8x129xf32, #tpu.memory_space<vmem>>[vector<16xi32>, vector<16xi32>, vector<16xi32>], vector<16xf32>,
        tpu.vector_store_idx %arg11[%add3A_676, %and3A_684, %add3A_806], %add3A_775 : memref<8x8x129xf32, #tpu.memory_space<vmem>>[vector<16xi32>, vector<16xi32>, vector<16xi32>], vector<16xf32>,
        tpu.vector_store_idx %arg11[%add3A_682, %and3A_684, %add3A_806], %add3A_776 : memref<8x8x129xf32, #tpu.memory_space<vmem>>[vector<16xi32>, vector<16xi32>, vector<16xi32>], vector<16xf32>,
        %mul3A_807 = arith.constant 0 : i32
        %mul3A_808 = vector.broadcast %mul3A_807 : i32 to vector<16xi32>
        %mul3A_809 = arith.muli %and3A_684, %mul3A_808 : vector<16xi32>
        %sub3A_810 = arith.constant 384 : i32
        %sub3A_811 = arith.subi %add3A_659, %sub3A_810 : i32
        %add3A_812 = arith.constant 3 : i32
        %add3A_813 = arith.addi %sub3A_811, %add3A_812 : i32
        %add3A_814 = vector.broadcast %add3A_813 : i32 to vector<16xi32>
        %add3A_815 = arith.addi %mul3A_809, %add3A_814 : vector<16xi32>
        tpu.vector_store_idx %arg11[%add3A_664, %and3A_684, %add3A_815], %add3A_777 : memref<8x8x129xf32, #tpu.memory_space<vmem>>[vector<16xi32>, vector<16xi32>, vector<16xi32>], vector<16xf32>,
        tpu.vector_store_idx %arg11[%add3A_670, %and3A_684, %add3A_815], %add3A_778 : memref<8x8x129xf32, #tpu.memory_space<vmem>>[vector<16xi32>, vector<16xi32>, vector<16xi32>], vector<16xf32>,
        tpu.vector_store_idx %arg11[%add3A_676, %and3A_684, %add3A_815], %add3A_779 : memref<8x8x129xf32, #tpu.memory_space<vmem>>[vector<16xi32>, vector<16xi32>, vector<16xi32>], vector<16xf32>,
        tpu.vector_store_idx %arg11[%add3A_682, %and3A_684, %add3A_815], %add3A_780 : memref<8x8x129xf32, #tpu.memory_space<vmem>>[vector<16xi32>, vector<16xi32>, vector<16xi32>], vector<16xf32>,
        %scan3A_816 = arith.constant 0 : i32
        scf.yield %scan3A_816 : i32
      }
      %scan3A_371 = arith.constant 32 : i32
      %dma_start3A_372 = arith.constant 0 : i32
      %dma_start3A_373 = arith.constant 0 : i32
      %dma_start3A_374 = arith.constant 0 : i32
      %dma_start3A_375 = tpu.memref_slice %arg11[%dma_start3A_372, %dma_start3A_373, %dma_start3A_374] : memref<8x8x129xf32, #tpu.memory_space<vmem>> -> memref<8x8x128xf32, #tpu.memory_space<vmem>>
      %dma_start3A_376 = arith.constant 0 : i32
      %dma_start3A_377 = arith.constant 0 : i32
      %dma_start3A_378 = arith.constant 0 : i32
      %dma_start3A_379 = tpu.memref_slice %arg5[%add3A_323, %dma_start3A_376, %add3A, %dma_start3A_377, %dma_start3A_378] : memref<200x8x32x8x128xf32, #tpu.memory_space<hbm>> -> memref<1x8x1x8x128xf32, #tpu.memory_space<hbm>>
      %dma_start3A_380 = tpu.memref_squeeze %dma_start3A_379 : memref<1x8x1x8x128xf32, #tpu.memory_space<hbm>> -> memref<8x8x128xf32, #tpu.memory_space<hbm>>
      %dma_start3A_381 = arith.constant 0 : i32
      %dma_start3A_382 = arith.constant 0 : i32
      %dma_start3A_383 = arith.constant 0 : i32
      %dma_start3A_384 = tpu.memref_slice %arg5[%add3A_323, %dma_start3A_381, %add3A, %dma_start3A_382, %dma_start3A_383] : memref<200x8x32x8x128xf32, #tpu.memory_space<hbm>> -> memref<1x8x1x8x128xf32, #tpu.memory_space<hbm>>
      %dma_start3A_385 = tpu.memref_squeeze %dma_start3A_384 : memref<1x8x1x8x128xf32, #tpu.memory_space<hbm>> -> memref<8x8x128xf32, #tpu.memory_space<hbm>>
      %dma_start3A_386 = arith.constant 0 : i32
      %dma_start3A_387 = arith.constant 0 : i32
      %dma_start3A_388 = arith.constant 0 : i32
      %dma_start3A_389 = tpu.memref_slice %arg11[%dma_start3A_386, %dma_start3A_387, %dma_start3A_388] : memref<8x8x129xf32, #tpu.memory_space<vmem>> -> memref<8x8x128xf32, #tpu.memory_space<vmem>>
      tpu.enqueue_dma source(%dma_start3A_389 : memref<8x8x128xf32, #tpu.memory_space<vmem>>) target(%dma_start3A_385 : memref<8x8x128xf32, #tpu.memory_space<hbm>>) target_semaphore(%arg13 : memref<!tpu.dma_semaphore, #tpu.memory_space<semaphore_mem>>)
      %mul3A_390 = arith.constant 2 : i32
      %mul3A_391 = arith.muli %mul3A_390, %scan3A_132 : i32
      %add3A_392 = arith.constant 1 : i32
      %add3A_393 = arith.addi %mul3A_391, %add3A_392 : i32
      %mul3A_394 = arith.constant 4 : i32
      %mul3A_395 = arith.muli %mul3A_394, %add3A_393 : i32
      %add3A_396 = arith.constant 0 : i32
      %add3A_397 = arith.addi %mul3A_395, %add3A_396 : i32
      %dma_wait3A_398 = arith.constant 0 : i32
      %dma_wait3A_399 = arith.constant 0 : i32
      %dma_wait3A_400 = arith.constant 0 : i32
      %dma_wait3A_401 = tpu.memref_slice %arg9[%dma_wait3A_399, %dma_wait3A_400] : memref<512x64xf32, #tpu.memory_space<vmem>> -> memref<128x64xf32, #tpu.memory_space<vmem>>
      %dma_wait3A_402 = arith.constant 0 : i32
      %dma_wait3A_403 = tpu.memref_slice %arg6[%dma_wait3A_398, %dma_wait3A_402] : memref<25x1024xi32, #tpu.memory_space<vmem>> -> memref<1x128xi32, #tpu.memory_space<vmem>>
      %dma_wait3A_404 = tpu.memref_squeeze %dma_wait3A_403 : memref<1x128xi32, #tpu.memory_space<vmem>> -> memref<128xi32, #tpu.memory_space<vmem>>
      %dma_wait3A_405 = arith.constant 0 : i32
      %dma_wait3A_406 = arith.constant 0 : i32
      %dma_wait3A_407 = tpu.memref_slice %arg3[%dma_wait3A_405, %dma_wait3A_406] : memref<1000000x64xf32, #tpu.memory_space<hbm>> -> memref<1000000x64xf32, #tpu.memory_space<hbm>>
      tpu.wait_indirect_dma semaphore(%arg12 : memref<!tpu.dma_semaphore, #tpu.memory_space<semaphore_mem>>) src(%dma_wait3A_407 : memref<1000000x64xf32, #tpu.memory_space<hbm>>) dst(%dma_wait3A_401 : memref<128x64xf32, #tpu.memory_space<vmem>>)
      %add3A_408 = arith.constant 1 : i32
      %add3A_409 = arith.addi %add3A_393, %add3A_408 : i32
      %lt3A_410 = arith.constant 50 : i32
      %lt3A_411 = arith.cmpi slt, %add3A_409, %lt3A_410 : i32
      %convert_element_type3A_412 = arith.extui %lt3A_411 : i1 to i32
      %cond3A_413 = arith.constant 0 : i32
      %cond3A_414 = arith.cmpi ne, %convert_element_type3A_412, %cond3A_413 : i32
      scf.if %cond3A_414 {
        %add3A_654 = arith.constant 1 : i32
        %add3A_655 = arith.addi %add3A_393, %add3A_654 : i32
        %jit3A = arith.constant 2 : i32
        %div3A = arith.divsi %add3A_655, %jit3A : i32
        %sign3A = arith.constant 0 : i32
        %sign3A_656 = arith.cmpi sgt, %add3A_655, %sign3A : i32
        %sign3A_657 = arith.extui %sign3A_656 : i1 to i32
        %sign3A_658 = arith.constant 0 : i32
        %sign3A_659 = arith.cmpi slt, %add3A_655, %sign3A_658 : i32
        %sign3A_660 = arith.extui %sign3A_659 : i1 to i32
        %sign3A_661 = arith.subi %sign3A_657, %sign3A_660 : i32
        %sign3A_662 = arith.constant 0 : i32
        %sign3A_663 = arith.cmpi sgt, %jit3A, %sign3A_662 : i32
        %sign3A_664 = arith.extui %sign3A_663 : i1 to i32
        %sign3A_665 = arith.constant 0 : i32
        %sign3A_666 = arith.cmpi slt, %jit3A, %sign3A_665 : i32
        %sign3A_667 = arith.extui %sign3A_666 : i1 to i32
        %sign3A_668 = arith.subi %sign3A_664, %sign3A_667 : i32
        %ne3A = arith.cmpi ne, %sign3A_661, %sign3A_668 : i32
        %rem3A = arith.remsi %add3A_655, %jit3A : i32
        %ne3A_669 = arith.constant 0 : i32
        %ne3A_670 = arith.cmpi ne, %rem3A, %ne3A_669 : i32
        %and3A = arith.andi %ne3A, %ne3A_670 : i1
        %sub3A = arith.constant 1 : i32
        %sub3A_671 = arith.subi %div3A, %sub3A : i32
        %select_n3A = arith.select %and3A, %sub3A_671, %div3A : i32
        %jit3A_672 = arith.constant 2 : i32
        %eq3A = arith.constant 0 : i32
        %eq3A_673 = arith.cmpi eq, %jit3A_672, %eq3A : i32
        %jit3A_674 = arith.constant 1 : i32
        %select_n3A_675 = arith.select %eq3A_673, %jit3A_674, %jit3A_672 : i32
        %rem3A_676 = arith.remsi %add3A_655, %select_n3A_675 : i32
        %ne3A_677 = arith.constant 0 : i32
        %ne3A_678 = arith.cmpi ne, %rem3A_676, %ne3A_677 : i32
        %lt3A_679 = arith.constant 0 : i32
        %lt3A_680 = arith.cmpi slt, %rem3A_676, %lt3A_679 : i32
        %lt3A_681 = arith.constant 0 : i32
        %lt3A_682 = arith.cmpi slt, %select_n3A_675, %lt3A_681 : i32
        %ne3A_683 = arith.xori %lt3A_680, %lt3A_682 : i1
        %and3A_684 = arith.andi %ne3A_683, %ne3A_678 : i1
        %add3A_685 = arith.addi %rem3A_676, %select_n3A_675 : i32
        %select_n3A_686 = arith.select %and3A_684, %add3A_685, %rem3A_676 : i32
        %mul3A_687 = arith.constant 512 : i32
        %mul3A_688 = arith.muli %select_n3A_686, %mul3A_687 : i32
        %add3A_689 = arith.constant 0 : i32
        %add3A_690 = arith.addi %mul3A_688, %add3A_689 : i32
        %dma_start3A_691 = arith.constant 0 : i32
        %dma_start3A_692 = arith.constant 0 : i32
        %dma_start3A_693 = tpu.memref_slice %arg8[%dma_start3A_691, %dma_start3A_692] : memref<512x64xf32, #tpu.memory_space<vmem>> -> memref<128x64xf32, #tpu.memory_space<vmem>>
        %dma_start3A_694 = tpu.memref_slice %arg6[%select_n3A, %add3A_690] : memref<25x1024xi32, #tpu.memory_space<vmem>> -> memref<1x128xi32, #tpu.memory_space<vmem>>
        %dma_start3A_695 = tpu.memref_squeeze %dma_start3A_694 : memref<1x128xi32, #tpu.memory_space<vmem>> -> memref<128xi32, #tpu.memory_space<vmem>>
        %dma_start3A_696 = arith.constant 0 : i32
        %dma_start3A_697 = arith.constant 0 : i32
        %dma_start3A_698 = tpu.memref_slice %arg3[%dma_start3A_696, %dma_start3A_697] : memref<1000000x64xf32, #tpu.memory_space<hbm>> -> memref<1000000x64xf32, #tpu.memory_space<hbm>>
        tpu.enqueue_indirect_dma source(%dma_start3A_698 : memref<1000000x64xf32, #tpu.memory_space<hbm>>) target(%dma_start3A_693 : memref<128x64xf32, #tpu.memory_space<vmem>>) offsets(%dma_start3A_695 : memref<128xi32, #tpu.memory_space<vmem>>) semaphore(%arg12 : memref<!tpu.dma_semaphore, #tpu.memory_space<semaphore_mem>>)
        %jit3A_699 = arith.constant 2 : i32
        %div3A_700 = arith.divsi %add3A_655, %jit3A_699 : i32
        %sign3A_701 = arith.constant 0 : i32
        %sign3A_702 = arith.cmpi sgt, %add3A_655, %sign3A_701 : i32
        %sign3A_703 = arith.extui %sign3A_702 : i1 to i32
        %sign3A_704 = arith.constant 0 : i32
        %sign3A_705 = arith.cmpi slt, %add3A_655, %sign3A_704 : i32
        %sign3A_706 = arith.extui %sign3A_705 : i1 to i32
        %sign3A_707 = arith.subi %sign3A_703, %sign3A_706 : i32
        %sign3A_708 = arith.constant 0 : i32
        %sign3A_709 = arith.cmpi sgt, %jit3A_699, %sign3A_708 : i32
        %sign3A_710 = arith.extui %sign3A_709 : i1 to i32
        %sign3A_711 = arith.constant 0 : i32
        %sign3A_712 = arith.cmpi slt, %jit3A_699, %sign3A_711 : i32
        %sign3A_713 = arith.extui %sign3A_712 : i1 to i32
        %sign3A_714 = arith.subi %sign3A_710, %sign3A_713 : i32
        %ne3A_715 = arith.cmpi ne, %sign3A_707, %sign3A_714 : i32
        %rem3A_716 = arith.remsi %add3A_655, %jit3A_699 : i32
        %ne3A_717 = arith.constant 0 : i32
        %ne3A_718 = arith.cmpi ne, %rem3A_716, %ne3A_717 : i32
        %and3A_719 = arith.andi %ne3A_715, %ne3A_718 : i1
        %sub3A_720 = arith.constant 1 : i32
        %sub3A_721 = arith.subi %div3A_700, %sub3A_720 : i32
        %select_n3A_722 = arith.select %and3A_719, %sub3A_721, %div3A_700 : i32
        %jit3A_723 = arith.constant 2 : i32
        %eq3A_724 = arith.constant 0 : i32
        %eq3A_725 = arith.cmpi eq, %jit3A_723, %eq3A_724 : i32
        %jit3A_726 = arith.constant 1 : i32
        %select_n3A_727 = arith.select %eq3A_725, %jit3A_726, %jit3A_723 : i32
        %rem3A_728 = arith.remsi %add3A_655, %select_n3A_727 : i32
        %ne3A_729 = arith.constant 0 : i32
        %ne3A_730 = arith.cmpi ne, %rem3A_728, %ne3A_729 : i32
        %lt3A_731 = arith.constant 0 : i32
        %lt3A_732 = arith.cmpi slt, %rem3A_728, %lt3A_731 : i32
        %lt3A_733 = arith.constant 0 : i32
        %lt3A_734 = arith.cmpi slt, %select_n3A_727, %lt3A_733 : i32
        %ne3A_735 = arith.xori %lt3A_732, %lt3A_734 : i1
        %and3A_736 = arith.andi %ne3A_735, %ne3A_730 : i1
        %add3A_737 = arith.addi %rem3A_728, %select_n3A_727 : i32
        %select_n3A_738 = arith.select %and3A_736, %add3A_737, %rem3A_728 : i32
        %mul3A_739 = arith.constant 512 : i32
        %mul3A_740 = arith.muli %select_n3A_738, %mul3A_739 : i32
        %add3A_741 = arith.constant 128 : i32
        %add3A_742 = arith.addi %mul3A_740, %add3A_741 : i32
        %dma_start3A_743 = arith.constant 128 : i32
        %dma_start3A_744 = arith.constant 0 : i32
        %dma_start3A_745 = tpu.memref_slice %arg8[%dma_start3A_743, %dma_start3A_744] : memref<512x64xf32, #tpu.memory_space<vmem>> -> memref<128x64xf32, #tpu.memory_space<vmem>>
        %dma_start3A_746 = tpu.memref_slice %arg6[%select_n3A_722, %add3A_742] : memref<25x1024xi32, #tpu.memory_space<vmem>> -> memref<1x128xi32, #tpu.memory_space<vmem>>
        %dma_start3A_747 = tpu.memref_squeeze %dma_start3A_746 : memref<1x128xi32, #tpu.memory_space<vmem>> -> memref<128xi32, #tpu.memory_space<vmem>>
        %dma_start3A_748 = arith.constant 0 : i32
        %dma_start3A_749 = arith.constant 0 : i32
        %dma_start3A_750 = tpu.memref_slice %arg3[%dma_start3A_748, %dma_start3A_749] : memref<1000000x64xf32, #tpu.memory_space<hbm>> -> memref<1000000x64xf32, #tpu.memory_space<hbm>>
        tpu.enqueue_indirect_dma source(%dma_start3A_750 : memref<1000000x64xf32, #tpu.memory_space<hbm>>) target(%dma_start3A_745 : memref<128x64xf32, #tpu.memory_space<vmem>>) offsets(%dma_start3A_747 : memref<128xi32, #tpu.memory_space<vmem>>) semaphore(%arg12 : memref<!tpu.dma_semaphore, #tpu.memory_space<semaphore_mem>>)
        %jit3A_751 = arith.constant 2 : i32
        %div3A_752 = arith.divsi %add3A_655, %jit3A_751 : i32
        %sign3A_753 = arith.constant 0 : i32
        %sign3A_754 = arith.cmpi sgt, %add3A_655, %sign3A_753 : i32
        %sign3A_755 = arith.extui %sign3A_754 : i1 to i32
        %sign3A_756 = arith.constant 0 : i32
        %sign3A_757 = arith.cmpi slt, %add3A_655, %sign3A_756 : i32
        %sign3A_758 = arith.extui %sign3A_757 : i1 to i32
        %sign3A_759 = arith.subi %sign3A_755, %sign3A_758 : i32
        %sign3A_760 = arith.constant 0 : i32
        %sign3A_761 = arith.cmpi sgt, %jit3A_751, %sign3A_760 : i32
        %sign3A_762 = arith.extui %sign3A_761 : i1 to i32
        %sign3A_763 = arith.constant 0 : i32
        %sign3A_764 = arith.cmpi slt, %jit3A_751, %sign3A_763 : i32
        %sign3A_765 = arith.extui %sign3A_764 : i1 to i32
        %sign3A_766 = arith.subi %sign3A_762, %sign3A_765 : i32
        %ne3A_767 = arith.cmpi ne, %sign3A_759, %sign3A_766 : i32
        %rem3A_768 = arith.remsi %add3A_655, %jit3A_751 : i32
        %ne3A_769 = arith.constant 0 : i32
        %ne3A_770 = arith.cmpi ne, %rem3A_768, %ne3A_769 : i32
        %and3A_771 = arith.andi %ne3A_767, %ne3A_770 : i1
        %sub3A_772 = arith.constant 1 : i32
        %sub3A_773 = arith.subi %div3A_752, %sub3A_772 : i32
        %select_n3A_774 = arith.select %and3A_771, %sub3A_773, %div3A_752 : i32
        %jit3A_775 = arith.constant 2 : i32
        %eq3A_776 = arith.constant 0 : i32
        %eq3A_777 = arith.cmpi eq, %jit3A_775, %eq3A_776 : i32
        %jit3A_778 = arith.constant 1 : i32
        %select_n3A_779 = arith.select %eq3A_777, %jit3A_778, %jit3A_775 : i32
        %rem3A_780 = arith.remsi %add3A_655, %select_n3A_779 : i32
        %ne3A_781 = arith.constant 0 : i32
        %ne3A_782 = arith.cmpi ne, %rem3A_780, %ne3A_781 : i32
        %lt3A_783 = arith.constant 0 : i32
        %lt3A_784 = arith.cmpi slt, %rem3A_780, %lt3A_783 : i32
        %lt3A_785 = arith.constant 0 : i32
        %lt3A_786 = arith.cmpi slt, %select_n3A_779, %lt3A_785 : i32
        %ne3A_787 = arith.xori %lt3A_784, %lt3A_786 : i1
        %and3A_788 = arith.andi %ne3A_787, %ne3A_782 : i1
        %add3A_789 = arith.addi %rem3A_780, %select_n3A_779 : i32
        %select_n3A_790 = arith.select %and3A_788, %add3A_789, %rem3A_780 : i32
        %mul3A_791 = arith.constant 512 : i32
        %mul3A_792 = arith.muli %select_n3A_790, %mul3A_791 : i32
        %add3A_793 = arith.constant 256 : i32
        %add3A_794 = arith.addi %mul3A_792, %add3A_793 : i32
        %dma_start3A_795 = arith.constant 256 : i32
        %dma_start3A_796 = arith.constant 0 : i32
        %dma_start3A_797 = tpu.memref_slice %arg8[%dma_start3A_795, %dma_start3A_796] : memref<512x64xf32, #tpu.memory_space<vmem>> -> memref<128x64xf32, #tpu.memory_space<vmem>>
        %dma_start3A_798 = tpu.memref_slice %arg6[%select_n3A_774, %add3A_794] : memref<25x1024xi32, #tpu.memory_space<vmem>> -> memref<1x128xi32, #tpu.memory_space<vmem>>
        %dma_start3A_799 = tpu.memref_squeeze %dma_start3A_798 : memref<1x128xi32, #tpu.memory_space<vmem>> -> memref<128xi32, #tpu.memory_space<vmem>>
        %dma_start3A_800 = arith.constant 0 : i32
        %dma_start3A_801 = arith.constant 0 : i32
        %dma_start3A_802 = tpu.memref_slice %arg3[%dma_start3A_800, %dma_start3A_801] : memref<1000000x64xf32, #tpu.memory_space<hbm>> -> memref<1000000x64xf32, #tpu.memory_space<hbm>>
        tpu.enqueue_indirect_dma source(%dma_start3A_802 : memref<1000000x64xf32, #tpu.memory_space<hbm>>) target(%dma_start3A_797 : memref<128x64xf32, #tpu.memory_space<vmem>>) offsets(%dma_start3A_799 : memref<128xi32, #tpu.memory_space<vmem>>) semaphore(%arg12 : memref<!tpu.dma_semaphore, #tpu.memory_space<semaphore_mem>>)
        %jit3A_803 = arith.constant 2 : i32
        %div3A_804 = arith.divsi %add3A_655, %jit3A_803 : i32
        %sign3A_805 = arith.constant 0 : i32
        %sign3A_806 = arith.cmpi sgt, %add3A_655, %sign3A_805 : i32
        %sign3A_807 = arith.extui %sign3A_806 : i1 to i32
        %sign3A_808 = arith.constant 0 : i32
        %sign3A_809 = arith.cmpi slt, %add3A_655, %sign3A_808 : i32
        %sign3A_810 = arith.extui %sign3A_809 : i1 to i32
        %sign3A_811 = arith.subi %sign3A_807, %sign3A_810 : i32
        %sign3A_812 = arith.constant 0 : i32
        %sign3A_813 = arith.cmpi sgt, %jit3A_803, %sign3A_812 : i32
        %sign3A_814 = arith.extui %sign3A_813 : i1 to i32
        %sign3A_815 = arith.constant 0 : i32
        %sign3A_816 = arith.cmpi slt, %jit3A_803, %sign3A_815 : i32
        %sign3A_817 = arith.extui %sign3A_816 : i1 to i32
        %sign3A_818 = arith.subi %sign3A_814, %sign3A_817 : i32
        %ne3A_819 = arith.cmpi ne, %sign3A_811, %sign3A_818 : i32
        %rem3A_820 = arith.remsi %add3A_655, %jit3A_803 : i32
        %ne3A_821 = arith.constant 0 : i32
        %ne3A_822 = arith.cmpi ne, %rem3A_820, %ne3A_821 : i32
        %and3A_823 = arith.andi %ne3A_819, %ne3A_822 : i1
        %sub3A_824 = arith.constant 1 : i32
        %sub3A_825 = arith.subi %div3A_804, %sub3A_824 : i32
        %select_n3A_826 = arith.select %and3A_823, %sub3A_825, %div3A_804 : i32
        %jit3A_827 = arith.constant 2 : i32
        %eq3A_828 = arith.constant 0 : i32
        %eq3A_829 = arith.cmpi eq, %jit3A_827, %eq3A_828 : i32
        %jit3A_830 = arith.constant 1 : i32
        %select_n3A_831 = arith.select %eq3A_829, %jit3A_830, %jit3A_827 : i32
        %rem3A_832 = arith.remsi %add3A_655, %select_n3A_831 : i32
        %ne3A_833 = arith.constant 0 : i32
        %ne3A_834 = arith.cmpi ne, %rem3A_832, %ne3A_833 : i32
        %lt3A_835 = arith.constant 0 : i32
        %lt3A_836 = arith.cmpi slt, %rem3A_832, %lt3A_835 : i32
        %lt3A_837 = arith.constant 0 : i32
        %lt3A_838 = arith.cmpi slt, %select_n3A_831, %lt3A_837 : i32
        %ne3A_839 = arith.xori %lt3A_836, %lt3A_838 : i1
        %and3A_840 = arith.andi %ne3A_839, %ne3A_834 : i1
        %add3A_841 = arith.addi %rem3A_832, %select_n3A_831 : i32
        %select_n3A_842 = arith.select %and3A_840, %add3A_841, %rem3A_832 : i32
        %mul3A_843 = arith.constant 512 : i32
        %mul3A_844 = arith.muli %select_n3A_842, %mul3A_843 : i32
        %add3A_845 = arith.constant 384 : i32
        %add3A_846 = arith.addi %mul3A_844, %add3A_845 : i32
        %dma_start3A_847 = arith.constant 384 : i32
        %dma_start3A_848 = arith.constant 0 : i32
        %dma_start3A_849 = tpu.memref_slice %arg8[%dma_start3A_847, %dma_start3A_848] : memref<512x64xf32, #tpu.memory_space<vmem>> -> memref<128x64xf32, #tpu.memory_space<vmem>>
        %dma_start3A_850 = tpu.memref_slice %arg6[%select_n3A_826, %add3A_846] : memref<25x1024xi32, #tpu.memory_space<vmem>> -> memref<1x128xi32, #tpu.memory_space<vmem>>
        %dma_start3A_851 = tpu.memref_squeeze %dma_start3A_850 : memref<1x128xi32, #tpu.memory_space<vmem>> -> memref<128xi32, #tpu.memory_space<vmem>>
        %dma_start3A_852 = arith.constant 0 : i32
        %dma_start3A_853 = arith.constant 0 : i32
        %dma_start3A_854 = tpu.memref_slice %arg3[%dma_start3A_852, %dma_start3A_853] : memref<1000000x64xf32, #tpu.memory_space<hbm>> -> memref<1000000x64xf32, #tpu.memory_space<hbm>>
        tpu.enqueue_indirect_dma source(%dma_start3A_854 : memref<1000000x64xf32, #tpu.memory_space<hbm>>) target(%dma_start3A_849 : memref<128x64xf32, #tpu.memory_space<vmem>>) offsets(%dma_start3A_851 : memref<128xi32, #tpu.memory_space<vmem>>) semaphore(%arg12 : memref<!tpu.dma_semaphore, #tpu.memory_space<semaphore_mem>>)
      } else {
      }
      %gt3A_415 = arith.constant 0 : i32
      %gt3A_416 = arith.cmpi sgt, %add3A_393, %gt3A_415 : i32
      %convert_element_type3A_417 = arith.extui %gt3A_416 : i1 to i32
      %cond3A_418 = arith.constant 0 : i32
      %cond3A_419 = arith.cmpi ne, %convert_element_type3A_417, %cond3A_418 : i32
      scf.if %cond3A_419 {
        %dma_wait3A_654 = arith.constant 0 : i32
        %dma_wait3A_655 = arith.constant 0 : i32
        %dma_wait3A_656 = arith.constant 0 : i32
        %dma_wait3A_657 = arith.constant 0 : i32
        %dma_wait3A_658 = tpu.memref_slice %arg10[%dma_wait3A_655, %dma_wait3A_656, %dma_wait3A_657] : memref<8x8x129xf32, #tpu.memory_space<vmem>> -> memref<8x8x128xf32, #tpu.memory_space<vmem>>
        %dma_wait3A_659 = arith.constant 0 : i32
        %dma_wait3A_660 = arith.constant 0 : i32
        %dma_wait3A_661 = arith.constant 0 : i32
        %dma_wait3A_662 = tpu.memref_slice %arg5[%dma_wait3A_654, %dma_wait3A_659, %add3A, %dma_wait3A_660, %dma_wait3A_661] : memref<200x8x32x8x128xf32, #tpu.memory_space<hbm>> -> memref<1x8x1x8x128xf32, #tpu.memory_space<hbm>>
        %dma_wait3A_663 = tpu.memref_squeeze %dma_wait3A_662 : memref<1x8x1x8x128xf32, #tpu.memory_space<hbm>> -> memref<8x8x128xf32, #tpu.memory_space<hbm>>
        %dma_wait3A_664 = arith.constant 0 : i32
        %dma_wait3A_665 = arith.constant 0 : i32
        %dma_wait3A_666 = arith.constant 0 : i32
        %dma_wait3A_667 = tpu.memref_slice %arg5[%dma_wait3A_654, %dma_wait3A_664, %add3A, %dma_wait3A_665, %dma_wait3A_666] : memref<200x8x32x8x128xf32, #tpu.memory_space<hbm>> -> memref<1x8x1x8x128xf32, #tpu.memory_space<hbm>>
        %dma_wait3A_668 = tpu.memref_squeeze %dma_wait3A_667 : memref<1x8x1x8x128xf32, #tpu.memory_space<hbm>> -> memref<8x8x128xf32, #tpu.memory_space<hbm>>
        %dma_wait3A_669 = arith.constant 0 : i32
        %dma_wait3A_670 = arith.constant 0 : i32
        %dma_wait3A_671 = arith.constant 0 : i32
        %dma_wait3A_672 = tpu.memref_slice %arg10[%dma_wait3A_669, %dma_wait3A_670, %dma_wait3A_671] : memref<8x8x129xf32, #tpu.memory_space<vmem>> -> memref<8x8x128xf32, #tpu.memory_space<vmem>>
        tpu.wait_dma2 semaphore(%arg13 : memref<!tpu.dma_semaphore, #tpu.memory_space<semaphore_mem>>) src(%dma_wait3A_672 : memref<8x8x128xf32, #tpu.memory_space<vmem>>) dst(%dma_wait3A_668 : memref<8x8x128xf32, #tpu.memory_space<hbm>>)
      } else {
      }
      %get3A_420 = arith.index_cast %add3A_397 : i32 to index
      %get3A_421 = arith.constant 0 : index
      %get3A_422 = tpu.vector_load %arg7[%get3A_420, %get3A_421] {strides = array<i32>} : memref<200x64xf32, #tpu.memory_space<vmem>>, vector<16xf32>,
      %get3A_423 = arith.index_cast %add3A_397 : i32 to index
      %get3A_424 = arith.constant 16 : index
      %get3A_425 = tpu.vector_load %arg7[%get3A_423, %get3A_424] {strides = array<i32>} : memref<200x64xf32, #tpu.memory_space<vmem>>, vector<16xf32>,
      %get3A_426 = arith.index_cast %add3A_397 : i32 to index
      %get3A_427 = arith.constant 32 : index
      %get3A_428 = tpu.vector_load %arg7[%get3A_426, %get3A_427] {strides = array<i32>} : memref<200x64xf32, #tpu.memory_space<vmem>>, vector<16xf32>,
      %get3A_429 = arith.index_cast %add3A_397 : i32 to index
      %get3A_430 = arith.constant 48 : index
      %get3A_431 = tpu.vector_load %arg7[%get3A_429, %get3A_430] {strides = array<i32>} : memref<200x64xf32, #tpu.memory_space<vmem>>, vector<16xf32>,
      %scan3A_432 = arith.constant 0 : i32
      %scan3A_433 = arith.constant 0 : i32
      %scan3A_434 = arith.constant 32 : i32
      %scan3A_435 = arith.addi %scan3A_433, %scan3A_434 : i32
      %scan3A_436 = arith.constant 1 : i32
      %scan3A_437 = scf.for %scan3A_654 = %scan3A_433 to %scan3A_435 step %scan3A_436 iter_args(%scan3A_655 = %scan3A_432) -> (i32)  : i32 {
        %mul3A_656 = arith.constant 4 : i32
        %mul3A_657 = arith.muli %mul3A_656, %scan3A_654 : i32
        %add3A_658 = arith.constant 0 : i32
        %add3A_659 = arith.addi %add3A_658, %mul3A_657 : i32
        %iota3A = tpu.iota {dimensions = array<i32: 0>} : vector<16xi32>
        %shift_right_arithmetic3A = arith.constant 3 : i32
        %shift_right_arithmetic3A_660 = vector.broadcast %shift_right_arithmetic3A : i32 to vector<16xi32>
        %shift_right_arithmetic3A_661 = arith.shrsi %iota3A, %shift_right_arithmetic3A_660 : vector<16xi32>
        %add3A_662 = arith.constant 0 : i32
        %add3A_663 = vector.broadcast %add3A_662 : i32 to vector<16xi32>
        %add3A_664 = arith.addi %shift_right_arithmetic3A_661, %add3A_663 : vector<16xi32>
        %shift_right_arithmetic3A_665 = arith.constant 3 : i32
        %shift_right_arithmetic3A_666 = vector.broadcast %shift_right_arithmetic3A_665 : i32 to vector<16xi32>
        %shift_right_arithmetic3A_667 = arith.shrsi %iota3A, %shift_right_arithmetic3A_666 : vector<16xi32>
        %add3A_668 = arith.constant 2 : i32
        %add3A_669 = vector.broadcast %add3A_668 : i32 to vector<16xi32>
        %add3A_670 = arith.addi %shift_right_arithmetic3A_667, %add3A_669 : vector<16xi32>
        %shift_right_arithmetic3A_671 = arith.constant 3 : i32
        %shift_right_arithmetic3A_672 = vector.broadcast %shift_right_arithmetic3A_671 : i32 to vector<16xi32>
        %shift_right_arithmetic3A_673 = arith.shrsi %iota3A, %shift_right_arithmetic3A_672 : vector<16xi32>
        %add3A_674 = arith.constant 4 : i32
        %add3A_675 = vector.broadcast %add3A_674 : i32 to vector<16xi32>
        %add3A_676 = arith.addi %shift_right_arithmetic3A_673, %add3A_675 : vector<16xi32>
        %shift_right_arithmetic3A_677 = arith.constant 3 : i32
        %shift_right_arithmetic3A_678 = vector.broadcast %shift_right_arithmetic3A_677 : i32 to vector<16xi32>
        %shift_right_arithmetic3A_679 = arith.shrsi %iota3A, %shift_right_arithmetic3A_678 : vector<16xi32>
        %add3A_680 = arith.constant 6 : i32
        %add3A_681 = vector.broadcast %add3A_680 : i32 to vector<16xi32>
        %add3A_682 = arith.addi %shift_right_arithmetic3A_679, %add3A_681 : vector<16xi32>
        %and3A = arith.constant 7 : i32
        %and3A_683 = vector.broadcast %and3A : i32 to vector<16xi32>
        %and3A_684 = arith.andi %iota3A, %and3A_683 : vector<16xi32>
        %add3A_685 = arith.constant 0 : i32
        %add3A_686 = arith.addi %add3A_659, %add3A_685 : i32
        %get3A_687 = arith.index_cast %add3A_686 : i32 to index
        %get3A_688 = arith.constant 0 : index
        %get3A_689 = tpu.vector_load %arg9[%get3A_687, %get3A_688] {strides = array<i32>} : memref<512x64xf32, #tpu.memory_space<vmem>>, vector<16xf32>,
        %add3A_690 = arith.constant 0 : i32
        %add3A_691 = arith.addi %add3A_659, %add3A_690 : i32
        %get3A_692 = arith.index_cast %add3A_691 : i32 to index
        %get3A_693 = arith.constant 16 : index
        %get3A_694 = tpu.vector_load %arg9[%get3A_692, %get3A_693] {strides = array<i32>} : memref<512x64xf32, #tpu.memory_space<vmem>>, vector<16xf32>,
        %add3A_695 = arith.constant 0 : i32
        %add3A_696 = arith.addi %add3A_659, %add3A_695 : i32
        %get3A_697 = arith.index_cast %add3A_696 : i32 to index
        %get3A_698 = arith.constant 32 : index
        %get3A_699 = tpu.vector_load %arg9[%get3A_697, %get3A_698] {strides = array<i32>} : memref<512x64xf32, #tpu.memory_space<vmem>>, vector<16xf32>,
        %add3A_700 = arith.constant 0 : i32
        %add3A_701 = arith.addi %add3A_659, %add3A_700 : i32
        %get3A_702 = arith.index_cast %add3A_701 : i32 to index
        %get3A_703 = arith.constant 48 : index
        %get3A_704 = tpu.vector_load %arg9[%get3A_702, %get3A_703] {strides = array<i32>} : memref<512x64xf32, #tpu.memory_space<vmem>>, vector<16xf32>,
        %add3A_705 = arith.constant 1 : i32
        %add3A_706 = arith.addi %add3A_659, %add3A_705 : i32
        %get3A_707 = arith.index_cast %add3A_706 : i32 to index
        %get3A_708 = arith.constant 0 : index
        %get3A_709 = tpu.vector_load %arg9[%get3A_707, %get3A_708] {strides = array<i32>} : memref<512x64xf32, #tpu.memory_space<vmem>>, vector<16xf32>,
        %add3A_710 = arith.constant 1 : i32
        %add3A_711 = arith.addi %add3A_659, %add3A_710 : i32
        %get3A_712 = arith.index_cast %add3A_711 : i32 to index
        %get3A_713 = arith.constant 16 : index
        %get3A_714 = tpu.vector_load %arg9[%get3A_712, %get3A_713] {strides = array<i32>} : memref<512x64xf32, #tpu.memory_space<vmem>>, vector<16xf32>,
        %add3A_715 = arith.constant 1 : i32
        %add3A_716 = arith.addi %add3A_659, %add3A_715 : i32
        %get3A_717 = arith.index_cast %add3A_716 : i32 to index
        %get3A_718 = arith.constant 32 : index
        %get3A_719 = tpu.vector_load %arg9[%get3A_717, %get3A_718] {strides = array<i32>} : memref<512x64xf32, #tpu.memory_space<vmem>>, vector<16xf32>,
        %add3A_720 = arith.constant 1 : i32
        %add3A_721 = arith.addi %add3A_659, %add3A_720 : i32
        %get3A_722 = arith.index_cast %add3A_721 : i32 to index
        %get3A_723 = arith.constant 48 : index
        %get3A_724 = tpu.vector_load %arg9[%get3A_722, %get3A_723] {strides = array<i32>} : memref<512x64xf32, #tpu.memory_space<vmem>>, vector<16xf32>,
        %add3A_725 = arith.constant 2 : i32
        %add3A_726 = arith.addi %add3A_659, %add3A_725 : i32
        %get3A_727 = arith.index_cast %add3A_726 : i32 to index
        %get3A_728 = arith.constant 0 : index
        %get3A_729 = tpu.vector_load %arg9[%get3A_727, %get3A_728] {strides = array<i32>} : memref<512x64xf32, #tpu.memory_space<vmem>>, vector<16xf32>,
        %add3A_730 = arith.constant 2 : i32
        %add3A_731 = arith.addi %add3A_659, %add3A_730 : i32
        %get3A_732 = arith.index_cast %add3A_731 : i32 to index
        %get3A_733 = arith.constant 16 : index
        %get3A_734 = tpu.vector_load %arg9[%get3A_732, %get3A_733] {strides = array<i32>} : memref<512x64xf32, #tpu.memory_space<vmem>>, vector<16xf32>,
        %add3A_735 = arith.constant 2 : i32
        %add3A_736 = arith.addi %add3A_659, %add3A_735 : i32
        %get3A_737 = arith.index_cast %add3A_736 : i32 to index
        %get3A_738 = arith.constant 32 : index
        %get3A_739 = tpu.vector_load %arg9[%get3A_737, %get3A_738] {strides = array<i32>} : memref<512x64xf32, #tpu.memory_space<vmem>>, vector<16xf32>,
        %add3A_740 = arith.constant 2 : i32
        %add3A_741 = arith.addi %add3A_659, %add3A_740 : i32
        %get3A_742 = arith.index_cast %add3A_741 : i32 to index
        %get3A_743 = arith.constant 48 : index
        %get3A_744 = tpu.vector_load %arg9[%get3A_742, %get3A_743] {strides = array<i32>} : memref<512x64xf32, #tpu.memory_space<vmem>>, vector<16xf32>,
        %add3A_745 = arith.constant 3 : i32
        %add3A_746 = arith.addi %add3A_659, %add3A_745 : i32
        %get3A_747 = arith.index_cast %add3A_746 : i32 to index
        %get3A_748 = arith.constant 0 : index
        %get3A_749 = tpu.vector_load %arg9[%get3A_747, %get3A_748] {strides = array<i32>} : memref<512x64xf32, #tpu.memory_space<vmem>>, vector<16xf32>,
        %add3A_750 = arith.constant 3 : i32
        %add3A_751 = arith.addi %add3A_659, %add3A_750 : i32
        %get3A_752 = arith.index_cast %add3A_751 : i32 to index
        %get3A_753 = arith.constant 16 : index
        %get3A_754 = tpu.vector_load %arg9[%get3A_752, %get3A_753] {strides = array<i32>} : memref<512x64xf32, #tpu.memory_space<vmem>>, vector<16xf32>,
        %add3A_755 = arith.constant 3 : i32
        %add3A_756 = arith.addi %add3A_659, %add3A_755 : i32
        %get3A_757 = arith.index_cast %add3A_756 : i32 to index
        %get3A_758 = arith.constant 32 : index
        %get3A_759 = tpu.vector_load %arg9[%get3A_757, %get3A_758] {strides = array<i32>} : memref<512x64xf32, #tpu.memory_space<vmem>>, vector<16xf32>,
        %add3A_760 = arith.constant 3 : i32
        %add3A_761 = arith.addi %add3A_659, %add3A_760 : i32
        %get3A_762 = arith.index_cast %add3A_761 : i32 to index
        %get3A_763 = arith.constant 48 : index
        %get3A_764 = tpu.vector_load %arg9[%get3A_762, %get3A_763] {strides = array<i32>} : memref<512x64xf32, #tpu.memory_space<vmem>>, vector<16xf32>,
        %add3A_765 = arith.addf %get3A_689, %get3A_422 : vector<16xf32>
        %add3A_766 = arith.addf %get3A_694, %get3A_425 : vector<16xf32>
        %add3A_767 = arith.addf %get3A_699, %get3A_428 : vector<16xf32>
        %add3A_768 = arith.addf %get3A_704, %get3A_431 : vector<16xf32>
        %add3A_769 = arith.addf %get3A_709, %get3A_422 : vector<16xf32>
        %add3A_770 = arith.addf %get3A_714, %get3A_425 : vector<16xf32>
        %add3A_771 = arith.addf %get3A_719, %get3A_428 : vector<16xf32>
        %add3A_772 = arith.addf %get3A_724, %get3A_431 : vector<16xf32>
        %add3A_773 = arith.addf %get3A_729, %get3A_422 : vector<16xf32>
        %add3A_774 = arith.addf %get3A_734, %get3A_425 : vector<16xf32>
        %add3A_775 = arith.addf %get3A_739, %get3A_428 : vector<16xf32>
        %add3A_776 = arith.addf %get3A_744, %get3A_431 : vector<16xf32>
        %add3A_777 = arith.addf %get3A_749, %get3A_422 : vector<16xf32>
        %add3A_778 = arith.addf %get3A_754, %get3A_425 : vector<16xf32>
        %add3A_779 = arith.addf %get3A_759, %get3A_428 : vector<16xf32>
        %add3A_780 = arith.addf %get3A_764, %get3A_431 : vector<16xf32>
        %mul3A_781 = arith.constant 0 : i32
        %mul3A_782 = vector.broadcast %mul3A_781 : i32 to vector<16xi32>
        %mul3A_783 = arith.muli %and3A_684, %mul3A_782 : vector<16xi32>
        %sub3A = arith.constant 0 : i32
        %sub3A_784 = arith.subi %add3A_659, %sub3A : i32
        %add3A_785 = arith.constant 0 : i32
        %add3A_786 = arith.addi %sub3A_784, %add3A_785 : i32
        %add3A_787 = vector.broadcast %add3A_786 : i32 to vector<16xi32>
        %add3A_788 = arith.addi %mul3A_783, %add3A_787 : vector<16xi32>
        tpu.vector_store_idx %arg10[%add3A_664, %and3A_684, %add3A_788], %add3A_765 : memref<8x8x129xf32, #tpu.memory_space<vmem>>[vector<16xi32>, vector<16xi32>, vector<16xi32>], vector<16xf32>,
        tpu.vector_store_idx %arg10[%add3A_670, %and3A_684, %add3A_788], %add3A_766 : memref<8x8x129xf32, #tpu.memory_space<vmem>>[vector<16xi32>, vector<16xi32>, vector<16xi32>], vector<16xf32>,
        tpu.vector_store_idx %arg10[%add3A_676, %and3A_684, %add3A_788], %add3A_767 : memref<8x8x129xf32, #tpu.memory_space<vmem>>[vector<16xi32>, vector<16xi32>, vector<16xi32>], vector<16xf32>,
        tpu.vector_store_idx %arg10[%add3A_682, %and3A_684, %add3A_788], %add3A_768 : memref<8x8x129xf32, #tpu.memory_space<vmem>>[vector<16xi32>, vector<16xi32>, vector<16xi32>], vector<16xf32>,
        %mul3A_789 = arith.constant 0 : i32
        %mul3A_790 = vector.broadcast %mul3A_789 : i32 to vector<16xi32>
        %mul3A_791 = arith.muli %and3A_684, %mul3A_790 : vector<16xi32>
        %sub3A_792 = arith.constant 0 : i32
        %sub3A_793 = arith.subi %add3A_659, %sub3A_792 : i32
        %add3A_794 = arith.constant 1 : i32
        %add3A_795 = arith.addi %sub3A_793, %add3A_794 : i32
        %add3A_796 = vector.broadcast %add3A_795 : i32 to vector<16xi32>
        %add3A_797 = arith.addi %mul3A_791, %add3A_796 : vector<16xi32>
        tpu.vector_store_idx %arg10[%add3A_664, %and3A_684, %add3A_797], %add3A_769 : memref<8x8x129xf32, #tpu.memory_space<vmem>>[vector<16xi32>, vector<16xi32>, vector<16xi32>], vector<16xf32>,
        tpu.vector_store_idx %arg10[%add3A_670, %and3A_684, %add3A_797], %add3A_770 : memref<8x8x129xf32, #tpu.memory_space<vmem>>[vector<16xi32>, vector<16xi32>, vector<16xi32>], vector<16xf32>,
        tpu.vector_store_idx %arg10[%add3A_676, %and3A_684, %add3A_797], %add3A_771 : memref<8x8x129xf32, #tpu.memory_space<vmem>>[vector<16xi32>, vector<16xi32>, vector<16xi32>], vector<16xf32>,
        tpu.vector_store_idx %arg10[%add3A_682, %and3A_684, %add3A_797], %add3A_772 : memref<8x8x129xf32, #tpu.memory_space<vmem>>[vector<16xi32>, vector<16xi32>, vector<16xi32>], vector<16xf32>,
        %mul3A_798 = arith.constant 0 : i32
        %mul3A_799 = vector.broadcast %mul3A_798 : i32 to vector<16xi32>
        %mul3A_800 = arith.muli %and3A_684, %mul3A_799 : vector<16xi32>
        %sub3A_801 = arith.constant 0 : i32
        %sub3A_802 = arith.subi %add3A_659, %sub3A_801 : i32
        %add3A_803 = arith.constant 2 : i32
        %add3A_804 = arith.addi %sub3A_802, %add3A_803 : i32
        %add3A_805 = vector.broadcast %add3A_804 : i32 to vector<16xi32>
        %add3A_806 = arith.addi %mul3A_800, %add3A_805 : vector<16xi32>
        tpu.vector_store_idx %arg10[%add3A_664, %and3A_684, %add3A_806], %add3A_773 : memref<8x8x129xf32, #tpu.memory_space<vmem>>[vector<16xi32>, vector<16xi32>, vector<16xi32>], vector<16xf32>,
        tpu.vector_store_idx %arg10[%add3A_670, %and3A_684, %add3A_806], %add3A_774 : memref<8x8x129xf32, #tpu.memory_space<vmem>>[vector<16xi32>, vector<16xi32>, vector<16xi32>], vector<16xf32>,
        tpu.vector_store_idx %arg10[%add3A_676, %and3A_684, %add3A_806], %add3A_775 : memref<8x8x129xf32, #tpu.memory_space<vmem>>[vector<16xi32>, vector<16xi32>, vector<16xi32>], vector<16xf32>,
        tpu.vector_store_idx %arg10[%add3A_682, %and3A_684, %add3A_806], %add3A_776 : memref<8x8x129xf32, #tpu.memory_space<vmem>>[vector<16xi32>, vector<16xi32>, vector<16xi32>], vector<16xf32>,
        %mul3A_807 = arith.constant 0 : i32
        %mul3A_808 = vector.broadcast %mul3A_807 : i32 to vector<16xi32>
        %mul3A_809 = arith.muli %and3A_684, %mul3A_808 : vector<16xi32>
        %sub3A_810 = arith.constant 0 : i32
        %sub3A_811 = arith.subi %add3A_659, %sub3A_810 : i32
        %add3A_812 = arith.constant 3 : i32
        %add3A_813 = arith.addi %sub3A_811, %add3A_812 : i32
        %add3A_814 = vector.broadcast %add3A_813 : i32 to vector<16xi32>
        %add3A_815 = arith.addi %mul3A_809, %add3A_814 : vector<16xi32>
        tpu.vector_store_idx %arg10[%add3A_664, %and3A_684, %add3A_815], %add3A_777 : memref<8x8x129xf32, #tpu.memory_space<vmem>>[vector<16xi32>, vector<16xi32>, vector<16xi32>], vector<16xf32>,
        tpu.vector_store_idx %arg10[%add3A_670, %and3A_684, %add3A_815], %add3A_778 : memref<8x8x129xf32, #tpu.memory_space<vmem>>[vector<16xi32>, vector<16xi32>, vector<16xi32>], vector<16xf32>,
        tpu.vector_store_idx %arg10[%add3A_676, %and3A_684, %add3A_815], %add3A_779 : memref<8x8x129xf32, #tpu.memory_space<vmem>>[vector<16xi32>, vector<16xi32>, vector<16xi32>], vector<16xf32>,
        tpu.vector_store_idx %arg10[%add3A_682, %and3A_684, %add3A_815], %add3A_780 : memref<8x8x129xf32, #tpu.memory_space<vmem>>[vector<16xi32>, vector<16xi32>, vector<16xi32>], vector<16xf32>,
        %scan3A_816 = arith.constant 0 : i32
        scf.yield %scan3A_816 : i32
      }
      %scan3A_438 = arith.constant 32 : i32
      %dma_start3A_439 = arith.constant 0 : i32
      %dma_start3A_440 = arith.constant 0 : i32
      %dma_start3A_441 = arith.constant 0 : i32
      %dma_start3A_442 = tpu.memref_slice %arg10[%dma_start3A_439, %dma_start3A_440, %dma_start3A_441] : memref<8x8x129xf32, #tpu.memory_space<vmem>> -> memref<8x8x128xf32, #tpu.memory_space<vmem>>
      %dma_start3A_443 = arith.constant 0 : i32
      %dma_start3A_444 = arith.constant 0 : i32
      %dma_start3A_445 = arith.constant 0 : i32
      %dma_start3A_446 = tpu.memref_slice %arg5[%add3A_397, %dma_start3A_443, %add3A, %dma_start3A_444, %dma_start3A_445] : memref<200x8x32x8x128xf32, #tpu.memory_space<hbm>> -> memref<1x8x1x8x128xf32, #tpu.memory_space<hbm>>
      %dma_start3A_447 = tpu.memref_squeeze %dma_start3A_446 : memref<1x8x1x8x128xf32, #tpu.memory_space<hbm>> -> memref<8x8x128xf32, #tpu.memory_space<hbm>>
      %dma_start3A_448 = arith.constant 0 : i32
      %dma_start3A_449 = arith.constant 0 : i32
      %dma_start3A_450 = arith.constant 0 : i32
      %dma_start3A_451 = tpu.memref_slice %arg5[%add3A_397, %dma_start3A_448, %add3A, %dma_start3A_449, %dma_start3A_450] : memref<200x8x32x8x128xf32, #tpu.memory_space<hbm>> -> memref<1x8x1x8x128xf32, #tpu.memory_space<hbm>>
      %dma_start3A_452 = tpu.memref_squeeze %dma_start3A_451 : memref<1x8x1x8x128xf32, #tpu.memory_space<hbm>> -> memref<8x8x128xf32, #tpu.memory_space<hbm>>
      %dma_start3A_453 = arith.constant 0 : i32
      %dma_start3A_454 = arith.constant 0 : i32
      %dma_start3A_455 = arith.constant 0 : i32
      %dma_start3A_456 = tpu.memref_slice %arg10[%dma_start3A_453, %dma_start3A_454, %dma_start3A_455] : memref<8x8x129xf32, #tpu.memory_space<vmem>> -> memref<8x8x128xf32, #tpu.memory_space<vmem>>
      tpu.enqueue_dma source(%dma_start3A_456 : memref<8x8x128xf32, #tpu.memory_space<vmem>>) target(%dma_start3A_452 : memref<8x8x128xf32, #tpu.memory_space<hbm>>) target_semaphore(%arg13 : memref<!tpu.dma_semaphore, #tpu.memory_space<semaphore_mem>>)
      %mul3A_457 = arith.constant 4 : i32
      %mul3A_458 = arith.muli %mul3A_457, %add3A_393 : i32
      %add3A_459 = arith.constant 1 : i32
      %add3A_460 = arith.addi %mul3A_458, %add3A_459 : i32
      %dma_wait3A_461 = arith.constant 0 : i32
      %dma_wait3A_462 = arith.constant 0 : i32
      %dma_wait3A_463 = arith.constant 0 : i32
      %dma_wait3A_464 = tpu.memref_slice %arg9[%dma_wait3A_462, %dma_wait3A_463] : memref<512x64xf32, #tpu.memory_space<vmem>> -> memref<128x64xf32, #tpu.memory_space<vmem>>
      %dma_wait3A_465 = arith.constant 0 : i32
      %dma_wait3A_466 = tpu.memref_slice %arg6[%dma_wait3A_461, %dma_wait3A_465] : memref<25x1024xi32, #tpu.memory_space<vmem>> -> memref<1x128xi32, #tpu.memory_space<vmem>>
      %dma_wait3A_467 = tpu.memref_squeeze %dma_wait3A_466 : memref<1x128xi32, #tpu.memory_space<vmem>> -> memref<128xi32, #tpu.memory_space<vmem>>
      %dma_wait3A_468 = arith.constant 0 : i32
      %dma_wait3A_469 = arith.constant 0 : i32
      %dma_wait3A_470 = tpu.memref_slice %arg3[%dma_wait3A_468, %dma_wait3A_469] : memref<1000000x64xf32, #tpu.memory_space<hbm>> -> memref<1000000x64xf32, #tpu.memory_space<hbm>>
      tpu.wait_indirect_dma semaphore(%arg12 : memref<!tpu.dma_semaphore, #tpu.memory_space<semaphore_mem>>) src(%dma_wait3A_470 : memref<1000000x64xf32, #tpu.memory_space<hbm>>) dst(%dma_wait3A_464 : memref<128x64xf32, #tpu.memory_space<vmem>>)
      %gt3A_471 = arith.constant 0 : i32
      %gt3A_472 = arith.cmpi sgt, %add3A_393, %gt3A_471 : i32
      %convert_element_type3A_473 = arith.extui %gt3A_472 : i1 to i32
      %cond3A_474 = arith.constant 0 : i32
      %cond3A_475 = arith.cmpi ne, %convert_element_type3A_473, %cond3A_474 : i32
      scf.if %cond3A_475 {
        %dma_wait3A_654 = arith.constant 0 : i32
        %dma_wait3A_655 = arith.constant 0 : i32
        %dma_wait3A_656 = arith.constant 0 : i32
        %dma_wait3A_657 = arith.constant 0 : i32
        %dma_wait3A_658 = tpu.memref_slice %arg11[%dma_wait3A_655, %dma_wait3A_656, %dma_wait3A_657] : memref<8x8x129xf32, #tpu.memory_space<vmem>> -> memref<8x8x128xf32, #tpu.memory_space<vmem>>
        %dma_wait3A_659 = arith.constant 0 : i32
        %dma_wait3A_660 = arith.constant 0 : i32
        %dma_wait3A_661 = arith.constant 0 : i32
        %dma_wait3A_662 = tpu.memref_slice %arg5[%dma_wait3A_654, %dma_wait3A_659, %add3A, %dma_wait3A_660, %dma_wait3A_661] : memref<200x8x32x8x128xf32, #tpu.memory_space<hbm>> -> memref<1x8x1x8x128xf32, #tpu.memory_space<hbm>>
        %dma_wait3A_663 = tpu.memref_squeeze %dma_wait3A_662 : memref<1x8x1x8x128xf32, #tpu.memory_space<hbm>> -> memref<8x8x128xf32, #tpu.memory_space<hbm>>
        %dma_wait3A_664 = arith.constant 0 : i32
        %dma_wait3A_665 = arith.constant 0 : i32
        %dma_wait3A_666 = arith.constant 0 : i32
        %dma_wait3A_667 = tpu.memref_slice %arg5[%dma_wait3A_654, %dma_wait3A_664, %add3A, %dma_wait3A_665, %dma_wait3A_666] : memref<200x8x32x8x128xf32, #tpu.memory_space<hbm>> -> memref<1x8x1x8x128xf32, #tpu.memory_space<hbm>>
        %dma_wait3A_668 = tpu.memref_squeeze %dma_wait3A_667 : memref<1x8x1x8x128xf32, #tpu.memory_space<hbm>> -> memref<8x8x128xf32, #tpu.memory_space<hbm>>
        %dma_wait3A_669 = arith.constant 0 : i32
        %dma_wait3A_670 = arith.constant 0 : i32
        %dma_wait3A_671 = arith.constant 0 : i32
        %dma_wait3A_672 = tpu.memref_slice %arg11[%dma_wait3A_669, %dma_wait3A_670, %dma_wait3A_671] : memref<8x8x129xf32, #tpu.memory_space<vmem>> -> memref<8x8x128xf32, #tpu.memory_space<vmem>>
        tpu.wait_dma2 semaphore(%arg13 : memref<!tpu.dma_semaphore, #tpu.memory_space<semaphore_mem>>) src(%dma_wait3A_672 : memref<8x8x128xf32, #tpu.memory_space<vmem>>) dst(%dma_wait3A_668 : memref<8x8x128xf32, #tpu.memory_space<hbm>>)
      } else {
      }
      %get3A_476 = arith.index_cast %add3A_460 : i32 to index
      %get3A_477 = arith.constant 0 : index
      %get3A_478 = tpu.vector_load %arg7[%get3A_476, %get3A_477] {strides = array<i32>} : memref<200x64xf32, #tpu.memory_space<vmem>>, vector<16xf32>,
      %get3A_479 = arith.index_cast %add3A_460 : i32 to index
      %get3A_480 = arith.constant 16 : index
      %get3A_481 = tpu.vector_load %arg7[%get3A_479, %get3A_480] {strides = array<i32>} : memref<200x64xf32, #tpu.memory_space<vmem>>, vector<16xf32>,
      %get3A_482 = arith.index_cast %add3A_460 : i32 to index
      %get3A_483 = arith.constant 32 : index
      %get3A_484 = tpu.vector_load %arg7[%get3A_482, %get3A_483] {strides = array<i32>} : memref<200x64xf32, #tpu.memory_space<vmem>>, vector<16xf32>,
      %get3A_485 = arith.index_cast %add3A_460 : i32 to index
      %get3A_486 = arith.constant 48 : index
      %get3A_487 = tpu.vector_load %arg7[%get3A_485, %get3A_486] {strides = array<i32>} : memref<200x64xf32, #tpu.memory_space<vmem>>, vector<16xf32>,
      %scan3A_488 = arith.constant 0 : i32
      %scan3A_489 = arith.constant 0 : i32
      %scan3A_490 = arith.constant 32 : i32
      %scan3A_491 = arith.addi %scan3A_489, %scan3A_490 : i32
      %scan3A_492 = arith.constant 1 : i32
      %scan3A_493 = scf.for %scan3A_654 = %scan3A_489 to %scan3A_491 step %scan3A_492 iter_args(%scan3A_655 = %scan3A_488) -> (i32)  : i32 {
        %mul3A_656 = arith.constant 4 : i32
        %mul3A_657 = arith.muli %mul3A_656, %scan3A_654 : i32
        %add3A_658 = arith.constant 128 : i32
        %add3A_659 = arith.addi %add3A_658, %mul3A_657 : i32
        %iota3A = tpu.iota {dimensions = array<i32: 0>} : vector<16xi32>
        %shift_right_arithmetic3A = arith.constant 3 : i32
        %shift_right_arithmetic3A_660 = vector.broadcast %shift_right_arithmetic3A : i32 to vector<16xi32>
        %shift_right_arithmetic3A_661 = arith.shrsi %iota3A, %shift_right_arithmetic3A_660 : vector<16xi32>
        %add3A_662 = arith.constant 0 : i32
        %add3A_663 = vector.broadcast %add3A_662 : i32 to vector<16xi32>
        %add3A_664 = arith.addi %shift_right_arithmetic3A_661, %add3A_663 : vector<16xi32>
        %shift_right_arithmetic3A_665 = arith.constant 3 : i32
        %shift_right_arithmetic3A_666 = vector.broadcast %shift_right_arithmetic3A_665 : i32 to vector<16xi32>
        %shift_right_arithmetic3A_667 = arith.shrsi %iota3A, %shift_right_arithmetic3A_666 : vector<16xi32>
        %add3A_668 = arith.constant 2 : i32
        %add3A_669 = vector.broadcast %add3A_668 : i32 to vector<16xi32>
        %add3A_670 = arith.addi %shift_right_arithmetic3A_667, %add3A_669 : vector<16xi32>
        %shift_right_arithmetic3A_671 = arith.constant 3 : i32
        %shift_right_arithmetic3A_672 = vector.broadcast %shift_right_arithmetic3A_671 : i32 to vector<16xi32>
        %shift_right_arithmetic3A_673 = arith.shrsi %iota3A, %shift_right_arithmetic3A_672 : vector<16xi32>
        %add3A_674 = arith.constant 4 : i32
        %add3A_675 = vector.broadcast %add3A_674 : i32 to vector<16xi32>
        %add3A_676 = arith.addi %shift_right_arithmetic3A_673, %add3A_675 : vector<16xi32>
        %shift_right_arithmetic3A_677 = arith.constant 3 : i32
        %shift_right_arithmetic3A_678 = vector.broadcast %shift_right_arithmetic3A_677 : i32 to vector<16xi32>
        %shift_right_arithmetic3A_679 = arith.shrsi %iota3A, %shift_right_arithmetic3A_678 : vector<16xi32>
        %add3A_680 = arith.constant 6 : i32
        %add3A_681 = vector.broadcast %add3A_680 : i32 to vector<16xi32>
        %add3A_682 = arith.addi %shift_right_arithmetic3A_679, %add3A_681 : vector<16xi32>
        %and3A = arith.constant 7 : i32
        %and3A_683 = vector.broadcast %and3A : i32 to vector<16xi32>
        %and3A_684 = arith.andi %iota3A, %and3A_683 : vector<16xi32>
        %add3A_685 = arith.constant 0 : i32
        %add3A_686 = arith.addi %add3A_659, %add3A_685 : i32
        %get3A_687 = arith.index_cast %add3A_686 : i32 to index
        %get3A_688 = arith.constant 0 : index
        %get3A_689 = tpu.vector_load %arg9[%get3A_687, %get3A_688] {strides = array<i32>} : memref<512x64xf32, #tpu.memory_space<vmem>>, vector<16xf32>,
        %add3A_690 = arith.constant 0 : i32
        %add3A_691 = arith.addi %add3A_659, %add3A_690 : i32
        %get3A_692 = arith.index_cast %add3A_691 : i32 to index
        %get3A_693 = arith.constant 16 : index
        %get3A_694 = tpu.vector_load %arg9[%get3A_692, %get3A_693] {strides = array<i32>} : memref<512x64xf32, #tpu.memory_space<vmem>>, vector<16xf32>,
        %add3A_695 = arith.constant 0 : i32
        %add3A_696 = arith.addi %add3A_659, %add3A_695 : i32
        %get3A_697 = arith.index_cast %add3A_696 : i32 to index
        %get3A_698 = arith.constant 32 : index
        %get3A_699 = tpu.vector_load %arg9[%get3A_697, %get3A_698] {strides = array<i32>} : memref<512x64xf32, #tpu.memory_space<vmem>>, vector<16xf32>,
        %add3A_700 = arith.constant 0 : i32
        %add3A_701 = arith.addi %add3A_659, %add3A_700 : i32
        %get3A_702 = arith.index_cast %add3A_701 : i32 to index
        %get3A_703 = arith.constant 48 : index
        %get3A_704 = tpu.vector_load %arg9[%get3A_702, %get3A_703] {strides = array<i32>} : memref<512x64xf32, #tpu.memory_space<vmem>>, vector<16xf32>,
        %add3A_705 = arith.constant 1 : i32
        %add3A_706 = arith.addi %add3A_659, %add3A_705 : i32
        %get3A_707 = arith.index_cast %add3A_706 : i32 to index
        %get3A_708 = arith.constant 0 : index
        %get3A_709 = tpu.vector_load %arg9[%get3A_707, %get3A_708] {strides = array<i32>} : memref<512x64xf32, #tpu.memory_space<vmem>>, vector<16xf32>,
        %add3A_710 = arith.constant 1 : i32
        %add3A_711 = arith.addi %add3A_659, %add3A_710 : i32
        %get3A_712 = arith.index_cast %add3A_711 : i32 to index
        %get3A_713 = arith.constant 16 : index
        %get3A_714 = tpu.vector_load %arg9[%get3A_712, %get3A_713] {strides = array<i32>} : memref<512x64xf32, #tpu.memory_space<vmem>>, vector<16xf32>,
        %add3A_715 = arith.constant 1 : i32
        %add3A_716 = arith.addi %add3A_659, %add3A_715 : i32
        %get3A_717 = arith.index_cast %add3A_716 : i32 to index
        %get3A_718 = arith.constant 32 : index
        %get3A_719 = tpu.vector_load %arg9[%get3A_717, %get3A_718] {strides = array<i32>} : memref<512x64xf32, #tpu.memory_space<vmem>>, vector<16xf32>,
        %add3A_720 = arith.constant 1 : i32
        %add3A_721 = arith.addi %add3A_659, %add3A_720 : i32
        %get3A_722 = arith.index_cast %add3A_721 : i32 to index
        %get3A_723 = arith.constant 48 : index
        %get3A_724 = tpu.vector_load %arg9[%get3A_722, %get3A_723] {strides = array<i32>} : memref<512x64xf32, #tpu.memory_space<vmem>>, vector<16xf32>,
        %add3A_725 = arith.constant 2 : i32
        %add3A_726 = arith.addi %add3A_659, %add3A_725 : i32
        %get3A_727 = arith.index_cast %add3A_726 : i32 to index
        %get3A_728 = arith.constant 0 : index
        %get3A_729 = tpu.vector_load %arg9[%get3A_727, %get3A_728] {strides = array<i32>} : memref<512x64xf32, #tpu.memory_space<vmem>>, vector<16xf32>,
        %add3A_730 = arith.constant 2 : i32
        %add3A_731 = arith.addi %add3A_659, %add3A_730 : i32
        %get3A_732 = arith.index_cast %add3A_731 : i32 to index
        %get3A_733 = arith.constant 16 : index
        %get3A_734 = tpu.vector_load %arg9[%get3A_732, %get3A_733] {strides = array<i32>} : memref<512x64xf32, #tpu.memory_space<vmem>>, vector<16xf32>,
        %add3A_735 = arith.constant 2 : i32
        %add3A_736 = arith.addi %add3A_659, %add3A_735 : i32
        %get3A_737 = arith.index_cast %add3A_736 : i32 to index
        %get3A_738 = arith.constant 32 : index
        %get3A_739 = tpu.vector_load %arg9[%get3A_737, %get3A_738] {strides = array<i32>} : memref<512x64xf32, #tpu.memory_space<vmem>>, vector<16xf32>,
        %add3A_740 = arith.constant 2 : i32
        %add3A_741 = arith.addi %add3A_659, %add3A_740 : i32
        %get3A_742 = arith.index_cast %add3A_741 : i32 to index
        %get3A_743 = arith.constant 48 : index
        %get3A_744 = tpu.vector_load %arg9[%get3A_742, %get3A_743] {strides = array<i32>} : memref<512x64xf32, #tpu.memory_space<vmem>>, vector<16xf32>,
        %add3A_745 = arith.constant 3 : i32
        %add3A_746 = arith.addi %add3A_659, %add3A_745 : i32
        %get3A_747 = arith.index_cast %add3A_746 : i32 to index
        %get3A_748 = arith.constant 0 : index
        %get3A_749 = tpu.vector_load %arg9[%get3A_747, %get3A_748] {strides = array<i32>} : memref<512x64xf32, #tpu.memory_space<vmem>>, vector<16xf32>,
        %add3A_750 = arith.constant 3 : i32
        %add3A_751 = arith.addi %add3A_659, %add3A_750 : i32
        %get3A_752 = arith.index_cast %add3A_751 : i32 to index
        %get3A_753 = arith.constant 16 : index
        %get3A_754 = tpu.vector_load %arg9[%get3A_752, %get3A_753] {strides = array<i32>} : memref<512x64xf32, #tpu.memory_space<vmem>>, vector<16xf32>,
        %add3A_755 = arith.constant 3 : i32
        %add3A_756 = arith.addi %add3A_659, %add3A_755 : i32
        %get3A_757 = arith.index_cast %add3A_756 : i32 to index
        %get3A_758 = arith.constant 32 : index
        %get3A_759 = tpu.vector_load %arg9[%get3A_757, %get3A_758] {strides = array<i32>} : memref<512x64xf32, #tpu.memory_space<vmem>>, vector<16xf32>,
        %add3A_760 = arith.constant 3 : i32
        %add3A_761 = arith.addi %add3A_659, %add3A_760 : i32
        %get3A_762 = arith.index_cast %add3A_761 : i32 to index
        %get3A_763 = arith.constant 48 : index
        %get3A_764 = tpu.vector_load %arg9[%get3A_762, %get3A_763] {strides = array<i32>} : memref<512x64xf32, #tpu.memory_space<vmem>>, vector<16xf32>,
        %add3A_765 = arith.addf %get3A_689, %get3A_478 : vector<16xf32>
        %add3A_766 = arith.addf %get3A_694, %get3A_481 : vector<16xf32>
        %add3A_767 = arith.addf %get3A_699, %get3A_484 : vector<16xf32>
        %add3A_768 = arith.addf %get3A_704, %get3A_487 : vector<16xf32>
        %add3A_769 = arith.addf %get3A_709, %get3A_478 : vector<16xf32>
        %add3A_770 = arith.addf %get3A_714, %get3A_481 : vector<16xf32>
        %add3A_771 = arith.addf %get3A_719, %get3A_484 : vector<16xf32>
        %add3A_772 = arith.addf %get3A_724, %get3A_487 : vector<16xf32>
        %add3A_773 = arith.addf %get3A_729, %get3A_478 : vector<16xf32>
        %add3A_774 = arith.addf %get3A_734, %get3A_481 : vector<16xf32>
        %add3A_775 = arith.addf %get3A_739, %get3A_484 : vector<16xf32>
        %add3A_776 = arith.addf %get3A_744, %get3A_487 : vector<16xf32>
        %add3A_777 = arith.addf %get3A_749, %get3A_478 : vector<16xf32>
        %add3A_778 = arith.addf %get3A_754, %get3A_481 : vector<16xf32>
        %add3A_779 = arith.addf %get3A_759, %get3A_484 : vector<16xf32>
        %add3A_780 = arith.addf %get3A_764, %get3A_487 : vector<16xf32>
        %mul3A_781 = arith.constant 0 : i32
        %mul3A_782 = vector.broadcast %mul3A_781 : i32 to vector<16xi32>
        %mul3A_783 = arith.muli %and3A_684, %mul3A_782 : vector<16xi32>
        %sub3A = arith.constant 128 : i32
        %sub3A_784 = arith.subi %add3A_659, %sub3A : i32
        %add3A_785 = arith.constant 0 : i32
        %add3A_786 = arith.addi %sub3A_784, %add3A_785 : i32
        %add3A_787 = vector.broadcast %add3A_786 : i32 to vector<16xi32>
        %add3A_788 = arith.addi %mul3A_783, %add3A_787 : vector<16xi32>
        tpu.vector_store_idx %arg11[%add3A_664, %and3A_684, %add3A_788], %add3A_765 : memref<8x8x129xf32, #tpu.memory_space<vmem>>[vector<16xi32>, vector<16xi32>, vector<16xi32>], vector<16xf32>,
        tpu.vector_store_idx %arg11[%add3A_670, %and3A_684, %add3A_788], %add3A_766 : memref<8x8x129xf32, #tpu.memory_space<vmem>>[vector<16xi32>, vector<16xi32>, vector<16xi32>], vector<16xf32>,
        tpu.vector_store_idx %arg11[%add3A_676, %and3A_684, %add3A_788], %add3A_767 : memref<8x8x129xf32, #tpu.memory_space<vmem>>[vector<16xi32>, vector<16xi32>, vector<16xi32>], vector<16xf32>,
        tpu.vector_store_idx %arg11[%add3A_682, %and3A_684, %add3A_788], %add3A_768 : memref<8x8x129xf32, #tpu.memory_space<vmem>>[vector<16xi32>, vector<16xi32>, vector<16xi32>], vector<16xf32>,
        %mul3A_789 = arith.constant 0 : i32
        %mul3A_790 = vector.broadcast %mul3A_789 : i32 to vector<16xi32>
        %mul3A_791 = arith.muli %and3A_684, %mul3A_790 : vector<16xi32>
        %sub3A_792 = arith.constant 128 : i32
        %sub3A_793 = arith.subi %add3A_659, %sub3A_792 : i32
        %add3A_794 = arith.constant 1 : i32
        %add3A_795 = arith.addi %sub3A_793, %add3A_794 : i32
        %add3A_796 = vector.broadcast %add3A_795 : i32 to vector<16xi32>
        %add3A_797 = arith.addi %mul3A_791, %add3A_796 : vector<16xi32>
        tpu.vector_store_idx %arg11[%add3A_664, %and3A_684, %add3A_797], %add3A_769 : memref<8x8x129xf32, #tpu.memory_space<vmem>>[vector<16xi32>, vector<16xi32>, vector<16xi32>], vector<16xf32>,
        tpu.vector_store_idx %arg11[%add3A_670, %and3A_684, %add3A_797], %add3A_770 : memref<8x8x129xf32, #tpu.memory_space<vmem>>[vector<16xi32>, vector<16xi32>, vector<16xi32>], vector<16xf32>,
        tpu.vector_store_idx %arg11[%add3A_676, %and3A_684, %add3A_797], %add3A_771 : memref<8x8x129xf32, #tpu.memory_space<vmem>>[vector<16xi32>, vector<16xi32>, vector<16xi32>], vector<16xf32>,
        tpu.vector_store_idx %arg11[%add3A_682, %and3A_684, %add3A_797], %add3A_772 : memref<8x8x129xf32, #tpu.memory_space<vmem>>[vector<16xi32>, vector<16xi32>, vector<16xi32>], vector<16xf32>,
        %mul3A_798 = arith.constant 0 : i32
        %mul3A_799 = vector.broadcast %mul3A_798 : i32 to vector<16xi32>
        %mul3A_800 = arith.muli %and3A_684, %mul3A_799 : vector<16xi32>
        %sub3A_801 = arith.constant 128 : i32
        %sub3A_802 = arith.subi %add3A_659, %sub3A_801 : i32
        %add3A_803 = arith.constant 2 : i32
        %add3A_804 = arith.addi %sub3A_802, %add3A_803 : i32
        %add3A_805 = vector.broadcast %add3A_804 : i32 to vector<16xi32>
        %add3A_806 = arith.addi %mul3A_800, %add3A_805 : vector<16xi32>
        tpu.vector_store_idx %arg11[%add3A_664, %and3A_684, %add3A_806], %add3A_773 : memref<8x8x129xf32, #tpu.memory_space<vmem>>[vector<16xi32>, vector<16xi32>, vector<16xi32>], vector<16xf32>,
        tpu.vector_store_idx %arg11[%add3A_670, %and3A_684, %add3A_806], %add3A_774 : memref<8x8x129xf32, #tpu.memory_space<vmem>>[vector<16xi32>, vector<16xi32>, vector<16xi32>], vector<16xf32>,
        tpu.vector_store_idx %arg11[%add3A_676, %and3A_684, %add3A_806], %add3A_775 : memref<8x8x129xf32, #tpu.memory_space<vmem>>[vector<16xi32>, vector<16xi32>, vector<16xi32>], vector<16xf32>,
        tpu.vector_store_idx %arg11[%add3A_682, %and3A_684, %add3A_806], %add3A_776 : memref<8x8x129xf32, #tpu.memory_space<vmem>>[vector<16xi32>, vector<16xi32>, vector<16xi32>], vector<16xf32>,
        %mul3A_807 = arith.constant 0 : i32
        %mul3A_808 = vector.broadcast %mul3A_807 : i32 to vector<16xi32>
        %mul3A_809 = arith.muli %and3A_684, %mul3A_808 : vector<16xi32>
        %sub3A_810 = arith.constant 128 : i32
        %sub3A_811 = arith.subi %add3A_659, %sub3A_810 : i32
        %add3A_812 = arith.constant 3 : i32
        %add3A_813 = arith.addi %sub3A_811, %add3A_812 : i32
        %add3A_814 = vector.broadcast %add3A_813 : i32 to vector<16xi32>
        %add3A_815 = arith.addi %mul3A_809, %add3A_814 : vector<16xi32>
        tpu.vector_store_idx %arg11[%add3A_664, %and3A_684, %add3A_815], %add3A_777 : memref<8x8x129xf32, #tpu.memory_space<vmem>>[vector<16xi32>, vector<16xi32>, vector<16xi32>], vector<16xf32>,
        tpu.vector_store_idx %arg11[%add3A_670, %and3A_684, %add3A_815], %add3A_778 : memref<8x8x129xf32, #tpu.memory_space<vmem>>[vector<16xi32>, vector<16xi32>, vector<16xi32>], vector<16xf32>,
        tpu.vector_store_idx %arg11[%add3A_676, %and3A_684, %add3A_815], %add3A_779 : memref<8x8x129xf32, #tpu.memory_space<vmem>>[vector<16xi32>, vector<16xi32>, vector<16xi32>], vector<16xf32>,
        tpu.vector_store_idx %arg11[%add3A_682, %and3A_684, %add3A_815], %add3A_780 : memref<8x8x129xf32, #tpu.memory_space<vmem>>[vector<16xi32>, vector<16xi32>, vector<16xi32>], vector<16xf32>,
        %scan3A_816 = arith.constant 0 : i32
        scf.yield %scan3A_816 : i32
      }
      %scan3A_494 = arith.constant 32 : i32
      %dma_start3A_495 = arith.constant 0 : i32
      %dma_start3A_496 = arith.constant 0 : i32
      %dma_start3A_497 = arith.constant 0 : i32
      %dma_start3A_498 = tpu.memref_slice %arg11[%dma_start3A_495, %dma_start3A_496, %dma_start3A_497] : memref<8x8x129xf32, #tpu.memory_space<vmem>> -> memref<8x8x128xf32, #tpu.memory_space<vmem>>
      %dma_start3A_499 = arith.constant 0 : i32
      %dma_start3A_500 = arith.constant 0 : i32
      %dma_start3A_501 = arith.constant 0 : i32
      %dma_start3A_502 = tpu.memref_slice %arg5[%add3A_460, %dma_start3A_499, %add3A, %dma_start3A_500, %dma_start3A_501] : memref<200x8x32x8x128xf32, #tpu.memory_space<hbm>> -> memref<1x8x1x8x128xf32, #tpu.memory_space<hbm>>
      %dma_start3A_503 = tpu.memref_squeeze %dma_start3A_502 : memref<1x8x1x8x128xf32, #tpu.memory_space<hbm>> -> memref<8x8x128xf32, #tpu.memory_space<hbm>>
      %dma_start3A_504 = arith.constant 0 : i32
      %dma_start3A_505 = arith.constant 0 : i32
      %dma_start3A_506 = arith.constant 0 : i32
      %dma_start3A_507 = tpu.memref_slice %arg5[%add3A_460, %dma_start3A_504, %add3A, %dma_start3A_505, %dma_start3A_506] : memref<200x8x32x8x128xf32, #tpu.memory_space<hbm>> -> memref<1x8x1x8x128xf32, #tpu.memory_space<hbm>>
      %dma_start3A_508 = tpu.memref_squeeze %dma_start3A_507 : memref<1x8x1x8x128xf32, #tpu.memory_space<hbm>> -> memref<8x8x128xf32, #tpu.memory_space<hbm>>
      %dma_start3A_509 = arith.constant 0 : i32
      %dma_start3A_510 = arith.constant 0 : i32
      %dma_start3A_511 = arith.constant 0 : i32
      %dma_start3A_512 = tpu.memref_slice %arg11[%dma_start3A_509, %dma_start3A_510, %dma_start3A_511] : memref<8x8x129xf32, #tpu.memory_space<vmem>> -> memref<8x8x128xf32, #tpu.memory_space<vmem>>
      tpu.enqueue_dma source(%dma_start3A_512 : memref<8x8x128xf32, #tpu.memory_space<vmem>>) target(%dma_start3A_508 : memref<8x8x128xf32, #tpu.memory_space<hbm>>) target_semaphore(%arg13 : memref<!tpu.dma_semaphore, #tpu.memory_space<semaphore_mem>>)
      %mul3A_513 = arith.constant 4 : i32
      %mul3A_514 = arith.muli %mul3A_513, %add3A_393 : i32
      %add3A_515 = arith.constant 2 : i32
      %add3A_516 = arith.addi %mul3A_514, %add3A_515 : i32
      %dma_wait3A_517 = arith.constant 0 : i32
      %dma_wait3A_518 = arith.constant 0 : i32
      %dma_wait3A_519 = arith.constant 0 : i32
      %dma_wait3A_520 = tpu.memref_slice %arg9[%dma_wait3A_518, %dma_wait3A_519] : memref<512x64xf32, #tpu.memory_space<vmem>> -> memref<128x64xf32, #tpu.memory_space<vmem>>
      %dma_wait3A_521 = arith.constant 0 : i32
      %dma_wait3A_522 = tpu.memref_slice %arg6[%dma_wait3A_517, %dma_wait3A_521] : memref<25x1024xi32, #tpu.memory_space<vmem>> -> memref<1x128xi32, #tpu.memory_space<vmem>>
      %dma_wait3A_523 = tpu.memref_squeeze %dma_wait3A_522 : memref<1x128xi32, #tpu.memory_space<vmem>> -> memref<128xi32, #tpu.memory_space<vmem>>
      %dma_wait3A_524 = arith.constant 0 : i32
      %dma_wait3A_525 = arith.constant 0 : i32
      %dma_wait3A_526 = tpu.memref_slice %arg3[%dma_wait3A_524, %dma_wait3A_525] : memref<1000000x64xf32, #tpu.memory_space<hbm>> -> memref<1000000x64xf32, #tpu.memory_space<hbm>>
      tpu.wait_indirect_dma semaphore(%arg12 : memref<!tpu.dma_semaphore, #tpu.memory_space<semaphore_mem>>) src(%dma_wait3A_526 : memref<1000000x64xf32, #tpu.memory_space<hbm>>) dst(%dma_wait3A_520 : memref<128x64xf32, #tpu.memory_space<vmem>>)
      %dma_wait3A_527 = arith.constant 0 : i32
      %dma_wait3A_528 = arith.constant 0 : i32
      %dma_wait3A_529 = arith.constant 0 : i32
      %dma_wait3A_530 = arith.constant 0 : i32
      %dma_wait3A_531 = tpu.memref_slice %arg10[%dma_wait3A_528, %dma_wait3A_529, %dma_wait3A_530] : memref<8x8x129xf32, #tpu.memory_space<vmem>> -> memref<8x8x128xf32, #tpu.memory_space<vmem>>
      %dma_wait3A_532 = arith.constant 0 : i32
      %dma_wait3A_533 = arith.constant 0 : i32
      %dma_wait3A_534 = arith.constant 0 : i32
      %dma_wait3A_535 = tpu.memref_slice %arg5[%dma_wait3A_527, %dma_wait3A_532, %add3A, %dma_wait3A_533, %dma_wait3A_534] : memref<200x8x32x8x128xf32, #tpu.memory_space<hbm>> -> memref<1x8x1x8x128xf32, #tpu.memory_space<hbm>>
      %dma_wait3A_536 = tpu.memref_squeeze %dma_wait3A_535 : memref<1x8x1x8x128xf32, #tpu.memory_space<hbm>> -> memref<8x8x128xf32, #tpu.memory_space<hbm>>
      %dma_wait3A_537 = arith.constant 0 : i32
      %dma_wait3A_538 = arith.constant 0 : i32
      %dma_wait3A_539 = arith.constant 0 : i32
      %dma_wait3A_540 = tpu.memref_slice %arg5[%dma_wait3A_527, %dma_wait3A_537, %add3A, %dma_wait3A_538, %dma_wait3A_539] : memref<200x8x32x8x128xf32, #tpu.memory_space<hbm>> -> memref<1x8x1x8x128xf32, #tpu.memory_space<hbm>>
      %dma_wait3A_541 = tpu.memref_squeeze %dma_wait3A_540 : memref<1x8x1x8x128xf32, #tpu.memory_space<hbm>> -> memref<8x8x128xf32, #tpu.memory_space<hbm>>
      %dma_wait3A_542 = arith.constant 0 : i32
      %dma_wait3A_543 = arith.constant 0 : i32
      %dma_wait3A_544 = arith.constant 0 : i32
      %dma_wait3A_545 = tpu.memref_slice %arg10[%dma_wait3A_542, %dma_wait3A_543, %dma_wait3A_544] : memref<8x8x129xf32, #tpu.memory_space<vmem>> -> memref<8x8x128xf32, #tpu.memory_space<vmem>>
      tpu.wait_dma2 semaphore(%arg13 : memref<!tpu.dma_semaphore, #tpu.memory_space<semaphore_mem>>) src(%dma_wait3A_545 : memref<8x8x128xf32, #tpu.memory_space<vmem>>) dst(%dma_wait3A_541 : memref<8x8x128xf32, #tpu.memory_space<hbm>>)
      %get3A_546 = arith.index_cast %add3A_516 : i32 to index
      %get3A_547 = arith.constant 0 : index
      %get3A_548 = tpu.vector_load %arg7[%get3A_546, %get3A_547] {strides = array<i32>} : memref<200x64xf32, #tpu.memory_space<vmem>>, vector<16xf32>,
      %get3A_549 = arith.index_cast %add3A_516 : i32 to index
      %get3A_550 = arith.constant 16 : index
      %get3A_551 = tpu.vector_load %arg7[%get3A_549, %get3A_550] {strides = array<i32>} : memref<200x64xf32, #tpu.memory_space<vmem>>, vector<16xf32>,
      %get3A_552 = arith.index_cast %add3A_516 : i32 to index
      %get3A_553 = arith.constant 32 : index
      %get3A_554 = tpu.vector_load %arg7[%get3A_552, %get3A_553] {strides = array<i32>} : memref<200x64xf32, #tpu.memory_space<vmem>>, vector<16xf32>,
      %get3A_555 = arith.index_cast %add3A_516 : i32 to index
      %get3A_556 = arith.constant 48 : index
      %get3A_557 = tpu.vector_load %arg7[%get3A_555, %get3A_556] {strides = array<i32>} : memref<200x64xf32, #tpu.memory_space<vmem>>, vector<16xf32>,
      %scan3A_558 = arith.constant 0 : i32
      %scan3A_559 = arith.constant 0 : i32
      %scan3A_560 = arith.constant 32 : i32
      %scan3A_561 = arith.addi %scan3A_559, %scan3A_560 : i32
      %scan3A_562 = arith.constant 1 : i32
      %scan3A_563 = scf.for %scan3A_654 = %scan3A_559 to %scan3A_561 step %scan3A_562 iter_args(%scan3A_655 = %scan3A_558) -> (i32)  : i32 {
        %mul3A_656 = arith.constant 4 : i32
        %mul3A_657 = arith.muli %mul3A_656, %scan3A_654 : i32
        %add3A_658 = arith.constant 256 : i32
        %add3A_659 = arith.addi %add3A_658, %mul3A_657 : i32
        %iota3A = tpu.iota {dimensions = array<i32: 0>} : vector<16xi32>
        %shift_right_arithmetic3A = arith.constant 3 : i32
        %shift_right_arithmetic3A_660 = vector.broadcast %shift_right_arithmetic3A : i32 to vector<16xi32>
        %shift_right_arithmetic3A_661 = arith.shrsi %iota3A, %shift_right_arithmetic3A_660 : vector<16xi32>
        %add3A_662 = arith.constant 0 : i32
        %add3A_663 = vector.broadcast %add3A_662 : i32 to vector<16xi32>
        %add3A_664 = arith.addi %shift_right_arithmetic3A_661, %add3A_663 : vector<16xi32>
        %shift_right_arithmetic3A_665 = arith.constant 3 : i32
        %shift_right_arithmetic3A_666 = vector.broadcast %shift_right_arithmetic3A_665 : i32 to vector<16xi32>
        %shift_right_arithmetic3A_667 = arith.shrsi %iota3A, %shift_right_arithmetic3A_666 : vector<16xi32>
        %add3A_668 = arith.constant 2 : i32
        %add3A_669 = vector.broadcast %add3A_668 : i32 to vector<16xi32>
        %add3A_670 = arith.addi %shift_right_arithmetic3A_667, %add3A_669 : vector<16xi32>
        %shift_right_arithmetic3A_671 = arith.constant 3 : i32
        %shift_right_arithmetic3A_672 = vector.broadcast %shift_right_arithmetic3A_671 : i32 to vector<16xi32>
        %shift_right_arithmetic3A_673 = arith.shrsi %iota3A, %shift_right_arithmetic3A_672 : vector<16xi32>
        %add3A_674 = arith.constant 4 : i32
        %add3A_675 = vector.broadcast %add3A_674 : i32 to vector<16xi32>
        %add3A_676 = arith.addi %shift_right_arithmetic3A_673, %add3A_675 : vector<16xi32>
        %shift_right_arithmetic3A_677 = arith.constant 3 : i32
        %shift_right_arithmetic3A_678 = vector.broadcast %shift_right_arithmetic3A_677 : i32 to vector<16xi32>
        %shift_right_arithmetic3A_679 = arith.shrsi %iota3A, %shift_right_arithmetic3A_678 : vector<16xi32>
        %add3A_680 = arith.constant 6 : i32
        %add3A_681 = vector.broadcast %add3A_680 : i32 to vector<16xi32>
        %add3A_682 = arith.addi %shift_right_arithmetic3A_679, %add3A_681 : vector<16xi32>
        %and3A = arith.constant 7 : i32
        %and3A_683 = vector.broadcast %and3A : i32 to vector<16xi32>
        %and3A_684 = arith.andi %iota3A, %and3A_683 : vector<16xi32>
        %add3A_685 = arith.constant 0 : i32
        %add3A_686 = arith.addi %add3A_659, %add3A_685 : i32
        %get3A_687 = arith.index_cast %add3A_686 : i32 to index
        %get3A_688 = arith.constant 0 : index
        %get3A_689 = tpu.vector_load %arg9[%get3A_687, %get3A_688] {strides = array<i32>} : memref<512x64xf32, #tpu.memory_space<vmem>>, vector<16xf32>,
        %add3A_690 = arith.constant 0 : i32
        %add3A_691 = arith.addi %add3A_659, %add3A_690 : i32
        %get3A_692 = arith.index_cast %add3A_691 : i32 to index
        %get3A_693 = arith.constant 16 : index
        %get3A_694 = tpu.vector_load %arg9[%get3A_692, %get3A_693] {strides = array<i32>} : memref<512x64xf32, #tpu.memory_space<vmem>>, vector<16xf32>,
        %add3A_695 = arith.constant 0 : i32
        %add3A_696 = arith.addi %add3A_659, %add3A_695 : i32
        %get3A_697 = arith.index_cast %add3A_696 : i32 to index
        %get3A_698 = arith.constant 32 : index
        %get3A_699 = tpu.vector_load %arg9[%get3A_697, %get3A_698] {strides = array<i32>} : memref<512x64xf32, #tpu.memory_space<vmem>>, vector<16xf32>,
        %add3A_700 = arith.constant 0 : i32
        %add3A_701 = arith.addi %add3A_659, %add3A_700 : i32
        %get3A_702 = arith.index_cast %add3A_701 : i32 to index
        %get3A_703 = arith.constant 48 : index
        %get3A_704 = tpu.vector_load %arg9[%get3A_702, %get3A_703] {strides = array<i32>} : memref<512x64xf32, #tpu.memory_space<vmem>>, vector<16xf32>,
        %add3A_705 = arith.constant 1 : i32
        %add3A_706 = arith.addi %add3A_659, %add3A_705 : i32
        %get3A_707 = arith.index_cast %add3A_706 : i32 to index
        %get3A_708 = arith.constant 0 : index
        %get3A_709 = tpu.vector_load %arg9[%get3A_707, %get3A_708] {strides = array<i32>} : memref<512x64xf32, #tpu.memory_space<vmem>>, vector<16xf32>,
        %add3A_710 = arith.constant 1 : i32
        %add3A_711 = arith.addi %add3A_659, %add3A_710 : i32
        %get3A_712 = arith.index_cast %add3A_711 : i32 to index
        %get3A_713 = arith.constant 16 : index
        %get3A_714 = tpu.vector_load %arg9[%get3A_712, %get3A_713] {strides = array<i32>} : memref<512x64xf32, #tpu.memory_space<vmem>>, vector<16xf32>,
        %add3A_715 = arith.constant 1 : i32
        %add3A_716 = arith.addi %add3A_659, %add3A_715 : i32
        %get3A_717 = arith.index_cast %add3A_716 : i32 to index
        %get3A_718 = arith.constant 32 : index
        %get3A_719 = tpu.vector_load %arg9[%get3A_717, %get3A_718] {strides = array<i32>} : memref<512x64xf32, #tpu.memory_space<vmem>>, vector<16xf32>,
        %add3A_720 = arith.constant 1 : i32
        %add3A_721 = arith.addi %add3A_659, %add3A_720 : i32
        %get3A_722 = arith.index_cast %add3A_721 : i32 to index
        %get3A_723 = arith.constant 48 : index
        %get3A_724 = tpu.vector_load %arg9[%get3A_722, %get3A_723] {strides = array<i32>} : memref<512x64xf32, #tpu.memory_space<vmem>>, vector<16xf32>,
        %add3A_725 = arith.constant 2 : i32
        %add3A_726 = arith.addi %add3A_659, %add3A_725 : i32
        %get3A_727 = arith.index_cast %add3A_726 : i32 to index
        %get3A_728 = arith.constant 0 : index
        %get3A_729 = tpu.vector_load %arg9[%get3A_727, %get3A_728] {strides = array<i32>} : memref<512x64xf32, #tpu.memory_space<vmem>>, vector<16xf32>,
        %add3A_730 = arith.constant 2 : i32
        %add3A_731 = arith.addi %add3A_659, %add3A_730 : i32
        %get3A_732 = arith.index_cast %add3A_731 : i32 to index
        %get3A_733 = arith.constant 16 : index
        %get3A_734 = tpu.vector_load %arg9[%get3A_732, %get3A_733] {strides = array<i32>} : memref<512x64xf32, #tpu.memory_space<vmem>>, vector<16xf32>,
        %add3A_735 = arith.constant 2 : i32
        %add3A_736 = arith.addi %add3A_659, %add3A_735 : i32
        %get3A_737 = arith.index_cast %add3A_736 : i32 to index
        %get3A_738 = arith.constant 32 : index
        %get3A_739 = tpu.vector_load %arg9[%get3A_737, %get3A_738] {strides = array<i32>} : memref<512x64xf32, #tpu.memory_space<vmem>>, vector<16xf32>,
        %add3A_740 = arith.constant 2 : i32
        %add3A_741 = arith.addi %add3A_659, %add3A_740 : i32
        %get3A_742 = arith.index_cast %add3A_741 : i32 to index
        %get3A_743 = arith.constant 48 : index
        %get3A_744 = tpu.vector_load %arg9[%get3A_742, %get3A_743] {strides = array<i32>} : memref<512x64xf32, #tpu.memory_space<vmem>>, vector<16xf32>,
        %add3A_745 = arith.constant 3 : i32
        %add3A_746 = arith.addi %add3A_659, %add3A_745 : i32
        %get3A_747 = arith.index_cast %add3A_746 : i32 to index
        %get3A_748 = arith.constant 0 : index
        %get3A_749 = tpu.vector_load %arg9[%get3A_747, %get3A_748] {strides = array<i32>} : memref<512x64xf32, #tpu.memory_space<vmem>>, vector<16xf32>,
        %add3A_750 = arith.constant 3 : i32
        %add3A_751 = arith.addi %add3A_659, %add3A_750 : i32
        %get3A_752 = arith.index_cast %add3A_751 : i32 to index
        %get3A_753 = arith.constant 16 : index
        %get3A_754 = tpu.vector_load %arg9[%get3A_752, %get3A_753] {strides = array<i32>} : memref<512x64xf32, #tpu.memory_space<vmem>>, vector<16xf32>,
        %add3A_755 = arith.constant 3 : i32
        %add3A_756 = arith.addi %add3A_659, %add3A_755 : i32
        %get3A_757 = arith.index_cast %add3A_756 : i32 to index
        %get3A_758 = arith.constant 32 : index
        %get3A_759 = tpu.vector_load %arg9[%get3A_757, %get3A_758] {strides = array<i32>} : memref<512x64xf32, #tpu.memory_space<vmem>>, vector<16xf32>,
        %add3A_760 = arith.constant 3 : i32
        %add3A_761 = arith.addi %add3A_659, %add3A_760 : i32
        %get3A_762 = arith.index_cast %add3A_761 : i32 to index
        %get3A_763 = arith.constant 48 : index
        %get3A_764 = tpu.vector_load %arg9[%get3A_762, %get3A_763] {strides = array<i32>} : memref<512x64xf32, #tpu.memory_space<vmem>>, vector<16xf32>,
        %add3A_765 = arith.addf %get3A_689, %get3A_548 : vector<16xf32>
        %add3A_766 = arith.addf %get3A_694, %get3A_551 : vector<16xf32>
        %add3A_767 = arith.addf %get3A_699, %get3A_554 : vector<16xf32>
        %add3A_768 = arith.addf %get3A_704, %get3A_557 : vector<16xf32>
        %add3A_769 = arith.addf %get3A_709, %get3A_548 : vector<16xf32>
        %add3A_770 = arith.addf %get3A_714, %get3A_551 : vector<16xf32>
        %add3A_771 = arith.addf %get3A_719, %get3A_554 : vector<16xf32>
        %add3A_772 = arith.addf %get3A_724, %get3A_557 : vector<16xf32>
        %add3A_773 = arith.addf %get3A_729, %get3A_548 : vector<16xf32>
        %add3A_774 = arith.addf %get3A_734, %get3A_551 : vector<16xf32>
        %add3A_775 = arith.addf %get3A_739, %get3A_554 : vector<16xf32>
        %add3A_776 = arith.addf %get3A_744, %get3A_557 : vector<16xf32>
        %add3A_777 = arith.addf %get3A_749, %get3A_548 : vector<16xf32>
        %add3A_778 = arith.addf %get3A_754, %get3A_551 : vector<16xf32>
        %add3A_779 = arith.addf %get3A_759, %get3A_554 : vector<16xf32>
        %add3A_780 = arith.addf %get3A_764, %get3A_557 : vector<16xf32>
        %mul3A_781 = arith.constant 0 : i32
        %mul3A_782 = vector.broadcast %mul3A_781 : i32 to vector<16xi32>
        %mul3A_783 = arith.muli %and3A_684, %mul3A_782 : vector<16xi32>
        %sub3A = arith.constant 256 : i32
        %sub3A_784 = arith.subi %add3A_659, %sub3A : i32
        %add3A_785 = arith.constant 0 : i32
        %add3A_786 = arith.addi %sub3A_784, %add3A_785 : i32
        %add3A_787 = vector.broadcast %add3A_786 : i32 to vector<16xi32>
        %add3A_788 = arith.addi %mul3A_783, %add3A_787 : vector<16xi32>
        tpu.vector_store_idx %arg10[%add3A_664, %and3A_684, %add3A_788], %add3A_765 : memref<8x8x129xf32, #tpu.memory_space<vmem>>[vector<16xi32>, vector<16xi32>, vector<16xi32>], vector<16xf32>,
        tpu.vector_store_idx %arg10[%add3A_670, %and3A_684, %add3A_788], %add3A_766 : memref<8x8x129xf32, #tpu.memory_space<vmem>>[vector<16xi32>, vector<16xi32>, vector<16xi32>], vector<16xf32>,
        tpu.vector_store_idx %arg10[%add3A_676, %and3A_684, %add3A_788], %add3A_767 : memref<8x8x129xf32, #tpu.memory_space<vmem>>[vector<16xi32>, vector<16xi32>, vector<16xi32>], vector<16xf32>,
        tpu.vector_store_idx %arg10[%add3A_682, %and3A_684, %add3A_788], %add3A_768 : memref<8x8x129xf32, #tpu.memory_space<vmem>>[vector<16xi32>, vector<16xi32>, vector<16xi32>], vector<16xf32>,
        %mul3A_789 = arith.constant 0 : i32
        %mul3A_790 = vector.broadcast %mul3A_789 : i32 to vector<16xi32>
        %mul3A_791 = arith.muli %and3A_684, %mul3A_790 : vector<16xi32>
        %sub3A_792 = arith.constant 256 : i32
        %sub3A_793 = arith.subi %add3A_659, %sub3A_792 : i32
        %add3A_794 = arith.constant 1 : i32
        %add3A_795 = arith.addi %sub3A_793, %add3A_794 : i32
        %add3A_796 = vector.broadcast %add3A_795 : i32 to vector<16xi32>
        %add3A_797 = arith.addi %mul3A_791, %add3A_796 : vector<16xi32>
        tpu.vector_store_idx %arg10[%add3A_664, %and3A_684, %add3A_797], %add3A_769 : memref<8x8x129xf32, #tpu.memory_space<vmem>>[vector<16xi32>, vector<16xi32>, vector<16xi32>], vector<16xf32>,
        tpu.vector_store_idx %arg10[%add3A_670, %and3A_684, %add3A_797], %add3A_770 : memref<8x8x129xf32, #tpu.memory_space<vmem>>[vector<16xi32>, vector<16xi32>, vector<16xi32>], vector<16xf32>,
        tpu.vector_store_idx %arg10[%add3A_676, %and3A_684, %add3A_797], %add3A_771 : memref<8x8x129xf32, #tpu.memory_space<vmem>>[vector<16xi32>, vector<16xi32>, vector<16xi32>], vector<16xf32>,
        tpu.vector_store_idx %arg10[%add3A_682, %and3A_684, %add3A_797], %add3A_772 : memref<8x8x129xf32, #tpu.memory_space<vmem>>[vector<16xi32>, vector<16xi32>, vector<16xi32>], vector<16xf32>,
        %mul3A_798 = arith.constant 0 : i32
        %mul3A_799 = vector.broadcast %mul3A_798 : i32 to vector<16xi32>
        %mul3A_800 = arith.muli %and3A_684, %mul3A_799 : vector<16xi32>
        %sub3A_801 = arith.constant 256 : i32
        %sub3A_802 = arith.subi %add3A_659, %sub3A_801 : i32
        %add3A_803 = arith.constant 2 : i32
        %add3A_804 = arith.addi %sub3A_802, %add3A_803 : i32
        %add3A_805 = vector.broadcast %add3A_804 : i32 to vector<16xi32>
        %add3A_806 = arith.addi %mul3A_800, %add3A_805 : vector<16xi32>
        tpu.vector_store_idx %arg10[%add3A_664, %and3A_684, %add3A_806], %add3A_773 : memref<8x8x129xf32, #tpu.memory_space<vmem>>[vector<16xi32>, vector<16xi32>, vector<16xi32>], vector<16xf32>,
        tpu.vector_store_idx %arg10[%add3A_670, %and3A_684, %add3A_806], %add3A_774 : memref<8x8x129xf32, #tpu.memory_space<vmem>>[vector<16xi32>, vector<16xi32>, vector<16xi32>], vector<16xf32>,
        tpu.vector_store_idx %arg10[%add3A_676, %and3A_684, %add3A_806], %add3A_775 : memref<8x8x129xf32, #tpu.memory_space<vmem>>[vector<16xi32>, vector<16xi32>, vector<16xi32>], vector<16xf32>,
        tpu.vector_store_idx %arg10[%add3A_682, %and3A_684, %add3A_806], %add3A_776 : memref<8x8x129xf32, #tpu.memory_space<vmem>>[vector<16xi32>, vector<16xi32>, vector<16xi32>], vector<16xf32>,
        %mul3A_807 = arith.constant 0 : i32
        %mul3A_808 = vector.broadcast %mul3A_807 : i32 to vector<16xi32>
        %mul3A_809 = arith.muli %and3A_684, %mul3A_808 : vector<16xi32>
        %sub3A_810 = arith.constant 256 : i32
        %sub3A_811 = arith.subi %add3A_659, %sub3A_810 : i32
        %add3A_812 = arith.constant 3 : i32
        %add3A_813 = arith.addi %sub3A_811, %add3A_812 : i32
        %add3A_814 = vector.broadcast %add3A_813 : i32 to vector<16xi32>
        %add3A_815 = arith.addi %mul3A_809, %add3A_814 : vector<16xi32>
        tpu.vector_store_idx %arg10[%add3A_664, %and3A_684, %add3A_815], %add3A_777 : memref<8x8x129xf32, #tpu.memory_space<vmem>>[vector<16xi32>, vector<16xi32>, vector<16xi32>], vector<16xf32>,
        tpu.vector_store_idx %arg10[%add3A_670, %and3A_684, %add3A_815], %add3A_778 : memref<8x8x129xf32, #tpu.memory_space<vmem>>[vector<16xi32>, vector<16xi32>, vector<16xi32>], vector<16xf32>,
        tpu.vector_store_idx %arg10[%add3A_676, %and3A_684, %add3A_815], %add3A_779 : memref<8x8x129xf32, #tpu.memory_space<vmem>>[vector<16xi32>, vector<16xi32>, vector<16xi32>], vector<16xf32>,
        tpu.vector_store_idx %arg10[%add3A_682, %and3A_684, %add3A_815], %add3A_780 : memref<8x8x129xf32, #tpu.memory_space<vmem>>[vector<16xi32>, vector<16xi32>, vector<16xi32>], vector<16xf32>,
        %scan3A_816 = arith.constant 0 : i32
        scf.yield %scan3A_816 : i32
      }
      %scan3A_564 = arith.constant 32 : i32
      %dma_start3A_565 = arith.constant 0 : i32
      %dma_start3A_566 = arith.constant 0 : i32
      %dma_start3A_567 = arith.constant 0 : i32
      %dma_start3A_568 = tpu.memref_slice %arg10[%dma_start3A_565, %dma_start3A_566, %dma_start3A_567] : memref<8x8x129xf32, #tpu.memory_space<vmem>> -> memref<8x8x128xf32, #tpu.memory_space<vmem>>
      %dma_start3A_569 = arith.constant 0 : i32
      %dma_start3A_570 = arith.constant 0 : i32
      %dma_start3A_571 = arith.constant 0 : i32
      %dma_start3A_572 = tpu.memref_slice %arg5[%add3A_516, %dma_start3A_569, %add3A, %dma_start3A_570, %dma_start3A_571] : memref<200x8x32x8x128xf32, #tpu.memory_space<hbm>> -> memref<1x8x1x8x128xf32, #tpu.memory_space<hbm>>
      %dma_start3A_573 = tpu.memref_squeeze %dma_start3A_572 : memref<1x8x1x8x128xf32, #tpu.memory_space<hbm>> -> memref<8x8x128xf32, #tpu.memory_space<hbm>>
      %dma_start3A_574 = arith.constant 0 : i32
      %dma_start3A_575 = arith.constant 0 : i32
      %dma_start3A_576 = arith.constant 0 : i32
      %dma_start3A_577 = tpu.memref_slice %arg5[%add3A_516, %dma_start3A_574, %add3A, %dma_start3A_575, %dma_start3A_576] : memref<200x8x32x8x128xf32, #tpu.memory_space<hbm>> -> memref<1x8x1x8x128xf32, #tpu.memory_space<hbm>>
      %dma_start3A_578 = tpu.memref_squeeze %dma_start3A_577 : memref<1x8x1x8x128xf32, #tpu.memory_space<hbm>> -> memref<8x8x128xf32, #tpu.memory_space<hbm>>
      %dma_start3A_579 = arith.constant 0 : i32
      %dma_start3A_580 = arith.constant 0 : i32
      %dma_start3A_581 = arith.constant 0 : i32
      %dma_start3A_582 = tpu.memref_slice %arg10[%dma_start3A_579, %dma_start3A_580, %dma_start3A_581] : memref<8x8x129xf32, #tpu.memory_space<vmem>> -> memref<8x8x128xf32, #tpu.memory_space<vmem>>
      tpu.enqueue_dma source(%dma_start3A_582 : memref<8x8x128xf32, #tpu.memory_space<vmem>>) target(%dma_start3A_578 : memref<8x8x128xf32, #tpu.memory_space<hbm>>) target_semaphore(%arg13 : memref<!tpu.dma_semaphore, #tpu.memory_space<semaphore_mem>>)
      %mul3A_583 = arith.constant 4 : i32
      %mul3A_584 = arith.muli %mul3A_583, %add3A_393 : i32
      %add3A_585 = arith.constant 3 : i32
      %add3A_586 = arith.addi %mul3A_584, %add3A_585 : i32
      %dma_wait3A_587 = arith.constant 0 : i32
      %dma_wait3A_588 = arith.constant 0 : i32
      %dma_wait3A_589 = arith.constant 0 : i32
      %dma_wait3A_590 = tpu.memref_slice %arg9[%dma_wait3A_588, %dma_wait3A_589] : memref<512x64xf32, #tpu.memory_space<vmem>> -> memref<128x64xf32, #tpu.memory_space<vmem>>
      %dma_wait3A_591 = arith.constant 0 : i32
      %dma_wait3A_592 = tpu.memref_slice %arg6[%dma_wait3A_587, %dma_wait3A_591] : memref<25x1024xi32, #tpu.memory_space<vmem>> -> memref<1x128xi32, #tpu.memory_space<vmem>>
      %dma_wait3A_593 = tpu.memref_squeeze %dma_wait3A_592 : memref<1x128xi32, #tpu.memory_space<vmem>> -> memref<128xi32, #tpu.memory_space<vmem>>
      %dma_wait3A_594 = arith.constant 0 : i32
      %dma_wait3A_595 = arith.constant 0 : i32
      %dma_wait3A_596 = tpu.memref_slice %arg3[%dma_wait3A_594, %dma_wait3A_595] : memref<1000000x64xf32, #tpu.memory_space<hbm>> -> memref<1000000x64xf32, #tpu.memory_space<hbm>>
      tpu.wait_indirect_dma semaphore(%arg12 : memref<!tpu.dma_semaphore, #tpu.memory_space<semaphore_mem>>) src(%dma_wait3A_596 : memref<1000000x64xf32, #tpu.memory_space<hbm>>) dst(%dma_wait3A_590 : memref<128x64xf32, #tpu.memory_space<vmem>>)
      %dma_wait3A_597 = arith.constant 0 : i32
      %dma_wait3A_598 = arith.constant 0 : i32
      %dma_wait3A_599 = arith.constant 0 : i32
      %dma_wait3A_600 = arith.constant 0 : i32
      %dma_wait3A_601 = tpu.memref_slice %arg11[%dma_wait3A_598, %dma_wait3A_599, %dma_wait3A_600] : memref<8x8x129xf32, #tpu.memory_space<vmem>> -> memref<8x8x128xf32, #tpu.memory_space<vmem>>
      %dma_wait3A_602 = arith.constant 0 : i32
      %dma_wait3A_603 = arith.constant 0 : i32
      %dma_wait3A_604 = arith.constant 0 : i32
      %dma_wait3A_605 = tpu.memref_slice %arg5[%dma_wait3A_597, %dma_wait3A_602, %add3A, %dma_wait3A_603, %dma_wait3A_604] : memref<200x8x32x8x128xf32, #tpu.memory_space<hbm>> -> memref<1x8x1x8x128xf32, #tpu.memory_space<hbm>>
      %dma_wait3A_606 = tpu.memref_squeeze %dma_wait3A_605 : memref<1x8x1x8x128xf32, #tpu.memory_space<hbm>> -> memref<8x8x128xf32, #tpu.memory_space<hbm>>
      %dma_wait3A_607 = arith.constant 0 : i32
      %dma_wait3A_608 = arith.constant 0 : i32
      %dma_wait3A_609 = arith.constant 0 : i32
      %dma_wait3A_610 = tpu.memref_slice %arg5[%dma_wait3A_597, %dma_wait3A_607, %add3A, %dma_wait3A_608, %dma_wait3A_609] : memref<200x8x32x8x128xf32, #tpu.memory_space<hbm>> -> memref<1x8x1x8x128xf32, #tpu.memory_space<hbm>>
      %dma_wait3A_611 = tpu.memref_squeeze %dma_wait3A_610 : memref<1x8x1x8x128xf32, #tpu.memory_space<hbm>> -> memref<8x8x128xf32, #tpu.memory_space<hbm>>
      %dma_wait3A_612 = arith.constant 0 : i32
      %dma_wait3A_613 = arith.constant 0 : i32
      %dma_wait3A_614 = arith.constant 0 : i32
      %dma_wait3A_615 = tpu.memref_slice %arg11[%dma_wait3A_612, %dma_wait3A_613, %dma_wait3A_614] : memref<8x8x129xf32, #tpu.memory_space<vmem>> -> memref<8x8x128xf32, #tpu.memory_space<vmem>>
      tpu.wait_dma2 semaphore(%arg13 : memref<!tpu.dma_semaphore, #tpu.memory_space<semaphore_mem>>) src(%dma_wait3A_615 : memref<8x8x128xf32, #tpu.memory_space<vmem>>) dst(%dma_wait3A_611 : memref<8x8x128xf32, #tpu.memory_space<hbm>>)
      %get3A_616 = arith.index_cast %add3A_586 : i32 to index
      %get3A_617 = arith.constant 0 : index
      %get3A_618 = tpu.vector_load %arg7[%get3A_616, %get3A_617] {strides = array<i32>} : memref<200x64xf32, #tpu.memory_space<vmem>>, vector<16xf32>,
      %get3A_619 = arith.index_cast %add3A_586 : i32 to index
      %get3A_620 = arith.constant 16 : index
      %get3A_621 = tpu.vector_load %arg7[%get3A_619, %get3A_620] {strides = array<i32>} : memref<200x64xf32, #tpu.memory_space<vmem>>, vector<16xf32>,
      %get3A_622 = arith.index_cast %add3A_586 : i32 to index
      %get3A_623 = arith.constant 32 : index
      %get3A_624 = tpu.vector_load %arg7[%get3A_622, %get3A_623] {strides = array<i32>} : memref<200x64xf32, #tpu.memory_space<vmem>>, vector<16xf32>,
      %get3A_625 = arith.index_cast %add3A_586 : i32 to index
      %get3A_626 = arith.constant 48 : index
      %get3A_627 = tpu.vector_load %arg7[%get3A_625, %get3A_626] {strides = array<i32>} : memref<200x64xf32, #tpu.memory_space<vmem>>, vector<16xf32>,
      %scan3A_628 = arith.constant 0 : i32
      %scan3A_629 = arith.constant 0 : i32
      %scan3A_630 = arith.constant 32 : i32
      %scan3A_631 = arith.addi %scan3A_629, %scan3A_630 : i32
      %scan3A_632 = arith.constant 1 : i32
      %scan3A_633 = scf.for %scan3A_654 = %scan3A_629 to %scan3A_631 step %scan3A_632 iter_args(%scan3A_655 = %scan3A_628) -> (i32)  : i32 {
        %mul3A_656 = arith.constant 4 : i32
        %mul3A_657 = arith.muli %mul3A_656, %scan3A_654 : i32
        %add3A_658 = arith.constant 384 : i32
        %add3A_659 = arith.addi %add3A_658, %mul3A_657 : i32
        %iota3A = tpu.iota {dimensions = array<i32: 0>} : vector<16xi32>
        %shift_right_arithmetic3A = arith.constant 3 : i32
        %shift_right_arithmetic3A_660 = vector.broadcast %shift_right_arithmetic3A : i32 to vector<16xi32>
        %shift_right_arithmetic3A_661 = arith.shrsi %iota3A, %shift_right_arithmetic3A_660 : vector<16xi32>
        %add3A_662 = arith.constant 0 : i32
        %add3A_663 = vector.broadcast %add3A_662 : i32 to vector<16xi32>
        %add3A_664 = arith.addi %shift_right_arithmetic3A_661, %add3A_663 : vector<16xi32>
        %shift_right_arithmetic3A_665 = arith.constant 3 : i32
        %shift_right_arithmetic3A_666 = vector.broadcast %shift_right_arithmetic3A_665 : i32 to vector<16xi32>
        %shift_right_arithmetic3A_667 = arith.shrsi %iota3A, %shift_right_arithmetic3A_666 : vector<16xi32>
        %add3A_668 = arith.constant 2 : i32
        %add3A_669 = vector.broadcast %add3A_668 : i32 to vector<16xi32>
        %add3A_670 = arith.addi %shift_right_arithmetic3A_667, %add3A_669 : vector<16xi32>
        %shift_right_arithmetic3A_671 = arith.constant 3 : i32
        %shift_right_arithmetic3A_672 = vector.broadcast %shift_right_arithmetic3A_671 : i32 to vector<16xi32>
        %shift_right_arithmetic3A_673 = arith.shrsi %iota3A, %shift_right_arithmetic3A_672 : vector<16xi32>
        %add3A_674 = arith.constant 4 : i32
        %add3A_675 = vector.broadcast %add3A_674 : i32 to vector<16xi32>
        %add3A_676 = arith.addi %shift_right_arithmetic3A_673, %add3A_675 : vector<16xi32>
        %shift_right_arithmetic3A_677 = arith.constant 3 : i32
        %shift_right_arithmetic3A_678 = vector.broadcast %shift_right_arithmetic3A_677 : i32 to vector<16xi32>
        %shift_right_arithmetic3A_679 = arith.shrsi %iota3A, %shift_right_arithmetic3A_678 : vector<16xi32>
        %add3A_680 = arith.constant 6 : i32
        %add3A_681 = vector.broadcast %add3A_680 : i32 to vector<16xi32>
        %add3A_682 = arith.addi %shift_right_arithmetic3A_679, %add3A_681 : vector<16xi32>
        %and3A = arith.constant 7 : i32
        %and3A_683 = vector.broadcast %and3A : i32 to vector<16xi32>
        %and3A_684 = arith.andi %iota3A, %and3A_683 : vector<16xi32>
        %add3A_685 = arith.constant 0 : i32
        %add3A_686 = arith.addi %add3A_659, %add3A_685 : i32
        %get3A_687 = arith.index_cast %add3A_686 : i32 to index
        %get3A_688 = arith.constant 0 : index
        %get3A_689 = tpu.vector_load %arg9[%get3A_687, %get3A_688] {strides = array<i32>} : memref<512x64xf32, #tpu.memory_space<vmem>>, vector<16xf32>,
        %add3A_690 = arith.constant 0 : i32
        %add3A_691 = arith.addi %add3A_659, %add3A_690 : i32
        %get3A_692 = arith.index_cast %add3A_691 : i32 to index
        %get3A_693 = arith.constant 16 : index
        %get3A_694 = tpu.vector_load %arg9[%get3A_692, %get3A_693] {strides = array<i32>} : memref<512x64xf32, #tpu.memory_space<vmem>>, vector<16xf32>,
        %add3A_695 = arith.constant 0 : i32
        %add3A_696 = arith.addi %add3A_659, %add3A_695 : i32
        %get3A_697 = arith.index_cast %add3A_696 : i32 to index
        %get3A_698 = arith.constant 32 : index
        %get3A_699 = tpu.vector_load %arg9[%get3A_697, %get3A_698] {strides = array<i32>} : memref<512x64xf32, #tpu.memory_space<vmem>>, vector<16xf32>,
        %add3A_700 = arith.constant 0 : i32
        %add3A_701 = arith.addi %add3A_659, %add3A_700 : i32
        %get3A_702 = arith.index_cast %add3A_701 : i32 to index
        %get3A_703 = arith.constant 48 : index
        %get3A_704 = tpu.vector_load %arg9[%get3A_702, %get3A_703] {strides = array<i32>} : memref<512x64xf32, #tpu.memory_space<vmem>>, vector<16xf32>,
        %add3A_705 = arith.constant 1 : i32
        %add3A_706 = arith.addi %add3A_659, %add3A_705 : i32
        %get3A_707 = arith.index_cast %add3A_706 : i32 to index
        %get3A_708 = arith.constant 0 : index
        %get3A_709 = tpu.vector_load %arg9[%get3A_707, %get3A_708] {strides = array<i32>} : memref<512x64xf32, #tpu.memory_space<vmem>>, vector<16xf32>,
        %add3A_710 = arith.constant 1 : i32
        %add3A_711 = arith.addi %add3A_659, %add3A_710 : i32
        %get3A_712 = arith.index_cast %add3A_711 : i32 to index
        %get3A_713 = arith.constant 16 : index
        %get3A_714 = tpu.vector_load %arg9[%get3A_712, %get3A_713] {strides = array<i32>} : memref<512x64xf32, #tpu.memory_space<vmem>>, vector<16xf32>,
        %add3A_715 = arith.constant 1 : i32
        %add3A_716 = arith.addi %add3A_659, %add3A_715 : i32
        %get3A_717 = arith.index_cast %add3A_716 : i32 to index
        %get3A_718 = arith.constant 32 : index
        %get3A_719 = tpu.vector_load %arg9[%get3A_717, %get3A_718] {strides = array<i32>} : memref<512x64xf32, #tpu.memory_space<vmem>>, vector<16xf32>,
        %add3A_720 = arith.constant 1 : i32
        %add3A_721 = arith.addi %add3A_659, %add3A_720 : i32
        %get3A_722 = arith.index_cast %add3A_721 : i32 to index
        %get3A_723 = arith.constant 48 : index
        %get3A_724 = tpu.vector_load %arg9[%get3A_722, %get3A_723] {strides = array<i32>} : memref<512x64xf32, #tpu.memory_space<vmem>>, vector<16xf32>,
        %add3A_725 = arith.constant 2 : i32
        %add3A_726 = arith.addi %add3A_659, %add3A_725 : i32
        %get3A_727 = arith.index_cast %add3A_726 : i32 to index
        %get3A_728 = arith.constant 0 : index
        %get3A_729 = tpu.vector_load %arg9[%get3A_727, %get3A_728] {strides = array<i32>} : memref<512x64xf32, #tpu.memory_space<vmem>>, vector<16xf32>,
        %add3A_730 = arith.constant 2 : i32
        %add3A_731 = arith.addi %add3A_659, %add3A_730 : i32
        %get3A_732 = arith.index_cast %add3A_731 : i32 to index
        %get3A_733 = arith.constant 16 : index
        %get3A_734 = tpu.vector_load %arg9[%get3A_732, %get3A_733] {strides = array<i32>} : memref<512x64xf32, #tpu.memory_space<vmem>>, vector<16xf32>,
        %add3A_735 = arith.constant 2 : i32
        %add3A_736 = arith.addi %add3A_659, %add3A_735 : i32
        %get3A_737 = arith.index_cast %add3A_736 : i32 to index
        %get3A_738 = arith.constant 32 : index
        %get3A_739 = tpu.vector_load %arg9[%get3A_737, %get3A_738] {strides = array<i32>} : memref<512x64xf32, #tpu.memory_space<vmem>>, vector<16xf32>,
        %add3A_740 = arith.constant 2 : i32
        %add3A_741 = arith.addi %add3A_659, %add3A_740 : i32
        %get3A_742 = arith.index_cast %add3A_741 : i32 to index
        %get3A_743 = arith.constant 48 : index
        %get3A_744 = tpu.vector_load %arg9[%get3A_742, %get3A_743] {strides = array<i32>} : memref<512x64xf32, #tpu.memory_space<vmem>>, vector<16xf32>,
        %add3A_745 = arith.constant 3 : i32
        %add3A_746 = arith.addi %add3A_659, %add3A_745 : i32
        %get3A_747 = arith.index_cast %add3A_746 : i32 to index
        %get3A_748 = arith.constant 0 : index
        %get3A_749 = tpu.vector_load %arg9[%get3A_747, %get3A_748] {strides = array<i32>} : memref<512x64xf32, #tpu.memory_space<vmem>>, vector<16xf32>,
        %add3A_750 = arith.constant 3 : i32
        %add3A_751 = arith.addi %add3A_659, %add3A_750 : i32
        %get3A_752 = arith.index_cast %add3A_751 : i32 to index
        %get3A_753 = arith.constant 16 : index
        %get3A_754 = tpu.vector_load %arg9[%get3A_752, %get3A_753] {strides = array<i32>} : memref<512x64xf32, #tpu.memory_space<vmem>>, vector<16xf32>,
        %add3A_755 = arith.constant 3 : i32
        %add3A_756 = arith.addi %add3A_659, %add3A_755 : i32
        %get3A_757 = arith.index_cast %add3A_756 : i32 to index
        %get3A_758 = arith.constant 32 : index
        %get3A_759 = tpu.vector_load %arg9[%get3A_757, %get3A_758] {strides = array<i32>} : memref<512x64xf32, #tpu.memory_space<vmem>>, vector<16xf32>,
        %add3A_760 = arith.constant 3 : i32
        %add3A_761 = arith.addi %add3A_659, %add3A_760 : i32
        %get3A_762 = arith.index_cast %add3A_761 : i32 to index
        %get3A_763 = arith.constant 48 : index
        %get3A_764 = tpu.vector_load %arg9[%get3A_762, %get3A_763] {strides = array<i32>} : memref<512x64xf32, #tpu.memory_space<vmem>>, vector<16xf32>,
        %add3A_765 = arith.addf %get3A_689, %get3A_618 : vector<16xf32>
        %add3A_766 = arith.addf %get3A_694, %get3A_621 : vector<16xf32>
        %add3A_767 = arith.addf %get3A_699, %get3A_624 : vector<16xf32>
        %add3A_768 = arith.addf %get3A_704, %get3A_627 : vector<16xf32>
        %add3A_769 = arith.addf %get3A_709, %get3A_618 : vector<16xf32>
        %add3A_770 = arith.addf %get3A_714, %get3A_621 : vector<16xf32>
        %add3A_771 = arith.addf %get3A_719, %get3A_624 : vector<16xf32>
        %add3A_772 = arith.addf %get3A_724, %get3A_627 : vector<16xf32>
        %add3A_773 = arith.addf %get3A_729, %get3A_618 : vector<16xf32>
        %add3A_774 = arith.addf %get3A_734, %get3A_621 : vector<16xf32>
        %add3A_775 = arith.addf %get3A_739, %get3A_624 : vector<16xf32>
        %add3A_776 = arith.addf %get3A_744, %get3A_627 : vector<16xf32>
        %add3A_777 = arith.addf %get3A_749, %get3A_618 : vector<16xf32>
        %add3A_778 = arith.addf %get3A_754, %get3A_621 : vector<16xf32>
        %add3A_779 = arith.addf %get3A_759, %get3A_624 : vector<16xf32>
        %add3A_780 = arith.addf %get3A_764, %get3A_627 : vector<16xf32>
        %mul3A_781 = arith.constant 0 : i32
        %mul3A_782 = vector.broadcast %mul3A_781 : i32 to vector<16xi32>
        %mul3A_783 = arith.muli %and3A_684, %mul3A_782 : vector<16xi32>
        %sub3A = arith.constant 384 : i32
        %sub3A_784 = arith.subi %add3A_659, %sub3A : i32
        %add3A_785 = arith.constant 0 : i32
        %add3A_786 = arith.addi %sub3A_784, %add3A_785 : i32
        %add3A_787 = vector.broadcast %add3A_786 : i32 to vector<16xi32>
        %add3A_788 = arith.addi %mul3A_783, %add3A_787 : vector<16xi32>
        tpu.vector_store_idx %arg11[%add3A_664, %and3A_684, %add3A_788], %add3A_765 : memref<8x8x129xf32, #tpu.memory_space<vmem>>[vector<16xi32>, vector<16xi32>, vector<16xi32>], vector<16xf32>,
        tpu.vector_store_idx %arg11[%add3A_670, %and3A_684, %add3A_788], %add3A_766 : memref<8x8x129xf32, #tpu.memory_space<vmem>>[vector<16xi32>, vector<16xi32>, vector<16xi32>], vector<16xf32>,
        tpu.vector_store_idx %arg11[%add3A_676, %and3A_684, %add3A_788], %add3A_767 : memref<8x8x129xf32, #tpu.memory_space<vmem>>[vector<16xi32>, vector<16xi32>, vector<16xi32>], vector<16xf32>,
        tpu.vector_store_idx %arg11[%add3A_682, %and3A_684, %add3A_788], %add3A_768 : memref<8x8x129xf32, #tpu.memory_space<vmem>>[vector<16xi32>, vector<16xi32>, vector<16xi32>], vector<16xf32>,
        %mul3A_789 = arith.constant 0 : i32
        %mul3A_790 = vector.broadcast %mul3A_789 : i32 to vector<16xi32>
        %mul3A_791 = arith.muli %and3A_684, %mul3A_790 : vector<16xi32>
        %sub3A_792 = arith.constant 384 : i32
        %sub3A_793 = arith.subi %add3A_659, %sub3A_792 : i32
        %add3A_794 = arith.constant 1 : i32
        %add3A_795 = arith.addi %sub3A_793, %add3A_794 : i32
        %add3A_796 = vector.broadcast %add3A_795 : i32 to vector<16xi32>
        %add3A_797 = arith.addi %mul3A_791, %add3A_796 : vector<16xi32>
        tpu.vector_store_idx %arg11[%add3A_664, %and3A_684, %add3A_797], %add3A_769 : memref<8x8x129xf32, #tpu.memory_space<vmem>>[vector<16xi32>, vector<16xi32>, vector<16xi32>], vector<16xf32>,
        tpu.vector_store_idx %arg11[%add3A_670, %and3A_684, %add3A_797], %add3A_770 : memref<8x8x129xf32, #tpu.memory_space<vmem>>[vector<16xi32>, vector<16xi32>, vector<16xi32>], vector<16xf32>,
        tpu.vector_store_idx %arg11[%add3A_676, %and3A_684, %add3A_797], %add3A_771 : memref<8x8x129xf32, #tpu.memory_space<vmem>>[vector<16xi32>, vector<16xi32>, vector<16xi32>], vector<16xf32>,
        tpu.vector_store_idx %arg11[%add3A_682, %and3A_684, %add3A_797], %add3A_772 : memref<8x8x129xf32, #tpu.memory_space<vmem>>[vector<16xi32>, vector<16xi32>, vector<16xi32>], vector<16xf32>,
        %mul3A_798 = arith.constant 0 : i32
        %mul3A_799 = vector.broadcast %mul3A_798 : i32 to vector<16xi32>
        %mul3A_800 = arith.muli %and3A_684, %mul3A_799 : vector<16xi32>
        %sub3A_801 = arith.constant 384 : i32
        %sub3A_802 = arith.subi %add3A_659, %sub3A_801 : i32
        %add3A_803 = arith.constant 2 : i32
        %add3A_804 = arith.addi %sub3A_802, %add3A_803 : i32
        %add3A_805 = vector.broadcast %add3A_804 : i32 to vector<16xi32>
        %add3A_806 = arith.addi %mul3A_800, %add3A_805 : vector<16xi32>
        tpu.vector_store_idx %arg11[%add3A_664, %and3A_684, %add3A_806], %add3A_773 : memref<8x8x129xf32, #tpu.memory_space<vmem>>[vector<16xi32>, vector<16xi32>, vector<16xi32>], vector<16xf32>,
        tpu.vector_store_idx %arg11[%add3A_670, %and3A_684, %add3A_806], %add3A_774 : memref<8x8x129xf32, #tpu.memory_space<vmem>>[vector<16xi32>, vector<16xi32>, vector<16xi32>], vector<16xf32>,
        tpu.vector_store_idx %arg11[%add3A_676, %and3A_684, %add3A_806], %add3A_775 : memref<8x8x129xf32, #tpu.memory_space<vmem>>[vector<16xi32>, vector<16xi32>, vector<16xi32>], vector<16xf32>,
        tpu.vector_store_idx %arg11[%add3A_682, %and3A_684, %add3A_806], %add3A_776 : memref<8x8x129xf32, #tpu.memory_space<vmem>>[vector<16xi32>, vector<16xi32>, vector<16xi32>], vector<16xf32>,
        %mul3A_807 = arith.constant 0 : i32
        %mul3A_808 = vector.broadcast %mul3A_807 : i32 to vector<16xi32>
        %mul3A_809 = arith.muli %and3A_684, %mul3A_808 : vector<16xi32>
        %sub3A_810 = arith.constant 384 : i32
        %sub3A_811 = arith.subi %add3A_659, %sub3A_810 : i32
        %add3A_812 = arith.constant 3 : i32
        %add3A_813 = arith.addi %sub3A_811, %add3A_812 : i32
        %add3A_814 = vector.broadcast %add3A_813 : i32 to vector<16xi32>
        %add3A_815 = arith.addi %mul3A_809, %add3A_814 : vector<16xi32>
        tpu.vector_store_idx %arg11[%add3A_664, %and3A_684, %add3A_815], %add3A_777 : memref<8x8x129xf32, #tpu.memory_space<vmem>>[vector<16xi32>, vector<16xi32>, vector<16xi32>], vector<16xf32>,
        tpu.vector_store_idx %arg11[%add3A_670, %and3A_684, %add3A_815], %add3A_778 : memref<8x8x129xf32, #tpu.memory_space<vmem>>[vector<16xi32>, vector<16xi32>, vector<16xi32>], vector<16xf32>,
        tpu.vector_store_idx %arg11[%add3A_676, %and3A_684, %add3A_815], %add3A_779 : memref<8x8x129xf32, #tpu.memory_space<vmem>>[vector<16xi32>, vector<16xi32>, vector<16xi32>], vector<16xf32>,
        tpu.vector_store_idx %arg11[%add3A_682, %and3A_684, %add3A_815], %add3A_780 : memref<8x8x129xf32, #tpu.memory_space<vmem>>[vector<16xi32>, vector<16xi32>, vector<16xi32>], vector<16xf32>,
        %scan3A_816 = arith.constant 0 : i32
        scf.yield %scan3A_816 : i32
      }
      %scan3A_634 = arith.constant 32 : i32
      %dma_start3A_635 = arith.constant 0 : i32
      %dma_start3A_636 = arith.constant 0 : i32
      %dma_start3A_637 = arith.constant 0 : i32
      %dma_start3A_638 = tpu.memref_slice %arg11[%dma_start3A_635, %dma_start3A_636, %dma_start3A_637] : memref<8x8x129xf32, #tpu.memory_space<vmem>> -> memref<8x8x128xf32, #tpu.memory_space<vmem>>
      %dma_start3A_639 = arith.constant 0 : i32
      %dma_start3A_640 = arith.constant 0 : i32
      %dma_start3A_641 = arith.constant 0 : i32
      %dma_start3A_642 = tpu.memref_slice %arg5[%add3A_586, %dma_start3A_639, %add3A, %dma_start3A_640, %dma_start3A_641] : memref<200x8x32x8x128xf32, #tpu.memory_space<hbm>> -> memref<1x8x1x8x128xf32, #tpu.memory_space<hbm>>
      %dma_start3A_643 = tpu.memref_squeeze %dma_start3A_642 : memref<1x8x1x8x128xf32, #tpu.memory_space<hbm>> -> memref<8x8x128xf32, #tpu.memory_space<hbm>>
      %dma_start3A_644 = arith.constant 0 : i32
      %dma_start3A_645 = arith.constant 0 : i32
      %dma_start3A_646 = arith.constant 0 : i32
      %dma_start3A_647 = tpu.memref_slice %arg5[%add3A_586, %dma_start3A_644, %add3A, %dma_start3A_645, %dma_start3A_646] : memref<200x8x32x8x128xf32, #tpu.memory_space<hbm>> -> memref<1x8x1x8x128xf32, #tpu.memory_space<hbm>>
      %dma_start3A_648 = tpu.memref_squeeze %dma_start3A_647 : memref<1x8x1x8x128xf32, #tpu.memory_space<hbm>> -> memref<8x8x128xf32, #tpu.memory_space<hbm>>
      %dma_start3A_649 = arith.constant 0 : i32
      %dma_start3A_650 = arith.constant 0 : i32
      %dma_start3A_651 = arith.constant 0 : i32
      %dma_start3A_652 = tpu.memref_slice %arg11[%dma_start3A_649, %dma_start3A_650, %dma_start3A_651] : memref<8x8x129xf32, #tpu.memory_space<vmem>> -> memref<8x8x128xf32, #tpu.memory_space<vmem>>
      tpu.enqueue_dma source(%dma_start3A_652 : memref<8x8x128xf32, #tpu.memory_space<vmem>>) target(%dma_start3A_648 : memref<8x8x128xf32, #tpu.memory_space<hbm>>) target_semaphore(%arg13 : memref<!tpu.dma_semaphore, #tpu.memory_space<semaphore_mem>>)
      %scan3A_653 = arith.constant 0 : i32
      scf.yield %scan3A_653 : i32
    }
    %scan3A_94 = arith.constant 25 : i32
    %dma_wait3A = arith.constant 0 : i32
    %dma_wait3A_95 = arith.constant 0 : i32
    %dma_wait3A_96 = arith.constant 0 : i32
    %dma_wait3A_97 = arith.constant 0 : i32
    %dma_wait3A_98 = tpu.memref_slice %arg10[%dma_wait3A_95, %dma_wait3A_96, %dma_wait3A_97] : memref<8x8x129xf32, #tpu.memory_space<vmem>> -> memref<8x8x128xf32, #tpu.memory_space<vmem>>
    %dma_wait3A_99 = arith.constant 0 : i32
    %dma_wait3A_100 = arith.constant 0 : i32
    %dma_wait3A_101 = arith.constant 0 : i32
    %dma_wait3A_102 = tpu.memref_slice %arg5[%dma_wait3A, %dma_wait3A_99, %add3A, %dma_wait3A_100, %dma_wait3A_101] : memref<200x8x32x8x128xf32, #tpu.memory_space<hbm>> -> memref<1x8x1x8x128xf32, #tpu.memory_space<hbm>>
    %dma_wait3A_103 = tpu.memref_squeeze %dma_wait3A_102 : memref<1x8x1x8x128xf32, #tpu.memory_space<hbm>> -> memref<8x8x128xf32, #tpu.memory_space<hbm>>
    %dma_wait3A_104 = arith.constant 0 : i32
    %dma_wait3A_105 = arith.constant 0 : i32
    %dma_wait3A_106 = arith.constant 0 : i32
    %dma_wait3A_107 = tpu.memref_slice %arg5[%dma_wait3A, %dma_wait3A_104, %add3A, %dma_wait3A_105, %dma_wait3A_106] : memref<200x8x32x8x128xf32, #tpu.memory_space<hbm>> -> memref<1x8x1x8x128xf32, #tpu.memory_space<hbm>>
    %dma_wait3A_108 = tpu.memref_squeeze %dma_wait3A_107 : memref<1x8x1x8x128xf32, #tpu.memory_space<hbm>> -> memref<8x8x128xf32, #tpu.memory_space<hbm>>
    %dma_wait3A_109 = arith.constant 0 : i32
    %dma_wait3A_110 = arith.constant 0 : i32
    %dma_wait3A_111 = arith.constant 0 : i32
    %dma_wait3A_112 = tpu.memref_slice %arg10[%dma_wait3A_109, %dma_wait3A_110, %dma_wait3A_111] : memref<8x8x129xf32, #tpu.memory_space<vmem>> -> memref<8x8x128xf32, #tpu.memory_space<vmem>>
    tpu.wait_dma2 semaphore(%arg13 : memref<!tpu.dma_semaphore, #tpu.memory_space<semaphore_mem>>) src(%dma_wait3A_112 : memref<8x8x128xf32, #tpu.memory_space<vmem>>) dst(%dma_wait3A_108 : memref<8x8x128xf32, #tpu.memory_space<hbm>>)
    %dma_wait3A_113 = arith.constant 0 : i32
    %dma_wait3A_114 = arith.constant 0 : i32
    %dma_wait3A_115 = arith.constant 0 : i32
    %dma_wait3A_116 = arith.constant 0 : i32
    %dma_wait3A_117 = tpu.memref_slice %arg11[%dma_wait3A_114, %dma_wait3A_115, %dma_wait3A_116] : memref<8x8x129xf32, #tpu.memory_space<vmem>> -> memref<8x8x128xf32, #tpu.memory_space<vmem>>
    %dma_wait3A_118 = arith.constant 0 : i32
    %dma_wait3A_119 = arith.constant 0 : i32
    %dma_wait3A_120 = arith.constant 0 : i32
    %dma_wait3A_121 = tpu.memref_slice %arg5[%dma_wait3A_113, %dma_wait3A_118, %add3A, %dma_wait3A_119, %dma_wait3A_120] : memref<200x8x32x8x128xf32, #tpu.memory_space<hbm>> -> memref<1x8x1x8x128xf32, #tpu.memory_space<hbm>>
    %dma_wait3A_122 = tpu.memref_squeeze %dma_wait3A_121 : memref<1x8x1x8x128xf32, #tpu.memory_space<hbm>> -> memref<8x8x128xf32, #tpu.memory_space<hbm>>
    %dma_wait3A_123 = arith.constant 0 : i32
    %dma_wait3A_124 = arith.constant 0 : i32
    %dma_wait3A_125 = arith.constant 0 : i32
    %dma_wait3A_126 = tpu.memref_slice %arg5[%dma_wait3A_113, %dma_wait3A_123, %add3A, %dma_wait3A_124, %dma_wait3A_125] : memref<200x8x32x8x128xf32, #tpu.memory_space<hbm>> -> memref<1x8x1x8x128xf32, #tpu.memory_space<hbm>>
    %dma_wait3A_127 = tpu.memref_squeeze %dma_wait3A_126 : memref<1x8x1x8x128xf32, #tpu.memory_space<hbm>> -> memref<8x8x128xf32, #tpu.memory_space<hbm>>
    %dma_wait3A_128 = arith.constant 0 : i32
    %dma_wait3A_129 = arith.constant 0 : i32
    %dma_wait3A_130 = arith.constant 0 : i32
    %dma_wait3A_131 = tpu.memref_slice %arg11[%dma_wait3A_128, %dma_wait3A_129, %dma_wait3A_130] : memref<8x8x129xf32, #tpu.memory_space<vmem>> -> memref<8x8x128xf32, #tpu.memory_space<vmem>>
    tpu.wait_dma2 semaphore(%arg13 : memref<!tpu.dma_semaphore, #tpu.memory_space<semaphore_mem>>) src(%dma_wait3A_131 : memref<8x8x128xf32, #tpu.memory_space<vmem>>) dst(%dma_wait3A_127 : memref<8x8x128xf32, #tpu.memory_space<hbm>>)
    return
  }
}

</mosaic_0001>

<sc_bundles>
// kernel: kernel.3.cloned.1.call-start
scs
__scs_entry_jumppad:
0x0: {  	(pc) =	sbr.rel $0x88, $3  }
0x1: {  	(tag) =	ssettag $0x0;
	lr =	simm.s32 $0x1  }
0x2: {  	[smem:$0x3F9E] =	sst lr;
	_ =	strace $0xD0000000  }
0x3: {  	_ = 	snop  }
0x4: {  	_ = 	snop  }
0x5: {  	_ = 	snop  }
0x6: {  	_ = 	snop  }
0x7: {  	_ = 	snop  }
__scs_overlays_trampoline_lowered:
0x8: {  	[smem:$0x3FAD] =	sst s0  }
0x9: {  	[smem:$0x3FAE] =	sst s1  }
0xa: {  	[smem:$0x3FAF] =	sst s2  }
0xb: {  	[smem:$0x3FB0] =	sst s3  }
0xc: {  	[smem:$0x3FB1] =	sst s4  }
0xd: {  	[smem:$0x3FB2] =	sst s5  }
0xe: {  	[smem:$0x3FB3] =	sst s6  }
0xf: {  	[smem:$0x3FB4] =	sst s7  }
0x10: {  	[smem:$0x3FB5] =	sst s8  }
0x11: {  	[smem:$0x3FB6] =	sst s9;
	s0 =	simm.s32 @!p0 $0x0  }
0x12: {  	s1 =	sld [smem:$0x3F9C];
	s0 =	simm.s32 @p0 $0x1  }
0x13: {  	[smem:$0x3FB7] =	sst s0;
	s0 =	simm.s32 @!p1 $0x0  }
0x14: {  	s2 =	sld [smem:$0x3F9B];
	s0 =	simm.s32 @p1 $0x1  }
0x15: {  	[smem:$0x3FB8] =	sst s0;
	s0 =	simm.s32 @!p2 $0x0  }
0x16: {  	s3 =	sld [smem:$0x3FDB];
	s0 =	simm.s32 @p2 $0x1  }
0x17: {  	s4 =	simm.s32 $0x1BF5;
	[smem:$0x3FBA] =	sst s0  }
0x18: {  	s0 =	sld [smem:$0x3F9D];
	_ =	swait.ge [sflag:s4], $0x0  }
0x19: {  	s7 =	sld [smem:$0x3F9E]  }
0x1a: {  	s8 =	sadd.s32 $0xFFFFE003, lr  }
0x1b: {  	s9 =	sadd.s32 $0xFFFFFEF7, lr;
	s5 =	simm.s32 $0xFFFFFFFF;
	p2 =	slt.u32 s8, $0xFFFFF086  }
0x1c: {  	p1 =	slt.u32 s9, $0xF7A;
	s5 =	simm.s32 @!p2 $0x0  }
0x1d: {  	s5 =	simm.s32 @p1 $0x1;
	p0 =	seq.s32 s7, s2  }
0x1e: {  	s7 =	smul.u32 @!p0 $0xF7A, s2;
	p2 =	seq.s32 @!p0 s5, $0x0  }
0x1f: {  	s9 =	smul.u32 $0xF7A, s1;
	s8 =	simm.s32 @!p0 $0x1BF5;
	p2 =	por !p2, p0  }
0x20: {  	[sflag:s8] =	ssyncset.s32 @!p0 $0xFFFFF086;
	s6 =	sadd.s32 @!p0 s3, s7;
	s7 =	simm.s32 @!p0 $0x108  }
0x21: {  	s3 =	sadd.s32 s3, s9;
	s6 =	sadd.s32 @!p0 $0x88, s6;
	s7 =	simm.s32 @p2 $0x1082  }
0x22: {  	[simem:s7], [sflag:s8] =	dma.local @!p0 [hbm:s6], $0xF7A  }
0x23: {  	s9 =	sor.u32 $0xD0000000, s2;
	s6 =	simm.s32 $0x108;
	_ =	swait.ge @!p0 [sflag:s8], $0x0  }
0x24: {  	s3 =	sadd.s32 $0x88, s3;
	s6 =	simm.s32 @!p1 $0x1082;
	[sflag:s4] =	ssyncset.s32 $0xFFFFF086  }
0x25: {  	[simem:s6], [sflag:s4] =	dma.local [hbm:s3], $0xF7A  }
0x26: {  	[smem:$0x3F9E] =	sst s1;
	(tag) =	ssettag s2;
	_ =	strace s9  }
0x27: {  	s1 =	sld [smem:$0x3FAE]  }
0x28: {  	s2 =	sld [smem:$0x3FAF]  }
0x29: {  	s4 =	sld [smem:$0x3FB1]  }
0x2a: {  	p0 =	seq.s32 s5, $0x0;
	s5 =	sld [smem:$0x3FB2]  }
0x2b: {  	s6 =	sld [smem:$0x3FB3]  }
0x2c: {  	s7 =	sld [smem:$0x3FB4]  }
0x2d: {  	s3 =	simm.s32 $0x108;
	s8 =	sld [smem:$0x3FB5]  }
0x2e: {  	s3 =	simm.s32 @!p0 $0x1082;
	s9 =	sld [smem:$0x3FB6]  }
0x2f: {  	lr =	sadd.s32 s0, s3;
	s0 =	sld [smem:$0x3FAD]  }
0x30: {  	s3 =	sld [smem:$0x3FB0]  }
0x31: {  	[smem:$0x3FB9] =	sst s10  }
0x32: {  	s10 =	sld [smem:$0x3FB7];
	_ =	sdelay $0x3  }
0x33: {  	p0 =	seq.s32 s10, $0x1;
	s10 =	sld [smem:$0x3FB9];
	_ =	sdelay $0x3  }
0x34: {  	[smem:$0x3FB9] =	sst s10  }
0x35: {  	s10 =	sld [smem:$0x3FB8];
	_ =	sdelay $0x3  }
0x36: {  	p1 =	seq.s32 s10, $0x1;
	s10 =	sld [smem:$0x3FB9];
	_ =	sdelay $0x3  }
0x37: {  	[smem:$0x3FB9] =	sst s10  }
0x38: {  	s10 =	sld [smem:$0x3FBA]  }
0x39: {  	_ = 	snop;
	(pc) =	sbr.ind lr, $3  }
0x3a: {  	_ = 	snop  }
0x3b: {  	_ = 	snop  }
0x3c: {  	p2 =	seq.s32 s10, $0x1;
	s10 =	sld [smem:$0x3FB9]  }
0x3d: {  	_ =	shalt  }
0x3e: {  	_ =	shalt  }
0x3f: {  	_ =	shalt  }
0x40: {  	_ =	shalt  }
0x41: {  	_ =	shalt  }
0x42: {  	_ =	shalt  }
0x43: {  	_ =	shalt  }
0x44: {  	_ =	shalt  }
0x45: {  	_ =	shalt  }
0x46: {  	_ =	shalt  }
0x47: {  	_ =	shalt  }
0x48: {  	_ =	shalt  }
0x49: {  	_ =	shalt  }
0x4a: {  	_ =	shalt  }
0x4b: {  	_ =	shalt  }
0x4c: {  	_ =	shalt  }
0x4d: {  	_ =	shalt  }
0x4e: {  	_ =	shalt  }
0x4f: {  	_ =	shalt  }
0x50: {  	_ =	shalt  }
0x51: {  	_ =	shalt  }
0x52: {  	_ =	shalt  }
0x53: {  	_ =	shalt  }
0x54: {  	_ =	shalt  }
0x55: {  	_ =	shalt  }
0x56: {  	_ =	shalt  }
0x57: {  	_ =	shalt  }
0x58: {  	_ =	shalt  }
0x59: {  	_ =	shalt  }
0x5a: {  	_ =	shalt  }
0x5b: {  	_ =	shalt  }
0x5c: {  	_ =	shalt  }
0x5d: {  	_ =	shalt  }
0x5e: {  	_ =	shalt  }
0x5f: {  	_ =	shalt  }
0x60: {  	_ =	shalt  }
0x61: {  	_ =	shalt  }
0x62: {  	_ =	shalt  }
0x63: {  	_ =	shalt  }
0x64: {  	_ =	shalt  }
0x65: {  	_ =	shalt  }
0x66: {  	_ =	shalt  }
0x67: {  	_ =	shalt  }
0x68: {  	_ =	shalt  }
0x69: {  	_ =	shalt  }
0x6a: {  	_ =	shalt  }
0x6b: {  	_ =	shalt  }
0x6c: {  	_ =	shalt  }
0x6d: {  	_ =	shalt  }
0x6e: {  	_ =	shalt  }
0x6f: {  	_ =	shalt  }
0x70: {  	_ =	shalt  }
0x71: {  	_ =	shalt  }
0x72: {  	_ =	shalt  }
0x73: {  	_ =	shalt  }
0x74: {  	_ =	shalt  }
0x75: {  	_ =	shalt  }
0x76: {  	_ =	shalt  }
0x77: {  	_ =	shalt  }
0x78: {  	_ =	shalt  }
0x79: {  	_ =	shalt  }
0x7a: {  	_ =	shalt  }
0x7b: {  	_ =	shalt  }
0x7c: {  	_ =	shalt  }
0x7d: {  	_ =	shalt  }
0x7e: {  	_ =	shalt  }
0x7f: {  	_ =	shalt  }
0x80: {  	_ =	shalt  }
0x81: {  	_ =	shalt  }
0x82: {  	_ =	shalt  }
0x83: {  	_ =	shalt  }
0x84: {  	_ =	shalt  }
0x85: {  	_ =	shalt  }
0x86: {  	_ =	shalt  }
0x87: {  	_ =	shalt  }
.Lfunc_end0:
.L_simem_size_0:
called_computation_lowered:
.L_overlay_start_0:
0x88: {  	s2 =	sld [smem:$0x3FD9]  }
0x89: {  	s3 =	sld [smem:$0x3FFE];
	_ =	sdelay $0x1  }
0x8a: {  	s1 =	srdreg.scid  }
0x8b: {  	s0 =	sand.u32 $0x1, s1  }
0x8c: {  	s17 =	sshll.u32 s0, $0xA;
	s2 =	sadd.s32 s3, s2  }
0x8d: {  	s2 =	sadd.s32 s2, s17  }
0x8e: {  	[smem:$0x3FC5] =	sst s2  }
0x8f: {  	_ = 	snop  }
0x90: {  	s2 =	sld [smem:$0x3FC9]  }
0x91: {  	s18 =	sld [smem:$0x3FD0];
	(tm) =	ssettm $0x1  }
0x92: {  	s4 =	sld [smem:$0x3FFB];
	_ =	sdelay $0x3  }
0x93: {  	_ =	strace s4  }
0x94: {  	s4 =	sld [smem:$0x3FFC];
	_ =	sdelay $0x3  }
0x95: {  	_ =	strace s4  }
0x96: {  	s4 =	sld [smem:$0x3FFD];
	_ =	sdelay $0x3  }
0x97: {  	_ =	strace s4  }
0x98: {  	_ =	strace $0x8FFFFFFF  }
0x99: {  	s19 =	sld [smem:$0x3FDB];
	_ =	sdelay $0x1  }
0x9a: {  	s5 =	simm.s32 $_scs_section_size  }
0x9b: {  	s6 =	simm.s32 $_size__tile_overlayer_lowered;
	s7 =	simm.s32 $_tile_overlayer_lowered  }
0x9c: {  	s22 =	simm.s32 $0x1BFF;
	s21 =	sshll.u32 s7, $0x1;
	s4 =	sadd.s32 s5, s19  }
0x9d: {  	s8 =	simm.s32 $0x0;
	s20 =	sshll.u32 s6, $0x1;
	s6 =	sadd.s32 s21, s4  }
0x9e: {  	[timem:s8], [sflag:s22] =	dma.local [hbm:s6], s20  }
0x9f: {  	_ =	swait.ge [sflag:s22], s20  }
0xa0: {  	s5 =	ssub.s32 $0x0, s20;
	[sflag:s22] =	ssyncset.done $0x0  }
0xa1: {  	[sflag:s22] =	ssyncadd.s32 s5;
	_ =	sdelay $0x1  }
0xa2: {  	s23 =	simm.s32 $0x1B8B  }
0xa3: {  	_ =	swait.ge [sflag:s23], $0x1  }
0xa4: {  	[sflag:s23] =	ssyncset.done $0x0  }
0xa5: {  	s25 =	simm.s32 $0x1B8E;
	s24 =	sld [smem:$0x3FFE];
	[sflag:s23] =	ssyncadd.s32 $0xFFFFFFFF  }
0xa6: {  	s26 =	simm.s32 $execute0_lowered;
	[smem:$0x3FD2] =	sst s25  }
0xa7: {  	s6 =	sshll.u32 s26, $0x1;
	_ =	strace $0x80000046;
	[dreg:$0x1] =	wrdreg $0xFFFFFFFF  }
0xa8: {  	s28 =	simm.s32 $_size_execute0_lowered;
	s4 =	sadd.s32 s4, s6;
	[dreg:$0x0] =	wrdreg $0x0  }
0xa9: {  	s6 =	sshll.u32 s28, $0x1;
	[dreg:$0x2] =	wrdreg s4  }
0xaa: {  	[dreg:$0x3] =	wrdreg s6  }
0xab: {  	[dreg:$0x4] =	wrdreg $0xC0  }
0xac: {  	_ =	task [dreg:s8], $0x5FFFF  }
0xad: {  	[dreg:$0x1] =	wrdreg $0xFFFFFFFF  }
0xae: {  	[dreg:$0x0] =	wrdreg $0x60  }
0xaf: {  	[dreg:$0x2] =	wrdreg s2  }
0xb0: {  	[dreg:$0x3] =	wrdreg s24  }
0xb1: {  	[dreg:$0x4] =	wrdreg s18  }
0xb2: {  	[dreg:$0x5] =	wrdreg $0x9  }
0xb3: {  	_ =	task.clear_ibuf [dreg:s8], $0x6FFFF;
	_ =	strace $0x90000046  }
0xb4: {  	s29 =	simm.s32 $0x9;
	_ =	strace $0x80000048  }
0xb5: {  	_ =	swait.ge [sflag:s29], $0x1  }
0xb6: {  	[sflag:s29] =	ssyncadd.s32 $0xFFFFFFFF  }
0xb7: {  	_ =	strace $0x90000048  }
0xb8: {  	_ =	sfence  }
0xb9: {  	s30 =	sld [smem:$0x0];
	_ =	sdelay $0x2  }
0xba: {  	s31 =	sshll.u32 s1, $0xD;
	s1 =	sshrl.u32 s1, $0x2  }
0xbb: {  	s3 =	sand.u32 $0x4000, s31;
	s1 =	sadd.s32 s1, s30  }
0xbc: {  	s0 =	sor.u32 s3, s0;
	s1 =	sshll.u32 s1, $0x11  }
0xbd: {  	s0 =	sor.u32 s1, s0  }
0xbe: {  	s0 =	sadd.s32 $0x8F2B, s0  }
0xbf: {  	[sflag:s0] =	ssyncadd.remote.s32 $0x1  }
0xc0: {  	_ =	sfence.sel $0xFFFF  }
0xc1: {  	[dreg:$0x0] =	wrdreg $0xFFFFFFFF;
	(pc) =	sbr.abs _section_cstart, $3  }
0xc2: {  	[dreg:$0x1] =	wrdreg $0xFFFFFFFF  }
0xc3: {  	_ =	task.clear_ibuf [dreg:s8], $0x2FFFF;
	_ =	strace $0x9FFFFFFF  }
0xc4: {  	(tm) =	ssettm $0x7FFFFFFF  }
0xc5: {  	_ =	shalt  }
tec
execute0_lowered:
.L_overlay_start_1:
0x0: {  	(tag) =	ssettag $0x1  }
0x1: {  	s0 =	rddreg [dreg:$0x0]  }
0x2: {  	s1 =	rddreg [dreg:$0x1];
	s3 =	srdreg.scid  }
0x3: {  	s2 =	rddreg [dreg:$0x2];
	s4 =	stileid.u32;
	s5 =	sand.u32 $0x1, s3  }
0x4: {  	s3 =	simm.s32 $0x0;
	s4 =	sshll.u32 s4, $0xB;
	s6 =	sshll.u32 s5, $0xA  }
0x5: {  	[smem:$0x7FF] =	sst s3;
	s7 =	ssub.s32 $0x2, s5;
	s5 =	sadd.s32 $0xF42A00, s1  }
0x6: {  	s1 =	sadd.s32 $0x600, s1;
	s4 =	sor.u32 s6, s4;
	s8 =	sshrl.u32 s7, $0x1  }
0x7: {  	_ =	strace $0x80000047;
	s6 =	sshrl.u32 s4, $0x3;
	s8 =	ssub.s32 s7, s8  }
0x8: {  	[dreg:$0x4] =	wrdreg s1;
	s6 =	sadd.s32 s0, s6;
	s0 =	smax.u32 s8, $0x1  }
0x9: {  	s9 =	sadd.s32 $0x1000, s6;
	[dreg:$0x16] =	wrdreg s0  }
0xa: {  	s10 =	sadd.s32 $0x2000, s6;
	[dreg:$0x5] =	wrdreg s9  }
0xb: {  	s11 =	sadd.s32 $0x3000, s6;
	[dreg:$0x6] =	wrdreg s10  }
0xc: {  	s12 =	sadd.s32 $0x4000, s6;
	[dreg:$0x7] =	wrdreg s11  }
0xd: {  	s13 =	sadd.s32 $0x5000, s6;
	[dreg:$0x8] =	wrdreg s12  }
0xe: {  	s14 =	sadd.s32 $0x6000, s6;
	[dreg:$0x9] =	wrdreg s13  }
0xf: {  	s15 =	sadd.s32 $0x7000, s6;
	[dreg:$0xa] =	wrdreg s14  }
0x10: {  	s16 =	sadd.s32 $0x8000, s6;
	[dreg:$0xb] =	wrdreg s15  }
0x11: {  	s17 =	sadd.s32 $0x9000, s6;
	[dreg:$0xc] =	wrdreg s16  }
0x12: {  	s18 =	sadd.s32 $0xA000, s6;
	[dreg:$0xd] =	wrdreg s17  }
0x13: {  	s19 =	sadd.s32 $0xB000, s6;
	[dreg:$0xe] =	wrdreg s18  }
0x14: {  	s20 =	sadd.s32 $0xC000, s6;
	[dreg:$0xf] =	wrdreg s19  }
0x15: {  	s21 =	sadd.s32 $0xD000, s6;
	[dreg:$0x10] =	wrdreg s20  }
0x16: {  	s22 =	sadd.s32 $0xE000, s6;
	[dreg:$0x11] =	wrdreg s21  }
0x17: {  	s7 =	simm.s32 $0x3;
	s23 =	sadd.s32 $0xF000, s6;
	[dreg:$0x12] =	wrdreg s22  }
0x18: {  	s8 =	simm.s32 $0x80;
	s24 =	sadd.s32 $0x10000, s6;
	[dreg:$0x13] =	wrdreg s23  }
0x19: {  	s25 =	sadd.s32 $0x11000, s6;
	s26 =	sadd.s32 $0x12000, s6;
	[dreg:$0x14] =	wrdreg s24  }
0x1a: {  	s28 =	sadd.s32 $0x13000, s6;
	s29 =	sadd.s32 $0x14000, s6;
	[dreg:$0x15] =	wrdreg s25  }
0x1b: {  	s30 =	sadd.s32 $0x15000, s6;
	s31 =	sadd.s32 $0x16000, s6;
	[dreg:$0x17] =	wrdreg s26  }
0x1c: {  	v0 =	vlaneseq.u32;
	s0 =	sadd.s32 $0x17000, s6;
	s1 =	sadd.s32 $0x18000, s6;
	[dreg:$0x18] =	wrdreg s28  }
0x1d: {  	v0 =	vmul.u32 $0x88, v0;
	s9 =	simm.s32 $0x1;
	s10 =	simm.s32 $0x11600;
	s11 =	simm.s32 $0x13600  }
0x1e: {  	s12 =	simm.s32 $0x15600;
	s13 =	simm.s32 $0x17600;
	s14 =	simm.s32 $0x19600  }
0x1f: {  	v1 =	vadd.s32 $0x880, v0;
	v2 =	vadd.s32 $0x1100, v0;
	v3 =	vadd.s32 $0x1980, v0;
	s15 =	simm.s32 $0x1B800;
	s16 =	simm.s32 $0x2;
	s17 =	simm.s32 $0x0  }
.LBB2_1:
0x20: {  	[tilespmem:s3], [sflag:$0x3] =	stream.linear.gather [hbm4b:s6+s3], $0x400, $0x38;
	[tilespmem:$0x1DA00] =	vst v63  }
0x21: {  	_ =	swait.ge [sflag:s7], $0x400  }
0x22: {  	[sflag:s7] =	ssyncset.done $0x0  }
0x23: {  	s18 =	simm.s32 $0x9600;
	[sflag:s7] =	ssyncadd.s32 $0xFFFFFC00  }
0x24: {  	[tilespmem:s18], [sflag:$0x1] =	stream.indirect.gather [hbm4b:s5+s8], $0x40, s3, s8, $0xb8;
	[tilespmem:$0x1DA00] =	vst v63  }
0x25: {  	s20 =	simm.s32 $0xB600  }
0x26: {  	[tilespmem:s20], [sflag:$0x1] =	stream.indirect.gather [hbm4b:s5+s8], $0x40, s8, s8, $0xb8;
	[tilespmem:$0x1DA00] =	vst v63  }
0x27: {  	s21 =	simm.s32 $0x100;
	s19 =	simm.s32 $0xD600  }
0x28: {  	[tilespmem:s19], [sflag:$0x1] =	stream.indirect.gather [hbm4b:s5+s8], $0x40, s21, s8, $0xb8;
	[tilespmem:$0x1DA00] =	vst v63  }
0x29: {  	s22 =	simm.s32 $0x180;
	s23 =	simm.s32 $0xF600  }
0x2a: {  	[tilespmem:s23], [sflag:$0x1] =	stream.indirect.gather [hbm4b:s5+s8], $0x40, s22, s8, $0xb8;
	[tilespmem:$0x1DA00] =	vst v63  }
0x2b: {  	s25 =	simm.s32 $0x6400;
	s24 =	rddreg [dreg:$0x4]  }
0x2c: {  	[tilespmem:s25], [sflag:$0x3] =	stream.linear.gather [hbm4b:s24+s3], $0x3200, $0x38;
	[tilespmem:$0x1DA00] =	vst v63  }
0x2d: {  	_ =	swait.ge [sflag:s7], $0x3200  }
0x2e: {  	[sflag:s7] =	ssyncset.done $0x0  }
0x2f: {  	s28 =	simm.s32 $0x400;
	s26 =	rddreg [dreg:$0x5];
	[sflag:s7] =	ssyncadd.s32 $0xFFFFCE00  }
0x30: {  	[tilespmem:s28], [sflag:$0x3] =	stream.linear.gather [hbm4b:s26+s3], $0x400, $0x38;
	[tilespmem:$0x1DA00] =	vst v63  }
0x31: {  	_ =	swait.ge [sflag:s7], $0x400  }
0x32: {  	[sflag:s7] =	ssyncset.done $0x0  }
0x33: {  	s21 =	simm.s32 $0x800;
	s20 =	rddreg [dreg:$0x6];
	[sflag:s7] =	ssyncadd.s32 $0xFFFFFC00  }
0x34: {  	[tilespmem:s21], [sflag:$0x3] =	stream.linear.gather [hbm4b:s20+s3], $0x400, $0x38;
	[tilespmem:$0x1DA00] =	vst v63  }
0x35: {  	_ =	swait.ge [sflag:s7], $0x400  }
0x36: {  	[sflag:s7] =	ssyncset.done $0x0  }
0x37: {  	s23 =	simm.s32 $0xC00;
	s22 =	rddreg [dreg:$0x7];
	[sflag:s7] =	ssyncadd.s32 $0xFFFFFC00  }
0x38: {  	[tilespmem:s23], [sflag:$0x3] =	stream.linear.gather [hbm4b:s22+s3], $0x400, $0x38;
	[tilespmem:$0x1DA00] =	vst v63  }
0x39: {  	_ =	swait.ge [sflag:s7], $0x400  }
0x3a: {  	[sflag:s7] =	ssyncset.done $0x0  }
0x3b: {  	s25 =	simm.s32 $0x1000;
	s24 =	rddreg [dreg:$0x8];
	[sflag:s7] =	ssyncadd.s32 $0xFFFFFC00  }
0x3c: {  	[tilespmem:s25], [sflag:$0x3] =	stream.linear.gather [hbm4b:s24+s3], $0x400, $0x38;
	[tilespmem:$0x1DA00] =	vst v63  }
0x3d: {  	_ =	swait.ge [sflag:s7], $0x400  }
0x3e: {  	[sflag:s7] =	ssyncset.done $0x0  }
0x3f: {  	s28 =	simm.s32 $0x1400;
	s26 =	rddreg [dreg:$0x9];
	[sflag:s7] =	ssyncadd.s32 $0xFFFFFC00  }
0x40: {  	[tilespmem:s28], [sflag:$0x3] =	stream.linear.gather [hbm4b:s26+s3], $0x400, $0x38;
	[tilespmem:$0x1DA00] =	vst v63  }
0x41: {  	_ =	swait.ge [sflag:s7], $0x400  }
0x42: {  	[sflag:s7] =	ssyncset.done $0x0  }
0x43: {  	s21 =	simm.s32 $0x1800;
	s20 =	rddreg [dreg:$0xa];
	[sflag:s7] =	ssyncadd.s32 $0xFFFFFC00  }
0x44: {  	[tilespmem:s21], [sflag:$0x3] =	stream.linear.gather [hbm4b:s20+s3], $0x400, $0x38;
	[tilespmem:$0x1DA00] =	vst v63  }
0x45: {  	_ =	swait.ge [sflag:s7], $0x400  }
0x46: {  	[sflag:s7] =	ssyncset.done $0x0  }
0x47: {  	s23 =	simm.s32 $0x1C00;
	s22 =	rddreg [dreg:$0xb];
	[sflag:s7] =	ssyncadd.s32 $0xFFFFFC00  }
0x48: {  	[tilespmem:s23], [sflag:$0x3] =	stream.linear.gather [hbm4b:s22+s3], $0x400, $0x38;
	[tilespmem:$0x1DA00] =	vst v63  }
0x49: {  	_ =	swait.ge [sflag:s7], $0x400  }
0x4a: {  	[sflag:s7] =	ssyncset.done $0x0  }
0x4b: {  	s25 =	simm.s32 $0x2000;
	s24 =	rddreg [dreg:$0xc];
	[sflag:s7] =	ssyncadd.s32 $0xFFFFFC00  }
0x4c: {  	[tilespmem:s25], [sflag:$0x3] =	stream.linear.gather [hbm4b:s24+s3], $0x400, $0x38;
	[tilespmem:$0x1DA00] =	vst v63  }
0x4d: {  	_ =	swait.ge [sflag:s7], $0x400  }
0x4e: {  	[sflag:s7] =	ssyncset.done $0x0  }
0x4f: {  	s28 =	simm.s32 $0x2400;
	s26 =	rddreg [dreg:$0xd];
	[sflag:s7] =	ssyncadd.s32 $0xFFFFFC00  }
0x50: {  	[tilespmem:s28], [sflag:$0x3] =	stream.linear.gather [hbm4b:s26+s3], $0x400, $0x38;
	[tilespmem:$0x1DA00] =	vst v63  }
0x51: {  	_ =	swait.ge [sflag:s7], $0x400  }
0x52: {  	[sflag:s7] =	ssyncset.done $0x0  }
0x53: {  	s21 =	simm.s32 $0x2800;
	s20 =	rddreg [dreg:$0xe];
	[sflag:s7] =	ssyncadd.s32 $0xFFFFFC00  }
0x54: {  	[tilespmem:s21], [sflag:$0x3] =	stream.linear.gather [hbm4b:s20+s3], $0x400, $0x38;
	[tilespmem:$0x1DA00] =	vst v63  }
0x55: {  	_ =	swait.ge [sflag:s7], $0x400  }
0x56: {  	[sflag:s7] =	ssyncset.done $0x0  }
0x57: {  	s23 =	simm.s32 $0x2C00;
	s22 =	rddreg [dreg:$0xf];
	[sflag:s7] =	ssyncadd.s32 $0xFFFFFC00  }
0x58: {  	[tilespmem:s23], [sflag:$0x3] =	stream.linear.gather [hbm4b:s22+s3], $0x400, $0x38;
	[tilespmem:$0x1DA00] =	vst v63  }
0x59: {  	_ =	swait.ge [sflag:s7], $0x400  }
0x5a: {  	[sflag:s7] =	ssyncset.done $0x0  }
0x5b: {  	s25 =	simm.s32 $0x3000;
	s24 =	rddreg [dreg:$0x10];
	[sflag:s7] =	ssyncadd.s32 $0xFFFFFC00  }
0x5c: {  	[tilespmem:s25], [sflag:$0x3] =	stream.linear.gather [hbm4b:s24+s3], $0x400, $0x38;
	[tilespmem:$0x1DA00] =	vst v63  }
0x5d: {  	_ =	swait.ge [sflag:s7], $0x400  }
0x5e: {  	[sflag:s7] =	ssyncset.done $0x0  }
0x5f: {  	s28 =	simm.s32 $0x3400;
	s26 =	rddreg [dreg:$0x11];
	[sflag:s7] =	ssyncadd.s32 $0xFFFFFC00  }
0x60: {  	[tilespmem:s28], [sflag:$0x3] =	stream.linear.gather [hbm4b:s26+s3], $0x400, $0x38;
	[tilespmem:$0x1DA00] =	vst v63  }
0x61: {  	_ =	swait.ge [sflag:s7], $0x400  }
0x62: {  	[sflag:s7] =	ssyncset.done $0x0  }
0x63: {  	s21 =	simm.s32 $0x3800;
	s20 =	rddreg [dreg:$0x12];
	[sflag:s7] =	ssyncadd.s32 $0xFFFFFC00  }
0x64: {  	[tilespmem:s21], [sflag:$0x3] =	stream.linear.gather [hbm4b:s20+s3], $0x400, $0x38;
	[tilespmem:$0x1DA00] =	vst v63  }
0x65: {  	_ =	swait.ge [sflag:s7], $0x400  }
0x66: {  	[sflag:s7] =	ssyncset.done $0x0  }
0x67: {  	s23 =	simm.s32 $0x3C00;
	s22 =	rddreg [dreg:$0x13];
	[sflag:s7] =	ssyncadd.s32 $0xFFFFFC00  }
0x68: {  	[tilespmem:s23], [sflag:$0x3] =	stream.linear.gather [hbm4b:s22+s3], $0x400, $0x38;
	[tilespmem:$0x1DA00] =	vst v63  }
0x69: {  	_ =	swait.ge [sflag:s7], $0x400  }
0x6a: {  	[sflag:s7] =	ssyncset.done $0x0  }
0x6b: {  	s25 =	simm.s32 $0x4000;
	s24 =	rddreg [dreg:$0x14];
	[sflag:s7] =	ssyncadd.s32 $0xFFFFFC00  }
0x6c: {  	[tilespmem:s25], [sflag:$0x3] =	stream.linear.gather [hbm4b:s24+s3], $0x400, $0x38;
	[tilespmem:$0x1DA00] =	vst v63  }
0x6d: {  	_ =	swait.ge [sflag:s7], $0x400  }
0x6e: {  	[sflag:s7] =	ssyncset.done $0x0  }
0x6f: {  	s28 =	simm.s32 $0x4400;
	s26 =	rddreg [dreg:$0x15];
	[sflag:s7] =	ssyncadd.s32 $0xFFFFFC00  }
0x70: {  	[tilespmem:s28], [sflag:$0x3] =	stream.linear.gather [hbm4b:s26+s3], $0x400, $0x38;
	[tilespmem:$0x1DA00] =	vst v63  }
0x71: {  	_ =	swait.ge [sflag:s7], $0x400  }
0x72: {  	[sflag:s7] =	ssyncset.done $0x0  }
0x73: {  	s20 =	simm.s32 $0x4800;
	s19 =	rddreg [dreg:$0x17];
	[sflag:s7] =	ssyncadd.s32 $0xFFFFFC00  }
0x74: {  	[tilespmem:s20], [sflag:$0x3] =	stream.linear.gather [hbm4b:s19+s3], $0x400, $0x38;
	[tilespmem:$0x1DA00] =	vst v63  }
0x75: {  	_ =	swait.ge [sflag:s7], $0x400  }
0x76: {  	[sflag:s7] =	ssyncset.done $0x0  }
0x77: {  	s22 =	simm.s32 $0x4C00;
	s21 =	rddreg [dreg:$0x18];
	[sflag:s7] =	ssyncadd.s32 $0xFFFFFC00  }
0x78: {  	[tilespmem:s22], [sflag:$0x3] =	stream.linear.gather [hbm4b:s21+s3], $0x400, $0x38;
	[tilespmem:$0x1DA00] =	vst v63  }
0x79: {  	_ =	swait.ge [sflag:s7], $0x400  }
0x7a: {  	[sflag:s7] =	ssyncset.done $0x0  }
0x7b: {  	s23 =	simm.s32 $0x5000;
	[sflag:s7] =	ssyncadd.s32 $0xFFFFFC00  }
0x7c: {  	[tilespmem:s23], [sflag:$0x3] =	stream.linear.gather [hbm4b:s29+s3], $0x400, $0x38;
	[tilespmem:$0x1DA00] =	vst v63  }
0x7d: {  	_ =	swait.ge [sflag:s7], $0x400  }
0x7e: {  	[sflag:s7] =	ssyncset.done $0x0  }
0x7f: {  	s24 =	simm.s32 $0x5400;
	[sflag:s7] =	ssyncadd.s32 $0xFFFFFC00  }
0x80: {  	[tilespmem:s24], [sflag:$0x3] =	stream.linear.gather [hbm4b:s30+s3], $0x400, $0x38;
	[tilespmem:$0x1DA00] =	vst v63  }
0x81: {  	_ =	swait.ge [sflag:s7], $0x400  }
0x82: {  	[sflag:s7] =	ssyncset.done $0x0  }
0x83: {  	s25 =	simm.s32 $0x5800;
	[sflag:s7] =	ssyncadd.s32 $0xFFFFFC00  }
0x84: {  	[tilespmem:s25], [sflag:$0x3] =	stream.linear.gather [hbm4b:s31+s3], $0x400, $0x38;
	[tilespmem:$0x1DA00] =	vst v63  }
0x85: {  	_ =	swait.ge [sflag:s7], $0x400  }
0x86: {  	[sflag:s7] =	ssyncset.done $0x0  }
0x87: {  	s26 =	simm.s32 $0x5C00;
	[sflag:s7] =	ssyncadd.s32 $0xFFFFFC00  }
0x88: {  	[tilespmem:s26], [sflag:$0x3] =	stream.linear.gather [hbm4b:s0+s3], $0x400, $0x38;
	[tilespmem:$0x1DA00] =	vst v63  }
0x89: {  	_ =	swait.ge [sflag:s7], $0x400  }
0x8a: {  	[sflag:s7] =	ssyncset.done $0x0  }
0x8b: {  	s28 =	simm.s32 $0x6000;
	[sflag:s7] =	ssyncadd.s32 $0xFFFFFC00  }
0x8c: {  	[tilespmem:s28], [sflag:$0x3] =	stream.linear.gather [hbm4b:s1+s3], $0x400, $0x38;
	[tilespmem:$0x1DA00] =	vst v63  }
0x8d: {  	_ =	swait.ge [sflag:s7], $0x400  }
0x8e: {  	[sflag:s7] =	ssyncset.done $0x0  }
0x8f: {  	s18 =	simm.s32 $0x0;
	[sflag:s7] =	ssyncadd.s32 $0xFFFFFC00  }
.LBB2_2:
0x90: {  	_ =	swait.ge [sflag:s9], $0x2000;
	s19 =	sshll.u32 s18, $0xC  }
0x91: {  	[sflag:s9] =	ssyncset.done $0x0;
	s20 =	sshra.s32 s19, $0x2  }
0x92: {  	[sflag:s9] =	ssyncadd.s32 $0xFFFFE000;
	s19 =	sor.u32 $0x200, s20  }
0x93: {  	[tilespmem:s10], [sflag:$0x1] =	stream.indirect.gather [hbm4b:s5+s8], $0x40, s19, s8, $0xb8;
	[tilespmem:$0x1DA00] =	vst v63  }
0x94: {  	s28 =	sor.u32 $0x280, s20  }
0x95: {  	[tilespmem:s11], [sflag:$0x1] =	stream.indirect.gather [hbm4b:s5+s8], $0x40, s28, s8, $0xb8;
	[tilespmem:$0x1DA00] =	vst v63  }
0x96: {  	p0 =	seq.s32 s18, $0x0;
	s21 =	sor.u32 $0x300, s20  }
0x97: {  	[tilespmem:s12], [sflag:$0x1] =	stream.indirect.gather [hbm4b:s5+s8], $0x40, s21, s8, $0xb8;
	[tilespmem:$0x1DA00] =	vst v63  }
0x98: {  	s22 =	sor.u32 $0x380, s20;
	s19 =	simm.s32 @!p0 $0x2  }
0x99: {  	[tilespmem:s13], [sflag:$0x1] =	stream.indirect.gather [hbm4b:s5+s8], $0x40, s22, s8, $0xb8;
	[tilespmem:$0x1DA00] =	vst v63  }
0x9a: {  	_ =	swait.ge @!p0 [sflag:s19], $0x2000  }
0x9b: {  	s21 =	sshll.u32 s18, $0x9;
	[sflag:s19] =	ssyncset.done @!p0 $0x0  }
0x9c: {  	s23 =	sand.u32 $0x3FFFFE00, s21;
	[sflag:s19] =	ssyncadd.s32 @!p0 $0xFFFFE000  }
0x9d: {  	v4 =	vld [tilespmem:s23+$0x6400]  }
0x9e: {  	v5 =	vld [tilespmem:s23+$0x6410]  }
0x9f: {  	v6 =	vld [tilespmem:s23+$0x6420]  }
0xa0: {  	s22 =	simm.s32 $0x9680;
	v7 =	vld [tilespmem:s23+$0x6430]  }
0xa1: {  	v9 =	vld [tilespmem:s22+$0x70]  }
0xa2: {  	v8 =	vld [tilespmem:s22+$0x60]  }
0xa3: {  	v10 =	vld [tilespmem:s22+$0x50]  }
0xa4: {  	v11 =	vld [tilespmem:s22+$0x40]  }
0xa5: {  	v12 =	vld [tilespmem:s22+$0x30]  }
0xa6: {  	v13 =	vld [tilespmem:s22+$0x20]  }
0xa7: {  	v14 =	vld [tilespmem:s22+$0x10]  }
0xa8: {  	s24 =	simm.s32 $0x0;
	v15 =	vld [tilespmem:s22+$0x0]  }
0xa9: {  	v18 =	vmov s24;
	v17 =	vld [tilespmem:s22+$0xFFFFFF80]  }
0xaa: {  	v18 =	vand.u32 $0x7C, v18;
	v19 =	vld [tilespmem:s22+$0xFFFFFF90]  }
0xab: {  	v21 =	vadd.s32 v0, v18;
	v20 =	vld [tilespmem:s22+$0xFFFFFFA0]  }
0xac: {  	s25 =	simm.s32 $0x1;
	v23 =	vadd.s32 v1, v18;
	v22 =	vld [tilespmem:s22+$0xFFFFFFB0]  }
0xad: {  	v26 =	vmov s25;
	v25 =	vadd.s32 v2, v18;
	v24 =	vld [tilespmem:s22+$0xFFFFFFC0]  }
0xae: {  	v26 =	vand.u32 $0x7D, v26;
	v18 =	vadd.s32 v3, v18;
	v27 =	vld [tilespmem:s22+$0xFFFFFFD0];
	v17 =	vadd.f32 v17, v4  }
0xaf: {  	v29 =	vadd.s32 v0, v26;
	v28 =	vld [tilespmem:s22+$0xFFFFFFE0];
	v19 =	vadd.f32 v19, v5  }
0xb0: {  	s26 =	simm.s32 $0x2;
	v46 =	vadd.s32 v1, v26;
	v16 =	vld [tilespmem:s22+$0xFFFFFFF0];
	v20 =	vadd.f32 v20, v6;
	[tilespmem:v21+s14+$0x0] =	vst.idx.msk $0xffff, v17  }
0xb1: {  	v49 =	vmov s26;
	v48 =	vadd.s32 v2, v26;
	v47 =	vadd.f32 v22, v7;
	[tilespmem:v23+s14+$0x0] =	vst.idx.msk $0xffff, v19  }
0xb2: {  	v51 =	vadd.s32 v3, v26;
	v50 =	vadd.f32 v24, v4;
	v22 =	vand.u32 $0x7E, v49;
	[tilespmem:v25+s14+$0x0] =	vst.idx.msk $0xffff, v20  }
0xb3: {  	v52 =	vadd.f32 v27, v5;
	v53 =	vadd.s32 v0, v22;
	[tilespmem:v18+s14+$0x0] =	vst.idx.msk $0xffff, v47  }
0xb4: {  	s28 =	simm.s32 $0x3;
	v54 =	vadd.f32 v28, v6;
	v55 =	vadd.s32 v1, v22;
	[tilespmem:v29+s14+$0x0] =	vst.idx.msk $0xffff, v50  }
0xb5: {  	v57 =	vmov s28;
	v16 =	vadd.f32 v16, v7;
	v56 =	vadd.s32 v2, v22;
	[tilespmem:v46+s14+$0x0] =	vst.idx.msk $0xffff, v52  }
0xb6: {  	v59 =	vand.u32 $0x7F, v57;
	v15 =	vadd.f32 v15, v4;
	v58 =	vadd.s32 v3, v22;
	[tilespmem:v48+s14+$0x0] =	vst.idx.msk $0xffff, v54  }
0xb7: {  	v60 =	vadd.s32 v0, v59;
	v14 =	vadd.f32 v14, v5;
	[tilespmem:v51+s14+$0x0] =	vst.idx.msk $0xffff, v16  }
0xb8: {  	v61 =	vadd.s32 v1, v59;
	v13 =	vadd.f32 v13, v6;
	[tilespmem:v53+s14+$0x0] =	vst.idx.msk $0xffff, v15  }
0xb9: {  	v62 =	vadd.s32 v2, v59;
	v12 =	vadd.f32 v12, v7;
	[tilespmem:v55+s14+$0x0] =	vst.idx.msk $0xffff, v14  }
0xba: {  	v11 =	vadd.f32 v11, v4;
	v10 =	vadd.f32 v10, v5;
	[tilespmem:v56+s14+$0x0] =	vst.idx.msk $0xffff, v13  }
0xbb: {  	v63 =	vadd.f32 v8, v6;
	v8 =	vadd.s32 v3, v59;
	[tilespmem:v58+s14+$0x0] =	vst.idx.msk $0xffff, v12  }
0xbc: {  	[tilespmem:v60+s14+$0x0] =	vst.idx.msk $0xffff, v11  }
0xbd: {  	[tilespmem:v61+s14+$0x0] =	vst.idx.msk $0xffff, v10  }
0xbe: {  	s21 =	sshll.u32 s18, $0x3;
	s19 =	sshllo.u32 s18, $0x1;
	s23 =	simm.s32 $0x4;
	v9 =	vadd.f32 v9, v7;
	[tilespmem:v62+s14+$0x0] =	vst.idx.msk $0xffff, v63  }
.LBB2_3:
0xbf: {  	p1 =	sne.s32 s23, $0x7C  }
0xc0: {  	[tilespmem:v8+s14+$0x0] =	vst.idx.msk $0xffff, v9;
	s22 =	sadd.s32 $0x100, s22;
	s24 =	smov.u32 s23;
	s23 =	sadd.s32 $0x4, s23  }
0xc1: {  	v9 =	vld [tilespmem:s22+$0x70]  }
0xc2: {  	v10 =	vld [tilespmem:s22+$0x60]  }
0xc3: {  	v11 =	vld [tilespmem:s22+$0x50]  }
0xc4: {  	v8 =	vld [tilespmem:s22+$0x40]  }
0xc5: {  	v12 =	vld [tilespmem:s22+$0x30]  }
0xc6: {  	v13 =	vld [tilespmem:s22+$0x20]  }
0xc7: {  	v14 =	vld [tilespmem:s22+$0x10]  }
0xc8: {  	v15 =	vld [tilespmem:s22+$0x0]  }
0xc9: {  	v16 =	vld [tilespmem:s22+$0xFFFFFFF0]  }
0xca: {  	v18 =	vmov s24;
	v17 =	vld [tilespmem:s22+$0xFFFFFF80]  }
0xcb: {  	v18 =	vand.u32 $0x7C, v18;
	v19 =	vld [tilespmem:s22+$0xFFFFFF90]  }
0xcc: {  	v21 =	vadd.s32 v0, v18;
	v20 =	vld [tilespmem:s22+$0xFFFFFFA0]  }
0xcd: {  	s25 =	sadd.s32 $0x1, s24;
	v23 =	vadd.s32 v1, v18;
	v22 =	vld [tilespmem:s22+$0xFFFFFFB0]  }
0xce: {  	v26 =	vmov s25;
	v25 =	vadd.s32 v2, v18;
	v24 =	vld [tilespmem:s22+$0xFFFFFFC0]  }
0xcf: {  	v18 =	vadd.s32 v3, v18;
	v26 =	vand.u32 $0x7D, v26;
	v27 =	vld [tilespmem:s22+$0xFFFFFFD0];
	v17 =	vadd.f32 v17, v4  }
0xd0: {  	v29 =	vadd.s32 v0, v26;
	v28 =	vld [tilespmem:s22+$0xFFFFFFE0];
	v19 =	vadd.f32 v19, v5  }
0xd1: {  	s25 =	sadd.s32 $0x2, s24;
	v20 =	vadd.f32 v20, v6;
	[tilespmem:v21+s14+$0x0] =	vst.idx.msk $0xffff, v17;
	v17 =	vadd.s32 v1, v26  }
0xd2: {  	v21 =	vadd.f32 v22, v7;
	[tilespmem:v23+s14+$0x0] =	vst.idx.msk $0xffff, v19;
	v19 =	vadd.s32 v2, v26;
	v22 =	vmov s25  }
0xd3: {  	v23 =	vadd.f32 v24, v4;
	[tilespmem:v25+s14+$0x0] =	vst.idx.msk $0xffff, v20;
	v20 =	vadd.s32 v3, v26;
	v22 =	vand.u32 $0x7E, v22  }
0xd4: {  	v24 =	vadd.f32 v27, v5;
	[tilespmem:v18+s14+$0x0] =	vst.idx.msk $0xffff, v21;
	v18 =	vadd.s32 v0, v22  }
0xd5: {  	s24 =	sadd.s32 $0x3, s24;
	v21 =	vadd.f32 v28, v6;
	[tilespmem:v29+s14+$0x0] =	vst.idx.msk $0xffff, v23;
	v23 =	vadd.s32 v1, v22  }
0xd6: {  	v16 =	vadd.f32 v16, v7;
	[tilespmem:v17+s14+$0x0] =	vst.idx.msk $0xffff, v24;
	v17 =	vadd.s32 v2, v22;
	v24 =	vmov s24  }
0xd7: {  	v15 =	vadd.f32 v15, v4;
	[tilespmem:v19+s14+$0x0] =	vst.idx.msk $0xffff, v21;
	v19 =	vadd.s32 v3, v22;
	v21 =	vand.u32 $0x7F, v24  }
0xd8: {  	v14 =	vadd.f32 v14, v5;
	[tilespmem:v20+s14+$0x0] =	vst.idx.msk $0xffff, v16;
	v16 =	vadd.s32 v0, v21  }
0xd9: {  	v13 =	vadd.f32 v13, v6;
	[tilespmem:v18+s14+$0x0] =	vst.idx.msk $0xffff, v15;
	v15 =	vadd.s32 v1, v21  }
0xda: {  	v12 =	vadd.f32 v12, v7;
	[tilespmem:v23+s14+$0x0] =	vst.idx.msk $0xffff, v14;
	v14 =	vadd.s32 v2, v21  }
.Ltmp0:
0xdb: {  	v18 =	vadd.f32 v8, v4;
	v8 =	vadd.s32 v3, v21;
	[tilespmem:v17+s14+$0x0] =	vst.idx.msk $0xffff, v13;
	(pc) =	sbr.rel @p1 .LBB2_3-.Ltmp0, $4  }
0xdc: {  	v11 =	vadd.f32 v11, v5;
	[tilespmem:v19+s14+$0x0] =	vst.idx.msk $0xffff, v12  }
0xdd: {  	v10 =	vadd.f32 v10, v6;
	[tilespmem:v16+s14+$0x0] =	vst.idx.msk $0xffff, v18  }
0xde: {  	v9 =	vadd.f32 v9, v7;
	[tilespmem:v15+s14+$0x0] =	vst.idx.msk $0xffff, v11  }
0xdf: {  	[tilespmem:v14+s14+$0x0] =	vst.idx.msk $0xffff, v10  }
0xe0: {  	_ = 	snop  }
0xe1: {  	s22 =	sshll.u32 s18, $0x15  }
0xe2: {  	s22 =	sor.u32 s4, s22  }
0xe3: {  	s22 =	sshrl.u32 s22, $0x3  }
0xe4: {  	[tilespmem:v8+s14+$0x0] =	vst.idx.msk $0xffff, v9;
	s24 =	simm.s32 $0x19600;
	s23 =	sadd.s32 s2, s22  }
0xe5: {  	[hbm4b:s23+s3] =	stream.linear.scatter [tilespmem:s24], [sflag:$0x2], $0x80, $0x38;
	[tilespmem:$0x1DA00] =	vst v63  }
0xe6: {  	s25 =	simm.s32 $0x19688;
	s24 =	sadd.s32 $0x10, s23  }
0xe7: {  	[hbm4b:s24+s3] =	stream.linear.scatter [tilespmem:s25], [sflag:$0x2], $0x80, $0x38;
	[tilespmem:$0x1DA00] =	vst v63  }
0xe8: {  	s26 =	simm.s32 $0x19710;
	s28 =	sadd.s32 $0x20, s23  }
0xe9: {  	[hbm4b:s28+s3] =	stream.linear.scatter [tilespmem:s26], [sflag:$0x2], $0x80, $0x38;
	[tilespmem:$0x1DA00] =	vst v63  }
0xea: {  	s24 =	simm.s32 $0x19798;
	s25 =	sadd.s32 $0x30, s23  }
0xeb: {  	[hbm4b:s25+s3] =	stream.linear.scatter [tilespmem:s24], [sflag:$0x2], $0x80, $0x38;
	[tilespmem:$0x1DA00] =	vst v63  }
0xec: {  	s26 =	simm.s32 $0x19820;
	s28 =	sadd.s32 $0x40, s23  }
0xed: {  	[hbm4b:s28+s3] =	stream.linear.scatter [tilespmem:s26], [sflag:$0x2], $0x80, $0x38;
	[tilespmem:$0x1DA00] =	vst v63  }
0xee: {  	s22 =	simm.s32 $0x440;
	s24 =	simm.s32 $0x198A8;
	s25 =	sadd.s32 $0x50, s23  }
0xef: {  	[hbm4b:s25+s3] =	stream.linear.scatter [tilespmem:s24], [sflag:$0x2], $0x80, $0x38;
	[tilespmem:$0x1DA00] =	vst v63  }
0xf0: {  	s26 =	simm.s32 $0x19930;
	s28 =	sadd.s32 $0x60, s23;
	s24 =	simm.s32 $0x2200  }
0xf1: {  	[hbm4b:s28+s3] =	stream.linear.scatter [tilespmem:s26], [sflag:$0x2], $0x80, $0x38;
	[tilespmem:$0x1DA00] =	vst v63  }
0xf2: {  	s25 =	simm.s32 $0x199B8;
	s26 =	sadd.s32 $0x70, s23;
	s23 =	sadd.s32 $0x1000, s23  }
.LBB2_5:
0xf3: {  	[hbm4b:s26+s3] =	stream.linear.scatter [tilespmem:s25], [sflag:$0x2], $0x80, $0x38;
	[tilespmem:$0x1DA00] =	vst v63  }
0xf4: {  	s25 =	smov.u32 s22;
	s22 =	smov.u32 s24  }
0xf5: {  	s28 =	sadd.s32 $0x1100, s24;
	s22 =	sshra.s32 s22, $0x2;
	s26 =	sadd.s32 $0x19600, s25  }
0xf6: {  	[hbm4b:s23+s3] =	stream.linear.scatter [tilespmem:s26], [sflag:$0x2], $0x80, $0x38;
	[tilespmem:$0x1DA00] =	vst v63  }
0xf7: {  	p1 =	sne.s32 s24, $0x7700;
	s24 =	sadd.s32 $0x19688, s25;
	s26 =	sadd.s32 $0x10, s23  }
0xf8: {  	[hbm4b:s26+s3] =	stream.linear.scatter [tilespmem:s24], [sflag:$0x2], $0x80, $0x38;
	[tilespmem:$0x1DA00] =	vst v63  }
0xf9: {  	s24 =	sadd.s32 $0x19710, s25;
	s26 =	sadd.s32 $0x20, s23  }
0xfa: {  	[hbm4b:s26+s3] =	stream.linear.scatter [tilespmem:s24], [sflag:$0x2], $0x80, $0x38;
	[tilespmem:$0x1DA00] =	vst v63  }
0xfb: {  	s24 =	sadd.s32 $0x19798, s25;
	s26 =	sadd.s32 $0x30, s23  }
0xfc: {  	[hbm4b:s26+s3] =	stream.linear.scatter [tilespmem:s24], [sflag:$0x2], $0x80, $0x38;
	[tilespmem:$0x1DA00] =	vst v63  }
0xfd: {  	s24 =	sadd.s32 $0x19820, s25;
	s26 =	sadd.s32 $0x40, s23  }
0xfe: {  	[hbm4b:s26+s3] =	stream.linear.scatter [tilespmem:s24], [sflag:$0x2], $0x80, $0x38;
	[tilespmem:$0x1DA00] =	vst v63  }
.Ltmp1:
0xff: {  	s24 =	sadd.s32 $0x198A8, s25;
	s26 =	sadd.s32 $0x50, s23;
	(pc) =	sbr.rel @p1 .LBB2_5-.Ltmp1, $4  }
0x100: {  	[hbm4b:s26+s3] =	stream.linear.scatter [tilespmem:s24], [sflag:$0x2], $0x80, $0x38;
	[tilespmem:$0x1DA00] =	vst v63  }
0x101: {  	s24 =	sadd.s32 $0x19930, s25;
	s26 =	sadd.s32 $0x60, s23;
	s25 =	sadd.s32 $0x199B8, s25  }
0x102: {  	[hbm4b:s26+s3] =	stream.linear.scatter [tilespmem:s24], [sflag:$0x2], $0x80, $0x38;
	[tilespmem:$0x1DA00] =	vst v63  }
0x103: {  	s26 =	sadd.s32 $0x70, s23;
	s23 =	sadd.s32 $0x1000, s23;
	s24 =	smov.u32 s28  }
0x104: {  	[hbm4b:s26+s3] =	stream.linear.scatter [tilespmem:s25], [sflag:$0x2], $0x80, $0x38;
	[tilespmem:$0x1DA00] =	vst v63  }
0x105: {  	s24 =	sadd.s32 $0x19600, s22  }
0x106: {  	[hbm4b:s23+s3] =	stream.linear.scatter [tilespmem:s24], [sflag:$0x2], $0x80, $0x38;
	[tilespmem:$0x1DA00] =	vst v63  }
0x107: {  	s26 =	sadd.s32 $0x19688, s22;
	s28 =	sadd.s32 $0x10, s23  }
0x108: {  	[hbm4b:s28+s3] =	stream.linear.scatter [tilespmem:s26], [sflag:$0x2], $0x80, $0x38;
	[tilespmem:$0x1DA00] =	vst v63  }
0x109: {  	s26 =	sadd.s32 $0x19710, s22;
	s28 =	sadd.s32 $0x20, s23  }
0x10a: {  	[hbm4b:s28+s3] =	stream.linear.scatter [tilespmem:s26], [sflag:$0x2], $0x80, $0x38;
	[tilespmem:$0x1DA00] =	vst v63  }
0x10b: {  	s26 =	sadd.s32 $0x19798, s22;
	s28 =	sadd.s32 $0x30, s23  }
0x10c: {  	[hbm4b:s28+s3] =	stream.linear.scatter [tilespmem:s26], [sflag:$0x2], $0x80, $0x38;
	[tilespmem:$0x1DA00] =	vst v63  }
0x10d: {  	s26 =	sadd.s32 $0x19820, s22;
	s28 =	sadd.s32 $0x40, s23  }
0x10e: {  	[hbm4b:s28+s3] =	stream.linear.scatter [tilespmem:s26], [sflag:$0x2], $0x80, $0x38;
	[tilespmem:$0x1DA00] =	vst v63  }
0x10f: {  	s26 =	sadd.s32 $0x198A8, s22;
	s28 =	sadd.s32 $0x50, s23  }
0x110: {  	[hbm4b:s28+s3] =	stream.linear.scatter [tilespmem:s26], [sflag:$0x2], $0x80, $0x38;
	[tilespmem:$0x1DA00] =	vst v63  }
0x111: {  	s25 =	sadd.s32 $0x19930, s22;
	s26 =	sadd.s32 $0x60, s23  }
0x112: {  	[hbm4b:s26+s3] =	stream.linear.scatter [tilespmem:s25], [sflag:$0x2], $0x80, $0x38;
	[tilespmem:$0x1DA00] =	vst v63  }
0x113: {  	s24 =	sadd.s32 $0x70, s23;
	s28 =	sadd.s32 $0x199B8, s22  }
0x114: {  	[hbm4b:s24+s3] =	stream.linear.scatter [tilespmem:s28], [sflag:$0x2], $0x80, $0x38;
	[tilespmem:$0x1DA00] =	vst v63  }
0x115: {  	_ =	swait.ge [sflag:s9], $0x2000  }
0x116: {  	[sflag:s9] =	ssyncset.done $0x0  }
0x117: {  	s23 =	simm.s32 @!p0 $0x2;
	[sflag:s9] =	ssyncadd.s32 $0xFFFFE000  }
0x118: {  	s22 =	sor.u32 $0x1, s21;
	_ =	swait.ge @!p0 [sflag:s23], $0x2000  }
0x119: {  	s25 =	sshll.u32 s22, $0x6;
	[sflag:s23] =	ssyncset.done @!p0 $0x0  }
0x11a: {  	s26 =	sand.u32 $0x3FFFFFC0, s25;
	[sflag:s23] =	ssyncadd.s32 @!p0 $0xFFFFE000  }
0x11b: {  	v4 =	vld [tilespmem:s26+$0x6400]  }
0x11c: {  	v5 =	vld [tilespmem:s26+$0x6410]  }
0x11d: {  	v6 =	vld [tilespmem:s26+$0x6420]  }
0x11e: {  	s23 =	simm.s32 $0xB6F0;
	v7 =	vld [tilespmem:s26+$0x6430]  }
0x11f: {  	v9 =	vld [tilespmem:s23+$0x0]  }
0x120: {  	v8 =	vld [tilespmem:s23+$0xFFFFFFF0]  }
0x121: {  	v10 =	vld [tilespmem:s23+$0xFFFFFFE0]  }
0x122: {  	v11 =	vld [tilespmem:s23+$0xFFFFFFD0]  }
0x123: {  	v12 =	vld [tilespmem:s23+$0xFFFFFFC0]  }
0x124: {  	v13 =	vld [tilespmem:s23+$0xFFFFFFB0]  }
0x125: {  	v14 =	vld [tilespmem:s23+$0xFFFFFFA0]  }
0x126: {  	s28 =	simm.s32 $0x0;
	v15 =	vld [tilespmem:s23+$0xFFFFFF90]  }
0x127: {  	v18 =	vmov s28;
	v17 =	vld [tilespmem:s23+$0xFFFFFF10]  }
0x128: {  	v18 =	vand.u32 $0x7C, v18;
	v19 =	vld [tilespmem:s23+$0xFFFFFF20]  }
0x129: {  	v21 =	vadd.s32 v0, v18;
	v20 =	vld [tilespmem:s23+$0xFFFFFF30]  }
0x12a: {  	s25 =	simm.s32 $0x1;
	v23 =	vadd.s32 v1, v18;
	v22 =	vld [tilespmem:s23+$0xFFFFFF40]  }
0x12b: {  	v26 =	vmov s25;
	v25 =	vadd.s32 v2, v18;
	v24 =	vld [tilespmem:s23+$0xFFFFFF50]  }
0x12c: {  	v26 =	vand.u32 $0x7D, v26;
	v18 =	vadd.s32 v3, v18;
	v27 =	vld [tilespmem:s23+$0xFFFFFF60];
	v17 =	vadd.f32 v17, v4  }
0x12d: {  	v29 =	vadd.s32 v0, v26;
	v28 =	vld [tilespmem:s23+$0xFFFFFF70];
	v19 =	vadd.f32 v19, v5  }
0x12e: {  	v46 =	vadd.s32 v1, v26;
	v16 =	vld [tilespmem:s23+$0xFFFFFF80];
	s26 =	simm.s32 $0x2;
	v20 =	vadd.f32 v20, v6;
	[tilespmem:v21+s15+$0x0] =	vst.idx.msk $0xffff, v17  }
0x12f: {  	v48 =	vadd.s32 v2, v26;
	v49 =	vmov s26;
	v47 =	vadd.f32 v22, v7;
	[tilespmem:v23+s15+$0x0] =	vst.idx.msk $0xffff, v19  }
0x130: {  	v51 =	vadd.s32 v3, v26;
	v50 =	vadd.f32 v24, v4;
	v22 =	vand.u32 $0x7E, v49;
	[tilespmem:v25+s15+$0x0] =	vst.idx.msk $0xffff, v20  }
0x131: {  	v52 =	vadd.f32 v27, v5;
	v53 =	vadd.s32 v0, v22;
	[tilespmem:v18+s15+$0x0] =	vst.idx.msk $0xffff, v47  }
0x132: {  	s28 =	simm.s32 $0x3;
	v54 =	vadd.f32 v28, v6;
	v55 =	vadd.s32 v1, v22;
	[tilespmem:v29+s15+$0x0] =	vst.idx.msk $0xffff, v50  }
0x133: {  	v57 =	vmov s28;
	v16 =	vadd.f32 v16, v7;
	v56 =	vadd.s32 v2, v22;
	[tilespmem:v46+s15+$0x0] =	vst.idx.msk $0xffff, v52  }
0x134: {  	v59 =	vand.u32 $0x7F, v57;
	v15 =	vadd.f32 v15, v4;
	v58 =	vadd.s32 v3, v22;
	[tilespmem:v48+s15+$0x0] =	vst.idx.msk $0xffff, v54  }
0x135: {  	v60 =	vadd.s32 v0, v59;
	v14 =	vadd.f32 v14, v5;
	[tilespmem:v51+s15+$0x0] =	vst.idx.msk $0xffff, v16  }
0x136: {  	v61 =	vadd.s32 v1, v59;
	v13 =	vadd.f32 v13, v6;
	[tilespmem:v53+s15+$0x0] =	vst.idx.msk $0xffff, v15  }
0x137: {  	v62 =	vadd.s32 v2, v59;
	v12 =	vadd.f32 v12, v7;
	[tilespmem:v55+s15+$0x0] =	vst.idx.msk $0xffff, v14  }
0x138: {  	v11 =	vadd.f32 v11, v4;
	v10 =	vadd.f32 v10, v5;
	[tilespmem:v56+s15+$0x0] =	vst.idx.msk $0xffff, v13  }
0x139: {  	v63 =	vadd.f32 v8, v6;
	v8 =	vadd.s32 v3, v59;
	[tilespmem:v58+s15+$0x0] =	vst.idx.msk $0xffff, v12  }
0x13a: {  	[tilespmem:v60+s15+$0x0] =	vst.idx.msk $0xffff, v11  }
0x13b: {  	[tilespmem:v61+s15+$0x0] =	vst.idx.msk $0xffff, v10  }
0x13c: {  	s24 =	simm.s32 $0x4;
	v9 =	vadd.f32 v9, v7;
	[tilespmem:v62+s15+$0x0] =	vst.idx.msk $0xffff, v63  }
.LBB2_7:
0x13d: {  	p0 =	sne.s32 s24, $0x7C  }
0x13e: {  	[tilespmem:v8+s15+$0x0] =	vst.idx.msk $0xffff, v9;
	s23 =	sadd.s32 $0x100, s23;
	s25 =	smov.u32 s24;
	s24 =	sadd.s32 $0x4, s24  }
0x13f: {  	v9 =	vld [tilespmem:s23+$0x0]  }
0x140: {  	v10 =	vld [tilespmem:s23+$0xFFFFFFF0]  }
0x141: {  	v11 =	vld [tilespmem:s23+$0xFFFFFFE0]  }
0x142: {  	v8 =	vld [tilespmem:s23+$0xFFFFFFD0]  }
0x143: {  	v12 =	vld [tilespmem:s23+$0xFFFFFFC0]  }
0x144: {  	v13 =	vld [tilespmem:s23+$0xFFFFFFB0]  }
0x145: {  	v14 =	vld [tilespmem:s23+$0xFFFFFFA0]  }
0x146: {  	v15 =	vld [tilespmem:s23+$0xFFFFFF90]  }
0x147: {  	v16 =	vld [tilespmem:s23+$0xFFFFFF80]  }
0x148: {  	v18 =	vmov s25;
	v17 =	vld [tilespmem:s23+$0xFFFFFF10]  }
0x149: {  	v18 =	vand.u32 $0x7C, v18;
	v19 =	vld [tilespmem:s23+$0xFFFFFF20]  }
0x14a: {  	v21 =	vadd.s32 v0, v18;
	v20 =	vld [tilespmem:s23+$0xFFFFFF30]  }
0x14b: {  	s26 =	sadd.s32 $0x1, s25;
	v23 =	vadd.s32 v1, v18;
	v22 =	vld [tilespmem:s23+$0xFFFFFF40]  }
0x14c: {  	v26 =	vmov s26;
	v25 =	vadd.s32 v2, v18;
	v24 =	vld [tilespmem:s23+$0xFFFFFF50]  }
0x14d: {  	v18 =	vadd.s32 v3, v18;
	v26 =	vand.u32 $0x7D, v26;
	v27 =	vld [tilespmem:s23+$0xFFFFFF60];
	v17 =	vadd.f32 v17, v4  }
0x14e: {  	v29 =	vadd.s32 v0, v26;
	v28 =	vld [tilespmem:s23+$0xFFFFFF70];
	v19 =	vadd.f32 v19, v5  }
0x14f: {  	s26 =	sadd.s32 $0x2, s25;
	v20 =	vadd.f32 v20, v6;
	[tilespmem:v21+s15+$0x0] =	vst.idx.msk $0xffff, v17;
	v17 =	vadd.s32 v1, v26  }
0x150: {  	v21 =	vadd.f32 v22, v7;
	[tilespmem:v23+s15+$0x0] =	vst.idx.msk $0xffff, v19;
	v19 =	vadd.s32 v2, v26;
	v22 =	vmov s26  }
0x151: {  	v23 =	vadd.f32 v24, v4;
	[tilespmem:v25+s15+$0x0] =	vst.idx.msk $0xffff, v20;
	v20 =	vadd.s32 v3, v26;
	v22 =	vand.u32 $0x7E, v22  }
0x152: {  	v24 =	vadd.f32 v27, v5;
	[tilespmem:v18+s15+$0x0] =	vst.idx.msk $0xffff, v21;
	v18 =	vadd.s32 v0, v22  }
0x153: {  	s25 =	sadd.s32 $0x3, s25;
	v21 =	vadd.f32 v28, v6;
	[tilespmem:v29+s15+$0x0] =	vst.idx.msk $0xffff, v23;
	v23 =	vadd.s32 v1, v22  }
0x154: {  	v16 =	vadd.f32 v16, v7;
	[tilespmem:v17+s15+$0x0] =	vst.idx.msk $0xffff, v24;
	v17 =	vadd.s32 v2, v22;
	v24 =	vmov s25  }
0x155: {  	v15 =	vadd.f32 v15, v4;
	[tilespmem:v19+s15+$0x0] =	vst.idx.msk $0xffff, v21;
	v19 =	vadd.s32 v3, v22;
	v21 =	vand.u32 $0x7F, v24  }
0x156: {  	v14 =	vadd.f32 v14, v5;
	[tilespmem:v20+s15+$0x0] =	vst.idx.msk $0xffff, v16;
	v16 =	vadd.s32 v0, v21  }
0x157: {  	v13 =	vadd.f32 v13, v6;
	[tilespmem:v18+s15+$0x0] =	vst.idx.msk $0xffff, v15;
	v15 =	vadd.s32 v1, v21  }
0x158: {  	v12 =	vadd.f32 v12, v7;
	[tilespmem:v23+s15+$0x0] =	vst.idx.msk $0xffff, v14;
	v14 =	vadd.s32 v2, v21  }
.Ltmp2:
0x159: {  	v18 =	vadd.f32 v8, v4;
	v8 =	vadd.s32 v3, v21;
	[tilespmem:v17+s15+$0x0] =	vst.idx.msk $0xffff, v13;
	(pc) =	sbr.rel @p0 .LBB2_7-.Ltmp2, $4  }
0x15a: {  	v11 =	vadd.f32 v11, v5;
	[tilespmem:v19+s15+$0x0] =	vst.idx.msk $0xffff, v12  }
0x15b: {  	v10 =	vadd.f32 v10, v6;
	[tilespmem:v16+s15+$0x0] =	vst.idx.msk $0xffff, v18  }
0x15c: {  	v9 =	vadd.f32 v9, v7;
	[tilespmem:v15+s15+$0x0] =	vst.idx.msk $0xffff, v11  }
0x15d: {  	[tilespmem:v14+s15+$0x0] =	vst.idx.msk $0xffff, v10  }
0x15e: {  	_ = 	snop  }
0x15f: {  	s22 =	sshll.u32 s22, $0x12  }
0x160: {  	s22 =	sor.u32 s4, s22  }
0x161: {  	s22 =	sshrl.u32 s22, $0x3  }
0x162: {  	[tilespmem:v8+s15+$0x0] =	vst.idx.msk $0xffff, v9;
	s24 =	simm.s32 $0x1B800;
	s23 =	sadd.s32 s2, s22  }
0x163: {  	[hbm4b:s23+s3] =	stream.linear.scatter [tilespmem:s24], [sflag:$0x2], $0x80, $0x38;
	[tilespmem:$0x1DA00] =	vst v63  }
0x164: {  	s25 =	simm.s32 $0x1B888;
	s24 =	sadd.s32 $0x10, s23  }
0x165: {  	[hbm4b:s24+s3] =	stream.linear.scatter [tilespmem:s25], [sflag:$0x2], $0x80, $0x38;
	[tilespmem:$0x1DA00] =	vst v63  }
0x166: {  	s26 =	simm.s32 $0x1B910;
	s28 =	sadd.s32 $0x20, s23  }
0x167: {  	[hbm4b:s28+s3] =	stream.linear.scatter [tilespmem:s26], [sflag:$0x2], $0x80, $0x38;
	[tilespmem:$0x1DA00] =	vst v63  }
0x168: {  	s24 =	simm.s32 $0x1B998;
	s25 =	sadd.s32 $0x30, s23  }
0x169: {  	[hbm4b:s25+s3] =	stream.linear.scatter [tilespmem:s24], [sflag:$0x2], $0x80, $0x38;
	[tilespmem:$0x1DA00] =	vst v63  }
0x16a: {  	s26 =	simm.s32 $0x1BA20;
	s28 =	sadd.s32 $0x40, s23  }
0x16b: {  	[hbm4b:s28+s3] =	stream.linear.scatter [tilespmem:s26], [sflag:$0x2], $0x80, $0x38;
	[tilespmem:$0x1DA00] =	vst v63  }
0x16c: {  	s22 =	simm.s32 $0x440;
	s24 =	simm.s32 $0x1BAA8;
	s25 =	sadd.s32 $0x50, s23  }
0x16d: {  	[hbm4b:s25+s3] =	stream.linear.scatter [tilespmem:s24], [sflag:$0x2], $0x80, $0x38;
	[tilespmem:$0x1DA00] =	vst v63  }
0x16e: {  	s26 =	simm.s32 $0x1BB30;
	s28 =	sadd.s32 $0x60, s23;
	s24 =	simm.s32 $0x2200  }
0x16f: {  	[hbm4b:s28+s3] =	stream.linear.scatter [tilespmem:s26], [sflag:$0x2], $0x80, $0x38;
	[tilespmem:$0x1DA00] =	vst v63  }
0x170: {  	s25 =	simm.s32 $0x1BBB8;
	s26 =	sadd.s32 $0x70, s23;
	s23 =	sadd.s32 $0x1000, s23  }
.LBB2_9:
0x171: {  	[hbm4b:s26+s3] =	stream.linear.scatter [tilespmem:s25], [sflag:$0x2], $0x80, $0x38;
	[tilespmem:$0x1DA00] =	vst v63  }
0x172: {  	s25 =	smov.u32 s22;
	s22 =	smov.u32 s24  }
0x173: {  	s28 =	sadd.s32 $0x1100, s24;
	s22 =	sshra.s32 s22, $0x2;
	s26 =	sadd.s32 $0x1B800, s25  }
0x174: {  	[hbm4b:s23+s3] =	stream.linear.scatter [tilespmem:s26], [sflag:$0x2], $0x80, $0x38;
	[tilespmem:$0x1DA00] =	vst v63  }
0x175: {  	p0 =	sne.s32 s24, $0x7700;
	s24 =	sadd.s32 $0x1B888, s25;
	s26 =	sadd.s32 $0x10, s23  }
0x176: {  	[hbm4b:s26+s3] =	stream.linear.scatter [tilespmem:s24], [sflag:$0x2], $0x80, $0x38;
	[tilespmem:$0x1DA00] =	vst v63  }
0x177: {  	s24 =	sadd.s32 $0x1B910, s25;
	s26 =	sadd.s32 $0x20, s23  }
0x178: {  	[hbm4b:s26+s3] =	stream.linear.scatter [tilespmem:s24], [sflag:$0x2], $0x80, $0x38;
	[tilespmem:$0x1DA00] =	vst v63  }
0x179: {  	s24 =	sadd.s32 $0x1B998, s25;
	s26 =	sadd.s32 $0x30, s23  }
0x17a: {  	[hbm4b:s26+s3] =	stream.linear.scatter [tilespmem:s24], [sflag:$0x2], $0x80, $0x38;
	[tilespmem:$0x1DA00] =	vst v63  }
0x17b: {  	s24 =	sadd.s32 $0x1BA20, s25;
	s26 =	sadd.s32 $0x40, s23  }
0x17c: {  	[hbm4b:s26+s3] =	stream.linear.scatter [tilespmem:s24], [sflag:$0x2], $0x80, $0x38;
	[tilespmem:$0x1DA00] =	vst v63  }
.Ltmp3:
0x17d: {  	s24 =	sadd.s32 $0x1BAA8, s25;
	s26 =	sadd.s32 $0x50, s23;
	(pc) =	sbr.rel @p0 .LBB2_9-.Ltmp3, $4  }
0x17e: {  	[hbm4b:s26+s3] =	stream.linear.scatter [tilespmem:s24], [sflag:$0x2], $0x80, $0x38;
	[tilespmem:$0x1DA00] =	vst v63  }
0x17f: {  	s24 =	sadd.s32 $0x1BB30, s25;
	s26 =	sadd.s32 $0x60, s23;
	s25 =	sadd.s32 $0x1BBB8, s25  }
0x180: {  	[hbm4b:s26+s3] =	stream.linear.scatter [tilespmem:s24], [sflag:$0x2], $0x80, $0x38;
	[tilespmem:$0x1DA00] =	vst v63  }
0x181: {  	s26 =	sadd.s32 $0x70, s23;
	s23 =	sadd.s32 $0x1000, s23;
	s24 =	smov.u32 s28  }
0x182: {  	[hbm4b:s26+s3] =	stream.linear.scatter [tilespmem:s25], [sflag:$0x2], $0x80, $0x38;
	[tilespmem:$0x1DA00] =	vst v63  }
0x183: {  	s24 =	sadd.s32 $0x1B800, s22  }
0x184: {  	[hbm4b:s23+s3] =	stream.linear.scatter [tilespmem:s24], [sflag:$0x2], $0x80, $0x38;
	[tilespmem:$0x1DA00] =	vst v63  }
0x185: {  	s26 =	sadd.s32 $0x1B888, s22;
	s28 =	sadd.s32 $0x10, s23  }
0x186: {  	[hbm4b:s28+s3] =	stream.linear.scatter [tilespmem:s26], [sflag:$0x2], $0x80, $0x38;
	[tilespmem:$0x1DA00] =	vst v63  }
0x187: {  	s26 =	sadd.s32 $0x1B910, s22;
	s28 =	sadd.s32 $0x20, s23  }
0x188: {  	[hbm4b:s28+s3] =	stream.linear.scatter [tilespmem:s26], [sflag:$0x2], $0x80, $0x38;
	[tilespmem:$0x1DA00] =	vst v63  }
0x189: {  	s26 =	sadd.s32 $0x1B998, s22;
	s28 =	sadd.s32 $0x30, s23  }
0x18a: {  	[hbm4b:s28+s3] =	stream.linear.scatter [tilespmem:s26], [sflag:$0x2], $0x80, $0x38;
	[tilespmem:$0x1DA00] =	vst v63  }
0x18b: {  	s26 =	sadd.s32 $0x1BA20, s22;
	s28 =	sadd.s32 $0x40, s23  }
0x18c: {  	[hbm4b:s28+s3] =	stream.linear.scatter [tilespmem:s26], [sflag:$0x2], $0x80, $0x38;
	[tilespmem:$0x1DA00] =	vst v63  }
0x18d: {  	s26 =	sadd.s32 $0x1BAA8, s22;
	s28 =	sadd.s32 $0x50, s23  }
0x18e: {  	[hbm4b:s28+s3] =	stream.linear.scatter [tilespmem:s26], [sflag:$0x2], $0x80, $0x38;
	[tilespmem:$0x1DA00] =	vst v63  }
0x18f: {  	s26 =	sadd.s32 $0x1BB30, s22;
	s28 =	sadd.s32 $0x60, s23  }
0x190: {  	[hbm4b:s28+s3] =	stream.linear.scatter [tilespmem:s26], [sflag:$0x2], $0x80, $0x38;
	[tilespmem:$0x1DA00] =	vst v63  }
0x191: {  	s25 =	sadd.s32 $0x70, s23;
	s24 =	sadd.s32 $0x1BBB8, s22  }
0x192: {  	[hbm4b:s25+s3] =	stream.linear.scatter [tilespmem:s24], [sflag:$0x2], $0x80, $0x38;
	[tilespmem:$0x1DA00] =	vst v63  }
0x193: {  	_ =	swait.ge [sflag:s9], $0x2000  }
0x194: {  	[sflag:s9] =	ssyncset.done $0x0  }
0x195: {  	[sflag:s9] =	ssyncadd.s32 $0xFFFFE000  }
0x196: {  	s22 =	sor.u32 $0x2, s21;
	_ =	swait.ge [sflag:s16], $0x2000  }
0x197: {  	s26 =	sshll.u32 s22, $0x6;
	[sflag:s16] =	ssyncset.done $0x0  }
0x198: {  	s23 =	sand.u32 $0x3FFFFFC0, s26;
	[sflag:s16] =	ssyncadd.s32 $0xFFFFE000  }
0x199: {  	v7 =	vld [tilespmem:s23+$0x6400]  }
0x19a: {  	v6 =	vld [tilespmem:s23+$0x6410]  }
0x19b: {  	v5 =	vld [tilespmem:s23+$0x6420]  }
0x19c: {  	s28 =	simm.s32 $0x0;
	v4 =	vld [tilespmem:s23+$0x6430]  }
0x19d: {  	v14 =	vld [tilespmem:s28+$0xD690]  }
0x19e: {  	v9 =	vld [tilespmem:s28+$0xD670]  }
0x19f: {  	v8 =	vld [tilespmem:s28+$0xD6E0]  }
0x1a0: {  	v11 =	vld [tilespmem:s28+$0xD650]  }
0x1a1: {  	v10 =	vld [tilespmem:s28+$0xD660]  }
0x1a2: {  	v15 =	vld [tilespmem:s28+$0xD640]  }
0x1a3: {  	v12 =	vld [tilespmem:s28+$0xD610]  }
0x1a4: {  	s25 =	simm.s32 $0x0;
	v13 =	vld [tilespmem:s28+$0xD620]  }
0x1a5: {  	v17 =	vmov s25;
	v18 =	vld [tilespmem:s28+$0xD600]  }
0x1a6: {  	v17 =	vand.u32 $0x7C, v17;
	v16 =	vld [tilespmem:s28+$0xD630]  }
0x1a7: {  	v20 =	vadd.s32 v0, v17;
	v21 =	vadd.s32 v1, v17;
	v19 =	vld [tilespmem:s28+$0xD680]  }
0x1a8: {  	s26 =	simm.s32 $0x1;
	v23 =	vadd.s32 v2, v17;
	v28 =	vadd.s32 v3, v17;
	v24 =	vld [tilespmem:s28+$0xD6A0];
	v10 =	vadd.f32 v10, v5  }
0x1a9: {  	v22 =	vld [tilespmem:s28+$0xD6B0];
	v25 =	vadd.f32 v12, v6;
	v26 =	vadd.f32 v11, v6;
	v12 =	vmov s26  }
0x1aa: {  	v11 =	vld [tilespmem:s28+$0xD6C0];
	v27 =	vadd.f32 v13, v5;
	v18 =	vadd.f32 v18, v7;
	v29 =	vand.u32 $0x7D, v12  }
0x1ab: {  	v13 =	vadd.f32 v9, v4;
	v9 =	vld [tilespmem:s28+$0xD6F0];
	v31 =	vadd.f32 v16, v4;
	v30 =	vadd.s32 v0, v29  }
0x1ac: {  	v16 =	vadd.f32 v14, v6;
	v12 =	vld [tilespmem:s28+$0xD6D0];
	v32 =	vadd.s32 v1, v29;
	[tilespmem:v20+s14+$0x0] =	vst.idx.msk $0xffff, v18  }
0x1ad: {  	v14 =	vadd.f32 v24, v5;
	s28 =	simm.s32 $0x2;
	v17 =	vadd.s32 v2, v29;
	[tilespmem:v21+s14+$0x0] =	vst.idx.msk $0xffff, v25  }
0x1ae: {  	v18 =	vadd.f32 v15, v7;
	v15 =	vadd.f32 v19, v7;
	v19 =	vmov s28;
	[tilespmem:v23+s14+$0x0] =	vst.idx.msk $0xffff, v27  }
0x1af: {  	s23 =	simm.s32 $0x3;
	v20 =	vadd.f32 v22, v4;
	v24 =	vand.u32 $0x7E, v19;
	v23 =	vadd.s32 v3, v29;
	[tilespmem:v28+s14+$0x0] =	vst.idx.msk $0xffff, v31  }
0x1b0: {  	v25 =	vmov s23;
	v21 =	vadd.s32 v0, v24;
	v19 =	vadd.s32 v1, v24;
	[tilespmem:v30+s14+$0x0] =	vst.idx.msk $0xffff, v18  }
0x1b1: {  	s24 =	simm.s32 $0x400;
	v22 =	vadd.s32 v3, v24;
	v18 =	vadd.s32 v2, v24;
	v24 =	vand.u32 $0x7F, v25;
	[tilespmem:v32+s14+$0x0] =	vst.idx.msk $0xffff, v26  }
.LBB2_11:
0x1b2: {  	p0 =	sne.s32 s24, $0x7C00  }
0x1b3: {  	[tilespmem:v17+s14+$0x0] =	vst.idx.msk $0xffff, v10;
	v10 =	vadd.s32 v0, v24;
	s23 =	sadd.s32 $0x4, s23;
	s25 =	smov.u32 s24;
	s24 =	sadd.s32 $0x400, s24  }
0x1b4: {  	[tilespmem:v23+s14+$0x0] =	vst.idx.msk $0xffff, v13;
	v13 =	vadd.s32 v1, v24  }
0x1b5: {  	v11 =	vadd.f32 v11, v7;
	[tilespmem:v21+s14+$0x0] =	vst.idx.msk $0xffff, v15;
	v15 =	vadd.s32 v2, v24  }
0x1b6: {  	v12 =	vadd.f32 v12, v6;
	[tilespmem:v19+s14+$0x0] =	vst.idx.msk $0xffff, v16;
	v16 =	vadd.s32 v3, v24  }
0x1b7: {  	[tilespmem:v18+s14+$0x0] =	vst.idx.msk $0xffff, v14  }
0x1b8: {  	v8 =	vadd.f32 v8, v5;
	[tilespmem:v22+s14+$0x0] =	vst.idx.msk $0xffff, v20  }
0x1b9: {  	v9 =	vadd.f32 v9, v4;
	[tilespmem:v10+s14+$0x0] =	vst.idx.msk $0xffff, v11  }
0x1ba: {  	[tilespmem:v13+s14+$0x0] =	vst.idx.msk $0xffff, v12  }
0x1bb: {  	[tilespmem:v15+s14+$0x0] =	vst.idx.msk $0xffff, v8  }
0x1bc: {  	s25 =	sshra.s32 s25, $0x2;
	[tilespmem:v16+s14+$0x0] =	vst.idx.msk $0xffff, v9  }
0x1bd: {  	v14 =	vld [tilespmem:s25+$0xD690]  }
0x1be: {  	v9 =	vld [tilespmem:s25+$0xD670]  }
0x1bf: {  	v8 =	vld [tilespmem:s25+$0xD6E0]  }
0x1c0: {  	v11 =	vld [tilespmem:s25+$0xD650]  }
0x1c1: {  	v10 =	vld [tilespmem:s25+$0xD660]  }
0x1c2: {  	v15 =	vld [tilespmem:s25+$0xD640]  }
0x1c3: {  	v16 =	vld [tilespmem:s25+$0xD630]  }
0x1c4: {  	s26 =	sadd.s32 $0xFFFFFFFD, s23;
	v12 =	vld [tilespmem:s25+$0xD610]  }
0x1c5: {  	v17 =	vmov s26;
	v13 =	vld [tilespmem:s25+$0xD620]  }
0x1c6: {  	v17 =	vand.u32 $0x7C, v17;
	v18 =	vld [tilespmem:s25+$0xD600]  }
0x1c7: {  	v20 =	vadd.s32 v0, v17;
	v19 =	vld [tilespmem:s25+$0xD680]  }
0x1c8: {  	s26 =	sadd.s32 $0xFFFFFFFE, s23;
	v21 =	vadd.s32 v1, v17;
	v23 =	vadd.s32 v2, v17;
	v10 =	vadd.f32 v10, v5;
	v22 =	vld [tilespmem:s25+$0xD6B0]  }
0x1c9: {  	v26 =	vadd.f32 v11, v6;
	v24 =	vld [tilespmem:s25+$0xD6A0];
	v25 =	vadd.f32 v12, v6;
	v12 =	vmov s26  }
0x1ca: {  	v28 =	vadd.s32 v3, v17;
	v11 =	vld [tilespmem:s25+$0xD6C0];
	v27 =	vadd.f32 v13, v5;
	v29 =	vand.u32 $0x7D, v12  }
0x1cb: {  	v13 =	vadd.f32 v9, v4;
	v12 =	vld [tilespmem:s25+$0xD6D0];
	v18 =	vadd.f32 v18, v7;
	v30 =	vadd.s32 v0, v29  }
0x1cc: {  	v31 =	vadd.f32 v16, v4;
	v32 =	vadd.s32 v1, v29;
	v17 =	vadd.s32 v2, v29;
	v9 =	vld [tilespmem:s25+$0xD6F0];
	s25 =	sadd.s32 $0xFFFFFFFF, s23  }
0x1cd: {  	v33 =	vadd.f32 v15, v7;
	v15 =	vadd.f32 v19, v7;
	[tilespmem:v20+s14+$0x0] =	vst.idx.msk $0xffff, v18;
	v18 =	vmov s25  }
.Ltmp4:
0x1ce: {  	v16 =	vadd.f32 v14, v6;
	v14 =	vadd.f32 v24, v5;
	[tilespmem:v21+s14+$0x0] =	vst.idx.msk $0xffff, v25;
	v24 =	vand.u32 $0x7E, v18;
	(pc) =	sbr.rel @p0 .LBB2_11-.Ltmp4, $4  }
0x1cf: {  	[tilespmem:v23+s14+$0x0] =	vst.idx.msk $0xffff, v27;
	v23 =	vadd.s32 v3, v29;
	v21 =	vadd.s32 v0, v24  }
0x1d0: {  	v19 =	vadd.s32 v1, v24;
	[tilespmem:v28+s14+$0x0] =	vst.idx.msk $0xffff, v31  }
0x1d1: {  	v25 =	vmov s23;
	v18 =	vadd.s32 v2, v24;
	[tilespmem:v30+s14+$0x0] =	vst.idx.msk $0xffff, v33  }
0x1d2: {  	v20 =	vadd.f32 v22, v4;
	v22 =	vadd.s32 v3, v24;
	v24 =	vand.u32 $0x7F, v25;
	[tilespmem:v32+s14+$0x0] =	vst.idx.msk $0xffff, v26  }
0x1d3: {  	_ =	sdelay $0x3  }
0x1d4: {  	[tilespmem:v17+s14+$0x0] =	vst.idx.msk $0xffff, v10  }
0x1d5: {  	v60 =	vadd.s32 v0, v24;
	[tilespmem:v23+s14+$0x0] =	vst.idx.msk $0xffff, v13  }
0x1d6: {  	v61 =	vadd.s32 v1, v24;
	[tilespmem:v21+s14+$0x0] =	vst.idx.msk $0xffff, v15  }
0x1d7: {  	v62 =	vadd.s32 v2, v24;
	[tilespmem:v19+s14+$0x0] =	vst.idx.msk $0xffff, v16  }
0x1d8: {  	v7 =	vadd.f32 v11, v7;
	v63 =	vadd.s32 v3, v24;
	[tilespmem:v18+s14+$0x0] =	vst.idx.msk $0xffff, v14  }
0x1d9: {  	v6 =	vadd.f32 v12, v6;
	[tilespmem:v22+s14+$0x0] =	vst.idx.msk $0xffff, v20  }
0x1da: {  	v5 =	vadd.f32 v8, v5;
	s22 =	sshll.u32 s22, $0x12;
	[tilespmem:v60+s14+$0x0] =	vst.idx.msk $0xffff, v7  }
0x1db: {  	v4 =	vadd.f32 v9, v4;
	s22 =	sor.u32 s4, s22;
	[tilespmem:v61+s14+$0x0] =	vst.idx.msk $0xffff, v6  }
0x1dc: {  	s22 =	sshrl.u32 s22, $0x3;
	[tilespmem:v62+s14+$0x0] =	vst.idx.msk $0xffff, v5  }
0x1dd: {  	s24 =	simm.s32 $0x19600;
	s23 =	sadd.s32 s2, s22;
	[tilespmem:v63+s14+$0x0] =	vst.idx.msk $0xffff, v4  }
0x1de: {  	[hbm4b:s23+s3] =	stream.linear.scatter [tilespmem:s24], [sflag:$0x2], $0x80, $0x38;
	[tilespmem:$0x1DA00] =	vst v63  }
0x1df: {  	s25 =	simm.s32 $0x19688;
	s24 =	sadd.s32 $0x10, s23  }
0x1e0: {  	[hbm4b:s24+s3] =	stream.linear.scatter [tilespmem:s25], [sflag:$0x2], $0x80, $0x38;
	[tilespmem:$0x1DA00] =	vst v63  }
0x1e1: {  	s26 =	simm.s32 $0x19710;
	s28 =	sadd.s32 $0x20, s23  }
0x1e2: {  	[hbm4b:s28+s3] =	stream.linear.scatter [tilespmem:s26], [sflag:$0x2], $0x80, $0x38;
	[tilespmem:$0x1DA00] =	vst v63  }
0x1e3: {  	s24 =	simm.s32 $0x19798;
	s25 =	sadd.s32 $0x30, s23  }
0x1e4: {  	[hbm4b:s25+s3] =	stream.linear.scatter [tilespmem:s24], [sflag:$0x2], $0x80, $0x38;
	[tilespmem:$0x1DA00] =	vst v63  }
0x1e5: {  	s26 =	simm.s32 $0x19820;
	s28 =	sadd.s32 $0x40, s23  }
0x1e6: {  	[hbm4b:s28+s3] =	stream.linear.scatter [tilespmem:s26], [sflag:$0x2], $0x80, $0x38;
	[tilespmem:$0x1DA00] =	vst v63  }
0x1e7: {  	s22 =	simm.s32 $0x440;
	s24 =	simm.s32 $0x198A8;
	s25 =	sadd.s32 $0x50, s23  }
0x1e8: {  	[hbm4b:s25+s3] =	stream.linear.scatter [tilespmem:s24], [sflag:$0x2], $0x80, $0x38;
	[tilespmem:$0x1DA00] =	vst v63  }
0x1e9: {  	s26 =	simm.s32 $0x19930;
	s28 =	sadd.s32 $0x60, s23;
	s24 =	simm.s32 $0x2200  }
0x1ea: {  	[hbm4b:s28+s3] =	stream.linear.scatter [tilespmem:s26], [sflag:$0x2], $0x80, $0x38;
	[tilespmem:$0x1DA00] =	vst v63  }
0x1eb: {  	s25 =	simm.s32 $0x199B8;
	s26 =	sadd.s32 $0x70, s23;
	s23 =	sadd.s32 $0x1000, s23  }
.LBB2_13:
0x1ec: {  	[hbm4b:s26+s3] =	stream.linear.scatter [tilespmem:s25], [sflag:$0x2], $0x80, $0x38;
	[tilespmem:$0x1DA00] =	vst v63  }
0x1ed: {  	s25 =	smov.u32 s22;
	s22 =	smov.u32 s24  }
0x1ee: {  	s28 =	sadd.s32 $0x1100, s24;
	s22 =	sshra.s32 s22, $0x2;
	s26 =	sadd.s32 $0x19600, s25  }
0x1ef: {  	[hbm4b:s23+s3] =	stream.linear.scatter [tilespmem:s26], [sflag:$0x2], $0x80, $0x38;
	[tilespmem:$0x1DA00] =	vst v63  }
0x1f0: {  	p0 =	sne.s32 s24, $0x7700;
	s24 =	sadd.s32 $0x19688, s25;
	s26 =	sadd.s32 $0x10, s23  }
0x1f1: {  	[hbm4b:s26+s3] =	stream.linear.scatter [tilespmem:s24], [sflag:$0x2], $0x80, $0x38;
	[tilespmem:$0x1DA00] =	vst v63  }
0x1f2: {  	s24 =	sadd.s32 $0x19710, s25;
	s26 =	sadd.s32 $0x20, s23  }
0x1f3: {  	[hbm4b:s26+s3] =	stream.linear.scatter [tilespmem:s24], [sflag:$0x2], $0x80, $0x38;
	[tilespmem:$0x1DA00] =	vst v63  }
0x1f4: {  	s24 =	sadd.s32 $0x19798, s25;
	s26 =	sadd.s32 $0x30, s23  }
0x1f5: {  	[hbm4b:s26+s3] =	stream.linear.scatter [tilespmem:s24], [sflag:$0x2], $0x80, $0x38;
	[tilespmem:$0x1DA00] =	vst v63  }
0x1f6: {  	s24 =	sadd.s32 $0x19820, s25;
	s26 =	sadd.s32 $0x40, s23  }
0x1f7: {  	[hbm4b:s26+s3] =	stream.linear.scatter [tilespmem:s24], [sflag:$0x2], $0x80, $0x38;
	[tilespmem:$0x1DA00] =	vst v63  }
.Ltmp5:
0x1f8: {  	s24 =	sadd.s32 $0x198A8, s25;
	s26 =	sadd.s32 $0x50, s23;
	(pc) =	sbr.rel @p0 .LBB2_13-.Ltmp5, $4  }
0x1f9: {  	[hbm4b:s26+s3] =	stream.linear.scatter [tilespmem:s24], [sflag:$0x2], $0x80, $0x38;
	[tilespmem:$0x1DA00] =	vst v63  }
0x1fa: {  	s24 =	sadd.s32 $0x19930, s25;
	s26 =	sadd.s32 $0x60, s23;
	s25 =	sadd.s32 $0x199B8, s25  }
0x1fb: {  	[hbm4b:s26+s3] =	stream.linear.scatter [tilespmem:s24], [sflag:$0x2], $0x80, $0x38;
	[tilespmem:$0x1DA00] =	vst v63  }
0x1fc: {  	s26 =	sadd.s32 $0x70, s23;
	s23 =	sadd.s32 $0x1000, s23;
	s24 =	smov.u32 s28  }
0x1fd: {  	[hbm4b:s26+s3] =	stream.linear.scatter [tilespmem:s25], [sflag:$0x2], $0x80, $0x38;
	[tilespmem:$0x1DA00] =	vst v63  }
0x1fe: {  	s24 =	sadd.s32 $0x19600, s22  }
0x1ff: {  	[hbm4b:s23+s3] =	stream.linear.scatter [tilespmem:s24], [sflag:$0x2], $0x80, $0x38;
	[tilespmem:$0x1DA00] =	vst v63  }
0x200: {  	s26 =	sadd.s32 $0x19688, s22;
	s28 =	sadd.s32 $0x10, s23  }
0x201: {  	[hbm4b:s28+s3] =	stream.linear.scatter [tilespmem:s26], [sflag:$0x2], $0x80, $0x38;
	[tilespmem:$0x1DA00] =	vst v63  }
0x202: {  	s26 =	sadd.s32 $0x19710, s22;
	s28 =	sadd.s32 $0x20, s23  }
0x203: {  	[hbm4b:s28+s3] =	stream.linear.scatter [tilespmem:s26], [sflag:$0x2], $0x80, $0x38;
	[tilespmem:$0x1DA00] =	vst v63  }
0x204: {  	s26 =	sadd.s32 $0x19798, s22;
	s28 =	sadd.s32 $0x30, s23  }
0x205: {  	[hbm4b:s28+s3] =	stream.linear.scatter [tilespmem:s26], [sflag:$0x2], $0x80, $0x38;
	[tilespmem:$0x1DA00] =	vst v63  }
0x206: {  	s26 =	sadd.s32 $0x19820, s22;
	s28 =	sadd.s32 $0x40, s23  }
0x207: {  	[hbm4b:s28+s3] =	stream.linear.scatter [tilespmem:s26], [sflag:$0x2], $0x80, $0x38;
	[tilespmem:$0x1DA00] =	vst v63  }
0x208: {  	s26 =	sadd.s32 $0x198A8, s22;
	s28 =	sadd.s32 $0x50, s23  }
0x209: {  	[hbm4b:s28+s3] =	stream.linear.scatter [tilespmem:s26], [sflag:$0x2], $0x80, $0x38;
	[tilespmem:$0x1DA00] =	vst v63  }
0x20a: {  	s26 =	sadd.s32 $0x19930, s22;
	s28 =	sadd.s32 $0x60, s23  }
0x20b: {  	[hbm4b:s28+s3] =	stream.linear.scatter [tilespmem:s26], [sflag:$0x2], $0x80, $0x38;
	[tilespmem:$0x1DA00] =	vst v63  }
0x20c: {  	s26 =	sadd.s32 $0x199B8, s22;
	s28 =	sadd.s32 $0x70, s23  }
0x20d: {  	[hbm4b:s28+s3] =	stream.linear.scatter [tilespmem:s26], [sflag:$0x2], $0x80, $0x38;
	[tilespmem:$0x1DA00] =	vst v63  }
0x20e: {  	_ =	swait.ge [sflag:s9], $0x2000  }
0x20f: {  	[sflag:s9] =	ssyncset.done $0x0  }
0x210: {  	[sflag:s9] =	ssyncadd.s32 $0xFFFFE000  }
0x211: {  	s21 =	sor.u32 $0x3, s21;
	_ =	swait.ge [sflag:s16], $0x2000  }
0x212: {  	s23 =	sshll.u32 s21, $0x6;
	[sflag:s16] =	ssyncset.done $0x0  }
0x213: {  	s22 =	sand.u32 $0x3FFFFFC0, s23;
	[sflag:s16] =	ssyncadd.s32 $0xFFFFE000  }
0x214: {  	v7 =	vld [tilespmem:s22+$0x6400]  }
0x215: {  	v6 =	vld [tilespmem:s22+$0x6410]  }
0x216: {  	v5 =	vld [tilespmem:s22+$0x6420]  }
0x217: {  	s24 =	simm.s32 $0x0;
	v4 =	vld [tilespmem:s22+$0x6430]  }
0x218: {  	v14 =	vld [tilespmem:s24+$0xF690]  }
0x219: {  	v9 =	vld [tilespmem:s24+$0xF670]  }
0x21a: {  	v8 =	vld [tilespmem:s24+$0xF6E0]  }
0x21b: {  	v11 =	vld [tilespmem:s24+$0xF650]  }
0x21c: {  	v10 =	vld [tilespmem:s24+$0xF660]  }
0x21d: {  	v15 =	vld [tilespmem:s24+$0xF640]  }
0x21e: {  	v12 =	vld [tilespmem:s24+$0xF610]  }
0x21f: {  	s25 =	simm.s32 $0x0;
	v13 =	vld [tilespmem:s24+$0xF620]  }
0x220: {  	v17 =	vmov s25;
	v18 =	vld [tilespmem:s24+$0xF600]  }
0x221: {  	v17 =	vand.u32 $0x7C, v17;
	v16 =	vld [tilespmem:s24+$0xF630]  }
0x222: {  	v20 =	vadd.s32 v0, v17;
	v21 =	vadd.s32 v1, v17;
	v19 =	vld [tilespmem:s24+$0xF680]  }
0x223: {  	v23 =	vadd.s32 v2, v17;
	v28 =	vadd.s32 v3, v17;
	s26 =	simm.s32 $0x1;
	v24 =	vld [tilespmem:s24+$0xF6A0];
	v10 =	vadd.f32 v10, v5  }
0x224: {  	v22 =	vld [tilespmem:s24+$0xF6B0];
	v25 =	vadd.f32 v12, v6;
	v26 =	vadd.f32 v11, v6;
	v12 =	vmov s26  }
0x225: {  	v11 =	vld [tilespmem:s24+$0xF6C0];
	v27 =	vadd.f32 v13, v5;
	v18 =	vadd.f32 v18, v7;
	v29 =	vand.u32 $0x7D, v12  }
0x226: {  	v13 =	vadd.f32 v9, v4;
	v9 =	vld [tilespmem:s24+$0xF6F0];
	v31 =	vadd.f32 v16, v4;
	v30 =	vadd.s32 v0, v29  }
0x227: {  	v16 =	vadd.f32 v14, v6;
	v12 =	vld [tilespmem:s24+$0xF6D0];
	v32 =	vadd.s32 v1, v29;
	[tilespmem:v20+s15+$0x0] =	vst.idx.msk $0xffff, v18  }
0x228: {  	s28 =	simm.s32 $0x2;
	v14 =	vadd.f32 v24, v5;
	v17 =	vadd.s32 v2, v29;
	[tilespmem:v21+s15+$0x0] =	vst.idx.msk $0xffff, v25  }
0x229: {  	v18 =	vadd.f32 v15, v7;
	v15 =	vadd.f32 v19, v7;
	v19 =	vmov s28;
	[tilespmem:v23+s15+$0x0] =	vst.idx.msk $0xffff, v27  }
0x22a: {  	s22 =	simm.s32 $0x3;
	v20 =	vadd.f32 v22, v4;
	v24 =	vand.u32 $0x7E, v19;
	v23 =	vadd.s32 v3, v29;
	[tilespmem:v28+s15+$0x0] =	vst.idx.msk $0xffff, v31  }
0x22b: {  	v25 =	vmov s22;
	v21 =	vadd.s32 v0, v24;
	v19 =	vadd.s32 v1, v24;
	[tilespmem:v30+s15+$0x0] =	vst.idx.msk $0xffff, v18  }
0x22c: {  	s23 =	simm.s32 $0x400;
	v22 =	vadd.s32 v3, v24;
	v18 =	vadd.s32 v2, v24;
	v24 =	vand.u32 $0x7F, v25;
	[tilespmem:v32+s15+$0x0] =	vst.idx.msk $0xffff, v26  }
.LBB2_15:
0x22d: {  	p0 =	sne.s32 s23, $0x7C00  }
0x22e: {  	[tilespmem:v17+s15+$0x0] =	vst.idx.msk $0xffff, v10;
	v10 =	vadd.s32 v0, v24;
	s22 =	sadd.s32 $0x4, s22;
	s24 =	smov.u32 s23;
	s23 =	sadd.s32 $0x400, s23  }
0x22f: {  	[tilespmem:v23+s15+$0x0] =	vst.idx.msk $0xffff, v13;
	v13 =	vadd.s32 v1, v24  }
0x230: {  	v11 =	vadd.f32 v11, v7;
	[tilespmem:v21+s15+$0x0] =	vst.idx.msk $0xffff, v15;
	v15 =	vadd.s32 v2, v24  }
0x231: {  	v12 =	vadd.f32 v12, v6;
	[tilespmem:v19+s15+$0x0] =	vst.idx.msk $0xffff, v16;
	v16 =	vadd.s32 v3, v24  }
0x232: {  	[tilespmem:v18+s15+$0x0] =	vst.idx.msk $0xffff, v14  }
0x233: {  	v8 =	vadd.f32 v8, v5;
	[tilespmem:v22+s15+$0x0] =	vst.idx.msk $0xffff, v20  }
0x234: {  	v9 =	vadd.f32 v9, v4;
	[tilespmem:v10+s15+$0x0] =	vst.idx.msk $0xffff, v11  }
0x235: {  	[tilespmem:v13+s15+$0x0] =	vst.idx.msk $0xffff, v12  }
0x236: {  	[tilespmem:v15+s15+$0x0] =	vst.idx.msk $0xffff, v8  }
0x237: {  	s24 =	sshra.s32 s24, $0x2;
	[tilespmem:v16+s15+$0x0] =	vst.idx.msk $0xffff, v9  }
0x238: {  	v14 =	vld [tilespmem:s24+$0xF690]  }
0x239: {  	v9 =	vld [tilespmem:s24+$0xF670]  }
0x23a: {  	v8 =	vld [tilespmem:s24+$0xF6E0]  }
0x23b: {  	v11 =	vld [tilespmem:s24+$0xF650]  }
0x23c: {  	v10 =	vld [tilespmem:s24+$0xF660]  }
0x23d: {  	v15 =	vld [tilespmem:s24+$0xF640]  }
0x23e: {  	v16 =	vld [tilespmem:s24+$0xF630]  }
0x23f: {  	s25 =	sadd.s32 $0xFFFFFFFD, s22;
	v12 =	vld [tilespmem:s24+$0xF610]  }
0x240: {  	v17 =	vmov s25;
	v13 =	vld [tilespmem:s24+$0xF620]  }
0x241: {  	v17 =	vand.u32 $0x7C, v17;
	v18 =	vld [tilespmem:s24+$0xF600]  }
0x242: {  	v20 =	vadd.s32 v0, v17;
	v19 =	vld [tilespmem:s24+$0xF680]  }
0x243: {  	s25 =	sadd.s32 $0xFFFFFFFE, s22;
	v21 =	vadd.s32 v1, v17;
	v23 =	vadd.s32 v2, v17;
	v10 =	vadd.f32 v10, v5;
	v22 =	vld [tilespmem:s24+$0xF6B0]  }
0x244: {  	v26 =	vadd.f32 v11, v6;
	v24 =	vld [tilespmem:s24+$0xF6A0];
	v25 =	vadd.f32 v12, v6;
	v12 =	vmov s25  }
0x245: {  	v28 =	vadd.s32 v3, v17;
	v11 =	vld [tilespmem:s24+$0xF6C0];
	v27 =	vadd.f32 v13, v5;
	v29 =	vand.u32 $0x7D, v12  }
0x246: {  	v13 =	vadd.f32 v9, v4;
	v12 =	vld [tilespmem:s24+$0xF6D0];
	v18 =	vadd.f32 v18, v7;
	v30 =	vadd.s32 v0, v29  }
0x247: {  	v31 =	vadd.f32 v16, v4;
	v32 =	vadd.s32 v1, v29;
	v17 =	vadd.s32 v2, v29;
	v9 =	vld [tilespmem:s24+$0xF6F0];
	s24 =	sadd.s32 $0xFFFFFFFF, s22  }
0x248: {  	v33 =	vadd.f32 v15, v7;
	v15 =	vadd.f32 v19, v7;
	[tilespmem:v20+s15+$0x0] =	vst.idx.msk $0xffff, v18;
	v18 =	vmov s24  }
.Ltmp6:
0x249: {  	v16 =	vadd.f32 v14, v6;
	v14 =	vadd.f32 v24, v5;
	[tilespmem:v21+s15+$0x0] =	vst.idx.msk $0xffff, v25;
	v24 =	vand.u32 $0x7E, v18;
	(pc) =	sbr.rel @p0 .LBB2_15-.Ltmp6, $4  }
0x24a: {  	[tilespmem:v23+s15+$0x0] =	vst.idx.msk $0xffff, v27;
	v23 =	vadd.s32 v3, v29;
	v21 =	vadd.s32 v0, v24  }
0x24b: {  	v19 =	vadd.s32 v1, v24;
	[tilespmem:v28+s15+$0x0] =	vst.idx.msk $0xffff, v31  }
0x24c: {  	v25 =	vmov s22;
	v18 =	vadd.s32 v2, v24;
	[tilespmem:v30+s15+$0x0] =	vst.idx.msk $0xffff, v33  }
0x24d: {  	v20 =	vadd.f32 v22, v4;
	v22 =	vadd.s32 v3, v24;
	v24 =	vand.u32 $0x7F, v25;
	[tilespmem:v32+s15+$0x0] =	vst.idx.msk $0xffff, v26  }
0x24e: {  	_ =	sdelay $0x3  }
0x24f: {  	[tilespmem:v17+s15+$0x0] =	vst.idx.msk $0xffff, v10  }
0x250: {  	v60 =	vadd.s32 v0, v24;
	[tilespmem:v23+s15+$0x0] =	vst.idx.msk $0xffff, v13  }
0x251: {  	v61 =	vadd.s32 v1, v24;
	[tilespmem:v21+s15+$0x0] =	vst.idx.msk $0xffff, v15  }
0x252: {  	v62 =	vadd.s32 v2, v24;
	[tilespmem:v19+s15+$0x0] =	vst.idx.msk $0xffff, v16  }
0x253: {  	v7 =	vadd.f32 v11, v7;
	v63 =	vadd.s32 v3, v24;
	[tilespmem:v18+s15+$0x0] =	vst.idx.msk $0xffff, v14  }
0x254: {  	v6 =	vadd.f32 v12, v6;
	[tilespmem:v22+s15+$0x0] =	vst.idx.msk $0xffff, v20  }
0x255: {  	v5 =	vadd.f32 v8, v5;
	s21 =	sshll.u32 s21, $0x12;
	[tilespmem:v60+s15+$0x0] =	vst.idx.msk $0xffff, v7  }
0x256: {  	v4 =	vadd.f32 v9, v4;
	s21 =	sor.u32 s4, s21;
	[tilespmem:v61+s15+$0x0] =	vst.idx.msk $0xffff, v6  }
0x257: {  	s21 =	sshrl.u32 s21, $0x3;
	[tilespmem:v62+s15+$0x0] =	vst.idx.msk $0xffff, v5  }
0x258: {  	s24 =	simm.s32 $0x1B800;
	s22 =	sadd.s32 s2, s21;
	[tilespmem:v63+s15+$0x0] =	vst.idx.msk $0xffff, v4  }
0x259: {  	[hbm4b:s22+s3] =	stream.linear.scatter [tilespmem:s24], [sflag:$0x2], $0x80, $0x38;
	[tilespmem:$0x1DA00] =	vst v63  }
0x25a: {  	s25 =	simm.s32 $0x1B888;
	s23 =	sadd.s32 $0x10, s22  }
0x25b: {  	[hbm4b:s23+s3] =	stream.linear.scatter [tilespmem:s25], [sflag:$0x2], $0x80, $0x38;
	[tilespmem:$0x1DA00] =	vst v63  }
0x25c: {  	s26 =	simm.s32 $0x1B910;
	s21 =	simm.s32 $0x440;
	s28 =	sadd.s32 $0x20, s22  }
0x25d: {  	[hbm4b:s28+s3] =	stream.linear.scatter [tilespmem:s26], [sflag:$0x2], $0x80, $0x38;
	[tilespmem:$0x1DA00] =	vst v63  }
0x25e: {  	s24 =	simm.s32 $0x1B998;
	s25 =	sadd.s32 $0x30, s22;
	s23 =	simm.s32 $0x2200  }
0x25f: {  	[hbm4b:s25+s3] =	stream.linear.scatter [tilespmem:s24], [sflag:$0x2], $0x80, $0x38;
	[tilespmem:$0x1DA00] =	vst v63  }
0x260: {  	s26 =	simm.s32 $0x1BA20;
	s28 =	sadd.s32 $0x40, s22;
	s24 =	simm.s32 $0x1BAA8  }
0x261: {  	[hbm4b:s28+s3] =	stream.linear.scatter [tilespmem:s26], [sflag:$0x2], $0x80, $0x38;
	[tilespmem:$0x1DA00] =	vst v63  }
0x262: {  	s25 =	sadd.s32 $0x50, s22;
	s26 =	simm.s32 $0x1BB30;
	s28 =	sadd.s32 $0x60, s22  }
0x263: {  	[hbm4b:s25+s3] =	stream.linear.scatter [tilespmem:s24], [sflag:$0x2], $0x80, $0x38;
	[tilespmem:$0x1DA00] =	vst v63  }
0x264: {  	s24 =	simm.s32 $0x1BBB8;
	s25 =	sadd.s32 $0x70, s22;
	s22 =	sadd.s32 $0x1000, s22  }
0x265: {  	[hbm4b:s28+s3] =	stream.linear.scatter [tilespmem:s26], [sflag:$0x2], $0x80, $0x38;
	[tilespmem:$0x1DA00] =	vst v63  }
.LBB2_17:
0x266: {  	[hbm4b:s25+s3] =	stream.linear.scatter [tilespmem:s24], [sflag:$0x2], $0x80, $0x38;
	[tilespmem:$0x1DA00] =	vst v63  }
0x267: {  	s24 =	smov.u32 s21;
	s21 =	smov.u32 s23  }
0x268: {  	s26 =	sadd.s32 $0x1100, s23;
	s21 =	sshra.s32 s21, $0x2;
	s25 =	sadd.s32 $0x1B800, s24  }
0x269: {  	[hbm4b:s22+s3] =	stream.linear.scatter [tilespmem:s25], [sflag:$0x2], $0x80, $0x38;
	[tilespmem:$0x1DA00] =	vst v63  }
0x26a: {  	p0 =	sne.s32 s23, $0x7700;
	s23 =	sadd.s32 $0x1B888, s24;
	s25 =	sadd.s32 $0x10, s22  }
0x26b: {  	[hbm4b:s25+s3] =	stream.linear.scatter [tilespmem:s23], [sflag:$0x2], $0x80, $0x38;
	[tilespmem:$0x1DA00] =	vst v63  }
0x26c: {  	s23 =	sadd.s32 $0x1B910, s24;
	s25 =	sadd.s32 $0x20, s22  }
0x26d: {  	[hbm4b:s25+s3] =	stream.linear.scatter [tilespmem:s23], [sflag:$0x2], $0x80, $0x38;
	[tilespmem:$0x1DA00] =	vst v63  }
0x26e: {  	s23 =	sadd.s32 $0x1B998, s24;
	s25 =	sadd.s32 $0x30, s22  }
0x26f: {  	[hbm4b:s25+s3] =	stream.linear.scatter [tilespmem:s23], [sflag:$0x2], $0x80, $0x38;
	[tilespmem:$0x1DA00] =	vst v63  }
0x270: {  	s23 =	sadd.s32 $0x1BA20, s24;
	s25 =	sadd.s32 $0x40, s22  }
0x271: {  	[hbm4b:s25+s3] =	stream.linear.scatter [tilespmem:s23], [sflag:$0x2], $0x80, $0x38;
	[tilespmem:$0x1DA00] =	vst v63  }
.Ltmp7:
0x272: {  	s23 =	sadd.s32 $0x1BAA8, s24;
	s25 =	sadd.s32 $0x50, s22;
	(pc) =	sbr.rel @p0 .LBB2_17-.Ltmp7, $4  }
0x273: {  	[hbm4b:s25+s3] =	stream.linear.scatter [tilespmem:s23], [sflag:$0x2], $0x80, $0x38;
	[tilespmem:$0x1DA00] =	vst v63  }
0x274: {  	s23 =	sadd.s32 $0x1BB30, s24;
	s25 =	sadd.s32 $0x60, s22;
	s24 =	sadd.s32 $0x1BBB8, s24  }
0x275: {  	[hbm4b:s25+s3] =	stream.linear.scatter [tilespmem:s23], [sflag:$0x2], $0x80, $0x38;
	[tilespmem:$0x1DA00] =	vst v63  }
0x276: {  	s25 =	sadd.s32 $0x70, s22;
	s22 =	sadd.s32 $0x1000, s22;
	s23 =	smov.u32 s26  }
0x277: {  	[hbm4b:s25+s3] =	stream.linear.scatter [tilespmem:s24], [sflag:$0x2], $0x80, $0x38;
	[tilespmem:$0x1DA00] =	vst v63  }
0x278: {  	s23 =	sadd.s32 $0x1B800, s21  }
0x279: {  	[hbm4b:s22+s3] =	stream.linear.scatter [tilespmem:s23], [sflag:$0x2], $0x80, $0x38;
	[tilespmem:$0x1DA00] =	vst v63  }
0x27a: {  	s26 =	sadd.s32 $0x1B888, s21;
	s28 =	sadd.s32 $0x10, s22  }
0x27b: {  	[hbm4b:s28+s3] =	stream.linear.scatter [tilespmem:s26], [sflag:$0x2], $0x80, $0x38;
	[tilespmem:$0x1DA00] =	vst v63  }
0x27c: {  	s24 =	sadd.s32 $0x1B910, s21;
	s25 =	sadd.s32 $0x20, s22  }
0x27d: {  	[hbm4b:s25+s3] =	stream.linear.scatter [tilespmem:s24], [sflag:$0x2], $0x80, $0x38;
	[tilespmem:$0x1DA00] =	vst v63  }
0x27e: {  	s26 =	sadd.s32 $0x1B998, s21;
	s28 =	sadd.s32 $0x30, s22  }
0x27f: {  	[hbm4b:s28+s3] =	stream.linear.scatter [tilespmem:s26], [sflag:$0x2], $0x80, $0x38;
	[tilespmem:$0x1DA00] =	vst v63  }
0x280: {  	s24 =	sadd.s32 $0x1BA20, s21;
	s25 =	sadd.s32 $0x40, s22  }
0x281: {  	[hbm4b:s25+s3] =	stream.linear.scatter [tilespmem:s24], [sflag:$0x2], $0x80, $0x38;
	[tilespmem:$0x1DA00] =	vst v63  }
0x282: {  	s26 =	sadd.s32 $0x1BAA8, s21;
	s28 =	sadd.s32 $0x50, s22  }
0x283: {  	[hbm4b:s28+s3] =	stream.linear.scatter [tilespmem:s26], [sflag:$0x2], $0x80, $0x38;
	[tilespmem:$0x1DA00] =	vst v63  }
0x284: {  	s24 =	sadd.s32 $0x1BB30, s21;
	s25 =	sadd.s32 $0x60, s22  }
0x285: {  	[hbm4b:s25+s3] =	stream.linear.scatter [tilespmem:s24], [sflag:$0x2], $0x80, $0x38;
	[tilespmem:$0x1DA00] =	vst v63  }
0x286: {  	s26 =	sadd.s32 $0x1BBB8, s21;
	s28 =	sadd.s32 $0x70, s22  }
0x287: {  	[hbm4b:s28+s3] =	stream.linear.scatter [tilespmem:s26], [sflag:$0x2], $0x80, $0x38;
	[tilespmem:$0x1DA00] =	vst v63  }
0x288: {  	p0 =	seq.s32 s18, $0x18;
	_ =	swait.ge [sflag:s9], $0x2000  }
0x289: {  	s23 =	simm.s32 @!p0 $0x9600;
	[sflag:s9] =	ssyncset.done $0x0  }
0x28a: {  	s21 =	sadd.s32 @!p0 $0x400, s20;
	s22 =	simm.s32 @!p0 $0x80;
	[sflag:s9] =	ssyncadd.s32 $0xFFFFE000  }
0x28b: {  	[tilespmem:s23], [sflag:$0x1] =	stream.indirect.gather @!p0 [hbm4b:s5+s22], $0x40, s21, s22, $0xb8;
	[tilespmem:$0x1DA00] =	vst v63  }
0x28c: {  	s21 =	sadd.s32 @!p0 $0x480, s20;
	s23 =	simm.s32 @!p0 $0xB600  }
0x28d: {  	[tilespmem:s23], [sflag:$0x1] =	stream.indirect.gather @!p0 [hbm4b:s5+s22], $0x40, s21, s22, $0xb8;
	[tilespmem:$0x1DA00] =	vst v63  }
0x28e: {  	s21 =	sadd.s32 @!p0 $0x500, s20;
	s23 =	simm.s32 @!p0 $0xD600  }
0x28f: {  	[tilespmem:s23], [sflag:$0x1] =	stream.indirect.gather @!p0 [hbm4b:s5+s22], $0x40, s21, s22, $0xb8;
	[tilespmem:$0x1DA00] =	vst v63  }
0x290: {  	s20 =	sadd.s32 @!p0 $0x580, s20;
	s21 =	simm.s32 @!p0 $0xF600  }
0x291: {  	[tilespmem:s21], [sflag:$0x1] =	stream.indirect.gather @!p0 [hbm4b:s5+s22], $0x40, s20, s22, $0xb8;
	[tilespmem:$0x1DA00] =	vst v63  }
0x292: {  	_ =	swait.ge [sflag:s16], $0x2000  }
0x293: {  	s23 =	sshll.u32 s19, $0x8;
	[sflag:s16] =	ssyncset.done $0x0  }
0x294: {  	s20 =	sand.u32 $0x3FFFFF00, s23;
	[sflag:s16] =	ssyncadd.s32 $0xFFFFE000  }
0x295: {  	v4 =	vld [tilespmem:s20+$0x6400]  }
0x296: {  	v5 =	vld [tilespmem:s20+$0x6410]  }
0x297: {  	v6 =	vld [tilespmem:s20+$0x6420]  }
0x298: {  	s21 =	simm.s32 $0x11680;
	v7 =	vld [tilespmem:s20+$0x6430]  }
0x299: {  	v9 =	vld [tilespmem:s21+$0x70]  }
0x29a: {  	v8 =	vld [tilespmem:s21+$0x60]  }
0x29b: {  	v10 =	vld [tilespmem:s21+$0x50]  }
0x29c: {  	v11 =	vld [tilespmem:s21+$0x40]  }
0x29d: {  	v12 =	vld [tilespmem:s21+$0x30]  }
0x29e: {  	v13 =	vld [tilespmem:s21+$0x20]  }
0x29f: {  	v14 =	vld [tilespmem:s21+$0x10]  }
0x2a0: {  	s24 =	simm.s32 $0x0;
	v15 =	vld [tilespmem:s21+$0x0]  }
0x2a1: {  	v18 =	vmov s24;
	v17 =	vld [tilespmem:s21+$0xFFFFFF80]  }
0x2a2: {  	v18 =	vand.u32 $0x7C, v18;
	v19 =	vld [tilespmem:s21+$0xFFFFFF90]  }
0x2a3: {  	v21 =	vadd.s32 v0, v18;
	v20 =	vld [tilespmem:s21+$0xFFFFFFA0]  }
0x2a4: {  	s25 =	simm.s32 $0x1;
	v23 =	vadd.s32 v1, v18;
	v22 =	vld [tilespmem:s21+$0xFFFFFFB0]  }
0x2a5: {  	v26 =	vmov s25;
	v25 =	vadd.s32 v2, v18;
	v24 =	vld [tilespmem:s21+$0xFFFFFFC0]  }
0x2a6: {  	v26 =	vand.u32 $0x7D, v26;
	v18 =	vadd.s32 v3, v18;
	v27 =	vld [tilespmem:s21+$0xFFFFFFD0];
	v17 =	vadd.f32 v17, v4  }
0x2a7: {  	v29 =	vadd.s32 v0, v26;
	v28 =	vld [tilespmem:s21+$0xFFFFFFE0];
	v19 =	vadd.f32 v19, v5  }
0x2a8: {  	s26 =	simm.s32 $0x2;
	v46 =	vadd.s32 v1, v26;
	v16 =	vld [tilespmem:s21+$0xFFFFFFF0];
	v20 =	vadd.f32 v20, v6;
	[tilespmem:v21+s14+$0x0] =	vst.idx.msk $0xffff, v17  }
0x2a9: {  	v48 =	vadd.s32 v2, v26;
	v49 =	vmov s26;
	v47 =	vadd.f32 v22, v7;
	[tilespmem:v23+s14+$0x0] =	vst.idx.msk $0xffff, v19  }
0x2aa: {  	v51 =	vadd.s32 v3, v26;
	v50 =	vadd.f32 v24, v4;
	v22 =	vand.u32 $0x7E, v49;
	[tilespmem:v25+s14+$0x0] =	vst.idx.msk $0xffff, v20  }
0x2ab: {  	v52 =	vadd.f32 v27, v5;
	v53 =	vadd.s32 v0, v22;
	[tilespmem:v18+s14+$0x0] =	vst.idx.msk $0xffff, v47  }
0x2ac: {  	s28 =	simm.s32 $0x3;
	v54 =	vadd.f32 v28, v6;
	v55 =	vadd.s32 v1, v22;
	[tilespmem:v29+s14+$0x0] =	vst.idx.msk $0xffff, v50  }
0x2ad: {  	v57 =	vmov s28;
	v16 =	vadd.f32 v16, v7;
	v56 =	vadd.s32 v2, v22;
	[tilespmem:v46+s14+$0x0] =	vst.idx.msk $0xffff, v52  }
0x2ae: {  	v59 =	vand.u32 $0x7F, v57;
	v15 =	vadd.f32 v15, v4;
	v58 =	vadd.s32 v3, v22;
	[tilespmem:v48+s14+$0x0] =	vst.idx.msk $0xffff, v54  }
0x2af: {  	v60 =	vadd.s32 v0, v59;
	v14 =	vadd.f32 v14, v5;
	[tilespmem:v51+s14+$0x0] =	vst.idx.msk $0xffff, v16  }
0x2b0: {  	v61 =	vadd.s32 v1, v59;
	v13 =	vadd.f32 v13, v6;
	[tilespmem:v53+s14+$0x0] =	vst.idx.msk $0xffff, v15  }
0x2b1: {  	v62 =	vadd.s32 v2, v59;
	v12 =	vadd.f32 v12, v7;
	[tilespmem:v55+s14+$0x0] =	vst.idx.msk $0xffff, v14  }
0x2b2: {  	v11 =	vadd.f32 v11, v4;
	v10 =	vadd.f32 v10, v5;
	[tilespmem:v56+s14+$0x0] =	vst.idx.msk $0xffff, v13  }
0x2b3: {  	v63 =	vadd.f32 v8, v6;
	v8 =	vadd.s32 v3, v59;
	[tilespmem:v58+s14+$0x0] =	vst.idx.msk $0xffff, v12  }
0x2b4: {  	[tilespmem:v60+s14+$0x0] =	vst.idx.msk $0xffff, v11  }
0x2b5: {  	[tilespmem:v61+s14+$0x0] =	vst.idx.msk $0xffff, v10  }
0x2b6: {  	s22 =	simm.s32 $0x4;
	s20 =	sshll.u32 s19, $0x2;
	v9 =	vadd.f32 v9, v7;
	[tilespmem:v62+s14+$0x0] =	vst.idx.msk $0xffff, v63  }
.LBB2_19:
0x2b7: {  	p0 =	sne.s32 s22, $0x7C  }
0x2b8: {  	[tilespmem:v8+s14+$0x0] =	vst.idx.msk $0xffff, v9;
	s21 =	sadd.s32 $0x100, s21;
	s23 =	smov.u32 s22;
	s22 =	sadd.s32 $0x4, s22  }
0x2b9: {  	v9 =	vld [tilespmem:s21+$0x70]  }
0x2ba: {  	v10 =	vld [tilespmem:s21+$0x60]  }
0x2bb: {  	v11 =	vld [tilespmem:s21+$0x50]  }
0x2bc: {  	v8 =	vld [tilespmem:s21+$0x40]  }
0x2bd: {  	v12 =	vld [tilespmem:s21+$0x30]  }
0x2be: {  	v13 =	vld [tilespmem:s21+$0x20]  }
0x2bf: {  	v14 =	vld [tilespmem:s21+$0x10]  }
0x2c0: {  	v15 =	vld [tilespmem:s21+$0x0]  }
0x2c1: {  	v16 =	vld [tilespmem:s21+$0xFFFFFFF0]  }
0x2c2: {  	v18 =	vmov s23;
	v17 =	vld [tilespmem:s21+$0xFFFFFF80]  }
0x2c3: {  	v18 =	vand.u32 $0x7C, v18;
	v19 =	vld [tilespmem:s21+$0xFFFFFF90]  }
0x2c4: {  	v21 =	vadd.s32 v0, v18;
	v20 =	vld [tilespmem:s21+$0xFFFFFFA0]  }
0x2c5: {  	s24 =	sadd.s32 $0x1, s23;
	v23 =	vadd.s32 v1, v18;
	v22 =	vld [tilespmem:s21+$0xFFFFFFB0]  }
0x2c6: {  	v26 =	vmov s24;
	v25 =	vadd.s32 v2, v18;
	v24 =	vld [tilespmem:s21+$0xFFFFFFC0]  }
0x2c7: {  	v18 =	vadd.s32 v3, v18;
	v26 =	vand.u32 $0x7D, v26;
	v27 =	vld [tilespmem:s21+$0xFFFFFFD0];
	v17 =	vadd.f32 v17, v4  }
0x2c8: {  	v29 =	vadd.s32 v0, v26;
	v28 =	vld [tilespmem:s21+$0xFFFFFFE0];
	v19 =	vadd.f32 v19, v5  }
0x2c9: {  	s24 =	sadd.s32 $0x2, s23;
	v20 =	vadd.f32 v20, v6;
	[tilespmem:v21+s14+$0x0] =	vst.idx.msk $0xffff, v17;
	v17 =	vadd.s32 v1, v26  }
0x2ca: {  	v21 =	vadd.f32 v22, v7;
	[tilespmem:v23+s14+$0x0] =	vst.idx.msk $0xffff, v19;
	v19 =	vadd.s32 v2, v26;
	v22 =	vmov s24  }
0x2cb: {  	v23 =	vadd.f32 v24, v4;
	[tilespmem:v25+s14+$0x0] =	vst.idx.msk $0xffff, v20;
	v20 =	vadd.s32 v3, v26;
	v22 =	vand.u32 $0x7E, v22  }
0x2cc: {  	v24 =	vadd.f32 v27, v5;
	[tilespmem:v18+s14+$0x0] =	vst.idx.msk $0xffff, v21;
	v18 =	vadd.s32 v0, v22  }
0x2cd: {  	s23 =	sadd.s32 $0x3, s23;
	v21 =	vadd.f32 v28, v6;
	[tilespmem:v29+s14+$0x0] =	vst.idx.msk $0xffff, v23;
	v23 =	vadd.s32 v1, v22  }
0x2ce: {  	v16 =	vadd.f32 v16, v7;
	[tilespmem:v17+s14+$0x0] =	vst.idx.msk $0xffff, v24;
	v17 =	vadd.s32 v2, v22;
	v24 =	vmov s23  }
0x2cf: {  	v15 =	vadd.f32 v15, v4;
	[tilespmem:v19+s14+$0x0] =	vst.idx.msk $0xffff, v21;
	v19 =	vadd.s32 v3, v22;
	v21 =	vand.u32 $0x7F, v24  }
0x2d0: {  	v14 =	vadd.f32 v14, v5;
	[tilespmem:v20+s14+$0x0] =	vst.idx.msk $0xffff, v16;
	v16 =	vadd.s32 v0, v21  }
0x2d1: {  	v13 =	vadd.f32 v13, v6;
	[tilespmem:v18+s14+$0x0] =	vst.idx.msk $0xffff, v15;
	v15 =	vadd.s32 v1, v21  }
0x2d2: {  	v12 =	vadd.f32 v12, v7;
	[tilespmem:v23+s14+$0x0] =	vst.idx.msk $0xffff, v14;
	v14 =	vadd.s32 v2, v21  }
.Ltmp8:
0x2d3: {  	v18 =	vadd.f32 v8, v4;
	v8 =	vadd.s32 v3, v21;
	[tilespmem:v17+s14+$0x0] =	vst.idx.msk $0xffff, v13;
	(pc) =	sbr.rel @p0 .LBB2_19-.Ltmp8, $4  }
0x2d4: {  	v11 =	vadd.f32 v11, v5;
	[tilespmem:v19+s14+$0x0] =	vst.idx.msk $0xffff, v12  }
0x2d5: {  	v10 =	vadd.f32 v10, v6;
	[tilespmem:v16+s14+$0x0] =	vst.idx.msk $0xffff, v18  }
0x2d6: {  	v9 =	vadd.f32 v9, v7;
	[tilespmem:v15+s14+$0x0] =	vst.idx.msk $0xffff, v11  }
0x2d7: {  	[tilespmem:v14+s14+$0x0] =	vst.idx.msk $0xffff, v10  }
0x2d8: {  	_ = 	snop  }
0x2d9: {  	s19 =	sshll.u32 s19, $0x14  }
0x2da: {  	s19 =	sor.u32 s4, s19  }
0x2db: {  	s19 =	sshrl.u32 s19, $0x3  }
0x2dc: {  	[tilespmem:v8+s14+$0x0] =	vst.idx.msk $0xffff, v9;
	s22 =	simm.s32 $0x19600;
	s21 =	sadd.s32 s2, s19  }
0x2dd: {  	[hbm4b:s21+s3] =	stream.linear.scatter [tilespmem:s22], [sflag:$0x2], $0x80, $0x38;
	[tilespmem:$0x1DA00] =	vst v63  }
0x2de: {  	s23 =	simm.s32 $0x19688;
	s22 =	sadd.s32 $0x10, s21  }
0x2df: {  	[hbm4b:s22+s3] =	stream.linear.scatter [tilespmem:s23], [sflag:$0x2], $0x80, $0x38;
	[tilespmem:$0x1DA00] =	vst v63  }
0x2e0: {  	s24 =	simm.s32 $0x19710;
	s26 =	simm.s32 $0x19798;
	s25 =	sadd.s32 $0x20, s21  }
0x2e1: {  	[hbm4b:s25+s3] =	stream.linear.scatter [tilespmem:s24], [sflag:$0x2], $0x80, $0x38;
	[tilespmem:$0x1DA00] =	vst v63  }
0x2e2: {  	s19 =	simm.s32 $0x440;
	s28 =	sadd.s32 $0x30, s21;
	s22 =	simm.s32 $0x19820  }
0x2e3: {  	[hbm4b:s28+s3] =	stream.linear.scatter [tilespmem:s26], [sflag:$0x2], $0x80, $0x38;
	[tilespmem:$0x1DA00] =	vst v63  }
0x2e4: {  	s23 =	sadd.s32 $0x40, s21;
	s24 =	simm.s32 $0x198A8;
	s25 =	sadd.s32 $0x50, s21  }
0x2e5: {  	[hbm4b:s23+s3] =	stream.linear.scatter [tilespmem:s22], [sflag:$0x2], $0x80, $0x38;
	[tilespmem:$0x1DA00] =	vst v63  }
0x2e6: {  	s26 =	simm.s32 $0x19930;
	s28 =	sadd.s32 $0x60, s21;
	s22 =	simm.s32 $0x2200  }
0x2e7: {  	[hbm4b:s25+s3] =	stream.linear.scatter [tilespmem:s24], [sflag:$0x2], $0x80, $0x38;
	[tilespmem:$0x1DA00] =	vst v63  }
0x2e8: {  	s23 =	simm.s32 $0x199B8;
	s24 =	sadd.s32 $0x70, s21;
	s21 =	sadd.s32 $0x1000, s21  }
0x2e9: {  	[hbm4b:s28+s3] =	stream.linear.scatter [tilespmem:s26], [sflag:$0x2], $0x80, $0x38;
	[tilespmem:$0x1DA00] =	vst v63  }
.LBB2_21:
0x2ea: {  	[hbm4b:s24+s3] =	stream.linear.scatter [tilespmem:s23], [sflag:$0x2], $0x80, $0x38;
	[tilespmem:$0x1DA00] =	vst v63  }
0x2eb: {  	s23 =	smov.u32 s19;
	s19 =	smov.u32 s22  }
0x2ec: {  	s25 =	sadd.s32 $0x1100, s22;
	s19 =	sshra.s32 s19, $0x2;
	s24 =	sadd.s32 $0x19600, s23  }
0x2ed: {  	[hbm4b:s21+s3] =	stream.linear.scatter [tilespmem:s24], [sflag:$0x2], $0x80, $0x38;
	[tilespmem:$0x1DA00] =	vst v63  }
0x2ee: {  	p0 =	sne.s32 s22, $0x7700;
	s22 =	sadd.s32 $0x19688, s23;
	s24 =	sadd.s32 $0x10, s21  }
0x2ef: {  	[hbm4b:s24+s3] =	stream.linear.scatter [tilespmem:s22], [sflag:$0x2], $0x80, $0x38;
	[tilespmem:$0x1DA00] =	vst v63  }
0x2f0: {  	s22 =	sadd.s32 $0x19710, s23;
	s24 =	sadd.s32 $0x20, s21  }
0x2f1: {  	[hbm4b:s24+s3] =	stream.linear.scatter [tilespmem:s22], [sflag:$0x2], $0x80, $0x38;
	[tilespmem:$0x1DA00] =	vst v63  }
0x2f2: {  	s22 =	sadd.s32 $0x19798, s23;
	s24 =	sadd.s32 $0x30, s21  }
0x2f3: {  	[hbm4b:s24+s3] =	stream.linear.scatter [tilespmem:s22], [sflag:$0x2], $0x80, $0x38;
	[tilespmem:$0x1DA00] =	vst v63  }
0x2f4: {  	s22 =	sadd.s32 $0x19820, s23;
	s24 =	sadd.s32 $0x40, s21  }
0x2f5: {  	[hbm4b:s24+s3] =	stream.linear.scatter [tilespmem:s22], [sflag:$0x2], $0x80, $0x38;
	[tilespmem:$0x1DA00] =	vst v63  }
.Ltmp9:
0x2f6: {  	s22 =	sadd.s32 $0x198A8, s23;
	s24 =	sadd.s32 $0x50, s21;
	(pc) =	sbr.rel @p0 .LBB2_21-.Ltmp9, $4  }
0x2f7: {  	[hbm4b:s24+s3] =	stream.linear.scatter [tilespmem:s22], [sflag:$0x2], $0x80, $0x38;
	[tilespmem:$0x1DA00] =	vst v63  }
0x2f8: {  	s22 =	sadd.s32 $0x19930, s23;
	s24 =	sadd.s32 $0x60, s21;
	s23 =	sadd.s32 $0x199B8, s23  }
0x2f9: {  	[hbm4b:s24+s3] =	stream.linear.scatter [tilespmem:s22], [sflag:$0x2], $0x80, $0x38;
	[tilespmem:$0x1DA00] =	vst v63  }
0x2fa: {  	s24 =	sadd.s32 $0x70, s21;
	s21 =	sadd.s32 $0x1000, s21;
	s22 =	smov.u32 s25  }
0x2fb: {  	[hbm4b:s24+s3] =	stream.linear.scatter [tilespmem:s23], [sflag:$0x2], $0x80, $0x38;
	[tilespmem:$0x1DA00] =	vst v63  }
0x2fc: {  	s22 =	sadd.s32 $0x19600, s19  }
0x2fd: {  	[hbm4b:s21+s3] =	stream.linear.scatter [tilespmem:s22], [sflag:$0x2], $0x80, $0x38;
	[tilespmem:$0x1DA00] =	vst v63  }
0x2fe: {  	s24 =	sadd.s32 $0x19688, s19;
	s25 =	sadd.s32 $0x10, s21  }
0x2ff: {  	[hbm4b:s25+s3] =	stream.linear.scatter [tilespmem:s24], [sflag:$0x2], $0x80, $0x38;
	[tilespmem:$0x1DA00] =	vst v63  }
0x300: {  	s26 =	sadd.s32 $0x19710, s19;
	s28 =	sadd.s32 $0x20, s21  }
0x301: {  	[hbm4b:s28+s3] =	stream.linear.scatter [tilespmem:s26], [sflag:$0x2], $0x80, $0x38;
	[tilespmem:$0x1DA00] =	vst v63  }
0x302: {  	s24 =	sadd.s32 $0x19798, s19;
	s25 =	sadd.s32 $0x30, s21  }
0x303: {  	[hbm4b:s25+s3] =	stream.linear.scatter [tilespmem:s24], [sflag:$0x2], $0x80, $0x38;
	[tilespmem:$0x1DA00] =	vst v63  }
0x304: {  	s26 =	sadd.s32 $0x19820, s19;
	s28 =	sadd.s32 $0x40, s21  }
0x305: {  	[hbm4b:s28+s3] =	stream.linear.scatter [tilespmem:s26], [sflag:$0x2], $0x80, $0x38;
	[tilespmem:$0x1DA00] =	vst v63  }
0x306: {  	s23 =	sadd.s32 $0x198A8, s19;
	s24 =	sadd.s32 $0x50, s21  }
0x307: {  	[hbm4b:s24+s3] =	stream.linear.scatter [tilespmem:s23], [sflag:$0x2], $0x80, $0x38;
	[tilespmem:$0x1DA00] =	vst v63  }
0x308: {  	s25 =	sadd.s32 $0x19930, s19;
	s26 =	sadd.s32 $0x60, s21  }
0x309: {  	[hbm4b:s26+s3] =	stream.linear.scatter [tilespmem:s25], [sflag:$0x2], $0x80, $0x38;
	[tilespmem:$0x1DA00] =	vst v63  }
0x30a: {  	s22 =	sadd.s32 $0x70, s21;
	s28 =	sadd.s32 $0x199B8, s19  }
0x30b: {  	[hbm4b:s22+s3] =	stream.linear.scatter [tilespmem:s28], [sflag:$0x2], $0x80, $0x38;
	[tilespmem:$0x1DA00] =	vst v63  }
0x30c: {  	_ =	swait.ge [sflag:s9], $0x2000  }
0x30d: {  	[sflag:s9] =	ssyncset.done $0x0  }
0x30e: {  	[sflag:s9] =	ssyncadd.s32 $0xFFFFE000  }
0x30f: {  	s19 =	sor.u32 $0x1, s20;
	_ =	swait.ge [sflag:s16], $0x2000  }
0x310: {  	s23 =	sshll.u32 s19, $0x6;
	[sflag:s16] =	ssyncset.done $0x0  }
0x311: {  	s21 =	sand.u32 $0x3FFFFFC0, s23;
	[sflag:s16] =	ssyncadd.s32 $0xFFFFE000  }
0x312: {  	v4 =	vld [tilespmem:s21+$0x6400]  }
0x313: {  	v5 =	vld [tilespmem:s21+$0x6410]  }
0x314: {  	v6 =	vld [tilespmem:s21+$0x6420]  }
0x315: {  	v7 =	vld [tilespmem:s21+$0x6430];
	s21 =	simm.s32 $0x136F0  }
0x316: {  	v9 =	vld [tilespmem:s21+$0x0]  }
0x317: {  	v8 =	vld [tilespmem:s21+$0xFFFFFFF0]  }
0x318: {  	v10 =	vld [tilespmem:s21+$0xFFFFFFE0]  }
0x319: {  	v11 =	vld [tilespmem:s21+$0xFFFFFFD0]  }
0x31a: {  	v12 =	vld [tilespmem:s21+$0xFFFFFFC0]  }
0x31b: {  	v13 =	vld [tilespmem:s21+$0xFFFFFFB0]  }
0x31c: {  	v14 =	vld [tilespmem:s21+$0xFFFFFFA0]  }
0x31d: {  	s24 =	simm.s32 $0x0;
	v15 =	vld [tilespmem:s21+$0xFFFFFF90]  }
0x31e: {  	v18 =	vmov s24;
	v17 =	vld [tilespmem:s21+$0xFFFFFF10]  }
0x31f: {  	v18 =	vand.u32 $0x7C, v18;
	v19 =	vld [tilespmem:s21+$0xFFFFFF20]  }
0x320: {  	v21 =	vadd.s32 v0, v18;
	v20 =	vld [tilespmem:s21+$0xFFFFFF30]  }
0x321: {  	s25 =	simm.s32 $0x1;
	v23 =	vadd.s32 v1, v18;
	v22 =	vld [tilespmem:s21+$0xFFFFFF40]  }
0x322: {  	v25 =	vadd.s32 v2, v18;
	v26 =	vmov s25;
	v24 =	vld [tilespmem:s21+$0xFFFFFF50]  }
0x323: {  	v18 =	vadd.s32 v3, v18;
	v26 =	vand.u32 $0x7D, v26;
	v27 =	vld [tilespmem:s21+$0xFFFFFF60];
	v17 =	vadd.f32 v17, v4  }
0x324: {  	v29 =	vadd.s32 v0, v26;
	v28 =	vld [tilespmem:s21+$0xFFFFFF70];
	v19 =	vadd.f32 v19, v5  }
0x325: {  	s26 =	simm.s32 $0x2;
	v46 =	vadd.s32 v1, v26;
	v16 =	vld [tilespmem:s21+$0xFFFFFF80];
	v20 =	vadd.f32 v20, v6;
	[tilespmem:v21+s15+$0x0] =	vst.idx.msk $0xffff, v17  }
0x326: {  	v49 =	vmov s26;
	v48 =	vadd.s32 v2, v26;
	v47 =	vadd.f32 v22, v7;
	[tilespmem:v23+s15+$0x0] =	vst.idx.msk $0xffff, v19  }
0x327: {  	v51 =	vadd.s32 v3, v26;
	v50 =	vadd.f32 v24, v4;
	v22 =	vand.u32 $0x7E, v49;
	[tilespmem:v25+s15+$0x0] =	vst.idx.msk $0xffff, v20  }
0x328: {  	v52 =	vadd.f32 v27, v5;
	v53 =	vadd.s32 v0, v22;
	[tilespmem:v18+s15+$0x0] =	vst.idx.msk $0xffff, v47  }
0x329: {  	s28 =	simm.s32 $0x3;
	v54 =	vadd.f32 v28, v6;
	v55 =	vadd.s32 v1, v22;
	[tilespmem:v29+s15+$0x0] =	vst.idx.msk $0xffff, v50  }
0x32a: {  	v57 =	vmov s28;
	v16 =	vadd.f32 v16, v7;
	v56 =	vadd.s32 v2, v22;
	[tilespmem:v46+s15+$0x0] =	vst.idx.msk $0xffff, v52  }
0x32b: {  	v59 =	vand.u32 $0x7F, v57;
	v15 =	vadd.f32 v15, v4;
	v58 =	vadd.s32 v3, v22;
	[tilespmem:v48+s15+$0x0] =	vst.idx.msk $0xffff, v54  }
0x32c: {  	v60 =	vadd.s32 v0, v59;
	v14 =	vadd.f32 v14, v5;
	[tilespmem:v51+s15+$0x0] =	vst.idx.msk $0xffff, v16  }
0x32d: {  	v61 =	vadd.s32 v1, v59;
	v13 =	vadd.f32 v13, v6;
	[tilespmem:v53+s15+$0x0] =	vst.idx.msk $0xffff, v15  }
0x32e: {  	v62 =	vadd.s32 v2, v59;
	v12 =	vadd.f32 v12, v7;
	[tilespmem:v55+s15+$0x0] =	vst.idx.msk $0xffff, v14  }
0x32f: {  	v11 =	vadd.f32 v11, v4;
	v10 =	vadd.f32 v10, v5;
	[tilespmem:v56+s15+$0x0] =	vst.idx.msk $0xffff, v13  }
0x330: {  	v63 =	vadd.f32 v8, v6;
	v8 =	vadd.s32 v3, v59;
	[tilespmem:v58+s15+$0x0] =	vst.idx.msk $0xffff, v12  }
0x331: {  	[tilespmem:v60+s15+$0x0] =	vst.idx.msk $0xffff, v11  }
0x332: {  	[tilespmem:v61+s15+$0x0] =	vst.idx.msk $0xffff, v10  }
0x333: {  	s22 =	simm.s32 $0x4;
	v9 =	vadd.f32 v9, v7;
	[tilespmem:v62+s15+$0x0] =	vst.idx.msk $0xffff, v63  }
.LBB2_23:
0x334: {  	p0 =	sne.s32 s22, $0x7C  }
0x335: {  	[tilespmem:v8+s15+$0x0] =	vst.idx.msk $0xffff, v9;
	s21 =	sadd.s32 $0x100, s21;
	s23 =	smov.u32 s22;
	s22 =	sadd.s32 $0x4, s22  }
0x336: {  	v9 =	vld [tilespmem:s21+$0x0]  }
0x337: {  	v10 =	vld [tilespmem:s21+$0xFFFFFFF0]  }
0x338: {  	v11 =	vld [tilespmem:s21+$0xFFFFFFE0]  }
0x339: {  	v8 =	vld [tilespmem:s21+$0xFFFFFFD0]  }
0x33a: {  	v12 =	vld [tilespmem:s21+$0xFFFFFFC0]  }
0x33b: {  	v13 =	vld [tilespmem:s21+$0xFFFFFFB0]  }
0x33c: {  	v14 =	vld [tilespmem:s21+$0xFFFFFFA0]  }
0x33d: {  	v15 =	vld [tilespmem:s21+$0xFFFFFF90]  }
0x33e: {  	v16 =	vld [tilespmem:s21+$0xFFFFFF80]  }
0x33f: {  	v18 =	vmov s23;
	v17 =	vld [tilespmem:s21+$0xFFFFFF10]  }
0x340: {  	v18 =	vand.u32 $0x7C, v18;
	v19 =	vld [tilespmem:s21+$0xFFFFFF20]  }
0x341: {  	v21 =	vadd.s32 v0, v18;
	v20 =	vld [tilespmem:s21+$0xFFFFFF30]  }
0x342: {  	s24 =	sadd.s32 $0x1, s23;
	v23 =	vadd.s32 v1, v18;
	v22 =	vld [tilespmem:s21+$0xFFFFFF40]  }
0x343: {  	v26 =	vmov s24;
	v25 =	vadd.s32 v2, v18;
	v24 =	vld [tilespmem:s21+$0xFFFFFF50]  }
0x344: {  	v18 =	vadd.s32 v3, v18;
	v26 =	vand.u32 $0x7D, v26;
	v27 =	vld [tilespmem:s21+$0xFFFFFF60];
	v17 =	vadd.f32 v17, v4  }
0x345: {  	v29 =	vadd.s32 v0, v26;
	v28 =	vld [tilespmem:s21+$0xFFFFFF70];
	v19 =	vadd.f32 v19, v5  }
0x346: {  	s24 =	sadd.s32 $0x2, s23;
	v20 =	vadd.f32 v20, v6;
	[tilespmem:v21+s15+$0x0] =	vst.idx.msk $0xffff, v17;
	v17 =	vadd.s32 v1, v26  }
0x347: {  	v21 =	vadd.f32 v22, v7;
	[tilespmem:v23+s15+$0x0] =	vst.idx.msk $0xffff, v19;
	v19 =	vadd.s32 v2, v26;
	v22 =	vmov s24  }
0x348: {  	v23 =	vadd.f32 v24, v4;
	[tilespmem:v25+s15+$0x0] =	vst.idx.msk $0xffff, v20;
	v20 =	vadd.s32 v3, v26;
	v22 =	vand.u32 $0x7E, v22  }
0x349: {  	v24 =	vadd.f32 v27, v5;
	[tilespmem:v18+s15+$0x0] =	vst.idx.msk $0xffff, v21;
	v18 =	vadd.s32 v0, v22  }
0x34a: {  	s23 =	sadd.s32 $0x3, s23;
	v21 =	vadd.f32 v28, v6;
	[tilespmem:v29+s15+$0x0] =	vst.idx.msk $0xffff, v23;
	v23 =	vadd.s32 v1, v22  }
0x34b: {  	v16 =	vadd.f32 v16, v7;
	[tilespmem:v17+s15+$0x0] =	vst.idx.msk $0xffff, v24;
	v17 =	vadd.s32 v2, v22;
	v24 =	vmov s23  }
0x34c: {  	v15 =	vadd.f32 v15, v4;
	[tilespmem:v19+s15+$0x0] =	vst.idx.msk $0xffff, v21;
	v19 =	vadd.s32 v3, v22;
	v21 =	vand.u32 $0x7F, v24  }
0x34d: {  	v14 =	vadd.f32 v14, v5;
	[tilespmem:v20+s15+$0x0] =	vst.idx.msk $0xffff, v16;
	v16 =	vadd.s32 v0, v21  }
0x34e: {  	v13 =	vadd.f32 v13, v6;
	[tilespmem:v18+s15+$0x0] =	vst.idx.msk $0xffff, v15;
	v15 =	vadd.s32 v1, v21  }
0x34f: {  	v12 =	vadd.f32 v12, v7;
	[tilespmem:v23+s15+$0x0] =	vst.idx.msk $0xffff, v14;
	v14 =	vadd.s32 v2, v21  }
.Ltmp10:
0x350: {  	v18 =	vadd.f32 v8, v4;
	v8 =	vadd.s32 v3, v21;
	[tilespmem:v17+s15+$0x0] =	vst.idx.msk $0xffff, v13;
	(pc) =	sbr.rel @p0 .LBB2_23-.Ltmp10, $4  }
0x351: {  	v11 =	vadd.f32 v11, v5;
	[tilespmem:v19+s15+$0x0] =	vst.idx.msk $0xffff, v12  }
0x352: {  	v10 =	vadd.f32 v10, v6;
	[tilespmem:v16+s15+$0x0] =	vst.idx.msk $0xffff, v18  }
0x353: {  	v9 =	vadd.f32 v9, v7;
	[tilespmem:v15+s15+$0x0] =	vst.idx.msk $0xffff, v11  }
0x354: {  	[tilespmem:v14+s15+$0x0] =	vst.idx.msk $0xffff, v10  }
0x355: {  	_ = 	snop  }
0x356: {  	s19 =	sshll.u32 s19, $0x12  }
0x357: {  	s19 =	sor.u32 s4, s19  }
0x358: {  	s19 =	sshrl.u32 s19, $0x3  }
0x359: {  	[tilespmem:v8+s15+$0x0] =	vst.idx.msk $0xffff, v9;
	s22 =	simm.s32 $0x1B800;
	s21 =	sadd.s32 s2, s19  }
0x35a: {  	[hbm4b:s21+s3] =	stream.linear.scatter [tilespmem:s22], [sflag:$0x2], $0x80, $0x38;
	[tilespmem:$0x1DA00] =	vst v63  }
0x35b: {  	s23 =	simm.s32 $0x1B888;
	s22 =	sadd.s32 $0x10, s21  }
0x35c: {  	[hbm4b:s22+s3] =	stream.linear.scatter [tilespmem:s23], [sflag:$0x2], $0x80, $0x38;
	[tilespmem:$0x1DA00] =	vst v63  }
0x35d: {  	s24 =	simm.s32 $0x1B910;
	s26 =	simm.s32 $0x1B998;
	s25 =	sadd.s32 $0x20, s21  }
0x35e: {  	[hbm4b:s25+s3] =	stream.linear.scatter [tilespmem:s24], [sflag:$0x2], $0x80, $0x38;
	[tilespmem:$0x1DA00] =	vst v63  }
0x35f: {  	s19 =	simm.s32 $0x440;
	s28 =	sadd.s32 $0x30, s21;
	s22 =	simm.s32 $0x1BA20  }
0x360: {  	[hbm4b:s28+s3] =	stream.linear.scatter [tilespmem:s26], [sflag:$0x2], $0x80, $0x38;
	[tilespmem:$0x1DA00] =	vst v63  }
0x361: {  	s23 =	sadd.s32 $0x40, s21;
	s24 =	simm.s32 $0x1BAA8;
	s25 =	sadd.s32 $0x50, s21  }
0x362: {  	[hbm4b:s23+s3] =	stream.linear.scatter [tilespmem:s22], [sflag:$0x2], $0x80, $0x38;
	[tilespmem:$0x1DA00] =	vst v63  }
0x363: {  	s26 =	simm.s32 $0x1BB30;
	s28 =	sadd.s32 $0x60, s21;
	s22 =	simm.s32 $0x2200  }
0x364: {  	[hbm4b:s25+s3] =	stream.linear.scatter [tilespmem:s24], [sflag:$0x2], $0x80, $0x38;
	[tilespmem:$0x1DA00] =	vst v63  }
0x365: {  	s23 =	simm.s32 $0x1BBB8;
	s24 =	sadd.s32 $0x70, s21;
	s21 =	sadd.s32 $0x1000, s21  }
0x366: {  	[hbm4b:s28+s3] =	stream.linear.scatter [tilespmem:s26], [sflag:$0x2], $0x80, $0x38;
	[tilespmem:$0x1DA00] =	vst v63  }
.LBB2_25:
0x367: {  	[hbm4b:s24+s3] =	stream.linear.scatter [tilespmem:s23], [sflag:$0x2], $0x80, $0x38;
	[tilespmem:$0x1DA00] =	vst v63  }
0x368: {  	s23 =	smov.u32 s19;
	s19 =	smov.u32 s22  }
0x369: {  	s25 =	sadd.s32 $0x1100, s22;
	s19 =	sshra.s32 s19, $0x2;
	s24 =	sadd.s32 $0x1B800, s23  }
0x36a: {  	[hbm4b:s21+s3] =	stream.linear.scatter [tilespmem:s24], [sflag:$0x2], $0x80, $0x38;
	[tilespmem:$0x1DA00] =	vst v63  }
0x36b: {  	p0 =	sne.s32 s22, $0x7700;
	s22 =	sadd.s32 $0x1B888, s23;
	s24 =	sadd.s32 $0x10, s21  }
0x36c: {  	[hbm4b:s24+s3] =	stream.linear.scatter [tilespmem:s22], [sflag:$0x2], $0x80, $0x38;
	[tilespmem:$0x1DA00] =	vst v63  }
0x36d: {  	s22 =	sadd.s32 $0x1B910, s23;
	s24 =	sadd.s32 $0x20, s21  }
0x36e: {  	[hbm4b:s24+s3] =	stream.linear.scatter [tilespmem:s22], [sflag:$0x2], $0x80, $0x38;
	[tilespmem:$0x1DA00] =	vst v63  }
0x36f: {  	s22 =	sadd.s32 $0x1B998, s23;
	s24 =	sadd.s32 $0x30, s21  }
0x370: {  	[hbm4b:s24+s3] =	stream.linear.scatter [tilespmem:s22], [sflag:$0x2], $0x80, $0x38;
	[tilespmem:$0x1DA00] =	vst v63  }
0x371: {  	s22 =	sadd.s32 $0x1BA20, s23;
	s24 =	sadd.s32 $0x40, s21  }
0x372: {  	[hbm4b:s24+s3] =	stream.linear.scatter [tilespmem:s22], [sflag:$0x2], $0x80, $0x38;
	[tilespmem:$0x1DA00] =	vst v63  }
.Ltmp11:
0x373: {  	s22 =	sadd.s32 $0x1BAA8, s23;
	s24 =	sadd.s32 $0x50, s21;
	(pc) =	sbr.rel @p0 .LBB2_25-.Ltmp11, $4  }
0x374: {  	[hbm4b:s24+s3] =	stream.linear.scatter [tilespmem:s22], [sflag:$0x2], $0x80, $0x38;
	[tilespmem:$0x1DA00] =	vst v63  }
0x375: {  	s22 =	sadd.s32 $0x1BB30, s23;
	s24 =	sadd.s32 $0x60, s21;
	s23 =	sadd.s32 $0x1BBB8, s23  }
0x376: {  	[hbm4b:s24+s3] =	stream.linear.scatter [tilespmem:s22], [sflag:$0x2], $0x80, $0x38;
	[tilespmem:$0x1DA00] =	vst v63  }
0x377: {  	s24 =	sadd.s32 $0x70, s21;
	s21 =	sadd.s32 $0x1000, s21;
	s22 =	smov.u32 s25  }
0x378: {  	[hbm4b:s24+s3] =	stream.linear.scatter [tilespmem:s23], [sflag:$0x2], $0x80, $0x38;
	[tilespmem:$0x1DA00] =	vst v63  }
0x379: {  	s22 =	sadd.s32 $0x1B800, s19  }
0x37a: {  	[hbm4b:s21+s3] =	stream.linear.scatter [tilespmem:s22], [sflag:$0x2], $0x80, $0x38;
	[tilespmem:$0x1DA00] =	vst v63  }
0x37b: {  	s24 =	sadd.s32 $0x1B888, s19;
	s25 =	sadd.s32 $0x10, s21  }
0x37c: {  	[hbm4b:s25+s3] =	stream.linear.scatter [tilespmem:s24], [sflag:$0x2], $0x80, $0x38;
	[tilespmem:$0x1DA00] =	vst v63  }
0x37d: {  	s26 =	sadd.s32 $0x1B910, s19;
	s28 =	sadd.s32 $0x20, s21  }
0x37e: {  	[hbm4b:s28+s3] =	stream.linear.scatter [tilespmem:s26], [sflag:$0x2], $0x80, $0x38;
	[tilespmem:$0x1DA00] =	vst v63  }
0x37f: {  	s24 =	sadd.s32 $0x1B998, s19;
	s25 =	sadd.s32 $0x30, s21  }
0x380: {  	[hbm4b:s25+s3] =	stream.linear.scatter [tilespmem:s24], [sflag:$0x2], $0x80, $0x38;
	[tilespmem:$0x1DA00] =	vst v63  }
0x381: {  	s26 =	sadd.s32 $0x1BA20, s19;
	s28 =	sadd.s32 $0x40, s21  }
0x382: {  	[hbm4b:s28+s3] =	stream.linear.scatter [tilespmem:s26], [sflag:$0x2], $0x80, $0x38;
	[tilespmem:$0x1DA00] =	vst v63  }
0x383: {  	s23 =	sadd.s32 $0x1BAA8, s19;
	s24 =	sadd.s32 $0x50, s21  }
0x384: {  	[hbm4b:s24+s3] =	stream.linear.scatter [tilespmem:s23], [sflag:$0x2], $0x80, $0x38;
	[tilespmem:$0x1DA00] =	vst v63  }
0x385: {  	s25 =	sadd.s32 $0x1BB30, s19;
	s26 =	sadd.s32 $0x60, s21  }
0x386: {  	[hbm4b:s26+s3] =	stream.linear.scatter [tilespmem:s25], [sflag:$0x2], $0x80, $0x38;
	[tilespmem:$0x1DA00] =	vst v63  }
0x387: {  	s22 =	sadd.s32 $0x70, s21;
	s28 =	sadd.s32 $0x1BBB8, s19  }
0x388: {  	[hbm4b:s22+s3] =	stream.linear.scatter [tilespmem:s28], [sflag:$0x2], $0x80, $0x38;
	[tilespmem:$0x1DA00] =	vst v63  }
0x389: {  	_ =	swait.ge [sflag:s9], $0x2000  }
0x38a: {  	[sflag:s9] =	ssyncset.done $0x0  }
0x38b: {  	[sflag:s9] =	ssyncadd.s32 $0xFFFFE000  }
0x38c: {  	s19 =	sor.u32 $0x2, s20;
	_ =	swait.ge [sflag:s16], $0x2000  }
0x38d: {  	s23 =	sshll.u32 s19, $0x6;
	[sflag:s16] =	ssyncset.done $0x0  }
0x38e: {  	s21 =	sand.u32 $0x3FFFFFC0, s23;
	[sflag:s16] =	ssyncadd.s32 $0xFFFFE000  }
0x38f: {  	v7 =	vld [tilespmem:s21+$0x6400]  }
0x390: {  	v6 =	vld [tilespmem:s21+$0x6410]  }
0x391: {  	v5 =	vld [tilespmem:s21+$0x6420]  }
0x392: {  	s24 =	simm.s32 $0x0;
	v4 =	vld [tilespmem:s21+$0x6430]  }
0x393: {  	v14 =	vld [tilespmem:s24+$0x15690]  }
0x394: {  	v9 =	vld [tilespmem:s24+$0x15670]  }
0x395: {  	v8 =	vld [tilespmem:s24+$0x156E0]  }
0x396: {  	v11 =	vld [tilespmem:s24+$0x15650]  }
0x397: {  	v10 =	vld [tilespmem:s24+$0x15660]  }
0x398: {  	v15 =	vld [tilespmem:s24+$0x15640]  }
0x399: {  	v12 =	vld [tilespmem:s24+$0x15610]  }
0x39a: {  	s25 =	simm.s32 $0x0;
	v13 =	vld [tilespmem:s24+$0x15620]  }
0x39b: {  	v17 =	vmov s25;
	v18 =	vld [tilespmem:s24+$0x15600]  }
0x39c: {  	v17 =	vand.u32 $0x7C, v17;
	v16 =	vld [tilespmem:s24+$0x15630]  }
0x39d: {  	v20 =	vadd.s32 v0, v17;
	v21 =	vadd.s32 v1, v17;
	v19 =	vld [tilespmem:s24+$0x15680]  }
0x39e: {  	s26 =	simm.s32 $0x1;
	v23 =	vadd.s32 v2, v17;
	v28 =	vadd.s32 v3, v17;
	v24 =	vld [tilespmem:s24+$0x156A0];
	v10 =	vadd.f32 v10, v5  }
0x39f: {  	v22 =	vld [tilespmem:s24+$0x156B0];
	v25 =	vadd.f32 v12, v6;
	v26 =	vadd.f32 v11, v6;
	v12 =	vmov s26  }
0x3a0: {  	v11 =	vld [tilespmem:s24+$0x156C0];
	v27 =	vadd.f32 v13, v5;
	v18 =	vadd.f32 v18, v7;
	v29 =	vand.u32 $0x7D, v12  }
0x3a1: {  	v13 =	vadd.f32 v9, v4;
	v9 =	vld [tilespmem:s24+$0x156F0];
	v31 =	vadd.f32 v16, v4;
	v30 =	vadd.s32 v0, v29  }
0x3a2: {  	v16 =	vadd.f32 v14, v6;
	v12 =	vld [tilespmem:s24+$0x156D0];
	v32 =	vadd.s32 v1, v29;
	[tilespmem:v20+s14+$0x0] =	vst.idx.msk $0xffff, v18  }
0x3a3: {  	s28 =	simm.s32 $0x2;
	v14 =	vadd.f32 v24, v5;
	v17 =	vadd.s32 v2, v29;
	[tilespmem:v21+s14+$0x0] =	vst.idx.msk $0xffff, v25  }
0x3a4: {  	v18 =	vadd.f32 v15, v7;
	v15 =	vadd.f32 v19, v7;
	v19 =	vmov s28;
	[tilespmem:v23+s14+$0x0] =	vst.idx.msk $0xffff, v27  }
0x3a5: {  	s21 =	simm.s32 $0x3;
	v20 =	vadd.f32 v22, v4;
	v24 =	vand.u32 $0x7E, v19;
	v23 =	vadd.s32 v3, v29;
	[tilespmem:v28+s14+$0x0] =	vst.idx.msk $0xffff, v31  }
0x3a6: {  	v25 =	vmov s21;
	v21 =	vadd.s32 v0, v24;
	v19 =	vadd.s32 v1, v24;
	[tilespmem:v30+s14+$0x0] =	vst.idx.msk $0xffff, v18  }
0x3a7: {  	s22 =	simm.s32 $0x400;
	v22 =	vadd.s32 v3, v24;
	v18 =	vadd.s32 v2, v24;
	v24 =	vand.u32 $0x7F, v25;
	[tilespmem:v32+s14+$0x0] =	vst.idx.msk $0xffff, v26  }
.LBB2_27:
0x3a8: {  	p0 =	sne.s32 s22, $0x7C00  }
0x3a9: {  	[tilespmem:v17+s14+$0x0] =	vst.idx.msk $0xffff, v10;
	v10 =	vadd.s32 v0, v24;
	s21 =	sadd.s32 $0x4, s21;
	s23 =	smov.u32 s22;
	s22 =	sadd.s32 $0x400, s22  }
0x3aa: {  	[tilespmem:v23+s14+$0x0] =	vst.idx.msk $0xffff, v13;
	v13 =	vadd.s32 v1, v24  }
0x3ab: {  	v11 =	vadd.f32 v11, v7;
	[tilespmem:v21+s14+$0x0] =	vst.idx.msk $0xffff, v15;
	v15 =	vadd.s32 v2, v24  }
0x3ac: {  	v12 =	vadd.f32 v12, v6;
	[tilespmem:v19+s14+$0x0] =	vst.idx.msk $0xffff, v16;
	v16 =	vadd.s32 v3, v24  }
0x3ad: {  	[tilespmem:v18+s14+$0x0] =	vst.idx.msk $0xffff, v14  }
0x3ae: {  	v8 =	vadd.f32 v8, v5;
	[tilespmem:v22+s14+$0x0] =	vst.idx.msk $0xffff, v20  }
0x3af: {  	v9 =	vadd.f32 v9, v4;
	[tilespmem:v10+s14+$0x0] =	vst.idx.msk $0xffff, v11  }
0x3b0: {  	[tilespmem:v13+s14+$0x0] =	vst.idx.msk $0xffff, v12  }
0x3b1: {  	[tilespmem:v15+s14+$0x0] =	vst.idx.msk $0xffff, v8  }
0x3b2: {  	s23 =	sshra.s32 s23, $0x2;
	[tilespmem:v16+s14+$0x0] =	vst.idx.msk $0xffff, v9  }
0x3b3: {  	v14 =	vld [tilespmem:s23+$0x15690]  }
0x3b4: {  	v9 =	vld [tilespmem:s23+$0x15670]  }
0x3b5: {  	v8 =	vld [tilespmem:s23+$0x156E0]  }
0x3b6: {  	v11 =	vld [tilespmem:s23+$0x15650]  }
0x3b7: {  	v10 =	vld [tilespmem:s23+$0x15660]  }
0x3b8: {  	v15 =	vld [tilespmem:s23+$0x15640]  }
0x3b9: {  	v16 =	vld [tilespmem:s23+$0x15630]  }
0x3ba: {  	s24 =	sadd.s32 $0xFFFFFFFD, s21;
	v12 =	vld [tilespmem:s23+$0x15610]  }
0x3bb: {  	v17 =	vmov s24;
	v13 =	vld [tilespmem:s23+$0x15620]  }
0x3bc: {  	v17 =	vand.u32 $0x7C, v17;
	v18 =	vld [tilespmem:s23+$0x15600]  }
0x3bd: {  	v20 =	vadd.s32 v0, v17;
	v19 =	vld [tilespmem:s23+$0x15680]  }
0x3be: {  	s24 =	sadd.s32 $0xFFFFFFFE, s21;
	v21 =	vadd.s32 v1, v17;
	v23 =	vadd.s32 v2, v17;
	v10 =	vadd.f32 v10, v5;
	v22 =	vld [tilespmem:s23+$0x156B0]  }
0x3bf: {  	v26 =	vadd.f32 v11, v6;
	v24 =	vld [tilespmem:s23+$0x156A0];
	v25 =	vadd.f32 v12, v6;
	v12 =	vmov s24  }
0x3c0: {  	v28 =	vadd.s32 v3, v17;
	v11 =	vld [tilespmem:s23+$0x156C0];
	v27 =	vadd.f32 v13, v5;
	v29 =	vand.u32 $0x7D, v12  }
0x3c1: {  	v13 =	vadd.f32 v9, v4;
	v12 =	vld [tilespmem:s23+$0x156D0];
	v18 =	vadd.f32 v18, v7;
	v30 =	vadd.s32 v0, v29  }
0x3c2: {  	v31 =	vadd.f32 v16, v4;
	v32 =	vadd.s32 v1, v29;
	v17 =	vadd.s32 v2, v29;
	v9 =	vld [tilespmem:s23+$0x156F0];
	s23 =	sadd.s32 $0xFFFFFFFF, s21  }
0x3c3: {  	v33 =	vadd.f32 v15, v7;
	v15 =	vadd.f32 v19, v7;
	[tilespmem:v20+s14+$0x0] =	vst.idx.msk $0xffff, v18;
	v18 =	vmov s23  }
.Ltmp12:
0x3c4: {  	v16 =	vadd.f32 v14, v6;
	v14 =	vadd.f32 v24, v5;
	[tilespmem:v21+s14+$0x0] =	vst.idx.msk $0xffff, v25;
	v24 =	vand.u32 $0x7E, v18;
	(pc) =	sbr.rel @p0 .LBB2_27-.Ltmp12, $4  }
0x3c5: {  	[tilespmem:v23+s14+$0x0] =	vst.idx.msk $0xffff, v27;
	v23 =	vadd.s32 v3, v29;
	v21 =	vadd.s32 v0, v24  }
0x3c6: {  	v19 =	vadd.s32 v1, v24;
	[tilespmem:v28+s14+$0x0] =	vst.idx.msk $0xffff, v31  }
0x3c7: {  	v25 =	vmov s21;
	v18 =	vadd.s32 v2, v24;
	[tilespmem:v30+s14+$0x0] =	vst.idx.msk $0xffff, v33  }
0x3c8: {  	v20 =	vadd.f32 v22, v4;
	v22 =	vadd.s32 v3, v24;
	v24 =	vand.u32 $0x7F, v25;
	[tilespmem:v32+s14+$0x0] =	vst.idx.msk $0xffff, v26  }
0x3c9: {  	_ =	sdelay $0x3  }
0x3ca: {  	[tilespmem:v17+s14+$0x0] =	vst.idx.msk $0xffff, v10  }
0x3cb: {  	v60 =	vadd.s32 v0, v24;
	[tilespmem:v23+s14+$0x0] =	vst.idx.msk $0xffff, v13  }
0x3cc: {  	v61 =	vadd.s32 v1, v24;
	[tilespmem:v21+s14+$0x0] =	vst.idx.msk $0xffff, v15  }
0x3cd: {  	v62 =	vadd.s32 v2, v24;
	[tilespmem:v19+s14+$0x0] =	vst.idx.msk $0xffff, v16  }
0x3ce: {  	v7 =	vadd.f32 v11, v7;
	v63 =	vadd.s32 v3, v24;
	[tilespmem:v18+s14+$0x0] =	vst.idx.msk $0xffff, v14  }
0x3cf: {  	v6 =	vadd.f32 v12, v6;
	[tilespmem:v22+s14+$0x0] =	vst.idx.msk $0xffff, v20  }
0x3d0: {  	v5 =	vadd.f32 v8, v5;
	s19 =	sshll.u32 s19, $0x12;
	[tilespmem:v60+s14+$0x0] =	vst.idx.msk $0xffff, v7  }
0x3d1: {  	v4 =	vadd.f32 v9, v4;
	s19 =	sor.u32 s4, s19;
	[tilespmem:v61+s14+$0x0] =	vst.idx.msk $0xffff, v6  }
0x3d2: {  	s19 =	sshrl.u32 s19, $0x3;
	[tilespmem:v62+s14+$0x0] =	vst.idx.msk $0xffff, v5  }
0x3d3: {  	s22 =	simm.s32 $0x19600;
	s21 =	sadd.s32 s2, s19;
	[tilespmem:v63+s14+$0x0] =	vst.idx.msk $0xffff, v4  }
0x3d4: {  	[hbm4b:s21+s3] =	stream.linear.scatter [tilespmem:s22], [sflag:$0x2], $0x80, $0x38;
	[tilespmem:$0x1DA00] =	vst v63  }
0x3d5: {  	s23 =	simm.s32 $0x19688;
	s22 =	sadd.s32 $0x10, s21  }
0x3d6: {  	[hbm4b:s22+s3] =	stream.linear.scatter [tilespmem:s23], [sflag:$0x2], $0x80, $0x38;
	[tilespmem:$0x1DA00] =	vst v63  }
0x3d7: {  	s24 =	simm.s32 $0x19710;
	s26 =	simm.s32 $0x19798;
	s25 =	sadd.s32 $0x20, s21  }
0x3d8: {  	[hbm4b:s25+s3] =	stream.linear.scatter [tilespmem:s24], [sflag:$0x2], $0x80, $0x38;
	[tilespmem:$0x1DA00] =	vst v63  }
0x3d9: {  	s19 =	simm.s32 $0x440;
	s28 =	sadd.s32 $0x30, s21;
	s22 =	simm.s32 $0x19820  }
0x3da: {  	[hbm4b:s28+s3] =	stream.linear.scatter [tilespmem:s26], [sflag:$0x2], $0x80, $0x38;
	[tilespmem:$0x1DA00] =	vst v63  }
0x3db: {  	s23 =	sadd.s32 $0x40, s21;
	s24 =	simm.s32 $0x198A8;
	s25 =	sadd.s32 $0x50, s21  }
0x3dc: {  	[hbm4b:s23+s3] =	stream.linear.scatter [tilespmem:s22], [sflag:$0x2], $0x80, $0x38;
	[tilespmem:$0x1DA00] =	vst v63  }
0x3dd: {  	s26 =	simm.s32 $0x19930;
	s28 =	sadd.s32 $0x60, s21;
	s22 =	simm.s32 $0x2200  }
0x3de: {  	[hbm4b:s25+s3] =	stream.linear.scatter [tilespmem:s24], [sflag:$0x2], $0x80, $0x38;
	[tilespmem:$0x1DA00] =	vst v63  }
0x3df: {  	s23 =	simm.s32 $0x199B8;
	s24 =	sadd.s32 $0x70, s21;
	s21 =	sadd.s32 $0x1000, s21  }
0x3e0: {  	[hbm4b:s28+s3] =	stream.linear.scatter [tilespmem:s26], [sflag:$0x2], $0x80, $0x38;
	[tilespmem:$0x1DA00] =	vst v63  }
.LBB2_29:
0x3e1: {  	[hbm4b:s24+s3] =	stream.linear.scatter [tilespmem:s23], [sflag:$0x2], $0x80, $0x38;
	[tilespmem:$0x1DA00] =	vst v63  }
0x3e2: {  	s23 =	smov.u32 s19;
	s19 =	smov.u32 s22  }
0x3e3: {  	s25 =	sadd.s32 $0x1100, s22;
	s19 =	sshra.s32 s19, $0x2;
	s24 =	sadd.s32 $0x19600, s23  }
0x3e4: {  	[hbm4b:s21+s3] =	stream.linear.scatter [tilespmem:s24], [sflag:$0x2], $0x80, $0x38;
	[tilespmem:$0x1DA00] =	vst v63  }
0x3e5: {  	p0 =	sne.s32 s22, $0x7700;
	s22 =	sadd.s32 $0x19688, s23;
	s24 =	sadd.s32 $0x10, s21  }
0x3e6: {  	[hbm4b:s24+s3] =	stream.linear.scatter [tilespmem:s22], [sflag:$0x2], $0x80, $0x38;
	[tilespmem:$0x1DA00] =	vst v63  }
0x3e7: {  	s22 =	sadd.s32 $0x19710, s23;
	s24 =	sadd.s32 $0x20, s21  }
0x3e8: {  	[hbm4b:s24+s3] =	stream.linear.scatter [tilespmem:s22], [sflag:$0x2], $0x80, $0x38;
	[tilespmem:$0x1DA00] =	vst v63  }
0x3e9: {  	s22 =	sadd.s32 $0x19798, s23;
	s24 =	sadd.s32 $0x30, s21  }
0x3ea: {  	[hbm4b:s24+s3] =	stream.linear.scatter [tilespmem:s22], [sflag:$0x2], $0x80, $0x38;
	[tilespmem:$0x1DA00] =	vst v63  }
0x3eb: {  	s22 =	sadd.s32 $0x19820, s23;
	s24 =	sadd.s32 $0x40, s21  }
0x3ec: {  	[hbm4b:s24+s3] =	stream.linear.scatter [tilespmem:s22], [sflag:$0x2], $0x80, $0x38;
	[tilespmem:$0x1DA00] =	vst v63  }
.Ltmp13:
0x3ed: {  	s22 =	sadd.s32 $0x198A8, s23;
	s24 =	sadd.s32 $0x50, s21;
	(pc) =	sbr.rel @p0 .LBB2_29-.Ltmp13, $4  }
0x3ee: {  	[hbm4b:s24+s3] =	stream.linear.scatter [tilespmem:s22], [sflag:$0x2], $0x80, $0x38;
	[tilespmem:$0x1DA00] =	vst v63  }
0x3ef: {  	s22 =	sadd.s32 $0x19930, s23;
	s24 =	sadd.s32 $0x60, s21;
	s23 =	sadd.s32 $0x199B8, s23  }
0x3f0: {  	[hbm4b:s24+s3] =	stream.linear.scatter [tilespmem:s22], [sflag:$0x2], $0x80, $0x38;
	[tilespmem:$0x1DA00] =	vst v63  }
0x3f1: {  	s24 =	sadd.s32 $0x70, s21;
	s21 =	sadd.s32 $0x1000, s21;
	s22 =	smov.u32 s25  }
0x3f2: {  	[hbm4b:s24+s3] =	stream.linear.scatter [tilespmem:s23], [sflag:$0x2], $0x80, $0x38;
	[tilespmem:$0x1DA00] =	vst v63  }
0x3f3: {  	s22 =	sadd.s32 $0x19600, s19  }
0x3f4: {  	[hbm4b:s21+s3] =	stream.linear.scatter [tilespmem:s22], [sflag:$0x2], $0x80, $0x38;
	[tilespmem:$0x1DA00] =	vst v63  }
0x3f5: {  	s24 =	sadd.s32 $0x19688, s19;
	s25 =	sadd.s32 $0x10, s21  }
0x3f6: {  	[hbm4b:s25+s3] =	stream.linear.scatter [tilespmem:s24], [sflag:$0x2], $0x80, $0x38;
	[tilespmem:$0x1DA00] =	vst v63  }
0x3f7: {  	s26 =	sadd.s32 $0x19710, s19;
	s28 =	sadd.s32 $0x20, s21  }
0x3f8: {  	[hbm4b:s28+s3] =	stream.linear.scatter [tilespmem:s26], [sflag:$0x2], $0x80, $0x38;
	[tilespmem:$0x1DA00] =	vst v63  }
0x3f9: {  	s24 =	sadd.s32 $0x19798, s19;
	s25 =	sadd.s32 $0x30, s21  }
0x3fa: {  	[hbm4b:s25+s3] =	stream.linear.scatter [tilespmem:s24], [sflag:$0x2], $0x80, $0x38;
	[tilespmem:$0x1DA00] =	vst v63  }
0x3fb: {  	s26 =	sadd.s32 $0x19820, s19;
	s28 =	sadd.s32 $0x40, s21  }
0x3fc: {  	[hbm4b:s28+s3] =	stream.linear.scatter [tilespmem:s26], [sflag:$0x2], $0x80, $0x38;
	[tilespmem:$0x1DA00] =	vst v63  }
0x3fd: {  	s24 =	sadd.s32 $0x198A8, s19;
	s25 =	sadd.s32 $0x50, s21  }
0x3fe: {  	[hbm4b:s25+s3] =	stream.linear.scatter [tilespmem:s24], [sflag:$0x2], $0x80, $0x38;
	[tilespmem:$0x1DA00] =	vst v63  }
0x3ff: {  	s26 =	sadd.s32 $0x19930, s19;
	s28 =	sadd.s32 $0x60, s21  }
0x400: {  	[hbm4b:s28+s3] =	stream.linear.scatter [tilespmem:s26], [sflag:$0x2], $0x80, $0x38;
	[tilespmem:$0x1DA00] =	vst v63  }
0x401: {  	s23 =	sadd.s32 $0x70, s21;
	s22 =	sadd.s32 $0x199B8, s19  }
0x402: {  	[hbm4b:s23+s3] =	stream.linear.scatter [tilespmem:s22], [sflag:$0x2], $0x80, $0x38;
	[tilespmem:$0x1DA00] =	vst v63  }
0x403: {  	_ =	swait.ge [sflag:s9], $0x2000  }
0x404: {  	[sflag:s9] =	ssyncset.done $0x0  }
0x405: {  	[sflag:s9] =	ssyncadd.s32 $0xFFFFE000  }
0x406: {  	s19 =	sor.u32 $0x3, s20;
	_ =	swait.ge [sflag:s16], $0x2000  }
0x407: {  	s20 =	sshll.u32 s19, $0x6;
	[sflag:s16] =	ssyncset.done $0x0  }
0x408: {  	s20 =	sand.u32 $0x3FFFFFC0, s20;
	[sflag:s16] =	ssyncadd.s32 $0xFFFFE000  }
0x409: {  	v7 =	vld [tilespmem:s20+$0x6400]  }
0x40a: {  	v6 =	vld [tilespmem:s20+$0x6410]  }
0x40b: {  	v5 =	vld [tilespmem:s20+$0x6420]  }
0x40c: {  	s24 =	simm.s32 $0x0;
	v4 =	vld [tilespmem:s20+$0x6430]  }
0x40d: {  	v14 =	vld [tilespmem:s24+$0x17690]  }
0x40e: {  	v9 =	vld [tilespmem:s24+$0x17670]  }
0x40f: {  	v8 =	vld [tilespmem:s24+$0x176E0]  }
0x410: {  	v11 =	vld [tilespmem:s24+$0x17650]  }
0x411: {  	v10 =	vld [tilespmem:s24+$0x17660]  }
0x412: {  	v15 =	vld [tilespmem:s24+$0x17640]  }
0x413: {  	v12 =	vld [tilespmem:s24+$0x17610]  }
0x414: {  	s25 =	simm.s32 $0x0;
	v13 =	vld [tilespmem:s24+$0x17620]  }
0x415: {  	v17 =	vmov s25;
	v18 =	vld [tilespmem:s24+$0x17600]  }
0x416: {  	v17 =	vand.u32 $0x7C, v17;
	v16 =	vld [tilespmem:s24+$0x17630]  }
0x417: {  	v20 =	vadd.s32 v0, v17;
	v21 =	vadd.s32 v1, v17;
	v19 =	vld [tilespmem:s24+$0x17680]  }
0x418: {  	s26 =	simm.s32 $0x1;
	v23 =	vadd.s32 v2, v17;
	v28 =	vadd.s32 v3, v17;
	v24 =	vld [tilespmem:s24+$0x176A0];
	v10 =	vadd.f32 v10, v5  }
0x419: {  	v22 =	vld [tilespmem:s24+$0x176B0];
	v25 =	vadd.f32 v12, v6;
	v26 =	vadd.f32 v11, v6;
	v12 =	vmov s26  }
0x41a: {  	v11 =	vld [tilespmem:s24+$0x176C0];
	v27 =	vadd.f32 v13, v5;
	v18 =	vadd.f32 v18, v7;
	v29 =	vand.u32 $0x7D, v12  }
0x41b: {  	v13 =	vadd.f32 v9, v4;
	v9 =	vld [tilespmem:s24+$0x176F0];
	v31 =	vadd.f32 v16, v4;
	v30 =	vadd.s32 v0, v29  }
0x41c: {  	v16 =	vadd.f32 v14, v6;
	v12 =	vld [tilespmem:s24+$0x176D0];
	v32 =	vadd.s32 v1, v29;
	[tilespmem:v20+s15+$0x0] =	vst.idx.msk $0xffff, v18  }
0x41d: {  	s28 =	simm.s32 $0x2;
	v14 =	vadd.f32 v24, v5;
	v17 =	vadd.s32 v2, v29;
	[tilespmem:v21+s15+$0x0] =	vst.idx.msk $0xffff, v25  }
0x41e: {  	v18 =	vadd.f32 v15, v7;
	v15 =	vadd.f32 v19, v7;
	v19 =	vmov s28;
	[tilespmem:v23+s15+$0x0] =	vst.idx.msk $0xffff, v27  }
0x41f: {  	s20 =	simm.s32 $0x3;
	v20 =	vadd.f32 v22, v4;
	v24 =	vand.u32 $0x7E, v19;
	v23 =	vadd.s32 v3, v29;
	[tilespmem:v28+s15+$0x0] =	vst.idx.msk $0xffff, v31  }
0x420: {  	v25 =	vmov s20;
	v21 =	vadd.s32 v0, v24;
	v19 =	vadd.s32 v1, v24;
	[tilespmem:v30+s15+$0x0] =	vst.idx.msk $0xffff, v18  }
0x421: {  	s21 =	simm.s32 $0x400;
	v22 =	vadd.s32 v3, v24;
	v18 =	vadd.s32 v2, v24;
	v24 =	vand.u32 $0x7F, v25;
	[tilespmem:v32+s15+$0x0] =	vst.idx.msk $0xffff, v26  }
.LBB2_31:
0x422: {  	p0 =	sne.s32 s21, $0x7C00  }
0x423: {  	[tilespmem:v17+s15+$0x0] =	vst.idx.msk $0xffff, v10;
	v10 =	vadd.s32 v0, v24;
	s20 =	sadd.s32 $0x4, s20;
	s22 =	smov.u32 s21;
	s21 =	sadd.s32 $0x400, s21  }
0x424: {  	[tilespmem:v23+s15+$0x0] =	vst.idx.msk $0xffff, v13;
	v13 =	vadd.s32 v1, v24  }
0x425: {  	v11 =	vadd.f32 v11, v7;
	[tilespmem:v21+s15+$0x0] =	vst.idx.msk $0xffff, v15;
	v15 =	vadd.s32 v2, v24  }
0x426: {  	v12 =	vadd.f32 v12, v6;
	[tilespmem:v19+s15+$0x0] =	vst.idx.msk $0xffff, v16;
	v16 =	vadd.s32 v3, v24  }
0x427: {  	[tilespmem:v18+s15+$0x0] =	vst.idx.msk $0xffff, v14  }
0x428: {  	v8 =	vadd.f32 v8, v5;
	[tilespmem:v22+s15+$0x0] =	vst.idx.msk $0xffff, v20  }
0x429: {  	v9 =	vadd.f32 v9, v4;
	[tilespmem:v10+s15+$0x0] =	vst.idx.msk $0xffff, v11  }
0x42a: {  	[tilespmem:v13+s15+$0x0] =	vst.idx.msk $0xffff, v12  }
0x42b: {  	[tilespmem:v15+s15+$0x0] =	vst.idx.msk $0xffff, v8  }
0x42c: {  	s22 =	sshra.s32 s22, $0x2;
	[tilespmem:v16+s15+$0x0] =	vst.idx.msk $0xffff, v9  }
0x42d: {  	v14 =	vld [tilespmem:s22+$0x17690]  }
0x42e: {  	v9 =	vld [tilespmem:s22+$0x17670]  }
0x42f: {  	v8 =	vld [tilespmem:s22+$0x176E0]  }
0x430: {  	v11 =	vld [tilespmem:s22+$0x17650]  }
0x431: {  	v10 =	vld [tilespmem:s22+$0x17660]  }
0x432: {  	v15 =	vld [tilespmem:s22+$0x17640]  }
0x433: {  	v16 =	vld [tilespmem:s22+$0x17630]  }
0x434: {  	s23 =	sadd.s32 $0xFFFFFFFD, s20;
	v12 =	vld [tilespmem:s22+$0x17610]  }
0x435: {  	v17 =	vmov s23;
	v13 =	vld [tilespmem:s22+$0x17620]  }
0x436: {  	v17 =	vand.u32 $0x7C, v17;
	v18 =	vld [tilespmem:s22+$0x17600]  }
0x437: {  	v20 =	vadd.s32 v0, v17;
	v19 =	vld [tilespmem:s22+$0x17680]  }
0x438: {  	s23 =	sadd.s32 $0xFFFFFFFE, s20;
	v21 =	vadd.s32 v1, v17;
	v23 =	vadd.s32 v2, v17;
	v10 =	vadd.f32 v10, v5;
	v22 =	vld [tilespmem:s22+$0x176B0]  }
0x439: {  	v26 =	vadd.f32 v11, v6;
	v24 =	vld [tilespmem:s22+$0x176A0];
	v25 =	vadd.f32 v12, v6;
	v12 =	vmov s23  }
0x43a: {  	v28 =	vadd.s32 v3, v17;
	v11 =	vld [tilespmem:s22+$0x176C0];
	v27 =	vadd.f32 v13, v5;
	v29 =	vand.u32 $0x7D, v12  }
0x43b: {  	v13 =	vadd.f32 v9, v4;
	v12 =	vld [tilespmem:s22+$0x176D0];
	v18 =	vadd.f32 v18, v7;
	v30 =	vadd.s32 v0, v29  }
0x43c: {  	v31 =	vadd.f32 v16, v4;
	v32 =	vadd.s32 v1, v29;
	v17 =	vadd.s32 v2, v29;
	v9 =	vld [tilespmem:s22+$0x176F0];
	s22 =	sadd.s32 $0xFFFFFFFF, s20  }
0x43d: {  	v33 =	vadd.f32 v15, v7;
	v15 =	vadd.f32 v19, v7;
	[tilespmem:v20+s15+$0x0] =	vst.idx.msk $0xffff, v18;
	v18 =	vmov s22  }
.Ltmp14:
0x43e: {  	v16 =	vadd.f32 v14, v6;
	v14 =	vadd.f32 v24, v5;
	[tilespmem:v21+s15+$0x0] =	vst.idx.msk $0xffff, v25;
	v24 =	vand.u32 $0x7E, v18;
	(pc) =	sbr.rel @p0 .LBB2_31-.Ltmp14, $4  }
0x43f: {  	[tilespmem:v23+s15+$0x0] =	vst.idx.msk $0xffff, v27;
	v23 =	vadd.s32 v3, v29;
	v21 =	vadd.s32 v0, v24  }
0x440: {  	v19 =	vadd.s32 v1, v24;
	[tilespmem:v28+s15+$0x0] =	vst.idx.msk $0xffff, v31  }
0x441: {  	v25 =	vmov s20;
	v18 =	vadd.s32 v2, v24;
	[tilespmem:v30+s15+$0x0] =	vst.idx.msk $0xffff, v33  }
0x442: {  	v20 =	vadd.f32 v22, v4;
	v22 =	vadd.s32 v3, v24;
	v24 =	vand.u32 $0x7F, v25;
	[tilespmem:v32+s15+$0x0] =	vst.idx.msk $0xffff, v26  }
0x443: {  	_ =	sdelay $0x3  }
0x444: {  	[tilespmem:v17+s15+$0x0] =	vst.idx.msk $0xffff, v10  }
0x445: {  	v60 =	vadd.s32 v0, v24;
	[tilespmem:v23+s15+$0x0] =	vst.idx.msk $0xffff, v13  }
0x446: {  	v61 =	vadd.s32 v1, v24;
	[tilespmem:v21+s15+$0x0] =	vst.idx.msk $0xffff, v15  }
0x447: {  	v62 =	vadd.s32 v2, v24;
	[tilespmem:v19+s15+$0x0] =	vst.idx.msk $0xffff, v16  }
0x448: {  	v7 =	vadd.f32 v11, v7;
	v63 =	vadd.s32 v3, v24;
	[tilespmem:v18+s15+$0x0] =	vst.idx.msk $0xffff, v14  }
0x449: {  	v6 =	vadd.f32 v12, v6;
	[tilespmem:v22+s15+$0x0] =	vst.idx.msk $0xffff, v20  }
0x44a: {  	v5 =	vadd.f32 v8, v5;
	s19 =	sshll.u32 s19, $0x12;
	[tilespmem:v60+s15+$0x0] =	vst.idx.msk $0xffff, v7  }
0x44b: {  	v4 =	vadd.f32 v9, v4;
	s19 =	sor.u32 s4, s19;
	[tilespmem:v61+s15+$0x0] =	vst.idx.msk $0xffff, v6  }
0x44c: {  	s19 =	sshrl.u32 s19, $0x3;
	[tilespmem:v62+s15+$0x0] =	vst.idx.msk $0xffff, v5  }
0x44d: {  	s22 =	simm.s32 $0x1B800;
	s20 =	sadd.s32 s2, s19;
	[tilespmem:v63+s15+$0x0] =	vst.idx.msk $0xffff, v4  }
0x44e: {  	[hbm4b:s20+s3] =	stream.linear.scatter [tilespmem:s22], [sflag:$0x2], $0x80, $0x38;
	[tilespmem:$0x1DA00] =	vst v63  }
0x44f: {  	s23 =	simm.s32 $0x1B888;
	s21 =	sadd.s32 $0x10, s20  }
0x450: {  	[hbm4b:s21+s3] =	stream.linear.scatter [tilespmem:s23], [sflag:$0x2], $0x80, $0x38;
	[tilespmem:$0x1DA00] =	vst v63  }
0x451: {  	s24 =	simm.s32 $0x1B910;
	s26 =	simm.s32 $0x1B998;
	s25 =	sadd.s32 $0x20, s20  }
0x452: {  	[hbm4b:s25+s3] =	stream.linear.scatter [tilespmem:s24], [sflag:$0x2], $0x80, $0x38;
	[tilespmem:$0x1DA00] =	vst v63  }
0x453: {  	s19 =	simm.s32 $0x440;
	s28 =	sadd.s32 $0x30, s20;
	s22 =	simm.s32 $0x1BA20  }
0x454: {  	[hbm4b:s28+s3] =	stream.linear.scatter [tilespmem:s26], [sflag:$0x2], $0x80, $0x38;
	[tilespmem:$0x1DA00] =	vst v63  }
0x455: {  	s23 =	sadd.s32 $0x40, s20;
	s21 =	simm.s32 $0x2200;
	s24 =	simm.s32 $0x1BAA8  }
0x456: {  	[hbm4b:s23+s3] =	stream.linear.scatter [tilespmem:s22], [sflag:$0x2], $0x80, $0x38;
	[tilespmem:$0x1DA00] =	vst v63  }
0x457: {  	s25 =	sadd.s32 $0x50, s20;
	s26 =	simm.s32 $0x1BB30;
	s28 =	sadd.s32 $0x60, s20  }
0x458: {  	[hbm4b:s25+s3] =	stream.linear.scatter [tilespmem:s24], [sflag:$0x2], $0x80, $0x38;
	[tilespmem:$0x1DA00] =	vst v63  }
0x459: {  	s22 =	simm.s32 $0x1BBB8;
	s23 =	sadd.s32 $0x70, s20;
	s20 =	sadd.s32 $0x1000, s20  }
0x45a: {  	[hbm4b:s28+s3] =	stream.linear.scatter [tilespmem:s26], [sflag:$0x2], $0x80, $0x38;
	[tilespmem:$0x1DA00] =	vst v63  }
.LBB2_33:
0x45b: {  	[hbm4b:s23+s3] =	stream.linear.scatter [tilespmem:s22], [sflag:$0x2], $0x80, $0x38;
	[tilespmem:$0x1DA00] =	vst v63  }
0x45c: {  	s22 =	smov.u32 s19;
	s19 =	smov.u32 s21  }
0x45d: {  	s24 =	sadd.s32 $0x1100, s21;
	s19 =	sshra.s32 s19, $0x2;
	s23 =	sadd.s32 $0x1B800, s22  }
0x45e: {  	[hbm4b:s20+s3] =	stream.linear.scatter [tilespmem:s23], [sflag:$0x2], $0x80, $0x38;
	[tilespmem:$0x1DA00] =	vst v63  }
0x45f: {  	p0 =	sne.s32 s21, $0x7700;
	s21 =	sadd.s32 $0x1B888, s22;
	s23 =	sadd.s32 $0x10, s20  }
0x460: {  	[hbm4b:s23+s3] =	stream.linear.scatter [tilespmem:s21], [sflag:$0x2], $0x80, $0x38;
	[tilespmem:$0x1DA00] =	vst v63  }
0x461: {  	s21 =	sadd.s32 $0x1B910, s22;
	s23 =	sadd.s32 $0x20, s20  }
0x462: {  	[hbm4b:s23+s3] =	stream.linear.scatter [tilespmem:s21], [sflag:$0x2], $0x80, $0x38;
	[tilespmem:$0x1DA00] =	vst v63  }
0x463: {  	s21 =	sadd.s32 $0x1B998, s22;
	s23 =	sadd.s32 $0x30, s20  }
0x464: {  	[hbm4b:s23+s3] =	stream.linear.scatter [tilespmem:s21], [sflag:$0x2], $0x80, $0x38;
	[tilespmem:$0x1DA00] =	vst v63  }
0x465: {  	s21 =	sadd.s32 $0x1BA20, s22;
	s23 =	sadd.s32 $0x40, s20  }
0x466: {  	[hbm4b:s23+s3] =	stream.linear.scatter [tilespmem:s21], [sflag:$0x2], $0x80, $0x38;
	[tilespmem:$0x1DA00] =	vst v63  }
.Ltmp15:
0x467: {  	s21 =	sadd.s32 $0x1BAA8, s22;
	s23 =	sadd.s32 $0x50, s20;
	(pc) =	sbr.rel @p0 .LBB2_33-.Ltmp15, $4  }
0x468: {  	[hbm4b:s23+s3] =	stream.linear.scatter [tilespmem:s21], [sflag:$0x2], $0x80, $0x38;
	[tilespmem:$0x1DA00] =	vst v63  }
0x469: {  	s21 =	sadd.s32 $0x1BB30, s22;
	s23 =	sadd.s32 $0x60, s20;
	s22 =	sadd.s32 $0x1BBB8, s22  }
0x46a: {  	[hbm4b:s23+s3] =	stream.linear.scatter [tilespmem:s21], [sflag:$0x2], $0x80, $0x38;
	[tilespmem:$0x1DA00] =	vst v63  }
0x46b: {  	s23 =	sadd.s32 $0x70, s20;
	s20 =	sadd.s32 $0x1000, s20;
	s21 =	smov.u32 s24  }
0x46c: {  	[hbm4b:s23+s3] =	stream.linear.scatter [tilespmem:s22], [sflag:$0x2], $0x80, $0x38;
	[tilespmem:$0x1DA00] =	vst v63  }
0x46d: {  	s21 =	sadd.s32 $0x1B800, s19  }
0x46e: {  	[hbm4b:s20+s3] =	stream.linear.scatter [tilespmem:s21], [sflag:$0x2], $0x80, $0x38;
	[tilespmem:$0x1DA00] =	vst v63  }
0x46f: {  	s26 =	sadd.s32 $0x1B888, s19;
	s28 =	sadd.s32 $0x10, s20  }
0x470: {  	[hbm4b:s28+s3] =	stream.linear.scatter [tilespmem:s26], [sflag:$0x2], $0x80, $0x38;
	[tilespmem:$0x1DA00] =	vst v63  }
0x471: {  	s22 =	sadd.s32 $0x1B910, s19;
	s23 =	sadd.s32 $0x20, s20  }
0x472: {  	[hbm4b:s23+s3] =	stream.linear.scatter [tilespmem:s22], [sflag:$0x2], $0x80, $0x38;
	[tilespmem:$0x1DA00] =	vst v63  }
0x473: {  	s24 =	sadd.s32 $0x1B998, s19;
	s25 =	sadd.s32 $0x30, s20  }
0x474: {  	[hbm4b:s25+s3] =	stream.linear.scatter [tilespmem:s24], [sflag:$0x2], $0x80, $0x38;
	[tilespmem:$0x1DA00] =	vst v63  }
0x475: {  	s18 =	sadd.s32 $0x1, s18;
	s26 =	sadd.s32 $0x1BA20, s19;
	s28 =	sadd.s32 $0x40, s20  }
0x476: {  	[hbm4b:s28+s3] =	stream.linear.scatter [tilespmem:s26], [sflag:$0x2], $0x80, $0x38;
	[tilespmem:$0x1DA00] =	vst v63  }
0x477: {  	p0 =	sne.s32 s18, $0x19;
	s22 =	sadd.s32 $0x1BAA8, s19;
	s23 =	sadd.s32 $0x50, s20  }
0x478: {  	[hbm4b:s23+s3] =	stream.linear.scatter [tilespmem:s22], [sflag:$0x2], $0x80, $0x38;
	[tilespmem:$0x1DA00] =	vst v63  }
.Ltmp16:
0x479: {  	_ = 	snop;
	(pc) =	sbr.rel @p0 .LBB2_2-.Ltmp16, $4  }
0x47a: {  	s24 =	sadd.s32 $0x1BB30, s19;
	s25 =	sadd.s32 $0x60, s20  }
0x47b: {  	[hbm4b:s25+s3] =	stream.linear.scatter [tilespmem:s24], [sflag:$0x2], $0x80, $0x38;
	[tilespmem:$0x1DA00] =	vst v63  }
0x47c: {  	s26 =	sadd.s32 $0x1BBB8, s19;
	s28 =	sadd.s32 $0x70, s20  }
0x47d: {  	[hbm4b:s28+s3] =	stream.linear.scatter [tilespmem:s26], [sflag:$0x2], $0x80, $0x38;
	[tilespmem:$0x1DA00] =	vst v63  }
0x47e: {  	_ =	swait.ge [sflag:s16], $0x2000  }
0x47f: {  	[sflag:s16] =	ssyncset.done $0x0  }
0x480: {  	[sflag:s16] =	ssyncadd.s32 $0xFFFFE000  }
0x481: {  	_ =	swait.ge [sflag:s16], $0x2000  }
0x482: {  	s17 =	sadd.s32 $0x1, s17;
	s18 =	rddreg [dreg:$0x16]  }
0x483: {  	p0 =	sne.s32 s17, s18  }
.Ltmp17:
0x484: {  	_ = 	snop;
	(pc) =	sbr.rel @p0 .LBB2_1-.Ltmp17, $3  }
0x485: {  	_ =	sdelay $0x1  }
0x486: {  	[sflag:s16] =	ssyncset.done $0x0  }
0x487: {  	[sflag:s16] =	ssyncadd.s32 $0xFFFFE000  }
0x488: {  	_ =	sfence.sel $0x180000  }
0x489: {  	[bflag:$0x0] =	sbarrier.arrive $0xFFFF  }
0x48a: {  	_ =	strace $0x90000047  }
0x48b: {  	s0 =	stileid.u32;
	[bflag:$0x2] =	sbarrier.arrive $0xFFFF  }
0x48c: {  	p0 =	sne.s32 s0, $0x0;
	s0 =	rddreg [dreg:$0x3]  }
0x48d: {  	s0 =	sadd.s32 @!p0 $0x100000, s0  }
0x48e: {  	[sflag:s0] =	ssyncadd.tile.s32 @!p0 $0x1;
	_ =	shalt  }
.Lfunc_end2:
_tile_overlayer_lowered:
.L_overlay_start_2:
0x48f: {  	(tag) =	ssettag $0x2  }
0x490: {  	s0 =	rddreg [dreg:$0x0];
	s2 =	stileid.u32  }
0x491: {  	s1 =	rddreg [dreg:$0x1];
	p0 =	sne.s32 s2, $0x0  }
0x492: {  	s3 =	rddreg [dreg:$0x2];
	[bflag:$0x3] =	sbarrier.arrive $0xFFFF;
	s2 =	simm.s32 @!p0 $0x1C03  }
0x493: {  	[timem:s3], [sflag:s2] =	dma.local @!p0 [hbm:s0], s1  }
0x494: {  	s0 =	simm.s32 @!p0 $0x3  }
0x495: {  	_ =	swait.ge @!p0 [sflag:s0], s1  }
0x496: {  	s1 =	ssub.s32 @!p0 $0x0, s1;
	[sflag:s0] =	ssyncset.done @!p0 $0x0  }
0x497: {  	[sflag:s0] =	ssyncadd.s32 @!p0 s1  }
0x498: {  	[bflag:$0x3] =	sbarrier.arrive $0xFFFF  }
0x499: {  	_ =	shalt  }

</sc_bundles>
